<compile_context>
chip_gen: v7x
topology: tpu7x:2x2x1
jax: 0.10.2.dev20260603
libtpu: 0.0.44.dev20260713+nightly
codegen_flags: <defaults>
</compile_context>

<pallas_src>
import functools

import jax
import jax.numpy as jnp
from jax import lax
from jax.experimental import pallas as pl
from jax.experimental.pallas import tpu as pltpu
from jax.experimental.pallas import tpu_sc as plsc

N = 50000
D = 64
DA = 80
E = 800000
NC = 2
NS = 16
NW = NC * NS

TILE_ROWS = 1568
NPAD = NW * TILE_ROWS
HALF = NPAD // NC
AGG_ROWS = HALF + 16
RC = 112
NRC = TILE_ROWS // RC
EC = 128
EDGES_PER_TILE = E // NS
NECH = 390
ETAIL = EDGES_PER_TILE - NECH * EC
NTAIL_ROWS = 48

_mesh = plsc.VectorSubcoreMesh(core_axis_name="c", subcore_axis_name="s")
_params = pltpu.CompilerParams(
    use_tc_tiling_on_sc=False, needs_layout_passes=False)


def _zero_rows(ref, nrows, ncols):
    z = jnp.zeros((16,), jnp.float32)

    def body(r, _):
        for f in range(ncols // 16):
            ref[r, pl.ds(f * 16, 16)] = z
        return 0

    lax.fori_loop(0, nrows, body, 0)


def _fill_1d(ref, n, val):
    v = jnp.full((16,), val, jnp.float32)
    for i in range(n // 16):
        ref[pl.ds(i * 16, 16)] = v


def _local_dst(ib, loc, base, n):
    for i in range(n // 16):
        v = ib[pl.ds(i * 16, 16)]
        l = v - base
        ok = (l >= 0) & (l < HALF)
        loc[pl.ds(i * 16, 16)] = jnp.where(ok, l, HALF)


def _k1_body(nid, poi, dst_e, dist_e, dembs,
             x0, segd, deg,
             ibr, ibrt, ib0a, ib0b, ib0c, ib1a, ib1b, ib1c,
             loca, locb, locc,
             ib0t, ib1t, loct, m0a, m0b, m0c, ones_v, dbuf, sem,
             si0, si1, si2, sg0, sg1, sg2, ss0, ss1, ss2, sd0, sd1, sd2,
             seg_sh, deg_sh):
    c = lax.axis_index("c")
    s = lax.axis_index("s")
    wid = c * NS + s

    rbase = wid * TILE_ROWS

    def pass_a(j, _):
        b = rbase + j * RC
        pltpu.sync_copy(nid.at[pl.ds(b, RC)], ibr)
        pltpu.async_copy(poi.at[ibr], m0c.at[pl.ds(0, RC), :], sem).wait()
        pltpu.sync_copy(m0c.at[pl.ds(0, RC), :], x0.at[pl.ds(b, RC), :])
        return 0

    n_a = jnp.where(wid == NW - 1, NRC - 2, NRC)
    lax.fori_loop(0, n_a, pass_a, 0)

    @pl.when(wid == NW - 1)
    def _():
        b = N - NTAIL_ROWS
        pltpu.sync_copy(nid.at[pl.ds(b, NTAIL_ROWS)], ibrt)
        pltpu.async_copy(
            poi.at[ibrt], m0c.at[pl.ds(0, NTAIL_ROWS), :], sem).wait()
        pltpu.sync_copy(m0c.at[pl.ds(0, NTAIL_ROWS), :],
                        x0.at[pl.ds(b, NTAIL_ROWS), :])

    _zero_rows(m0a, RC, D)
    _fill_1d(dbuf, RC, 0.0)
    _fill_1d(ones_v, EC, 1.0)
    lbase = s * TILE_ROWS

    def zf(j, _):
        lb = lbase + j * RC
        pltpu.sync_copy(m0a.at[pl.ds(0, RC), :], seg_sh.at[pl.ds(lb, RC), :])
        pltpu.sync_copy(dbuf, deg_sh.at[pl.ds(lb, RC)])
        return 0

    lax.fori_loop(0, NRC, zf, 0)
    plsc.subcore_barrier()

    ebase0 = s * EDGES_PER_TILE
    base = c * HALF
    ib0s, ib1s = (ib0a, ib0b, ib0c), (ib1a, ib1b, ib1c)
    locs, m0s = (loca, locb, locc), (m0a, m0b, m0c)
    sis, sgs = (si0, si1, si2), (sg0, sg1, sg2)
    sss, sds = (ss0, ss1, ss2), (sd0, sd1, sd2)

    def idx_issue(k, b):
        eb = ebase0 + k * EC
        pltpu.async_copy(dst_e.at[pl.ds(eb, EC)], ib0s[b], sis[b])
        pltpu.async_copy(dist_e.at[pl.ds(eb, EC)], ib1s[b], sis[b])

    def idx_drain(b):
        pltpu.make_async_copy(dst_e.at[pl.ds(0, EC)], ib0s[b], sis[b]).wait()
        pltpu.make_async_copy(dist_e.at[pl.ds(0, EC)], ib1s[b], sis[b]).wait()

    def g_drain(b):
        pltpu.make_async_copy(dembs.at[ib1s[b]], m0s[b], sgs[b]).wait()

    def s_drain(b):
        pltpu.make_async_copy(m0s[b], seg_sh.at[locs[b]], sss[b]).wait()

    def d_drain(b):
        pltpu.make_async_copy(ones_v, deg_sh.at[locs[b]], sds[b]).wait()

    idx_issue(0, 0)
    idx_drain(0)
    pltpu.async_copy(dembs.at[ib1s[0]], m0s[0], sgs[0])
    idx_issue(1, 1)
    idx_issue(2, 2)

    def outer_b(g, _):
        for b in (0, 1, 2):
            nb = (b + 1) % 3
            k = 3 * g + b

            @pl.when(k >= 2)
            def _():
                s_drain(nb)
                d_drain(nb)

            @pl.when(k + 1 < NECH)
            def _():
                idx_drain(nb)
                pltpu.async_copy(dembs.at[ib1s[nb]], m0s[nb], sgs[nb])

            _local_dst(ib0s[b], locs[b], base, EC)
            g_drain(b)

            @pl.when(k + 3 < NECH)
            def _():
                idx_issue(k + 3, b)

            pltpu.async_copy(m0s[b], seg_sh.at[locs[b]], sss[b], add=True)
            pltpu.async_copy(ones_v, deg_sh.at[locs[b]], sds[b], add=True)
        return 0

    lax.fori_loop(0, NECH // 3, outer_b, 0)
    for b in (1, 2):
        s_drain(b)
        d_drain(b)

    et = ebase0 + NECH * EC
    pltpu.sync_copy(dst_e.at[pl.ds(et, ETAIL)], ib0t)
    pltpu.sync_copy(dist_e.at[pl.ds(et, ETAIL)], ib1t)
    _local_dst(ib0t, loct, base, ETAIL)
    pltpu.async_copy(
        dembs.at[ib1t], m0a.at[pl.ds(0, ETAIL), :], sem).wait()
    pltpu.sync_copy(m0a.at[pl.ds(0, ETAIL), :], seg_sh.at[loct], add=True)
    pltpu.sync_copy(ones_v.at[pl.ds(0, ETAIL)], deg_sh.at[loct], add=True)
    plsc.subcore_barrier()

    def wb(j, _):
        lb = lbase + j * RC
        g = base + lb
        pltpu.sync_copy(seg_sh.at[pl.ds(lb, RC), :], m0a.at[pl.ds(0, RC), :])
        pltpu.sync_copy(m0a.at[pl.ds(0, RC), :], segd.at[pl.ds(g, RC), :])
        pltpu.sync_copy(deg_sh.at[pl.ds(lb, RC)], dbuf)
        for i in range(RC // 16):
            dbuf[pl.ds(i * 16, 16)] = jnp.maximum(dbuf[pl.ds(i * 16, 16)], 1.0)
        pltpu.sync_copy(dbuf, deg.at[pl.ds(g, RC)])
        return 0

    lax.fori_loop(0, NRC, wb, 0)


def _layer_body(final, xl, segd, deg, src_e, dst_e, wb_arr,
                y,
                ib0a, ib0b, ib0c, ib1a, ib1b, ib1c, loca, locb, locc,
                ib0t, ib1t, loct, m0a, m0b, m0c,
                dbuf, rbuf, wv, sem,
                si0, si1, si2, sg0, sg1, sg2, ss0, ss1, ss2,
                agg_sh):
    c = lax.axis_index("c")
    s = lax.axis_index("s")
    wid = c * NS + s
    base = c * HALF
    lbase = s * TILE_ROWS

    if final:
        pltpu.sync_copy(wb_arr, wv)

    def p1(j, _):
        lb = lbase + j * RC
        g = base + lb
        pltpu.sync_copy(segd.at[pl.ds(g, RC), :], m0a.at[pl.ds(0, RC), :])
        pltpu.sync_copy(m0a.at[pl.ds(0, RC), :], agg_sh.at[pl.ds(lb, RC), :])
        return 0

    lax.fori_loop(0, NRC, p1, 0)
    plsc.subcore_barrier()

    ebase0 = s * EDGES_PER_TILE
    ib0s, ib1s = (ib0a, ib0b, ib0c), (ib1a, ib1b, ib1c)
    locs, m0s = (loca, locb, locc), (m0a, m0b, m0c)
    sis, sgs, sss = (si0, si1, si2), (sg0, sg1, sg2), (ss0, ss1, ss2)

    def idx_issue(k, b):
        eb = ebase0 + k * EC
        pltpu.async_copy(src_e.at[pl.ds(eb, EC)], ib0s[b], sis[b])
        pltpu.async_copy(dst_e.at[pl.ds(eb, EC)], ib1s[b], sis[b])

    def idx_drain(b):
        pltpu.make_async_copy(src_e.at[pl.ds(0, EC)], ib0s[b], sis[b]).wait()
        pltpu.make_async_copy(dst_e.at[pl.ds(0, EC)], ib1s[b], sis[b]).wait()

    def g_drain(b):
        pltpu.make_async_copy(xl.at[ib0s[b]], m0s[b], sgs[b]).wait()

    def s_drain(b):
        pltpu.make_async_copy(m0s[b], agg_sh.at[locs[b]], sss[b]).wait()

    idx_issue(0, 0)
    idx_drain(0)
    pltpu.async_copy(xl.at[ib0s[0]], m0s[0], sgs[0])
    idx_issue(1, 1)
    idx_issue(2, 2)

    def p2(g, _):
        for b in (0, 1, 2):
            nb = (b + 1) % 3
            k = 3 * g + b

            @pl.when(k >= 2)
            def _():
                s_drain(nb)

            @pl.when(k + 1 < NECH)
            def _():
                idx_drain(nb)
                pltpu.async_copy(xl.at[ib0s[nb]], m0s[nb], sgs[nb])

            _local_dst(ib1s[b], locs[b], base, EC)
            g_drain(b)

            @pl.when(k + 3 < NECH)
            def _():
                idx_issue(k + 3, b)

            pltpu.async_copy(m0s[b], agg_sh.at[locs[b]], sss[b], add=True)
        return 0

    lax.fori_loop(0, NECH // 3, p2, 0)
    s_drain(1)
    s_drain(2)

    et = ebase0 + NECH * EC
    pltpu.sync_copy(src_e.at[pl.ds(et, ETAIL)], ib0t)
    pltpu.sync_copy(dst_e.at[pl.ds(et, ETAIL)], ib1t)
    _local_dst(ib1t, loct, base, ETAIL)
    pltpu.async_copy(xl.at[ib0t], m0a.at[pl.ds(0, ETAIL), :], sem).wait()
    pltpu.sync_copy(m0a.at[pl.ds(0, ETAIL), :], agg_sh.at[loct], add=True)
    plsc.subcore_barrier()

    def p3(j, _):
        lb = lbase + j * RC
        g = base + lb
        pltpu.sync_copy(agg_sh.at[pl.ds(lb, RC), :], m0a.at[pl.ds(0, RC), :])
        pltpu.sync_copy(xl.at[pl.ds(g, RC), :], m0b.at[pl.ds(0, RC), :])
        pltpu.sync_copy(deg.at[pl.ds(g, RC)], dbuf)
        for i in range(RC // 16):
            rbuf[pl.ds(i * 16, 16)] = 1.0 / dbuf[pl.ds(i * 16, 16)]

        if final:
            def row(r, _):
                rv = rbuf[pl.ds(r, 16)][0]
                acc = jnp.zeros((16,), jnp.float32)
                for f in range(D // 16):
                    yv = m0b[r, pl.ds(f * 16, 16)] + m0a[r, pl.ds(f * 16, 16)] * rv
                    m0a[r, pl.ds(f * 16, 16)] = yv
                    acc = acc + yv * wv[pl.ds(f * 16, 16)]
                z = jnp.sum(acc)
                zb = lax.broadcast_in_dim(z, (16,), ()) + wv[pl.ds(D, 16)]
                gv = 1.0 / (1.0 + jnp.exp(-zb))
                for f in range(D // 16):
                    m0a[r, pl.ds(f * 16, 16)] = m0a[r, pl.ds(f * 16, 16)] * gv
                return 0
        else:
            def row(r, _):
                rv = rbuf[pl.ds(r, 16)][0]
                for f in range(D // 16):
                    m0a[r, pl.ds(f * 16, 16)] = (
                        m0b[r, pl.ds(f * 16, 16)] + m0a[r, pl.ds(f * 16, 16)] * rv
                    )
                return 0

        lax.fori_loop(0, RC, row, 0)
        pltpu.sync_copy(m0a.at[pl.ds(0, RC), :], y.at[pl.ds(g, RC), :])
        return 0

    if final:
        n_j = jnp.where(wid == NW - 1, NRC - 2, NRC)
        lax.fori_loop(0, n_j, p3, 0)

        @pl.when(wid == NW - 1)
        def _():
            j = NRC - 2
            lb = lbase + j * RC
            g = base + lb
            pltpu.sync_copy(agg_sh.at[pl.ds(lb, RC), :],
                            m0a.at[pl.ds(0, RC), :])
            pltpu.sync_copy(xl.at[pl.ds(g, RC), :], m0b.at[pl.ds(0, RC), :])
            pltpu.sync_copy(deg.at[pl.ds(g, RC)], dbuf)
            for i in range(RC // 16):
                rbuf[pl.ds(i * 16, 16)] = 1.0 / dbuf[pl.ds(i * 16, 16)]

            def row(r, _):
                rv = rbuf[pl.ds(r, 16)][0]
                acc = jnp.zeros((16,), jnp.float32)
                for f in range(D // 16):
                    yv = m0b[r, pl.ds(f * 16, 16)] + m0a[r, pl.ds(f * 16, 16)] * rv
                    m0a[r, pl.ds(f * 16, 16)] = yv
                    acc = acc + yv * wv[pl.ds(f * 16, 16)]
                z = jnp.sum(acc)
                zb = lax.broadcast_in_dim(z, (16,), ()) + wv[pl.ds(D, 16)]
                gv = 1.0 / (1.0 + jnp.exp(-zb))
                for f in range(D // 16):
                    m0a[r, pl.ds(f * 16, 16)] = m0a[r, pl.ds(f * 16, 16)] * gv
                return 0

            lax.fori_loop(0, NTAIL_ROWS, row, 0)
            pltpu.sync_copy(m0a.at[pl.ds(0, NTAIL_ROWS), :],
                            y.at[pl.ds(g, NTAIL_ROWS), :])
    else:
        lax.fori_loop(0, NRC, p3, 0)


def _make_k1():
    return pl.kernel(
        _k1_body,
        out_type=(
            jax.ShapeDtypeStruct((NPAD, D), jnp.float32),
            jax.ShapeDtypeStruct((NPAD, D), jnp.float32),
            jax.ShapeDtypeStruct((NPAD,), jnp.float32),
        ),
        mesh=_mesh,
        scratch_types=[
            pltpu.VMEM((RC,), jnp.int32),
            pltpu.VMEM((NTAIL_ROWS,), jnp.int32),
            pltpu.VMEM((EC,), jnp.int32),
            pltpu.VMEM((EC,), jnp.int32),
            pltpu.VMEM((EC,), jnp.int32),
            pltpu.VMEM((EC,), jnp.int32),
            pltpu.VMEM((EC,), jnp.int32),
            pltpu.VMEM((EC,), jnp.int32),
            pltpu.VMEM((EC,), jnp.int32),
            pltpu.VMEM((EC,), jnp.int32),
            pltpu.VMEM((EC,), jnp.int32),
            pltpu.VMEM((ETAIL,), jnp.int32),
            pltpu.VMEM((ETAIL,), jnp.int32),
            pltpu.VMEM((ETAIL,), jnp.int32),
            pltpu.VMEM((EC, D), jnp.float32),
            pltpu.VMEM((EC, D), jnp.float32),
            pltpu.VMEM((EC, D), jnp.float32),
            pltpu.VMEM((EC,), jnp.float32),
            pltpu.VMEM((RC,), jnp.float32),
            pltpu.SemaphoreType.DMA,
            pltpu.SemaphoreType.DMA,
            pltpu.SemaphoreType.DMA,
            pltpu.SemaphoreType.DMA,
            pltpu.SemaphoreType.DMA,
            pltpu.SemaphoreType.DMA,
            pltpu.SemaphoreType.DMA,
            pltpu.SemaphoreType.DMA,
            pltpu.SemaphoreType.DMA,
            pltpu.SemaphoreType.DMA,
            pltpu.SemaphoreType.DMA,
            pltpu.SemaphoreType.DMA,
            pltpu.SemaphoreType.DMA,
            pltpu.VMEM_SHARED((AGG_ROWS, D), jnp.float32),
            pltpu.VMEM_SHARED((AGG_ROWS,), jnp.float32),
        ],
        compiler_params=_params,
        name="mgdc_k1",
    )


def _make_layer(final):
    out_rows = N if final else NPAD
    return pl.kernel(
        functools.partial(_layer_body, final),
        out_type=jax.ShapeDtypeStruct((out_rows, D), jnp.float32),
        mesh=_mesh,
        scratch_types=[
            pltpu.VMEM((EC,), jnp.int32),
            pltpu.VMEM((EC,), jnp.int32),
            pltpu.VMEM((EC,), jnp.int32),
            pltpu.VMEM((EC,), jnp.int32),
            pltpu.VMEM((EC,), jnp.int32),
            pltpu.VMEM((EC,), jnp.int32),
            pltpu.VMEM((EC,), jnp.int32),
            pltpu.VMEM((EC,), jnp.int32),
            pltpu.VMEM((EC,), jnp.int32),
            pltpu.VMEM((ETAIL,), jnp.int32),
            pltpu.VMEM((ETAIL,), jnp.int32),
            pltpu.VMEM((ETAIL,), jnp.int32),
            pltpu.VMEM((EC, D), jnp.float32),
            pltpu.VMEM((EC, D), jnp.float32),
            pltpu.VMEM((EC, D), jnp.float32),
            pltpu.VMEM((RC,), jnp.float32),
            pltpu.VMEM((RC + 16,), jnp.float32),
            pltpu.VMEM((D + 16,), jnp.float32),
            pltpu.SemaphoreType.DMA,
            pltpu.SemaphoreType.DMA,
            pltpu.SemaphoreType.DMA,
            pltpu.SemaphoreType.DMA,
            pltpu.SemaphoreType.DMA,
            pltpu.SemaphoreType.DMA,
            pltpu.SemaphoreType.DMA,
            pltpu.SemaphoreType.DMA,
            pltpu.SemaphoreType.DMA,
            pltpu.SemaphoreType.DMA,
            pltpu.VMEM_SHARED((AGG_ROWS, D), jnp.float32),
        ],
        compiler_params=_params,
        name="mgdc_layer",
    )


def kernel(node_ids, edge_index, edge_dist, poi_table, delta_dis_embs,
           w_gate, b_gate):
    node_ids = node_ids.astype(jnp.int32)
    src = edge_index[0].astype(jnp.int32)
    dst = edge_index[1].astype(jnp.int32)
    dist = edge_dist.astype(jnp.int32)
    poi = poi_table.astype(jnp.float32)
    dembs = delta_dis_embs.astype(jnp.float32)

    wb_arr = jnp.concatenate(
        [w_gate.reshape(D).astype(jnp.float32),
         jnp.full((16,), b_gate.reshape(-1)[0], jnp.float32)]
    )

    k1 = _make_k1()
    layer = _make_layer(final=False)
    layer_final = _make_layer(final=True)

    x0, segd, deg = k1(node_ids, poi, dst, dist, dembs)
    x1 = layer(x0, segd, deg, src, dst, wb_arr)
    out = layer_final(x1, segd, deg, src, dst, wb_arr)
    return out

# --- scband reference (transcript-rebuilt; emitter-appended) ---
"""Pipeline reference for scband-mgdc-30872224923716 (READ-ONLY COPY).

The authoritative reference and input builder live on the scoring server;
editing this copy changes nothing except your own understanding.
"""

import jax, jax.numpy as jnp
import numpy as np

NUM_POIS = 1000000
EMB_DIM = 64
INTERVAL = 100
NUM_NODES = 50000
NUM_EDGES = 800000
N_LAYERS = 2


def setup_inputs(seed: int = 0) -> dict:
    key = jax.random.key(seed)
    k1, k2, k3, k4, k5, k6 = jax.random.split(key, 6)
    node_ids = jax.random.randint(k1, (NUM_NODES,), 0, NUM_POIS)
    edge_index = jax.random.randint(k2, (2, NUM_EDGES), 0, NUM_NODES)
    edge_dist = jax.random.randint(k3, (NUM_EDGES,), 0, INTERVAL)
    # learned parameters (per __init__): poi_embedding (with padding row), delta_dis_embs, hyper_gate linear
    poi_table = jax.random.normal(k4, (NUM_POIS + 1, EMB_DIM), dtype=jnp.float32) * 0.02
    delta_dis_embs = jax.random.normal(k5, (INTERVAL, EMB_DIM), dtype=jnp.float32) * 0.02
    w_gate = jax.random.normal(k6, (EMB_DIM, 1), dtype=jnp.float32) * 0.02
    b_gate = jnp.zeros((1,), dtype=jnp.float32)
    return {
        "node_ids": node_ids,
        "edge_index": edge_index,
        "edge_dist": edge_dist,
        "poi_table": poi_table,
        "delta_dis_embs": delta_dis_embs,
        "w_gate": w_gate,
        "b_gate": b_gate,
    }


def reference(node_ids, edge_index, edge_dist, poi_table, delta_dis_embs, w_gate, b_gate):
    # MGDC core: POI embedding lookup over the flattened user-trajectory graph G_u,
    # distance-bucket-modulated directed message passing (DirectedHyperConvNetwork
    # style mean aggregation over edge_index), then sigmoid hyper_gate fusion.
    x = jnp.take(poi_table, node_ids, axis=0)              # [N, d] gather
    src = edge_index[0]
    dst = edge_index[1]
    d_emb = jnp.take(delta_dis_embs, edge_dist, axis=0)    # [E, d] gather
    num_nodes = x.shape[0]
    deg = jax.ops.segment_sum(jnp.ones((src.shape[0],), dtype=jnp.float32), dst,
                              num_segments=num_nodes)
    deg = jnp.clip(deg, 1.0, None)[:, None]
    for _ in range(N_LAYERS):
        msg = jnp.take(x, src, axis=0) + d_emb             # [E, d] gather + add
        agg = jax.ops.segment_sum(msg, dst, num_segments=num_nodes)  # scatter-add
        x = x + agg / deg
    gate = jax.nn.sigmoid(x @ w_gate + b_gate)             # hyper_gate: Linear(d,1)+Sigmoid
    return gate * x

if __name__ == "__main__":
    import jax
    _d = setup_inputs()
    print(jax.jit(kernel)(*tuple(_d.values())))

</pallas_src>

<mosaic_0001>
#map = affine_map<(d0, d1) -> (0)>
#map1 = affine_map<(d0, d1) -> (0, 0)>
module attributes {stable_mosaic.version = 14 : i64} {
  func.func @mgdc_k1(%arg0: i32, %arg1: i32, %arg2: memref<50000xi32, #tpu.memory_space<hbm>>, %arg3: memref<1000001x64xf32, #tpu.memory_space<hbm>>, %arg4: memref<800000xi32, #tpu.memory_space<hbm>>, %arg5: memref<800000xi32, #tpu.memory_space<hbm>>, %arg6: memref<100x64xf32, #tpu.memory_space<hbm>>, %arg7: memref<50176x64xf32, #tpu.memory_space<hbm>>, %arg8: memref<50176x64xf32, #tpu.memory_space<hbm>>, %arg9: memref<50176xf32, #tpu.memory_space<hbm>>, %arg10: memref<112xi32, #tpu.memory_space<vmem>>, %arg11: memref<48xi32, #tpu.memory_space<vmem>>, %arg12: memref<128xi32, #tpu.memory_space<vmem>>, %arg13: memref<128xi32, #tpu.memory_space<vmem>>, %arg14: memref<128xi32, #tpu.memory_space<vmem>>, %arg15: memref<128xi32, #tpu.memory_space<vmem>>, %arg16: memref<128xi32, #tpu.memory_space<vmem>>, %arg17: memref<128xi32, #tpu.memory_space<vmem>>, %arg18: memref<128xi32, #tpu.memory_space<vmem>>, %arg19: memref<128xi32, #tpu.memory_space<vmem>>, %arg20: memref<128xi32, #tpu.memory_space<vmem>>, %arg21: memref<80xi32, #tpu.memory_space<vmem>>, %arg22: memref<80xi32, #tpu.memory_space<vmem>>, %arg23: memref<80xi32, #tpu.memory_space<vmem>>, %arg24: memref<128x64xf32, #tpu.memory_space<vmem>>, %arg25: memref<128x64xf32, #tpu.memory_space<vmem>>, %arg26: memref<128x64xf32, #tpu.memory_space<vmem>>, %arg27: memref<128xf32, #tpu.memory_space<vmem>>, %arg28: memref<112xf32, #tpu.memory_space<vmem>>, %arg29: memref<!tpu.dma_semaphore, #tpu.memory_space<semaphore_mem>>, %arg30: memref<!tpu.dma_semaphore, #tpu.memory_space<semaphore_mem>>, %arg31: memref<!tpu.dma_semaphore, #tpu.memory_space<semaphore_mem>>, %arg32: memref<!tpu.dma_semaphore, #tpu.memory_space<semaphore_mem>>, %arg33: memref<!tpu.dma_semaphore, #tpu.memory_space<semaphore_mem>>, %arg34: memref<!tpu.dma_semaphore, #tpu.memory_space<semaphore_mem>>, %arg35: memref<!tpu.dma_semaphore, #tpu.memory_space<semaphore_mem>>, %arg36: memref<!tpu.dma_semaphore, #tpu.memory_space<semaphore_mem>>, %arg37: memref<!tpu.dma_semaphore, #tpu.memory_space<semaphore_mem>>, %arg38: memref<!tpu.dma_semaphore, #tpu.memory_space<semaphore_mem>>, %arg39: memref<!tpu.dma_semaphore, #tpu.memory_space<semaphore_mem>>, %arg40: memref<!tpu.dma_semaphore, #tpu.memory_space<semaphore_mem>>, %arg41: memref<!tpu.dma_semaphore, #tpu.memory_space<semaphore_mem>>, %arg42: memref<25104x64xf32, #tpu.memory_space<vmem_shared>>, %arg43: memref<25104xf32, #tpu.memory_space<vmem_shared>>) attributes {dimension_semantics = [#tpu.dimension_semantics<core_parallel>, #tpu.dimension_semantics<subcore_parallel>], iteration_bounds = array<i64: 2, 16>, scalar_prefetch = 0 : i64, scratch_operands = 34 : i64, tpu.core_type = #tpu.core_type<sc_vector_subcore>, window_params = [{transform_indices = #map}, {transform_indices = #map1}, {transform_indices = #map}, {transform_indices = #map}, {transform_indices = #map1}, {transform_indices = #map1}, {transform_indices = #map1}, {transform_indices = #map}]} {
    %mul3A = arith.constant 16 : i32
    %mul3A_0 = arith.muli %arg0, %mul3A : i32
    %add3A = arith.addi %mul3A_0, %arg1 : i32
    %mul3A_1 = arith.constant 1568 : i32
    %mul3A_2 = arith.muli %add3A, %mul3A_1 : i32
    %eq3A = arith.constant 31 : i32
    %eq3A_3 = arith.cmpi eq, %add3A, %eq3A : i32
    %jit3A = arith.constant 12 : i32
    %jit3A_4 = arith.constant 14 : i32
    %select_n3A = arith.select %eq3A_3, %jit3A, %jit3A_4 : i32
    %while3A = arith.constant 0 : i32
    %while3A_5 = arith.constant 0 : i32
    %while3A_6 = arith.subi %select_n3A, %while3A : i32
    %while3A_7 = arith.addi %while3A, %while3A_6 : i32
    %while3A_8 = arith.constant 1 : i32
    %while3A_9 = arith.divsi %while3A_6, %while3A_8 : i32
    %while3A_10 = arith.muli %while3A_9, %while3A_8 : i32
    %while3A_11 = arith.addi %while3A, %while3A_10 : i32
    %while3A_12 = arith.constant 1 : i32
    %while3A_13 = scf.for %while3A_213 = %while3A to %while3A_11 step %while3A_12 iter_args(%while3A_214 = %while3A_5) -> (i32)  : i32 {
      %mul3A_215 = arith.constant 112 : i32
      %mul3A_216 = arith.muli %while3A_213, %mul3A_215 : i32
      %add3A_217 = arith.addi %mul3A_2, %mul3A_216 : i32
      "tpu.region"() ({
        %run_scoped3A = tpu.sem_alloc : memref<!tpu.dma_semaphore, #tpu.memory_space<semaphore_mem>>
        %dma_start3A_231 = tpu.memref_slice %arg2[%add3A_217] : memref<50000xi32, #tpu.memory_space<hbm>> -> memref<112xi32, #tpu.memory_space<hbm>>
        %dma_start3A_232 = tpu.memref_slice %arg2[%add3A_217] : memref<50000xi32, #tpu.memory_space<hbm>> -> memref<112xi32, #tpu.memory_space<hbm>>
        tpu.enqueue_dma source(%dma_start3A_232 : memref<112xi32, #tpu.memory_space<hbm>>) target(%arg10 : memref<112xi32, #tpu.memory_space<vmem>>) target_semaphore(%run_scoped3A : memref<!tpu.dma_semaphore, #tpu.memory_space<semaphore_mem>>)
        %dma_wait3A_233 = tpu.memref_slice %arg2[%add3A_217] : memref<50000xi32, #tpu.memory_space<hbm>> -> memref<112xi32, #tpu.memory_space<hbm>>
        %dma_wait3A_234 = tpu.memref_slice %arg2[%add3A_217] : memref<50000xi32, #tpu.memory_space<hbm>> -> memref<112xi32, #tpu.memory_space<hbm>>
        tpu.wait_dma2 semaphore(%run_scoped3A : memref<!tpu.dma_semaphore, #tpu.memory_space<semaphore_mem>>) src(%dma_wait3A_234 : memref<112xi32, #tpu.memory_space<hbm>>) dst(%arg10 : memref<112xi32, #tpu.memory_space<vmem>>)
        tpu.yield
      }) : () -> ()
      %dma_start3A_218 = arith.constant 0 : i32
      %dma_start3A_219 = arith.constant 0 : i32
      %dma_start3A_220 = tpu.memref_slice %arg26[%dma_start3A_218, %dma_start3A_219] : memref<128x64xf32, #tpu.memory_space<vmem>> -> memref<112x64xf32, #tpu.memory_space<vmem>>
      %dma_start3A_221 = arith.constant 0 : i32
      %dma_start3A_222 = arith.constant 0 : i32
      %dma_start3A_223 = tpu.memref_slice %arg3[%dma_start3A_221, %dma_start3A_222] : memref<1000001x64xf32, #tpu.memory_space<hbm>> -> memref<1000001x64xf32, #tpu.memory_space<hbm>>
      tpu.enqueue_indirect_dma source(%dma_start3A_223 : memref<1000001x64xf32, #tpu.memory_space<hbm>>) target(%dma_start3A_220 : memref<112x64xf32, #tpu.memory_space<vmem>>) offsets(%arg10 : memref<112xi32, #tpu.memory_space<vmem>>) semaphore(%arg29 : memref<!tpu.dma_semaphore, #tpu.memory_space<semaphore_mem>>)
      %dma_wait3A_224 = arith.constant 0 : i32
      %dma_wait3A_225 = arith.constant 0 : i32
      %dma_wait3A_226 = tpu.memref_slice %arg26[%dma_wait3A_224, %dma_wait3A_225] : memref<128x64xf32, #tpu.memory_space<vmem>> -> memref<112x64xf32, #tpu.memory_space<vmem>>
      %dma_wait3A_227 = arith.constant 0 : i32
      %dma_wait3A_228 = arith.constant 0 : i32
      %dma_wait3A_229 = tpu.memref_slice %arg3[%dma_wait3A_227, %dma_wait3A_228] : memref<1000001x64xf32, #tpu.memory_space<hbm>> -> memref<1000001x64xf32, #tpu.memory_space<hbm>>
      tpu.wait_indirect_dma semaphore(%arg29 : memref<!tpu.dma_semaphore, #tpu.memory_space<semaphore_mem>>) src(%dma_wait3A_229 : memref<1000001x64xf32, #tpu.memory_space<hbm>>) dst(%dma_wait3A_226 : memref<112x64xf32, #tpu.memory_space<vmem>>)
      "tpu.region"() ({
        %run_scoped3A = tpu.sem_alloc : memref<!tpu.dma_semaphore, #tpu.memory_space<semaphore_mem>>
        %dma_start3A_231 = arith.constant 0 : i32
        %dma_start3A_232 = arith.constant 0 : i32
        %dma_start3A_233 = tpu.memref_slice %arg26[%dma_start3A_231, %dma_start3A_232] : memref<128x64xf32, #tpu.memory_space<vmem>> -> memref<112x64xf32, #tpu.memory_space<vmem>>
        %dma_start3A_234 = arith.constant 0 : i32
        %dma_start3A_235 = tpu.memref_slice %arg7[%add3A_217, %dma_start3A_234] : memref<50176x64xf32, #tpu.memory_space<hbm>> -> memref<112x64xf32, #tpu.memory_space<hbm>>
        %dma_start3A_236 = arith.constant 0 : i32
        %dma_start3A_237 = tpu.memref_slice %arg7[%add3A_217, %dma_start3A_236] : memref<50176x64xf32, #tpu.memory_space<hbm>> -> memref<112x64xf32, #tpu.memory_space<hbm>>
        %dma_start3A_238 = arith.constant 0 : i32
        %dma_start3A_239 = arith.constant 0 : i32
        %dma_start3A_240 = tpu.memref_slice %arg26[%dma_start3A_238, %dma_start3A_239] : memref<128x64xf32, #tpu.memory_space<vmem>> -> memref<112x64xf32, #tpu.memory_space<vmem>>
        tpu.enqueue_dma source(%dma_start3A_240 : memref<112x64xf32, #tpu.memory_space<vmem>>) target(%dma_start3A_237 : memref<112x64xf32, #tpu.memory_space<hbm>>) target_semaphore(%run_scoped3A : memref<!tpu.dma_semaphore, #tpu.memory_space<semaphore_mem>>)
        %dma_wait3A_241 = arith.constant 0 : i32
        %dma_wait3A_242 = arith.constant 0 : i32
        %dma_wait3A_243 = tpu.memref_slice %arg26[%dma_wait3A_241, %dma_wait3A_242] : memref<128x64xf32, #tpu.memory_space<vmem>> -> memref<112x64xf32, #tpu.memory_space<vmem>>
        %dma_wait3A_244 = arith.constant 0 : i32
        %dma_wait3A_245 = tpu.memref_slice %arg7[%add3A_217, %dma_wait3A_244] : memref<50176x64xf32, #tpu.memory_space<hbm>> -> memref<112x64xf32, #tpu.memory_space<hbm>>
        %dma_wait3A_246 = arith.constant 0 : i32
        %dma_wait3A_247 = tpu.memref_slice %arg7[%add3A_217, %dma_wait3A_246] : memref<50176x64xf32, #tpu.memory_space<hbm>> -> memref<112x64xf32, #tpu.memory_space<hbm>>
        %dma_wait3A_248 = arith.constant 0 : i32
        %dma_wait3A_249 = arith.constant 0 : i32
        %dma_wait3A_250 = tpu.memref_slice %arg26[%dma_wait3A_248, %dma_wait3A_249] : memref<128x64xf32, #tpu.memory_space<vmem>> -> memref<112x64xf32, #tpu.memory_space<vmem>>
        tpu.wait_dma2 semaphore(%run_scoped3A : memref<!tpu.dma_semaphore, #tpu.memory_space<semaphore_mem>>) src(%dma_wait3A_250 : memref<112x64xf32, #tpu.memory_space<vmem>>) dst(%dma_wait3A_247 : memref<112x64xf32, #tpu.memory_space<hbm>>)
        tpu.yield
      }) : () -> ()
      %while3A_230 = arith.constant 0 : i32
      scf.yield %while3A_230 : i32
    }
    %while3A_14 = arith.constant 1 : i32
    %while3A_15 = scf.for %while3A_213 = %while3A_11 to %while3A_7 step %while3A_14 iter_args(%while3A_214 = %while3A_13) -> (i32)  : i32 {
      %mul3A_215 = arith.constant 112 : i32
      %mul3A_216 = arith.muli %while3A_213, %mul3A_215 : i32
      %add3A_217 = arith.addi %mul3A_2, %mul3A_216 : i32
      "tpu.region"() ({
        %run_scoped3A = tpu.sem_alloc : memref<!tpu.dma_semaphore, #tpu.memory_space<semaphore_mem>>
        %dma_start3A_231 = tpu.memref_slice %arg2[%add3A_217] : memref<50000xi32, #tpu.memory_space<hbm>> -> memref<112xi32, #tpu.memory_space<hbm>>
        %dma_start3A_232 = tpu.memref_slice %arg2[%add3A_217] : memref<50000xi32, #tpu.memory_space<hbm>> -> memref<112xi32, #tpu.memory_space<hbm>>
        tpu.enqueue_dma source(%dma_start3A_232 : memref<112xi32, #tpu.memory_space<hbm>>) target(%arg10 : memref<112xi32, #tpu.memory_space<vmem>>) target_semaphore(%run_scoped3A : memref<!tpu.dma_semaphore, #tpu.memory_space<semaphore_mem>>)
        %dma_wait3A_233 = tpu.memref_slice %arg2[%add3A_217] : memref<50000xi32, #tpu.memory_space<hbm>> -> memref<112xi32, #tpu.memory_space<hbm>>
        %dma_wait3A_234 = tpu.memref_slice %arg2[%add3A_217] : memref<50000xi32, #tpu.memory_space<hbm>> -> memref<112xi32, #tpu.memory_space<hbm>>
        tpu.wait_dma2 semaphore(%run_scoped3A : memref<!tpu.dma_semaphore, #tpu.memory_space<semaphore_mem>>) src(%dma_wait3A_234 : memref<112xi32, #tpu.memory_space<hbm>>) dst(%arg10 : memref<112xi32, #tpu.memory_space<vmem>>)
        tpu.yield
      }) : () -> ()
      %dma_start3A_218 = arith.constant 0 : i32
      %dma_start3A_219 = arith.constant 0 : i32
      %dma_start3A_220 = tpu.memref_slice %arg26[%dma_start3A_218, %dma_start3A_219] : memref<128x64xf32, #tpu.memory_space<vmem>> -> memref<112x64xf32, #tpu.memory_space<vmem>>
      %dma_start3A_221 = arith.constant 0 : i32
      %dma_start3A_222 = arith.constant 0 : i32
      %dma_start3A_223 = tpu.memref_slice %arg3[%dma_start3A_221, %dma_start3A_222] : memref<1000001x64xf32, #tpu.memory_space<hbm>> -> memref<1000001x64xf32, #tpu.memory_space<hbm>>
      tpu.enqueue_indirect_dma source(%dma_start3A_223 : memref<1000001x64xf32, #tpu.memory_space<hbm>>) target(%dma_start3A_220 : memref<112x64xf32, #tpu.memory_space<vmem>>) offsets(%arg10 : memref<112xi32, #tpu.memory_space<vmem>>) semaphore(%arg29 : memref<!tpu.dma_semaphore, #tpu.memory_space<semaphore_mem>>)
      %dma_wait3A_224 = arith.constant 0 : i32
      %dma_wait3A_225 = arith.constant 0 : i32
      %dma_wait3A_226 = tpu.memref_slice %arg26[%dma_wait3A_224, %dma_wait3A_225] : memref<128x64xf32, #tpu.memory_space<vmem>> -> memref<112x64xf32, #tpu.memory_space<vmem>>
      %dma_wait3A_227 = arith.constant 0 : i32
      %dma_wait3A_228 = arith.constant 0 : i32
      %dma_wait3A_229 = tpu.memref_slice %arg3[%dma_wait3A_227, %dma_wait3A_228] : memref<1000001x64xf32, #tpu.memory_space<hbm>> -> memref<1000001x64xf32, #tpu.memory_space<hbm>>
      tpu.wait_indirect_dma semaphore(%arg29 : memref<!tpu.dma_semaphore, #tpu.memory_space<semaphore_mem>>) src(%dma_wait3A_229 : memref<1000001x64xf32, #tpu.memory_space<hbm>>) dst(%dma_wait3A_226 : memref<112x64xf32, #tpu.memory_space<vmem>>)
      "tpu.region"() ({
        %run_scoped3A = tpu.sem_alloc : memref<!tpu.dma_semaphore, #tpu.memory_space<semaphore_mem>>
        %dma_start3A_231 = arith.constant 0 : i32
        %dma_start3A_232 = arith.constant 0 : i32
        %dma_start3A_233 = tpu.memref_slice %arg26[%dma_start3A_231, %dma_start3A_232] : memref<128x64xf32, #tpu.memory_space<vmem>> -> memref<112x64xf32, #tpu.memory_space<vmem>>
        %dma_start3A_234 = arith.constant 0 : i32
        %dma_start3A_235 = tpu.memref_slice %arg7[%add3A_217, %dma_start3A_234] : memref<50176x64xf32, #tpu.memory_space<hbm>> -> memref<112x64xf32, #tpu.memory_space<hbm>>
        %dma_start3A_236 = arith.constant 0 : i32
        %dma_start3A_237 = tpu.memref_slice %arg7[%add3A_217, %dma_start3A_236] : memref<50176x64xf32, #tpu.memory_space<hbm>> -> memref<112x64xf32, #tpu.memory_space<hbm>>
        %dma_start3A_238 = arith.constant 0 : i32
        %dma_start3A_239 = arith.constant 0 : i32
        %dma_start3A_240 = tpu.memref_slice %arg26[%dma_start3A_238, %dma_start3A_239] : memref<128x64xf32, #tpu.memory_space<vmem>> -> memref<112x64xf32, #tpu.memory_space<vmem>>
        tpu.enqueue_dma source(%dma_start3A_240 : memref<112x64xf32, #tpu.memory_space<vmem>>) target(%dma_start3A_237 : memref<112x64xf32, #tpu.memory_space<hbm>>) target_semaphore(%run_scoped3A : memref<!tpu.dma_semaphore, #tpu.memory_space<semaphore_mem>>)
        %dma_wait3A_241 = arith.constant 0 : i32
        %dma_wait3A_242 = arith.constant 0 : i32
        %dma_wait3A_243 = tpu.memref_slice %arg26[%dma_wait3A_241, %dma_wait3A_242] : memref<128x64xf32, #tpu.memory_space<vmem>> -> memref<112x64xf32, #tpu.memory_space<vmem>>
        %dma_wait3A_244 = arith.constant 0 : i32
        %dma_wait3A_245 = tpu.memref_slice %arg7[%add3A_217, %dma_wait3A_244] : memref<50176x64xf32, #tpu.memory_space<hbm>> -> memref<112x64xf32, #tpu.memory_space<hbm>>
        %dma_wait3A_246 = arith.constant 0 : i32
        %dma_wait3A_247 = tpu.memref_slice %arg7[%add3A_217, %dma_wait3A_246] : memref<50176x64xf32, #tpu.memory_space<hbm>> -> memref<112x64xf32, #tpu.memory_space<hbm>>
        %dma_wait3A_248 = arith.constant 0 : i32
        %dma_wait3A_249 = arith.constant 0 : i32
        %dma_wait3A_250 = tpu.memref_slice %arg26[%dma_wait3A_248, %dma_wait3A_249] : memref<128x64xf32, #tpu.memory_space<vmem>> -> memref<112x64xf32, #tpu.memory_space<vmem>>
        tpu.wait_dma2 semaphore(%run_scoped3A : memref<!tpu.dma_semaphore, #tpu.memory_space<semaphore_mem>>) src(%dma_wait3A_250 : memref<112x64xf32, #tpu.memory_space<vmem>>) dst(%dma_wait3A_247 : memref<112x64xf32, #tpu.memory_space<hbm>>)
        tpu.yield
      }) : () -> ()
      %while3A_230 = arith.constant 0 : i32
      scf.yield %while3A_230 : i32
    }
    %eq3A_16 = arith.constant 31 : i32
    %eq3A_17 = arith.cmpi eq, %add3A, %eq3A_16 : i32
    %convert_element_type3A = arith.extui %eq3A_17 : i1 to i32
    %cond3A = arith.constant 0 : i32
    %cond3A_18 = arith.cmpi ne, %convert_element_type3A, %cond3A : i32
    scf.if %cond3A_18 {
      "tpu.region"() ({
        %run_scoped3A = tpu.sem_alloc : memref<!tpu.dma_semaphore, #tpu.memory_space<semaphore_mem>>
        %dma_start3A_225 = arith.constant 49952 : i32
        %dma_start3A_226 = tpu.memref_slice %arg2[%dma_start3A_225] : memref<50000xi32, #tpu.memory_space<hbm>> -> memref<48xi32, #tpu.memory_space<hbm>>
        %dma_start3A_227 = arith.constant 49952 : i32
        %dma_start3A_228 = tpu.memref_slice %arg2[%dma_start3A_227] : memref<50000xi32, #tpu.memory_space<hbm>> -> memref<48xi32, #tpu.memory_space<hbm>>
        tpu.enqueue_dma source(%dma_start3A_228 : memref<48xi32, #tpu.memory_space<hbm>>) target(%arg11 : memref<48xi32, #tpu.memory_space<vmem>>) target_semaphore(%run_scoped3A : memref<!tpu.dma_semaphore, #tpu.memory_space<semaphore_mem>>)
        %dma_wait3A_229 = arith.constant 49952 : i32
        %dma_wait3A_230 = tpu.memref_slice %arg2[%dma_wait3A_229] : memref<50000xi32, #tpu.memory_space<hbm>> -> memref<48xi32, #tpu.memory_space<hbm>>
        %dma_wait3A_231 = arith.constant 49952 : i32
        %dma_wait3A_232 = tpu.memref_slice %arg2[%dma_wait3A_231] : memref<50000xi32, #tpu.memory_space<hbm>> -> memref<48xi32, #tpu.memory_space<hbm>>
        tpu.wait_dma2 semaphore(%run_scoped3A : memref<!tpu.dma_semaphore, #tpu.memory_space<semaphore_mem>>) src(%dma_wait3A_232 : memref<48xi32, #tpu.memory_space<hbm>>) dst(%arg11 : memref<48xi32, #tpu.memory_space<vmem>>)
        tpu.yield
      }) : () -> ()
      %dma_start3A_213 = arith.constant 0 : i32
      %dma_start3A_214 = arith.constant 0 : i32
      %dma_start3A_215 = tpu.memref_slice %arg26[%dma_start3A_213, %dma_start3A_214] : memref<128x64xf32, #tpu.memory_space<vmem>> -> memref<48x64xf32, #tpu.memory_space<vmem>>
      %dma_start3A_216 = arith.constant 0 : i32
      %dma_start3A_217 = arith.constant 0 : i32
      %dma_start3A_218 = tpu.memref_slice %arg3[%dma_start3A_216, %dma_start3A_217] : memref<1000001x64xf32, #tpu.memory_space<hbm>> -> memref<1000001x64xf32, #tpu.memory_space<hbm>>
      tpu.enqueue_indirect_dma source(%dma_start3A_218 : memref<1000001x64xf32, #tpu.memory_space<hbm>>) target(%dma_start3A_215 : memref<48x64xf32, #tpu.memory_space<vmem>>) offsets(%arg11 : memref<48xi32, #tpu.memory_space<vmem>>) semaphore(%arg29 : memref<!tpu.dma_semaphore, #tpu.memory_space<semaphore_mem>>)
      %dma_wait3A_219 = arith.constant 0 : i32
      %dma_wait3A_220 = arith.constant 0 : i32
      %dma_wait3A_221 = tpu.memref_slice %arg26[%dma_wait3A_219, %dma_wait3A_220] : memref<128x64xf32, #tpu.memory_space<vmem>> -> memref<48x64xf32, #tpu.memory_space<vmem>>
      %dma_wait3A_222 = arith.constant 0 : i32
      %dma_wait3A_223 = arith.constant 0 : i32
      %dma_wait3A_224 = tpu.memref_slice %arg3[%dma_wait3A_222, %dma_wait3A_223] : memref<1000001x64xf32, #tpu.memory_space<hbm>> -> memref<1000001x64xf32, #tpu.memory_space<hbm>>
      tpu.wait_indirect_dma semaphore(%arg29 : memref<!tpu.dma_semaphore, #tpu.memory_space<semaphore_mem>>) src(%dma_wait3A_224 : memref<1000001x64xf32, #tpu.memory_space<hbm>>) dst(%dma_wait3A_221 : memref<48x64xf32, #tpu.memory_space<vmem>>)
      "tpu.region"() ({
        %run_scoped3A = tpu.sem_alloc : memref<!tpu.dma_semaphore, #tpu.memory_space<semaphore_mem>>
        %dma_start3A_225 = arith.constant 0 : i32
        %dma_start3A_226 = arith.constant 0 : i32
        %dma_start3A_227 = tpu.memref_slice %arg26[%dma_start3A_225, %dma_start3A_226] : memref<128x64xf32, #tpu.memory_space<vmem>> -> memref<48x64xf32, #tpu.memory_space<vmem>>
        %dma_start3A_228 = arith.constant 49952 : i32
        %dma_start3A_229 = arith.constant 0 : i32
        %dma_start3A_230 = tpu.memref_slice %arg7[%dma_start3A_228, %dma_start3A_229] : memref<50176x64xf32, #tpu.memory_space<hbm>> -> memref<48x64xf32, #tpu.memory_space<hbm>>
        %dma_start3A_231 = arith.constant 49952 : i32
        %dma_start3A_232 = arith.constant 0 : i32
        %dma_start3A_233 = tpu.memref_slice %arg7[%dma_start3A_231, %dma_start3A_232] : memref<50176x64xf32, #tpu.memory_space<hbm>> -> memref<48x64xf32, #tpu.memory_space<hbm>>
        %dma_start3A_234 = arith.constant 0 : i32
        %dma_start3A_235 = arith.constant 0 : i32
        %dma_start3A_236 = tpu.memref_slice %arg26[%dma_start3A_234, %dma_start3A_235] : memref<128x64xf32, #tpu.memory_space<vmem>> -> memref<48x64xf32, #tpu.memory_space<vmem>>
        tpu.enqueue_dma source(%dma_start3A_236 : memref<48x64xf32, #tpu.memory_space<vmem>>) target(%dma_start3A_233 : memref<48x64xf32, #tpu.memory_space<hbm>>) target_semaphore(%run_scoped3A : memref<!tpu.dma_semaphore, #tpu.memory_space<semaphore_mem>>)
        %dma_wait3A_237 = arith.constant 0 : i32
        %dma_wait3A_238 = arith.constant 0 : i32
        %dma_wait3A_239 = tpu.memref_slice %arg26[%dma_wait3A_237, %dma_wait3A_238] : memref<128x64xf32, #tpu.memory_space<vmem>> -> memref<48x64xf32, #tpu.memory_space<vmem>>
        %dma_wait3A_240 = arith.constant 49952 : i32
        %dma_wait3A_241 = arith.constant 0 : i32
        %dma_wait3A_242 = tpu.memref_slice %arg7[%dma_wait3A_240, %dma_wait3A_241] : memref<50176x64xf32, #tpu.memory_space<hbm>> -> memref<48x64xf32, #tpu.memory_space<hbm>>
        %dma_wait3A_243 = arith.constant 49952 : i32
        %dma_wait3A_244 = arith.constant 0 : i32
        %dma_wait3A_245 = tpu.memref_slice %arg7[%dma_wait3A_243, %dma_wait3A_244] : memref<50176x64xf32, #tpu.memory_space<hbm>> -> memref<48x64xf32, #tpu.memory_space<hbm>>
        %dma_wait3A_246 = arith.constant 0 : i32
        %dma_wait3A_247 = arith.constant 0 : i32
        %dma_wait3A_248 = tpu.memref_slice %arg26[%dma_wait3A_246, %dma_wait3A_247] : memref<128x64xf32, #tpu.memory_space<vmem>> -> memref<48x64xf32, #tpu.memory_space<vmem>>
        tpu.wait_dma2 semaphore(%run_scoped3A : memref<!tpu.dma_semaphore, #tpu.memory_space<semaphore_mem>>) src(%dma_wait3A_248 : memref<48x64xf32, #tpu.memory_space<vmem>>) dst(%dma_wait3A_245 : memref<48x64xf32, #tpu.memory_space<hbm>>)
        tpu.yield
      }) : () -> ()
    } else {
    }
    %broadcast_in_dim3A = arith.constant 0.000000e+00 : f32
    %broadcast_in_dim3A_19 = vector.broadcast %broadcast_in_dim3A : f32 to vector<16xf32>
    %scan3A = arith.constant 0 : i32
    %scan3A_20 = arith.constant 0 : i32
    %scan3A_21 = arith.constant 112 : i32
    %scan3A_22 = arith.addi %scan3A_20, %scan3A_21 : i32
    %scan3A_23 = arith.constant 1 : i32
    %scan3A_24 = scf.for %scan3A_213 = %scan3A_20 to %scan3A_22 step %scan3A_23 iter_args(%scan3A_214 = %scan3A) -> (i32)  : i32 {
      %swap3A_215 = arith.index_cast %scan3A_213 : i32 to index
      %swap3A_216 = arith.constant 0 : index
      %swap3A_217 = tpu.vector_load %arg24[%swap3A_215, %swap3A_216] {strides = array<i32>} : memref<128x64xf32, #tpu.memory_space<vmem>>, vector<16xf32>,
      tpu.vector_store %arg24[%swap3A_215, %swap3A_216], %broadcast_in_dim3A_19 {strides = array<i32>} : memref<128x64xf32, #tpu.memory_space<vmem>>, vector<16xf32>,
      %swap3A_218 = arith.index_cast %scan3A_213 : i32 to index
      %swap3A_219 = arith.constant 16 : index
      %swap3A_220 = tpu.vector_load %arg24[%swap3A_218, %swap3A_219] {strides = array<i32>} : memref<128x64xf32, #tpu.memory_space<vmem>>, vector<16xf32>,
      tpu.vector_store %arg24[%swap3A_218, %swap3A_219], %broadcast_in_dim3A_19 {strides = array<i32>} : memref<128x64xf32, #tpu.memory_space<vmem>>, vector<16xf32>,
      %swap3A_221 = arith.index_cast %scan3A_213 : i32 to index
      %swap3A_222 = arith.constant 32 : index
      %swap3A_223 = tpu.vector_load %arg24[%swap3A_221, %swap3A_222] {strides = array<i32>} : memref<128x64xf32, #tpu.memory_space<vmem>>, vector<16xf32>,
      tpu.vector_store %arg24[%swap3A_221, %swap3A_222], %broadcast_in_dim3A_19 {strides = array<i32>} : memref<128x64xf32, #tpu.memory_space<vmem>>, vector<16xf32>,
      %swap3A_224 = arith.index_cast %scan3A_213 : i32 to index
      %swap3A_225 = arith.constant 48 : index
      %swap3A_226 = tpu.vector_load %arg24[%swap3A_224, %swap3A_225] {strides = array<i32>} : memref<128x64xf32, #tpu.memory_space<vmem>>, vector<16xf32>,
      tpu.vector_store %arg24[%swap3A_224, %swap3A_225], %broadcast_in_dim3A_19 {strides = array<i32>} : memref<128x64xf32, #tpu.memory_space<vmem>>, vector<16xf32>,
      %scan3A_227 = arith.constant 0 : i32
      scf.yield %scan3A_227 : i32
    }
    %scan3A_25 = arith.constant 112 : i32
    %broadcast_in_dim3A_26 = arith.constant 0.000000e+00 : f32
    %broadcast_in_dim3A_27 = vector.broadcast %broadcast_in_dim3A_26 : f32 to vector<16xf32>
    %swap3A = arith.constant 0 : index
    %swap3A_28 = tpu.vector_load %arg28[%swap3A] {strides = array<i32>} : memref<112xf32, #tpu.memory_space<vmem>>, vector<16xf32>,
    tpu.vector_store %arg28[%swap3A], %broadcast_in_dim3A_27 {strides = array<i32>} : memref<112xf32, #tpu.memory_space<vmem>>, vector<16xf32>,
    %swap3A_29 = arith.constant 16 : index
    %swap3A_30 = tpu.vector_load %arg28[%swap3A_29] {strides = array<i32>} : memref<112xf32, #tpu.memory_space<vmem>>, vector<16xf32>,
    tpu.vector_store %arg28[%swap3A_29], %broadcast_in_dim3A_27 {strides = array<i32>} : memref<112xf32, #tpu.memory_space<vmem>>, vector<16xf32>,
    %swap3A_31 = arith.constant 32 : index
    %swap3A_32 = tpu.vector_load %arg28[%swap3A_31] {strides = array<i32>} : memref<112xf32, #tpu.memory_space<vmem>>, vector<16xf32>,
    tpu.vector_store %arg28[%swap3A_31], %broadcast_in_dim3A_27 {strides = array<i32>} : memref<112xf32, #tpu.memory_space<vmem>>, vector<16xf32>,
    %swap3A_33 = arith.constant 48 : index
    %swap3A_34 = tpu.vector_load %arg28[%swap3A_33] {strides = array<i32>} : memref<112xf32, #tpu.memory_space<vmem>>, vector<16xf32>,
    tpu.vector_store %arg28[%swap3A_33], %broadcast_in_dim3A_27 {strides = array<i32>} : memref<112xf32, #tpu.memory_space<vmem>>, vector<16xf32>,
    %swap3A_35 = arith.constant 64 : index
    %swap3A_36 = tpu.vector_load %arg28[%swap3A_35] {strides = array<i32>} : memref<112xf32, #tpu.memory_space<vmem>>, vector<16xf32>,
    tpu.vector_store %arg28[%swap3A_35], %broadcast_in_dim3A_27 {strides = array<i32>} : memref<112xf32, #tpu.memory_space<vmem>>, vector<16xf32>,
    %swap3A_37 = arith.constant 80 : index
    %swap3A_38 = tpu.vector_load %arg28[%swap3A_37] {strides = array<i32>} : memref<112xf32, #tpu.memory_space<vmem>>, vector<16xf32>,
    tpu.vector_store %arg28[%swap3A_37], %broadcast_in_dim3A_27 {strides = array<i32>} : memref<112xf32, #tpu.memory_space<vmem>>, vector<16xf32>,
    %swap3A_39 = arith.constant 96 : index
    %swap3A_40 = tpu.vector_load %arg28[%swap3A_39] {strides = array<i32>} : memref<112xf32, #tpu.memory_space<vmem>>, vector<16xf32>,
    tpu.vector_store %arg28[%swap3A_39], %broadcast_in_dim3A_27 {strides = array<i32>} : memref<112xf32, #tpu.memory_space<vmem>>, vector<16xf32>,
    %broadcast_in_dim3A_41 = arith.constant 1.000000e+00 : f32
    %broadcast_in_dim3A_42 = vector.broadcast %broadcast_in_dim3A_41 : f32 to vector<16xf32>
    %swap3A_43 = arith.constant 0 : index
    %swap3A_44 = tpu.vector_load %arg27[%swap3A_43] {strides = array<i32>} : memref<128xf32, #tpu.memory_space<vmem>>, vector<16xf32>,
    tpu.vector_store %arg27[%swap3A_43], %broadcast_in_dim3A_42 {strides = array<i32>} : memref<128xf32, #tpu.memory_space<vmem>>, vector<16xf32>,
    %swap3A_45 = arith.constant 16 : index
    %swap3A_46 = tpu.vector_load %arg27[%swap3A_45] {strides = array<i32>} : memref<128xf32, #tpu.memory_space<vmem>>, vector<16xf32>,
    tpu.vector_store %arg27[%swap3A_45], %broadcast_in_dim3A_42 {strides = array<i32>} : memref<128xf32, #tpu.memory_space<vmem>>, vector<16xf32>,
    %swap3A_47 = arith.constant 32 : index
    %swap3A_48 = tpu.vector_load %arg27[%swap3A_47] {strides = array<i32>} : memref<128xf32, #tpu.memory_space<vmem>>, vector<16xf32>,
    tpu.vector_store %arg27[%swap3A_47], %broadcast_in_dim3A_42 {strides = array<i32>} : memref<128xf32, #tpu.memory_space<vmem>>, vector<16xf32>,
    %swap3A_49 = arith.constant 48 : index
    %swap3A_50 = tpu.vector_load %arg27[%swap3A_49] {strides = array<i32>} : memref<128xf32, #tpu.memory_space<vmem>>, vector<16xf32>,
    tpu.vector_store %arg27[%swap3A_49], %broadcast_in_dim3A_42 {strides = array<i32>} : memref<128xf32, #tpu.memory_space<vmem>>, vector<16xf32>,
    %swap3A_51 = arith.constant 64 : index
    %swap3A_52 = tpu.vector_load %arg27[%swap3A_51] {strides = array<i32>} : memref<128xf32, #tpu.memory_space<vmem>>, vector<16xf32>,
    tpu.vector_store %arg27[%swap3A_51], %broadcast_in_dim3A_42 {strides = array<i32>} : memref<128xf32, #tpu.memory_space<vmem>>, vector<16xf32>,
    %swap3A_53 = arith.constant 80 : index
    %swap3A_54 = tpu.vector_load %arg27[%swap3A_53] {strides = array<i32>} : memref<128xf32, #tpu.memory_space<vmem>>, vector<16xf32>,
    tpu.vector_store %arg27[%swap3A_53], %broadcast_in_dim3A_42 {strides = array<i32>} : memref<128xf32, #tpu.memory_space<vmem>>, vector<16xf32>,
    %swap3A_55 = arith.constant 96 : index
    %swap3A_56 = tpu.vector_load %arg27[%swap3A_55] {strides = array<i32>} : memref<128xf32, #tpu.memory_space<vmem>>, vector<16xf32>,
    tpu.vector_store %arg27[%swap3A_55], %broadcast_in_dim3A_42 {strides = array<i32>} : memref<128xf32, #tpu.memory_space<vmem>>, vector<16xf32>,
    %swap3A_57 = arith.constant 112 : index
    %swap3A_58 = tpu.vector_load %arg27[%swap3A_57] {strides = array<i32>} : memref<128xf32, #tpu.memory_space<vmem>>, vector<16xf32>,
    tpu.vector_store %arg27[%swap3A_57], %broadcast_in_dim3A_42 {strides = array<i32>} : memref<128xf32, #tpu.memory_space<vmem>>, vector<16xf32>,
    %mul3A_59 = arith.constant 1568 : i32
    %mul3A_60 = arith.muli %arg1, %mul3A_59 : i32
    %scan3A_61 = arith.constant 0 : i32
    %scan3A_62 = arith.constant 0 : i32
    %scan3A_63 = arith.constant 14 : i32
    %scan3A_64 = arith.addi %scan3A_62, %scan3A_63 : i32
    %scan3A_65 = arith.constant 1 : i32
    %scan3A_66 = scf.for %scan3A_213 = %scan3A_62 to %scan3A_64 step %scan3A_65 iter_args(%scan3A_214 = %scan3A_61) -> (i32)  : i32 {
      %mul3A_215 = arith.constant 112 : i32
      %mul3A_216 = arith.muli %scan3A_213, %mul3A_215 : i32
      %add3A_217 = arith.addi %mul3A_60, %mul3A_216 : i32
      "tpu.region"() ({
        %run_scoped3A = tpu.sem_alloc : memref<!tpu.dma_semaphore, #tpu.memory_space<semaphore_mem>>
        %dma_start3A_219 = arith.constant 0 : i32
        %dma_start3A_220 = arith.constant 0 : i32
        %dma_start3A_221 = tpu.memref_slice %arg24[%dma_start3A_219, %dma_start3A_220] : memref<128x64xf32, #tpu.memory_space<vmem>> -> memref<112x64xf32, #tpu.memory_space<vmem>>
        %dma_start3A_222 = arith.constant 0 : i32
        %dma_start3A_223 = tpu.memref_slice %arg42[%add3A_217, %dma_start3A_222] : memref<25104x64xf32, #tpu.memory_space<vmem_shared>> -> memref<112x64xf32, #tpu.memory_space<vmem_shared>>
        %dma_start3A_224 = arith.constant 0 : i32
        %dma_start3A_225 = tpu.memref_slice %arg42[%add3A_217, %dma_start3A_224] : memref<25104x64xf32, #tpu.memory_space<vmem_shared>> -> memref<112x64xf32, #tpu.memory_space<vmem_shared>>
        %dma_start3A_226 = arith.constant 0 : i32
        %dma_start3A_227 = arith.constant 0 : i32
        %dma_start3A_228 = tpu.memref_slice %arg24[%dma_start3A_226, %dma_start3A_227] : memref<128x64xf32, #tpu.memory_space<vmem>> -> memref<112x64xf32, #tpu.memory_space<vmem>>
        tpu.enqueue_dma source(%dma_start3A_228 : memref<112x64xf32, #tpu.memory_space<vmem>>) target(%dma_start3A_225 : memref<112x64xf32, #tpu.memory_space<vmem_shared>>) target_semaphore(%run_scoped3A : memref<!tpu.dma_semaphore, #tpu.memory_space<semaphore_mem>>)
        %dma_wait3A_229 = arith.constant 0 : i32
        %dma_wait3A_230 = arith.constant 0 : i32
        %dma_wait3A_231 = tpu.memref_slice %arg24[%dma_wait3A_229, %dma_wait3A_230] : memref<128x64xf32, #tpu.memory_space<vmem>> -> memref<112x64xf32, #tpu.memory_space<vmem>>
        %dma_wait3A_232 = arith.constant 0 : i32
        %dma_wait3A_233 = tpu.memref_slice %arg42[%add3A_217, %dma_wait3A_232] : memref<25104x64xf32, #tpu.memory_space<vmem_shared>> -> memref<112x64xf32, #tpu.memory_space<vmem_shared>>
        %dma_wait3A_234 = arith.constant 0 : i32
        %dma_wait3A_235 = tpu.memref_slice %arg42[%add3A_217, %dma_wait3A_234] : memref<25104x64xf32, #tpu.memory_space<vmem_shared>> -> memref<112x64xf32, #tpu.memory_space<vmem_shared>>
        %dma_wait3A_236 = arith.constant 0 : i32
        %dma_wait3A_237 = arith.constant 0 : i32
        %dma_wait3A_238 = tpu.memref_slice %arg24[%dma_wait3A_236, %dma_wait3A_237] : memref<128x64xf32, #tpu.memory_space<vmem>> -> memref<112x64xf32, #tpu.memory_space<vmem>>
        tpu.wait_dma2 semaphore(%run_scoped3A : memref<!tpu.dma_semaphore, #tpu.memory_space<semaphore_mem>>) src(%dma_wait3A_238 : memref<112x64xf32, #tpu.memory_space<vmem>>) dst(%dma_wait3A_235 : memref<112x64xf32, #tpu.memory_space<vmem_shared>>)
        tpu.yield
      }) : () -> ()
      "tpu.region"() ({
        %run_scoped3A = tpu.sem_alloc : memref<!tpu.dma_semaphore, #tpu.memory_space<semaphore_mem>>
        %dma_start3A_219 = tpu.memref_slice %arg43[%add3A_217] : memref<25104xf32, #tpu.memory_space<vmem_shared>> -> memref<112xf32, #tpu.memory_space<vmem_shared>>
        %dma_start3A_220 = tpu.memref_slice %arg43[%add3A_217] : memref<25104xf32, #tpu.memory_space<vmem_shared>> -> memref<112xf32, #tpu.memory_space<vmem_shared>>
        tpu.enqueue_dma source(%arg28 : memref<112xf32, #tpu.memory_space<vmem>>) target(%dma_start3A_220 : memref<112xf32, #tpu.memory_space<vmem_shared>>) target_semaphore(%run_scoped3A : memref<!tpu.dma_semaphore, #tpu.memory_space<semaphore_mem>>)
        %dma_wait3A_221 = tpu.memref_slice %arg43[%add3A_217] : memref<25104xf32, #tpu.memory_space<vmem_shared>> -> memref<112xf32, #tpu.memory_space<vmem_shared>>
        %dma_wait3A_222 = tpu.memref_slice %arg43[%add3A_217] : memref<25104xf32, #tpu.memory_space<vmem_shared>> -> memref<112xf32, #tpu.memory_space<vmem_shared>>
        tpu.wait_dma2 semaphore(%run_scoped3A : memref<!tpu.dma_semaphore, #tpu.memory_space<semaphore_mem>>) src(%arg28 : memref<112xf32, #tpu.memory_space<vmem>>) dst(%dma_wait3A_222 : memref<112xf32, #tpu.memory_space<vmem_shared>>)
        tpu.yield
      }) : () -> ()
      %scan3A_218 = arith.constant 0 : i32
      scf.yield %scan3A_218 : i32
    }
    %scan3A_67 = arith.constant 14 : i32
    %barrier3A = arith.constant 0 : index
    tpu.barrier barrier_id(%barrier3A)
    %mul3A_68 = arith.constant 50000 : i32
    %mul3A_69 = arith.muli %arg1, %mul3A_68 : i32
    %mul3A_70 = arith.constant 25088 : i32
    %mul3A_71 = arith.muli %arg0, %mul3A_70 : i32
    %add3A_72 = arith.constant 0 : i32
    %add3A_73 = arith.addi %mul3A_69, %add3A_72 : i32
    %dma_start3A = tpu.memref_slice %arg4[%add3A_73] : memref<800000xi32, #tpu.memory_space<hbm>> -> memref<128xi32, #tpu.memory_space<hbm>>
    %dma_start3A_74 = tpu.memref_slice %arg4[%add3A_73] : memref<800000xi32, #tpu.memory_space<hbm>> -> memref<128xi32, #tpu.memory_space<hbm>>
    tpu.enqueue_dma source(%dma_start3A_74 : memref<128xi32, #tpu.memory_space<hbm>>) target(%arg12 : memref<128xi32, #tpu.memory_space<vmem>>) target_semaphore(%arg30 : memref<!tpu.dma_semaphore, #tpu.memory_space<semaphore_mem>>)
    %dma_start3A_75 = tpu.memref_slice %arg5[%add3A_73] : memref<800000xi32, #tpu.memory_space<hbm>> -> memref<128xi32, #tpu.memory_space<hbm>>
    %dma_start3A_76 = tpu.memref_slice %arg5[%add3A_73] : memref<800000xi32, #tpu.memory_space<hbm>> -> memref<128xi32, #tpu.memory_space<hbm>>
    tpu.enqueue_dma source(%dma_start3A_76 : memref<128xi32, #tpu.memory_space<hbm>>) target(%arg15 : memref<128xi32, #tpu.memory_space<vmem>>) target_semaphore(%arg30 : memref<!tpu.dma_semaphore, #tpu.memory_space<semaphore_mem>>)
    %dma_wait3A = arith.constant 0 : i32
    %dma_wait3A_77 = tpu.memref_slice %arg4[%dma_wait3A] : memref<800000xi32, #tpu.memory_space<hbm>> -> memref<128xi32, #tpu.memory_space<hbm>>
    %dma_wait3A_78 = arith.constant 0 : i32
    %dma_wait3A_79 = tpu.memref_slice %arg4[%dma_wait3A_78] : memref<800000xi32, #tpu.memory_space<hbm>> -> memref<128xi32, #tpu.memory_space<hbm>>
    tpu.wait_dma2 semaphore(%arg30 : memref<!tpu.dma_semaphore, #tpu.memory_space<semaphore_mem>>) src(%dma_wait3A_79 : memref<128xi32, #tpu.memory_space<hbm>>) dst(%arg12 : memref<128xi32, #tpu.memory_space<vmem>>)
    %dma_wait3A_80 = arith.constant 0 : i32
    %dma_wait3A_81 = tpu.memref_slice %arg5[%dma_wait3A_80] : memref<800000xi32, #tpu.memory_space<hbm>> -> memref<128xi32, #tpu.memory_space<hbm>>
    %dma_wait3A_82 = arith.constant 0 : i32
    %dma_wait3A_83 = tpu.memref_slice %arg5[%dma_wait3A_82] : memref<800000xi32, #tpu.memory_space<hbm>> -> memref<128xi32, #tpu.memory_space<hbm>>
    tpu.wait_dma2 semaphore(%arg30 : memref<!tpu.dma_semaphore, #tpu.memory_space<semaphore_mem>>) src(%dma_wait3A_83 : memref<128xi32, #tpu.memory_space<hbm>>) dst(%arg15 : memref<128xi32, #tpu.memory_space<vmem>>)
    %dma_start3A_84 = arith.constant 0 : i32
    %dma_start3A_85 = arith.constant 0 : i32
    %dma_start3A_86 = tpu.memref_slice %arg6[%dma_start3A_84, %dma_start3A_85] : memref<100x64xf32, #tpu.memory_space<hbm>> -> memref<100x64xf32, #tpu.memory_space<hbm>>
    tpu.enqueue_indirect_dma source(%dma_start3A_86 : memref<100x64xf32, #tpu.memory_space<hbm>>) target(%arg24 : memref<128x64xf32, #tpu.memory_space<vmem>>) offsets(%arg15 : memref<128xi32, #tpu.memory_space<vmem>>) semaphore(%arg33 : memref<!tpu.dma_semaphore, #tpu.memory_space<semaphore_mem>>)
    %add3A_87 = arith.constant 128 : i32
    %add3A_88 = arith.addi %mul3A_69, %add3A_87 : i32
    %dma_start3A_89 = tpu.memref_slice %arg4[%add3A_88] : memref<800000xi32, #tpu.memory_space<hbm>> -> memref<128xi32, #tpu.memory_space<hbm>>
    %dma_start3A_90 = tpu.memref_slice %arg4[%add3A_88] : memref<800000xi32, #tpu.memory_space<hbm>> -> memref<128xi32, #tpu.memory_space<hbm>>
    tpu.enqueue_dma source(%dma_start3A_90 : memref<128xi32, #tpu.memory_space<hbm>>) target(%arg13 : memref<128xi32, #tpu.memory_space<vmem>>) target_semaphore(%arg31 : memref<!tpu.dma_semaphore, #tpu.memory_space<semaphore_mem>>)
    %dma_start3A_91 = tpu.memref_slice %arg5[%add3A_88] : memref<800000xi32, #tpu.memory_space<hbm>> -> memref<128xi32, #tpu.memory_space<hbm>>
    %dma_start3A_92 = tpu.memref_slice %arg5[%add3A_88] : memref<800000xi32, #tpu.memory_space<hbm>> -> memref<128xi32, #tpu.memory_space<hbm>>
    tpu.enqueue_dma source(%dma_start3A_92 : memref<128xi32, #tpu.memory_space<hbm>>) target(%arg16 : memref<128xi32, #tpu.memory_space<vmem>>) target_semaphore(%arg31 : memref<!tpu.dma_semaphore, #tpu.memory_space<semaphore_mem>>)
    %add3A_93 = arith.constant 256 : i32
    %add3A_94 = arith.addi %mul3A_69, %add3A_93 : i32
    %dma_start3A_95 = tpu.memref_slice %arg4[%add3A_94] : memref<800000xi32, #tpu.memory_space<hbm>> -> memref<128xi32, #tpu.memory_space<hbm>>
    %dma_start3A_96 = tpu.memref_slice %arg4[%add3A_94] : memref<800000xi32, #tpu.memory_space<hbm>> -> memref<128xi32, #tpu.memory_space<hbm>>
    tpu.enqueue_dma source(%dma_start3A_96 : memref<128xi32, #tpu.memory_space<hbm>>) target(%arg14 : memref<128xi32, #tpu.memory_space<vmem>>) target_semaphore(%arg32 : memref<!tpu.dma_semaphore, #tpu.memory_space<semaphore_mem>>)
    %dma_start3A_97 = tpu.memref_slice %arg5[%add3A_94] : memref<800000xi32, #tpu.memory_space<hbm>> -> memref<128xi32, #tpu.memory_space<hbm>>
    %dma_start3A_98 = tpu.memref_slice %arg5[%add3A_94] : memref<800000xi32, #tpu.memory_space<hbm>> -> memref<128xi32, #tpu.memory_space<hbm>>
    tpu.enqueue_dma source(%dma_start3A_98 : memref<128xi32, #tpu.memory_space<hbm>>) target(%arg17 : memref<128xi32, #tpu.memory_space<vmem>>) target_semaphore(%arg32 : memref<!tpu.dma_semaphore, #tpu.memory_space<semaphore_mem>>)
    %scan3A_99 = arith.constant 0 : i32
    %scan3A_100 = arith.constant 0 : i32
    %scan3A_101 = arith.constant 130 : i32
    %scan3A_102 = arith.addi %scan3A_100, %scan3A_101 : i32
    %scan3A_103 = arith.constant 1 : i32
    %scan3A_104 = scf.for %scan3A_213 = %scan3A_100 to %scan3A_102 step %scan3A_103 iter_args(%scan3A_214 = %scan3A_99) -> (i32)  : i32 {
      %mul3A_215 = arith.constant 3 : i32
      %mul3A_216 = arith.muli %mul3A_215, %scan3A_213 : i32
      %add3A_217 = arith.constant 0 : i32
      %add3A_218 = arith.addi %mul3A_216, %add3A_217 : i32
      %ge3A_219 = arith.constant 2 : i32
      %ge3A_220 = arith.cmpi sge, %add3A_218, %ge3A_219 : i32
      %convert_element_type3A_221 = arith.extui %ge3A_220 : i1 to i32
      %cond3A_222 = arith.constant 0 : i32
      %cond3A_223 = arith.cmpi ne, %convert_element_type3A_221, %cond3A_222 : i32
      scf.if %cond3A_223 {
        %dma_wait3A_693 = arith.constant 0 : i32
        %dma_wait3A_694 = arith.constant 0 : i32
        %dma_wait3A_695 = tpu.memref_slice %arg42[%dma_wait3A_693, %dma_wait3A_694] : memref<25104x64xf32, #tpu.memory_space<vmem_shared>> -> memref<25104x64xf32, #tpu.memory_space<vmem_shared>>
        tpu.wait_indirect_dma semaphore(%arg37 : memref<!tpu.dma_semaphore, #tpu.memory_space<semaphore_mem>>) src(%arg25 : memref<128x64xf32, #tpu.memory_space<vmem>>) dst(%dma_wait3A_695 : memref<25104x64xf32, #tpu.memory_space<vmem_shared>>)
        %dma_wait3A_696 = arith.constant 0 : i32
        %dma_wait3A_697 = tpu.memref_slice %arg43[%dma_wait3A_696] : memref<25104xf32, #tpu.memory_space<vmem_shared>> -> memref<25104xf32, #tpu.memory_space<vmem_shared>>
        tpu.wait_indirect_dma semaphore(%arg40 : memref<!tpu.dma_semaphore, #tpu.memory_space<semaphore_mem>>) src(%arg27 : memref<128xf32, #tpu.memory_space<vmem>>) dst(%dma_wait3A_697 : memref<25104xf32, #tpu.memory_space<vmem_shared>>)
      } else {
      }
      %add3A_224 = arith.constant 1 : i32
      %add3A_225 = arith.addi %add3A_218, %add3A_224 : i32
      %lt3A_226 = arith.constant 390 : i32
      %lt3A_227 = arith.cmpi slt, %add3A_225, %lt3A_226 : i32
      %convert_element_type3A_228 = arith.extui %lt3A_227 : i1 to i32
      %cond3A_229 = arith.constant 0 : i32
      %cond3A_230 = arith.cmpi ne, %convert_element_type3A_228, %cond3A_229 : i32
      scf.if %cond3A_230 {
        %dma_wait3A_693 = arith.constant 0 : i32
        %dma_wait3A_694 = tpu.memref_slice %arg4[%dma_wait3A_693] : memref<800000xi32, #tpu.memory_space<hbm>> -> memref<128xi32, #tpu.memory_space<hbm>>
        %dma_wait3A_695 = arith.constant 0 : i32
        %dma_wait3A_696 = tpu.memref_slice %arg4[%dma_wait3A_695] : memref<800000xi32, #tpu.memory_space<hbm>> -> memref<128xi32, #tpu.memory_space<hbm>>
        tpu.wait_dma2 semaphore(%arg31 : memref<!tpu.dma_semaphore, #tpu.memory_space<semaphore_mem>>) src(%dma_wait3A_696 : memref<128xi32, #tpu.memory_space<hbm>>) dst(%arg13 : memref<128xi32, #tpu.memory_space<vmem>>)
        %dma_wait3A_697 = arith.constant 0 : i32
        %dma_wait3A_698 = tpu.memref_slice %arg5[%dma_wait3A_697] : memref<800000xi32, #tpu.memory_space<hbm>> -> memref<128xi32, #tpu.memory_space<hbm>>
        %dma_wait3A_699 = arith.constant 0 : i32
        %dma_wait3A_700 = tpu.memref_slice %arg5[%dma_wait3A_699] : memref<800000xi32, #tpu.memory_space<hbm>> -> memref<128xi32, #tpu.memory_space<hbm>>
        tpu.wait_dma2 semaphore(%arg31 : memref<!tpu.dma_semaphore, #tpu.memory_space<semaphore_mem>>) src(%dma_wait3A_700 : memref<128xi32, #tpu.memory_space<hbm>>) dst(%arg16 : memref<128xi32, #tpu.memory_space<vmem>>)
        %dma_start3A_701 = arith.constant 0 : i32
        %dma_start3A_702 = arith.constant 0 : i32
        %dma_start3A_703 = tpu.memref_slice %arg6[%dma_start3A_701, %dma_start3A_702] : memref<100x64xf32, #tpu.memory_space<hbm>> -> memref<100x64xf32, #tpu.memory_space<hbm>>
        tpu.enqueue_indirect_dma source(%dma_start3A_703 : memref<100x64xf32, #tpu.memory_space<hbm>>) target(%arg25 : memref<128x64xf32, #tpu.memory_space<vmem>>) offsets(%arg16 : memref<128xi32, #tpu.memory_space<vmem>>) semaphore(%arg34 : memref<!tpu.dma_semaphore, #tpu.memory_space<semaphore_mem>>)
      } else {
      }
      %get3A_231 = arith.constant 0 : index
      %get3A_232 = tpu.vector_load %arg12[%get3A_231] {strides = array<i32>} : memref<128xi32, #tpu.memory_space<vmem>>, vector<16xi32>,
      %sub3A_233 = vector.broadcast %mul3A_71 : i32 to vector<16xi32>
      %sub3A_234 = arith.subi %get3A_232, %sub3A_233 : vector<16xi32>
      %ge3A_235 = arith.constant 0 : i32
      %ge3A_236 = vector.broadcast %ge3A_235 : i32 to vector<16xi32>
      %ge3A_237 = arith.cmpi sge, %sub3A_234, %ge3A_236 : vector<16xi32>
      %lt3A_238 = arith.constant 25088 : i32
      %lt3A_239 = vector.broadcast %lt3A_238 : i32 to vector<16xi32>
      %lt3A_240 = arith.cmpi slt, %sub3A_234, %lt3A_239 : vector<16xi32>
      %and3A_241 = arith.andi %ge3A_237, %lt3A_240 : vector<16xi1>
      %jit3A_242 = arith.constant 25088 : i32
      %broadcast_in_dim3A_243 = vector.broadcast %jit3A_242 : i32 to vector<16xi32>
      %select_n3A_244 = arith.select %and3A_241, %sub3A_234, %broadcast_in_dim3A_243 : vector<16xi1>, vector<16xi32>
      %swap3A_245 = arith.constant 0 : index
      %swap3A_246 = tpu.vector_load %arg18[%swap3A_245] {strides = array<i32>} : memref<128xi32, #tpu.memory_space<vmem>>, vector<16xi32>,
      tpu.vector_store %arg18[%swap3A_245], %select_n3A_244 {strides = array<i32>} : memref<128xi32, #tpu.memory_space<vmem>>, vector<16xi32>,
      %get3A_247 = arith.constant 16 : index
      %get3A_248 = tpu.vector_load %arg12[%get3A_247] {strides = array<i32>} : memref<128xi32, #tpu.memory_space<vmem>>, vector<16xi32>,
      %sub3A_249 = vector.broadcast %mul3A_71 : i32 to vector<16xi32>
      %sub3A_250 = arith.subi %get3A_248, %sub3A_249 : vector<16xi32>
      %ge3A_251 = arith.constant 0 : i32
      %ge3A_252 = vector.broadcast %ge3A_251 : i32 to vector<16xi32>
      %ge3A_253 = arith.cmpi sge, %sub3A_250, %ge3A_252 : vector<16xi32>
      %lt3A_254 = arith.constant 25088 : i32
      %lt3A_255 = vector.broadcast %lt3A_254 : i32 to vector<16xi32>
      %lt3A_256 = arith.cmpi slt, %sub3A_250, %lt3A_255 : vector<16xi32>
      %and3A_257 = arith.andi %ge3A_253, %lt3A_256 : vector<16xi1>
      %jit3A_258 = arith.constant 25088 : i32
      %broadcast_in_dim3A_259 = vector.broadcast %jit3A_258 : i32 to vector<16xi32>
      %select_n3A_260 = arith.select %and3A_257, %sub3A_250, %broadcast_in_dim3A_259 : vector<16xi1>, vector<16xi32>
      %swap3A_261 = arith.constant 16 : index
      %swap3A_262 = tpu.vector_load %arg18[%swap3A_261] {strides = array<i32>} : memref<128xi32, #tpu.memory_space<vmem>>, vector<16xi32>,
      tpu.vector_store %arg18[%swap3A_261], %select_n3A_260 {strides = array<i32>} : memref<128xi32, #tpu.memory_space<vmem>>, vector<16xi32>,
      %get3A_263 = arith.constant 32 : index
      %get3A_264 = tpu.vector_load %arg12[%get3A_263] {strides = array<i32>} : memref<128xi32, #tpu.memory_space<vmem>>, vector<16xi32>,
      %sub3A_265 = vector.broadcast %mul3A_71 : i32 to vector<16xi32>
      %sub3A_266 = arith.subi %get3A_264, %sub3A_265 : vector<16xi32>
      %ge3A_267 = arith.constant 0 : i32
      %ge3A_268 = vector.broadcast %ge3A_267 : i32 to vector<16xi32>
      %ge3A_269 = arith.cmpi sge, %sub3A_266, %ge3A_268 : vector<16xi32>
      %lt3A_270 = arith.constant 25088 : i32
      %lt3A_271 = vector.broadcast %lt3A_270 : i32 to vector<16xi32>
      %lt3A_272 = arith.cmpi slt, %sub3A_266, %lt3A_271 : vector<16xi32>
      %and3A_273 = arith.andi %ge3A_269, %lt3A_272 : vector<16xi1>
      %jit3A_274 = arith.constant 25088 : i32
      %broadcast_in_dim3A_275 = vector.broadcast %jit3A_274 : i32 to vector<16xi32>
      %select_n3A_276 = arith.select %and3A_273, %sub3A_266, %broadcast_in_dim3A_275 : vector<16xi1>, vector<16xi32>
      %swap3A_277 = arith.constant 32 : index
      %swap3A_278 = tpu.vector_load %arg18[%swap3A_277] {strides = array<i32>} : memref<128xi32, #tpu.memory_space<vmem>>, vector<16xi32>,
      tpu.vector_store %arg18[%swap3A_277], %select_n3A_276 {strides = array<i32>} : memref<128xi32, #tpu.memory_space<vmem>>, vector<16xi32>,
      %get3A_279 = arith.constant 48 : index
      %get3A_280 = tpu.vector_load %arg12[%get3A_279] {strides = array<i32>} : memref<128xi32, #tpu.memory_space<vmem>>, vector<16xi32>,
      %sub3A_281 = vector.broadcast %mul3A_71 : i32 to vector<16xi32>
      %sub3A_282 = arith.subi %get3A_280, %sub3A_281 : vector<16xi32>
      %ge3A_283 = arith.constant 0 : i32
      %ge3A_284 = vector.broadcast %ge3A_283 : i32 to vector<16xi32>
      %ge3A_285 = arith.cmpi sge, %sub3A_282, %ge3A_284 : vector<16xi32>
      %lt3A_286 = arith.constant 25088 : i32
      %lt3A_287 = vector.broadcast %lt3A_286 : i32 to vector<16xi32>
      %lt3A_288 = arith.cmpi slt, %sub3A_282, %lt3A_287 : vector<16xi32>
      %and3A_289 = arith.andi %ge3A_285, %lt3A_288 : vector<16xi1>
      %jit3A_290 = arith.constant 25088 : i32
      %broadcast_in_dim3A_291 = vector.broadcast %jit3A_290 : i32 to vector<16xi32>
      %select_n3A_292 = arith.select %and3A_289, %sub3A_282, %broadcast_in_dim3A_291 : vector<16xi1>, vector<16xi32>
      %swap3A_293 = arith.constant 48 : index
      %swap3A_294 = tpu.vector_load %arg18[%swap3A_293] {strides = array<i32>} : memref<128xi32, #tpu.memory_space<vmem>>, vector<16xi32>,
      tpu.vector_store %arg18[%swap3A_293], %select_n3A_292 {strides = array<i32>} : memref<128xi32, #tpu.memory_space<vmem>>, vector<16xi32>,
      %get3A_295 = arith.constant 64 : index
      %get3A_296 = tpu.vector_load %arg12[%get3A_295] {strides = array<i32>} : memref<128xi32, #tpu.memory_space<vmem>>, vector<16xi32>,
      %sub3A_297 = vector.broadcast %mul3A_71 : i32 to vector<16xi32>
      %sub3A_298 = arith.subi %get3A_296, %sub3A_297 : vector<16xi32>
      %ge3A_299 = arith.constant 0 : i32
      %ge3A_300 = vector.broadcast %ge3A_299 : i32 to vector<16xi32>
      %ge3A_301 = arith.cmpi sge, %sub3A_298, %ge3A_300 : vector<16xi32>
      %lt3A_302 = arith.constant 25088 : i32
      %lt3A_303 = vector.broadcast %lt3A_302 : i32 to vector<16xi32>
      %lt3A_304 = arith.cmpi slt, %sub3A_298, %lt3A_303 : vector<16xi32>
      %and3A_305 = arith.andi %ge3A_301, %lt3A_304 : vector<16xi1>
      %jit3A_306 = arith.constant 25088 : i32
      %broadcast_in_dim3A_307 = vector.broadcast %jit3A_306 : i32 to vector<16xi32>
      %select_n3A_308 = arith.select %and3A_305, %sub3A_298, %broadcast_in_dim3A_307 : vector<16xi1>, vector<16xi32>
      %swap3A_309 = arith.constant 64 : index
      %swap3A_310 = tpu.vector_load %arg18[%swap3A_309] {strides = array<i32>} : memref<128xi32, #tpu.memory_space<vmem>>, vector<16xi32>,
      tpu.vector_store %arg18[%swap3A_309], %select_n3A_308 {strides = array<i32>} : memref<128xi32, #tpu.memory_space<vmem>>, vector<16xi32>,
      %get3A_311 = arith.constant 80 : index
      %get3A_312 = tpu.vector_load %arg12[%get3A_311] {strides = array<i32>} : memref<128xi32, #tpu.memory_space<vmem>>, vector<16xi32>,
      %sub3A_313 = vector.broadcast %mul3A_71 : i32 to vector<16xi32>
      %sub3A_314 = arith.subi %get3A_312, %sub3A_313 : vector<16xi32>
      %ge3A_315 = arith.constant 0 : i32
      %ge3A_316 = vector.broadcast %ge3A_315 : i32 to vector<16xi32>
      %ge3A_317 = arith.cmpi sge, %sub3A_314, %ge3A_316 : vector<16xi32>
      %lt3A_318 = arith.constant 25088 : i32
      %lt3A_319 = vector.broadcast %lt3A_318 : i32 to vector<16xi32>
      %lt3A_320 = arith.cmpi slt, %sub3A_314, %lt3A_319 : vector<16xi32>
      %and3A_321 = arith.andi %ge3A_317, %lt3A_320 : vector<16xi1>
      %jit3A_322 = arith.constant 25088 : i32
      %broadcast_in_dim3A_323 = vector.broadcast %jit3A_322 : i32 to vector<16xi32>
      %select_n3A_324 = arith.select %and3A_321, %sub3A_314, %broadcast_in_dim3A_323 : vector<16xi1>, vector<16xi32>
      %swap3A_325 = arith.constant 80 : index
      %swap3A_326 = tpu.vector_load %arg18[%swap3A_325] {strides = array<i32>} : memref<128xi32, #tpu.memory_space<vmem>>, vector<16xi32>,
      tpu.vector_store %arg18[%swap3A_325], %select_n3A_324 {strides = array<i32>} : memref<128xi32, #tpu.memory_space<vmem>>, vector<16xi32>,
      %get3A_327 = arith.constant 96 : index
      %get3A_328 = tpu.vector_load %arg12[%get3A_327] {strides = array<i32>} : memref<128xi32, #tpu.memory_space<vmem>>, vector<16xi32>,
      %sub3A_329 = vector.broadcast %mul3A_71 : i32 to vector<16xi32>
      %sub3A_330 = arith.subi %get3A_328, %sub3A_329 : vector<16xi32>
      %ge3A_331 = arith.constant 0 : i32
      %ge3A_332 = vector.broadcast %ge3A_331 : i32 to vector<16xi32>
      %ge3A_333 = arith.cmpi sge, %sub3A_330, %ge3A_332 : vector<16xi32>
      %lt3A_334 = arith.constant 25088 : i32
      %lt3A_335 = vector.broadcast %lt3A_334 : i32 to vector<16xi32>
      %lt3A_336 = arith.cmpi slt, %sub3A_330, %lt3A_335 : vector<16xi32>
      %and3A_337 = arith.andi %ge3A_333, %lt3A_336 : vector<16xi1>
      %jit3A_338 = arith.constant 25088 : i32
      %broadcast_in_dim3A_339 = vector.broadcast %jit3A_338 : i32 to vector<16xi32>
      %select_n3A_340 = arith.select %and3A_337, %sub3A_330, %broadcast_in_dim3A_339 : vector<16xi1>, vector<16xi32>
      %swap3A_341 = arith.constant 96 : index
      %swap3A_342 = tpu.vector_load %arg18[%swap3A_341] {strides = array<i32>} : memref<128xi32, #tpu.memory_space<vmem>>, vector<16xi32>,
      tpu.vector_store %arg18[%swap3A_341], %select_n3A_340 {strides = array<i32>} : memref<128xi32, #tpu.memory_space<vmem>>, vector<16xi32>,
      %get3A_343 = arith.constant 112 : index
      %get3A_344 = tpu.vector_load %arg12[%get3A_343] {strides = array<i32>} : memref<128xi32, #tpu.memory_space<vmem>>, vector<16xi32>,
      %sub3A_345 = vector.broadcast %mul3A_71 : i32 to vector<16xi32>
      %sub3A_346 = arith.subi %get3A_344, %sub3A_345 : vector<16xi32>
      %ge3A_347 = arith.constant 0 : i32
      %ge3A_348 = vector.broadcast %ge3A_347 : i32 to vector<16xi32>
      %ge3A_349 = arith.cmpi sge, %sub3A_346, %ge3A_348 : vector<16xi32>
      %lt3A_350 = arith.constant 25088 : i32
      %lt3A_351 = vector.broadcast %lt3A_350 : i32 to vector<16xi32>
      %lt3A_352 = arith.cmpi slt, %sub3A_346, %lt3A_351 : vector<16xi32>
      %and3A_353 = arith.andi %ge3A_349, %lt3A_352 : vector<16xi1>
      %jit3A_354 = arith.constant 25088 : i32
      %broadcast_in_dim3A_355 = vector.broadcast %jit3A_354 : i32 to vector<16xi32>
      %select_n3A_356 = arith.select %and3A_353, %sub3A_346, %broadcast_in_dim3A_355 : vector<16xi1>, vector<16xi32>
      %swap3A_357 = arith.constant 112 : index
      %swap3A_358 = tpu.vector_load %arg18[%swap3A_357] {strides = array<i32>} : memref<128xi32, #tpu.memory_space<vmem>>, vector<16xi32>,
      tpu.vector_store %arg18[%swap3A_357], %select_n3A_356 {strides = array<i32>} : memref<128xi32, #tpu.memory_space<vmem>>, vector<16xi32>,
      %dma_wait3A_359 = arith.constant 0 : i32
      %dma_wait3A_360 = arith.constant 0 : i32
      %dma_wait3A_361 = tpu.memref_slice %arg6[%dma_wait3A_359, %dma_wait3A_360] : memref<100x64xf32, #tpu.memory_space<hbm>> -> memref<100x64xf32, #tpu.memory_space<hbm>>
      tpu.wait_indirect_dma semaphore(%arg33 : memref<!tpu.dma_semaphore, #tpu.memory_space<semaphore_mem>>) src(%dma_wait3A_361 : memref<100x64xf32, #tpu.memory_space<hbm>>) dst(%arg24 : memref<128x64xf32, #tpu.memory_space<vmem>>)
      %add3A_362 = arith.constant 3 : i32
      %add3A_363 = arith.addi %add3A_218, %add3A_362 : i32
      %lt3A_364 = arith.constant 390 : i32
      %lt3A_365 = arith.cmpi slt, %add3A_363, %lt3A_364 : i32
      %convert_element_type3A_366 = arith.extui %lt3A_365 : i1 to i32
      %cond3A_367 = arith.constant 0 : i32
      %cond3A_368 = arith.cmpi ne, %convert_element_type3A_366, %cond3A_367 : i32
      scf.if %cond3A_368 {
        %add3A_693 = arith.constant 3 : i32
        %add3A_694 = arith.addi %add3A_218, %add3A_693 : i32
        %mul3A_695 = arith.constant 128 : i32
        %mul3A_696 = arith.muli %add3A_694, %mul3A_695 : i32
        %add3A_697 = arith.addi %mul3A_69, %mul3A_696 : i32
        %dma_start3A_698 = tpu.memref_slice %arg4[%add3A_697] : memref<800000xi32, #tpu.memory_space<hbm>> -> memref<128xi32, #tpu.memory_space<hbm>>
        %dma_start3A_699 = tpu.memref_slice %arg4[%add3A_697] : memref<800000xi32, #tpu.memory_space<hbm>> -> memref<128xi32, #tpu.memory_space<hbm>>
        tpu.enqueue_dma source(%dma_start3A_699 : memref<128xi32, #tpu.memory_space<hbm>>) target(%arg12 : memref<128xi32, #tpu.memory_space<vmem>>) target_semaphore(%arg30 : memref<!tpu.dma_semaphore, #tpu.memory_space<semaphore_mem>>)
        %dma_start3A_700 = tpu.memref_slice %arg5[%add3A_697] : memref<800000xi32, #tpu.memory_space<hbm>> -> memref<128xi32, #tpu.memory_space<hbm>>
        %dma_start3A_701 = tpu.memref_slice %arg5[%add3A_697] : memref<800000xi32, #tpu.memory_space<hbm>> -> memref<128xi32, #tpu.memory_space<hbm>>
        tpu.enqueue_dma source(%dma_start3A_701 : memref<128xi32, #tpu.memory_space<hbm>>) target(%arg15 : memref<128xi32, #tpu.memory_space<vmem>>) target_semaphore(%arg30 : memref<!tpu.dma_semaphore, #tpu.memory_space<semaphore_mem>>)
      } else {
      }
      %dma_start3A_369 = arith.constant 0 : i32
      %dma_start3A_370 = arith.constant 0 : i32
      %dma_start3A_371 = tpu.memref_slice %arg42[%dma_start3A_369, %dma_start3A_370] : memref<25104x64xf32, #tpu.memory_space<vmem_shared>> -> memref<25104x64xf32, #tpu.memory_space<vmem_shared>>
      tpu.enqueue_indirect_dma source(%arg24 : memref<128x64xf32, #tpu.memory_space<vmem>>) target(%dma_start3A_371 : memref<25104x64xf32, #tpu.memory_space<vmem_shared>>) offsets(%arg18 : memref<128xi32, #tpu.memory_space<vmem>>) semaphore(%arg36 : memref<!tpu.dma_semaphore, #tpu.memory_space<semaphore_mem>>) {add = true}
      %dma_start3A_372 = arith.constant 0 : i32
      %dma_start3A_373 = tpu.memref_slice %arg43[%dma_start3A_372] : memref<25104xf32, #tpu.memory_space<vmem_shared>> -> memref<25104xf32, #tpu.memory_space<vmem_shared>>
      tpu.enqueue_indirect_dma source(%arg27 : memref<128xf32, #tpu.memory_space<vmem>>) target(%dma_start3A_373 : memref<25104xf32, #tpu.memory_space<vmem_shared>>) offsets(%arg18 : memref<128xi32, #tpu.memory_space<vmem>>) semaphore(%arg39 : memref<!tpu.dma_semaphore, #tpu.memory_space<semaphore_mem>>) {add = true}
      %mul3A_374 = arith.constant 3 : i32
      %mul3A_375 = arith.muli %mul3A_374, %scan3A_213 : i32
      %add3A_376 = arith.constant 1 : i32
      %add3A_377 = arith.addi %mul3A_375, %add3A_376 : i32
      %ge3A_378 = arith.constant 2 : i32
      %ge3A_379 = arith.cmpi sge, %add3A_377, %ge3A_378 : i32
      %convert_element_type3A_380 = arith.extui %ge3A_379 : i1 to i32
      %cond3A_381 = arith.constant 0 : i32
      %cond3A_382 = arith.cmpi ne, %convert_element_type3A_380, %cond3A_381 : i32
      scf.if %cond3A_382 {
        %dma_wait3A_693 = arith.constant 0 : i32
        %dma_wait3A_694 = arith.constant 0 : i32
        %dma_wait3A_695 = tpu.memref_slice %arg42[%dma_wait3A_693, %dma_wait3A_694] : memref<25104x64xf32, #tpu.memory_space<vmem_shared>> -> memref<25104x64xf32, #tpu.memory_space<vmem_shared>>
        tpu.wait_indirect_dma semaphore(%arg38 : memref<!tpu.dma_semaphore, #tpu.memory_space<semaphore_mem>>) src(%arg26 : memref<128x64xf32, #tpu.memory_space<vmem>>) dst(%dma_wait3A_695 : memref<25104x64xf32, #tpu.memory_space<vmem_shared>>)
        %dma_wait3A_696 = arith.constant 0 : i32
        %dma_wait3A_697 = tpu.memref_slice %arg43[%dma_wait3A_696] : memref<25104xf32, #tpu.memory_space<vmem_shared>> -> memref<25104xf32, #tpu.memory_space<vmem_shared>>
        tpu.wait_indirect_dma semaphore(%arg41 : memref<!tpu.dma_semaphore, #tpu.memory_space<semaphore_mem>>) src(%arg27 : memref<128xf32, #tpu.memory_space<vmem>>) dst(%dma_wait3A_697 : memref<25104xf32, #tpu.memory_space<vmem_shared>>)
      } else {
      }
      %add3A_383 = arith.constant 1 : i32
      %add3A_384 = arith.addi %add3A_377, %add3A_383 : i32
      %lt3A_385 = arith.constant 390 : i32
      %lt3A_386 = arith.cmpi slt, %add3A_384, %lt3A_385 : i32
      %convert_element_type3A_387 = arith.extui %lt3A_386 : i1 to i32
      %cond3A_388 = arith.constant 0 : i32
      %cond3A_389 = arith.cmpi ne, %convert_element_type3A_387, %cond3A_388 : i32
      scf.if %cond3A_389 {
        %dma_wait3A_693 = arith.constant 0 : i32
        %dma_wait3A_694 = tpu.memref_slice %arg4[%dma_wait3A_693] : memref<800000xi32, #tpu.memory_space<hbm>> -> memref<128xi32, #tpu.memory_space<hbm>>
        %dma_wait3A_695 = arith.constant 0 : i32
        %dma_wait3A_696 = tpu.memref_slice %arg4[%dma_wait3A_695] : memref<800000xi32, #tpu.memory_space<hbm>> -> memref<128xi32, #tpu.memory_space<hbm>>
        tpu.wait_dma2 semaphore(%arg32 : memref<!tpu.dma_semaphore, #tpu.memory_space<semaphore_mem>>) src(%dma_wait3A_696 : memref<128xi32, #tpu.memory_space<hbm>>) dst(%arg14 : memref<128xi32, #tpu.memory_space<vmem>>)
        %dma_wait3A_697 = arith.constant 0 : i32
        %dma_wait3A_698 = tpu.memref_slice %arg5[%dma_wait3A_697] : memref<800000xi32, #tpu.memory_space<hbm>> -> memref<128xi32, #tpu.memory_space<hbm>>
        %dma_wait3A_699 = arith.constant 0 : i32
        %dma_wait3A_700 = tpu.memref_slice %arg5[%dma_wait3A_699] : memref<800000xi32, #tpu.memory_space<hbm>> -> memref<128xi32, #tpu.memory_space<hbm>>
        tpu.wait_dma2 semaphore(%arg32 : memref<!tpu.dma_semaphore, #tpu.memory_space<semaphore_mem>>) src(%dma_wait3A_700 : memref<128xi32, #tpu.memory_space<hbm>>) dst(%arg17 : memref<128xi32, #tpu.memory_space<vmem>>)
        %dma_start3A_701 = arith.constant 0 : i32
        %dma_start3A_702 = arith.constant 0 : i32
        %dma_start3A_703 = tpu.memref_slice %arg6[%dma_start3A_701, %dma_start3A_702] : memref<100x64xf32, #tpu.memory_space<hbm>> -> memref<100x64xf32, #tpu.memory_space<hbm>>
        tpu.enqueue_indirect_dma source(%dma_start3A_703 : memref<100x64xf32, #tpu.memory_space<hbm>>) target(%arg26 : memref<128x64xf32, #tpu.memory_space<vmem>>) offsets(%arg17 : memref<128xi32, #tpu.memory_space<vmem>>) semaphore(%arg35 : memref<!tpu.dma_semaphore, #tpu.memory_space<semaphore_mem>>)
      } else {
      }
      %get3A_390 = arith.constant 0 : index
      %get3A_391 = tpu.vector_load %arg13[%get3A_390] {strides = array<i32>} : memref<128xi32, #tpu.memory_space<vmem>>, vector<16xi32>,
      %sub3A_392 = vector.broadcast %mul3A_71 : i32 to vector<16xi32>
      %sub3A_393 = arith.subi %get3A_391, %sub3A_392 : vector<16xi32>
      %ge3A_394 = arith.constant 0 : i32
      %ge3A_395 = vector.broadcast %ge3A_394 : i32 to vector<16xi32>
      %ge3A_396 = arith.cmpi sge, %sub3A_393, %ge3A_395 : vector<16xi32>
      %lt3A_397 = arith.constant 25088 : i32
      %lt3A_398 = vector.broadcast %lt3A_397 : i32 to vector<16xi32>
      %lt3A_399 = arith.cmpi slt, %sub3A_393, %lt3A_398 : vector<16xi32>
      %and3A_400 = arith.andi %ge3A_396, %lt3A_399 : vector<16xi1>
      %jit3A_401 = arith.constant 25088 : i32
      %broadcast_in_dim3A_402 = vector.broadcast %jit3A_401 : i32 to vector<16xi32>
      %select_n3A_403 = arith.select %and3A_400, %sub3A_393, %broadcast_in_dim3A_402 : vector<16xi1>, vector<16xi32>
      %swap3A_404 = arith.constant 0 : index
      %swap3A_405 = tpu.vector_load %arg19[%swap3A_404] {strides = array<i32>} : memref<128xi32, #tpu.memory_space<vmem>>, vector<16xi32>,
      tpu.vector_store %arg19[%swap3A_404], %select_n3A_403 {strides = array<i32>} : memref<128xi32, #tpu.memory_space<vmem>>, vector<16xi32>,
      %get3A_406 = arith.constant 16 : index
      %get3A_407 = tpu.vector_load %arg13[%get3A_406] {strides = array<i32>} : memref<128xi32, #tpu.memory_space<vmem>>, vector<16xi32>,
      %sub3A_408 = vector.broadcast %mul3A_71 : i32 to vector<16xi32>
      %sub3A_409 = arith.subi %get3A_407, %sub3A_408 : vector<16xi32>
      %ge3A_410 = arith.constant 0 : i32
      %ge3A_411 = vector.broadcast %ge3A_410 : i32 to vector<16xi32>
      %ge3A_412 = arith.cmpi sge, %sub3A_409, %ge3A_411 : vector<16xi32>
      %lt3A_413 = arith.constant 25088 : i32
      %lt3A_414 = vector.broadcast %lt3A_413 : i32 to vector<16xi32>
      %lt3A_415 = arith.cmpi slt, %sub3A_409, %lt3A_414 : vector<16xi32>
      %and3A_416 = arith.andi %ge3A_412, %lt3A_415 : vector<16xi1>
      %jit3A_417 = arith.constant 25088 : i32
      %broadcast_in_dim3A_418 = vector.broadcast %jit3A_417 : i32 to vector<16xi32>
      %select_n3A_419 = arith.select %and3A_416, %sub3A_409, %broadcast_in_dim3A_418 : vector<16xi1>, vector<16xi32>
      %swap3A_420 = arith.constant 16 : index
      %swap3A_421 = tpu.vector_load %arg19[%swap3A_420] {strides = array<i32>} : memref<128xi32, #tpu.memory_space<vmem>>, vector<16xi32>,
      tpu.vector_store %arg19[%swap3A_420], %select_n3A_419 {strides = array<i32>} : memref<128xi32, #tpu.memory_space<vmem>>, vector<16xi32>,
      %get3A_422 = arith.constant 32 : index
      %get3A_423 = tpu.vector_load %arg13[%get3A_422] {strides = array<i32>} : memref<128xi32, #tpu.memory_space<vmem>>, vector<16xi32>,
      %sub3A_424 = vector.broadcast %mul3A_71 : i32 to vector<16xi32>
      %sub3A_425 = arith.subi %get3A_423, %sub3A_424 : vector<16xi32>
      %ge3A_426 = arith.constant 0 : i32
      %ge3A_427 = vector.broadcast %ge3A_426 : i32 to vector<16xi32>
      %ge3A_428 = arith.cmpi sge, %sub3A_425, %ge3A_427 : vector<16xi32>
      %lt3A_429 = arith.constant 25088 : i32
      %lt3A_430 = vector.broadcast %lt3A_429 : i32 to vector<16xi32>
      %lt3A_431 = arith.cmpi slt, %sub3A_425, %lt3A_430 : vector<16xi32>
      %and3A_432 = arith.andi %ge3A_428, %lt3A_431 : vector<16xi1>
      %jit3A_433 = arith.constant 25088 : i32
      %broadcast_in_dim3A_434 = vector.broadcast %jit3A_433 : i32 to vector<16xi32>
      %select_n3A_435 = arith.select %and3A_432, %sub3A_425, %broadcast_in_dim3A_434 : vector<16xi1>, vector<16xi32>
      %swap3A_436 = arith.constant 32 : index
      %swap3A_437 = tpu.vector_load %arg19[%swap3A_436] {strides = array<i32>} : memref<128xi32, #tpu.memory_space<vmem>>, vector<16xi32>,
      tpu.vector_store %arg19[%swap3A_436], %select_n3A_435 {strides = array<i32>} : memref<128xi32, #tpu.memory_space<vmem>>, vector<16xi32>,
      %get3A_438 = arith.constant 48 : index
      %get3A_439 = tpu.vector_load %arg13[%get3A_438] {strides = array<i32>} : memref<128xi32, #tpu.memory_space<vmem>>, vector<16xi32>,
      %sub3A_440 = vector.broadcast %mul3A_71 : i32 to vector<16xi32>
      %sub3A_441 = arith.subi %get3A_439, %sub3A_440 : vector<16xi32>
      %ge3A_442 = arith.constant 0 : i32
      %ge3A_443 = vector.broadcast %ge3A_442 : i32 to vector<16xi32>
      %ge3A_444 = arith.cmpi sge, %sub3A_441, %ge3A_443 : vector<16xi32>
      %lt3A_445 = arith.constant 25088 : i32
      %lt3A_446 = vector.broadcast %lt3A_445 : i32 to vector<16xi32>
      %lt3A_447 = arith.cmpi slt, %sub3A_441, %lt3A_446 : vector<16xi32>
      %and3A_448 = arith.andi %ge3A_444, %lt3A_447 : vector<16xi1>
      %jit3A_449 = arith.constant 25088 : i32
      %broadcast_in_dim3A_450 = vector.broadcast %jit3A_449 : i32 to vector<16xi32>
      %select_n3A_451 = arith.select %and3A_448, %sub3A_441, %broadcast_in_dim3A_450 : vector<16xi1>, vector<16xi32>
      %swap3A_452 = arith.constant 48 : index
      %swap3A_453 = tpu.vector_load %arg19[%swap3A_452] {strides = array<i32>} : memref<128xi32, #tpu.memory_space<vmem>>, vector<16xi32>,
      tpu.vector_store %arg19[%swap3A_452], %select_n3A_451 {strides = array<i32>} : memref<128xi32, #tpu.memory_space<vmem>>, vector<16xi32>,
      %get3A_454 = arith.constant 64 : index
      %get3A_455 = tpu.vector_load %arg13[%get3A_454] {strides = array<i32>} : memref<128xi32, #tpu.memory_space<vmem>>, vector<16xi32>,
      %sub3A_456 = vector.broadcast %mul3A_71 : i32 to vector<16xi32>
      %sub3A_457 = arith.subi %get3A_455, %sub3A_456 : vector<16xi32>
      %ge3A_458 = arith.constant 0 : i32
      %ge3A_459 = vector.broadcast %ge3A_458 : i32 to vector<16xi32>
      %ge3A_460 = arith.cmpi sge, %sub3A_457, %ge3A_459 : vector<16xi32>
      %lt3A_461 = arith.constant 25088 : i32
      %lt3A_462 = vector.broadcast %lt3A_461 : i32 to vector<16xi32>
      %lt3A_463 = arith.cmpi slt, %sub3A_457, %lt3A_462 : vector<16xi32>
      %and3A_464 = arith.andi %ge3A_460, %lt3A_463 : vector<16xi1>
      %jit3A_465 = arith.constant 25088 : i32
      %broadcast_in_dim3A_466 = vector.broadcast %jit3A_465 : i32 to vector<16xi32>
      %select_n3A_467 = arith.select %and3A_464, %sub3A_457, %broadcast_in_dim3A_466 : vector<16xi1>, vector<16xi32>
      %swap3A_468 = arith.constant 64 : index
      %swap3A_469 = tpu.vector_load %arg19[%swap3A_468] {strides = array<i32>} : memref<128xi32, #tpu.memory_space<vmem>>, vector<16xi32>,
      tpu.vector_store %arg19[%swap3A_468], %select_n3A_467 {strides = array<i32>} : memref<128xi32, #tpu.memory_space<vmem>>, vector<16xi32>,
      %get3A_470 = arith.constant 80 : index
      %get3A_471 = tpu.vector_load %arg13[%get3A_470] {strides = array<i32>} : memref<128xi32, #tpu.memory_space<vmem>>, vector<16xi32>,
      %sub3A_472 = vector.broadcast %mul3A_71 : i32 to vector<16xi32>
      %sub3A_473 = arith.subi %get3A_471, %sub3A_472 : vector<16xi32>
      %ge3A_474 = arith.constant 0 : i32
      %ge3A_475 = vector.broadcast %ge3A_474 : i32 to vector<16xi32>
      %ge3A_476 = arith.cmpi sge, %sub3A_473, %ge3A_475 : vector<16xi32>
      %lt3A_477 = arith.constant 25088 : i32
      %lt3A_478 = vector.broadcast %lt3A_477 : i32 to vector<16xi32>
      %lt3A_479 = arith.cmpi slt, %sub3A_473, %lt3A_478 : vector<16xi32>
      %and3A_480 = arith.andi %ge3A_476, %lt3A_479 : vector<16xi1>
      %jit3A_481 = arith.constant 25088 : i32
      %broadcast_in_dim3A_482 = vector.broadcast %jit3A_481 : i32 to vector<16xi32>
      %select_n3A_483 = arith.select %and3A_480, %sub3A_473, %broadcast_in_dim3A_482 : vector<16xi1>, vector<16xi32>
      %swap3A_484 = arith.constant 80 : index
      %swap3A_485 = tpu.vector_load %arg19[%swap3A_484] {strides = array<i32>} : memref<128xi32, #tpu.memory_space<vmem>>, vector<16xi32>,
      tpu.vector_store %arg19[%swap3A_484], %select_n3A_483 {strides = array<i32>} : memref<128xi32, #tpu.memory_space<vmem>>, vector<16xi32>,
      %get3A_486 = arith.constant 96 : index
      %get3A_487 = tpu.vector_load %arg13[%get3A_486] {strides = array<i32>} : memref<128xi32, #tpu.memory_space<vmem>>, vector<16xi32>,
      %sub3A_488 = vector.broadcast %mul3A_71 : i32 to vector<16xi32>
      %sub3A_489 = arith.subi %get3A_487, %sub3A_488 : vector<16xi32>
      %ge3A_490 = arith.constant 0 : i32
      %ge3A_491 = vector.broadcast %ge3A_490 : i32 to vector<16xi32>
      %ge3A_492 = arith.cmpi sge, %sub3A_489, %ge3A_491 : vector<16xi32>
      %lt3A_493 = arith.constant 25088 : i32
      %lt3A_494 = vector.broadcast %lt3A_493 : i32 to vector<16xi32>
      %lt3A_495 = arith.cmpi slt, %sub3A_489, %lt3A_494 : vector<16xi32>
      %and3A_496 = arith.andi %ge3A_492, %lt3A_495 : vector<16xi1>
      %jit3A_497 = arith.constant 25088 : i32
      %broadcast_in_dim3A_498 = vector.broadcast %jit3A_497 : i32 to vector<16xi32>
      %select_n3A_499 = arith.select %and3A_496, %sub3A_489, %broadcast_in_dim3A_498 : vector<16xi1>, vector<16xi32>
      %swap3A_500 = arith.constant 96 : index
      %swap3A_501 = tpu.vector_load %arg19[%swap3A_500] {strides = array<i32>} : memref<128xi32, #tpu.memory_space<vmem>>, vector<16xi32>,
      tpu.vector_store %arg19[%swap3A_500], %select_n3A_499 {strides = array<i32>} : memref<128xi32, #tpu.memory_space<vmem>>, vector<16xi32>,
      %get3A_502 = arith.constant 112 : index
      %get3A_503 = tpu.vector_load %arg13[%get3A_502] {strides = array<i32>} : memref<128xi32, #tpu.memory_space<vmem>>, vector<16xi32>,
      %sub3A_504 = vector.broadcast %mul3A_71 : i32 to vector<16xi32>
      %sub3A_505 = arith.subi %get3A_503, %sub3A_504 : vector<16xi32>
      %ge3A_506 = arith.constant 0 : i32
      %ge3A_507 = vector.broadcast %ge3A_506 : i32 to vector<16xi32>
      %ge3A_508 = arith.cmpi sge, %sub3A_505, %ge3A_507 : vector<16xi32>
      %lt3A_509 = arith.constant 25088 : i32
      %lt3A_510 = vector.broadcast %lt3A_509 : i32 to vector<16xi32>
      %lt3A_511 = arith.cmpi slt, %sub3A_505, %lt3A_510 : vector<16xi32>
      %and3A_512 = arith.andi %ge3A_508, %lt3A_511 : vector<16xi1>
      %jit3A_513 = arith.constant 25088 : i32
      %broadcast_in_dim3A_514 = vector.broadcast %jit3A_513 : i32 to vector<16xi32>
      %select_n3A_515 = arith.select %and3A_512, %sub3A_505, %broadcast_in_dim3A_514 : vector<16xi1>, vector<16xi32>
      %swap3A_516 = arith.constant 112 : index
      %swap3A_517 = tpu.vector_load %arg19[%swap3A_516] {strides = array<i32>} : memref<128xi32, #tpu.memory_space<vmem>>, vector<16xi32>,
      tpu.vector_store %arg19[%swap3A_516], %select_n3A_515 {strides = array<i32>} : memref<128xi32, #tpu.memory_space<vmem>>, vector<16xi32>,
      %dma_wait3A_518 = arith.constant 0 : i32
      %dma_wait3A_519 = arith.constant 0 : i32
      %dma_wait3A_520 = tpu.memref_slice %arg6[%dma_wait3A_518, %dma_wait3A_519] : memref<100x64xf32, #tpu.memory_space<hbm>> -> memref<100x64xf32, #tpu.memory_space<hbm>>
      tpu.wait_indirect_dma semaphore(%arg34 : memref<!tpu.dma_semaphore, #tpu.memory_space<semaphore_mem>>) src(%dma_wait3A_520 : memref<100x64xf32, #tpu.memory_space<hbm>>) dst(%arg25 : memref<128x64xf32, #tpu.memory_space<vmem>>)
      %add3A_521 = arith.constant 3 : i32
      %add3A_522 = arith.addi %add3A_377, %add3A_521 : i32
      %lt3A_523 = arith.constant 390 : i32
      %lt3A_524 = arith.cmpi slt, %add3A_522, %lt3A_523 : i32
      %convert_element_type3A_525 = arith.extui %lt3A_524 : i1 to i32
      %cond3A_526 = arith.constant 0 : i32
      %cond3A_527 = arith.cmpi ne, %convert_element_type3A_525, %cond3A_526 : i32
      scf.if %cond3A_527 {
        %add3A_693 = arith.constant 3 : i32
        %add3A_694 = arith.addi %add3A_377, %add3A_693 : i32
        %mul3A_695 = arith.constant 128 : i32
        %mul3A_696 = arith.muli %add3A_694, %mul3A_695 : i32
        %add3A_697 = arith.addi %mul3A_69, %mul3A_696 : i32
        %dma_start3A_698 = tpu.memref_slice %arg4[%add3A_697] : memref<800000xi32, #tpu.memory_space<hbm>> -> memref<128xi32, #tpu.memory_space<hbm>>
        %dma_start3A_699 = tpu.memref_slice %arg4[%add3A_697] : memref<800000xi32, #tpu.memory_space<hbm>> -> memref<128xi32, #tpu.memory_space<hbm>>
        tpu.enqueue_dma source(%dma_start3A_699 : memref<128xi32, #tpu.memory_space<hbm>>) target(%arg13 : memref<128xi32, #tpu.memory_space<vmem>>) target_semaphore(%arg31 : memref<!tpu.dma_semaphore, #tpu.memory_space<semaphore_mem>>)
        %dma_start3A_700 = tpu.memref_slice %arg5[%add3A_697] : memref<800000xi32, #tpu.memory_space<hbm>> -> memref<128xi32, #tpu.memory_space<hbm>>
        %dma_start3A_701 = tpu.memref_slice %arg5[%add3A_697] : memref<800000xi32, #tpu.memory_space<hbm>> -> memref<128xi32, #tpu.memory_space<hbm>>
        tpu.enqueue_dma source(%dma_start3A_701 : memref<128xi32, #tpu.memory_space<hbm>>) target(%arg16 : memref<128xi32, #tpu.memory_space<vmem>>) target_semaphore(%arg31 : memref<!tpu.dma_semaphore, #tpu.memory_space<semaphore_mem>>)
      } else {
      }
      %dma_start3A_528 = arith.constant 0 : i32
      %dma_start3A_529 = arith.constant 0 : i32
      %dma_start3A_530 = tpu.memref_slice %arg42[%dma_start3A_528, %dma_start3A_529] : memref<25104x64xf32, #tpu.memory_space<vmem_shared>> -> memref<25104x64xf32, #tpu.memory_space<vmem_shared>>
      tpu.enqueue_indirect_dma source(%arg25 : memref<128x64xf32, #tpu.memory_space<vmem>>) target(%dma_start3A_530 : memref<25104x64xf32, #tpu.memory_space<vmem_shared>>) offsets(%arg19 : memref<128xi32, #tpu.memory_space<vmem>>) semaphore(%arg37 : memref<!tpu.dma_semaphore, #tpu.memory_space<semaphore_mem>>) {add = true}
      %dma_start3A_531 = arith.constant 0 : i32
      %dma_start3A_532 = tpu.memref_slice %arg43[%dma_start3A_531] : memref<25104xf32, #tpu.memory_space<vmem_shared>> -> memref<25104xf32, #tpu.memory_space<vmem_shared>>
      tpu.enqueue_indirect_dma source(%arg27 : memref<128xf32, #tpu.memory_space<vmem>>) target(%dma_start3A_532 : memref<25104xf32, #tpu.memory_space<vmem_shared>>) offsets(%arg19 : memref<128xi32, #tpu.memory_space<vmem>>) semaphore(%arg40 : memref<!tpu.dma_semaphore, #tpu.memory_space<semaphore_mem>>) {add = true}
      %mul3A_533 = arith.constant 3 : i32
      %mul3A_534 = arith.muli %mul3A_533, %scan3A_213 : i32
      %add3A_535 = arith.constant 2 : i32
      %add3A_536 = arith.addi %mul3A_534, %add3A_535 : i32
      %ge3A_537 = arith.constant 2 : i32
      %ge3A_538 = arith.cmpi sge, %add3A_536, %ge3A_537 : i32
      %convert_element_type3A_539 = arith.extui %ge3A_538 : i1 to i32
      %cond3A_540 = arith.constant 0 : i32
      %cond3A_541 = arith.cmpi ne, %convert_element_type3A_539, %cond3A_540 : i32
      scf.if %cond3A_541 {
        %dma_wait3A_693 = arith.constant 0 : i32
        %dma_wait3A_694 = arith.constant 0 : i32
        %dma_wait3A_695 = tpu.memref_slice %arg42[%dma_wait3A_693, %dma_wait3A_694] : memref<25104x64xf32, #tpu.memory_space<vmem_shared>> -> memref<25104x64xf32, #tpu.memory_space<vmem_shared>>
        tpu.wait_indirect_dma semaphore(%arg36 : memref<!tpu.dma_semaphore, #tpu.memory_space<semaphore_mem>>) src(%arg24 : memref<128x64xf32, #tpu.memory_space<vmem>>) dst(%dma_wait3A_695 : memref<25104x64xf32, #tpu.memory_space<vmem_shared>>)
        %dma_wait3A_696 = arith.constant 0 : i32
        %dma_wait3A_697 = tpu.memref_slice %arg43[%dma_wait3A_696] : memref<25104xf32, #tpu.memory_space<vmem_shared>> -> memref<25104xf32, #tpu.memory_space<vmem_shared>>
        tpu.wait_indirect_dma semaphore(%arg39 : memref<!tpu.dma_semaphore, #tpu.memory_space<semaphore_mem>>) src(%arg27 : memref<128xf32, #tpu.memory_space<vmem>>) dst(%dma_wait3A_697 : memref<25104xf32, #tpu.memory_space<vmem_shared>>)
      } else {
      }
      %add3A_542 = arith.constant 1 : i32
      %add3A_543 = arith.addi %add3A_536, %add3A_542 : i32
      %lt3A_544 = arith.constant 390 : i32
      %lt3A_545 = arith.cmpi slt, %add3A_543, %lt3A_544 : i32
      %convert_element_type3A_546 = arith.extui %lt3A_545 : i1 to i32
      %cond3A_547 = arith.constant 0 : i32
      %cond3A_548 = arith.cmpi ne, %convert_element_type3A_546, %cond3A_547 : i32
      scf.if %cond3A_548 {
        %dma_wait3A_693 = arith.constant 0 : i32
        %dma_wait3A_694 = tpu.memref_slice %arg4[%dma_wait3A_693] : memref<800000xi32, #tpu.memory_space<hbm>> -> memref<128xi32, #tpu.memory_space<hbm>>
        %dma_wait3A_695 = arith.constant 0 : i32
        %dma_wait3A_696 = tpu.memref_slice %arg4[%dma_wait3A_695] : memref<800000xi32, #tpu.memory_space<hbm>> -> memref<128xi32, #tpu.memory_space<hbm>>
        tpu.wait_dma2 semaphore(%arg30 : memref<!tpu.dma_semaphore, #tpu.memory_space<semaphore_mem>>) src(%dma_wait3A_696 : memref<128xi32, #tpu.memory_space<hbm>>) dst(%arg12 : memref<128xi32, #tpu.memory_space<vmem>>)
        %dma_wait3A_697 = arith.constant 0 : i32
        %dma_wait3A_698 = tpu.memref_slice %arg5[%dma_wait3A_697] : memref<800000xi32, #tpu.memory_space<hbm>> -> memref<128xi32, #tpu.memory_space<hbm>>
        %dma_wait3A_699 = arith.constant 0 : i32
        %dma_wait3A_700 = tpu.memref_slice %arg5[%dma_wait3A_699] : memref<800000xi32, #tpu.memory_space<hbm>> -> memref<128xi32, #tpu.memory_space<hbm>>
        tpu.wait_dma2 semaphore(%arg30 : memref<!tpu.dma_semaphore, #tpu.memory_space<semaphore_mem>>) src(%dma_wait3A_700 : memref<128xi32, #tpu.memory_space<hbm>>) dst(%arg15 : memref<128xi32, #tpu.memory_space<vmem>>)
        %dma_start3A_701 = arith.constant 0 : i32
        %dma_start3A_702 = arith.constant 0 : i32
        %dma_start3A_703 = tpu.memref_slice %arg6[%dma_start3A_701, %dma_start3A_702] : memref<100x64xf32, #tpu.memory_space<hbm>> -> memref<100x64xf32, #tpu.memory_space<hbm>>
        tpu.enqueue_indirect_dma source(%dma_start3A_703 : memref<100x64xf32, #tpu.memory_space<hbm>>) target(%arg24 : memref<128x64xf32, #tpu.memory_space<vmem>>) offsets(%arg15 : memref<128xi32, #tpu.memory_space<vmem>>) semaphore(%arg33 : memref<!tpu.dma_semaphore, #tpu.memory_space<semaphore_mem>>)
      } else {
      }
      %get3A_549 = arith.constant 0 : index
      %get3A_550 = tpu.vector_load %arg14[%get3A_549] {strides = array<i32>} : memref<128xi32, #tpu.memory_space<vmem>>, vector<16xi32>,
      %sub3A_551 = vector.broadcast %mul3A_71 : i32 to vector<16xi32>
      %sub3A_552 = arith.subi %get3A_550, %sub3A_551 : vector<16xi32>
      %ge3A_553 = arith.constant 0 : i32
      %ge3A_554 = vector.broadcast %ge3A_553 : i32 to vector<16xi32>
      %ge3A_555 = arith.cmpi sge, %sub3A_552, %ge3A_554 : vector<16xi32>
      %lt3A_556 = arith.constant 25088 : i32
      %lt3A_557 = vector.broadcast %lt3A_556 : i32 to vector<16xi32>
      %lt3A_558 = arith.cmpi slt, %sub3A_552, %lt3A_557 : vector<16xi32>
      %and3A_559 = arith.andi %ge3A_555, %lt3A_558 : vector<16xi1>
      %jit3A_560 = arith.constant 25088 : i32
      %broadcast_in_dim3A_561 = vector.broadcast %jit3A_560 : i32 to vector<16xi32>
      %select_n3A_562 = arith.select %and3A_559, %sub3A_552, %broadcast_in_dim3A_561 : vector<16xi1>, vector<16xi32>
      %swap3A_563 = arith.constant 0 : index
      %swap3A_564 = tpu.vector_load %arg20[%swap3A_563] {strides = array<i32>} : memref<128xi32, #tpu.memory_space<vmem>>, vector<16xi32>,
      tpu.vector_store %arg20[%swap3A_563], %select_n3A_562 {strides = array<i32>} : memref<128xi32, #tpu.memory_space<vmem>>, vector<16xi32>,
      %get3A_565 = arith.constant 16 : index
      %get3A_566 = tpu.vector_load %arg14[%get3A_565] {strides = array<i32>} : memref<128xi32, #tpu.memory_space<vmem>>, vector<16xi32>,
      %sub3A_567 = vector.broadcast %mul3A_71 : i32 to vector<16xi32>
      %sub3A_568 = arith.subi %get3A_566, %sub3A_567 : vector<16xi32>
      %ge3A_569 = arith.constant 0 : i32
      %ge3A_570 = vector.broadcast %ge3A_569 : i32 to vector<16xi32>
      %ge3A_571 = arith.cmpi sge, %sub3A_568, %ge3A_570 : vector<16xi32>
      %lt3A_572 = arith.constant 25088 : i32
      %lt3A_573 = vector.broadcast %lt3A_572 : i32 to vector<16xi32>
      %lt3A_574 = arith.cmpi slt, %sub3A_568, %lt3A_573 : vector<16xi32>
      %and3A_575 = arith.andi %ge3A_571, %lt3A_574 : vector<16xi1>
      %jit3A_576 = arith.constant 25088 : i32
      %broadcast_in_dim3A_577 = vector.broadcast %jit3A_576 : i32 to vector<16xi32>
      %select_n3A_578 = arith.select %and3A_575, %sub3A_568, %broadcast_in_dim3A_577 : vector<16xi1>, vector<16xi32>
      %swap3A_579 = arith.constant 16 : index
      %swap3A_580 = tpu.vector_load %arg20[%swap3A_579] {strides = array<i32>} : memref<128xi32, #tpu.memory_space<vmem>>, vector<16xi32>,
      tpu.vector_store %arg20[%swap3A_579], %select_n3A_578 {strides = array<i32>} : memref<128xi32, #tpu.memory_space<vmem>>, vector<16xi32>,
      %get3A_581 = arith.constant 32 : index
      %get3A_582 = tpu.vector_load %arg14[%get3A_581] {strides = array<i32>} : memref<128xi32, #tpu.memory_space<vmem>>, vector<16xi32>,
      %sub3A_583 = vector.broadcast %mul3A_71 : i32 to vector<16xi32>
      %sub3A_584 = arith.subi %get3A_582, %sub3A_583 : vector<16xi32>
      %ge3A_585 = arith.constant 0 : i32
      %ge3A_586 = vector.broadcast %ge3A_585 : i32 to vector<16xi32>
      %ge3A_587 = arith.cmpi sge, %sub3A_584, %ge3A_586 : vector<16xi32>
      %lt3A_588 = arith.constant 25088 : i32
      %lt3A_589 = vector.broadcast %lt3A_588 : i32 to vector<16xi32>
      %lt3A_590 = arith.cmpi slt, %sub3A_584, %lt3A_589 : vector<16xi32>
      %and3A_591 = arith.andi %ge3A_587, %lt3A_590 : vector<16xi1>
      %jit3A_592 = arith.constant 25088 : i32
      %broadcast_in_dim3A_593 = vector.broadcast %jit3A_592 : i32 to vector<16xi32>
      %select_n3A_594 = arith.select %and3A_591, %sub3A_584, %broadcast_in_dim3A_593 : vector<16xi1>, vector<16xi32>
      %swap3A_595 = arith.constant 32 : index
      %swap3A_596 = tpu.vector_load %arg20[%swap3A_595] {strides = array<i32>} : memref<128xi32, #tpu.memory_space<vmem>>, vector<16xi32>,
      tpu.vector_store %arg20[%swap3A_595], %select_n3A_594 {strides = array<i32>} : memref<128xi32, #tpu.memory_space<vmem>>, vector<16xi32>,
      %get3A_597 = arith.constant 48 : index
      %get3A_598 = tpu.vector_load %arg14[%get3A_597] {strides = array<i32>} : memref<128xi32, #tpu.memory_space<vmem>>, vector<16xi32>,
      %sub3A_599 = vector.broadcast %mul3A_71 : i32 to vector<16xi32>
      %sub3A_600 = arith.subi %get3A_598, %sub3A_599 : vector<16xi32>
      %ge3A_601 = arith.constant 0 : i32
      %ge3A_602 = vector.broadcast %ge3A_601 : i32 to vector<16xi32>
      %ge3A_603 = arith.cmpi sge, %sub3A_600, %ge3A_602 : vector<16xi32>
      %lt3A_604 = arith.constant 25088 : i32
      %lt3A_605 = vector.broadcast %lt3A_604 : i32 to vector<16xi32>
      %lt3A_606 = arith.cmpi slt, %sub3A_600, %lt3A_605 : vector<16xi32>
      %and3A_607 = arith.andi %ge3A_603, %lt3A_606 : vector<16xi1>
      %jit3A_608 = arith.constant 25088 : i32
      %broadcast_in_dim3A_609 = vector.broadcast %jit3A_608 : i32 to vector<16xi32>
      %select_n3A_610 = arith.select %and3A_607, %sub3A_600, %broadcast_in_dim3A_609 : vector<16xi1>, vector<16xi32>
      %swap3A_611 = arith.constant 48 : index
      %swap3A_612 = tpu.vector_load %arg20[%swap3A_611] {strides = array<i32>} : memref<128xi32, #tpu.memory_space<vmem>>, vector<16xi32>,
      tpu.vector_store %arg20[%swap3A_611], %select_n3A_610 {strides = array<i32>} : memref<128xi32, #tpu.memory_space<vmem>>, vector<16xi32>,
      %get3A_613 = arith.constant 64 : index
      %get3A_614 = tpu.vector_load %arg14[%get3A_613] {strides = array<i32>} : memref<128xi32, #tpu.memory_space<vmem>>, vector<16xi32>,
      %sub3A_615 = vector.broadcast %mul3A_71 : i32 to vector<16xi32>
      %sub3A_616 = arith.subi %get3A_614, %sub3A_615 : vector<16xi32>
      %ge3A_617 = arith.constant 0 : i32
      %ge3A_618 = vector.broadcast %ge3A_617 : i32 to vector<16xi32>
      %ge3A_619 = arith.cmpi sge, %sub3A_616, %ge3A_618 : vector<16xi32>
      %lt3A_620 = arith.constant 25088 : i32
      %lt3A_621 = vector.broadcast %lt3A_620 : i32 to vector<16xi32>
      %lt3A_622 = arith.cmpi slt, %sub3A_616, %lt3A_621 : vector<16xi32>
      %and3A_623 = arith.andi %ge3A_619, %lt3A_622 : vector<16xi1>
      %jit3A_624 = arith.constant 25088 : i32
      %broadcast_in_dim3A_625 = vector.broadcast %jit3A_624 : i32 to vector<16xi32>
      %select_n3A_626 = arith.select %and3A_623, %sub3A_616, %broadcast_in_dim3A_625 : vector<16xi1>, vector<16xi32>
      %swap3A_627 = arith.constant 64 : index
      %swap3A_628 = tpu.vector_load %arg20[%swap3A_627] {strides = array<i32>} : memref<128xi32, #tpu.memory_space<vmem>>, vector<16xi32>,
      tpu.vector_store %arg20[%swap3A_627], %select_n3A_626 {strides = array<i32>} : memref<128xi32, #tpu.memory_space<vmem>>, vector<16xi32>,
      %get3A_629 = arith.constant 80 : index
      %get3A_630 = tpu.vector_load %arg14[%get3A_629] {strides = array<i32>} : memref<128xi32, #tpu.memory_space<vmem>>, vector<16xi32>,
      %sub3A_631 = vector.broadcast %mul3A_71 : i32 to vector<16xi32>
      %sub3A_632 = arith.subi %get3A_630, %sub3A_631 : vector<16xi32>
      %ge3A_633 = arith.constant 0 : i32
      %ge3A_634 = vector.broadcast %ge3A_633 : i32 to vector<16xi32>
      %ge3A_635 = arith.cmpi sge, %sub3A_632, %ge3A_634 : vector<16xi32>
      %lt3A_636 = arith.constant 25088 : i32
      %lt3A_637 = vector.broadcast %lt3A_636 : i32 to vector<16xi32>
      %lt3A_638 = arith.cmpi slt, %sub3A_632, %lt3A_637 : vector<16xi32>
      %and3A_639 = arith.andi %ge3A_635, %lt3A_638 : vector<16xi1>
      %jit3A_640 = arith.constant 25088 : i32
      %broadcast_in_dim3A_641 = vector.broadcast %jit3A_640 : i32 to vector<16xi32>
      %select_n3A_642 = arith.select %and3A_639, %sub3A_632, %broadcast_in_dim3A_641 : vector<16xi1>, vector<16xi32>
      %swap3A_643 = arith.constant 80 : index
      %swap3A_644 = tpu.vector_load %arg20[%swap3A_643] {strides = array<i32>} : memref<128xi32, #tpu.memory_space<vmem>>, vector<16xi32>,
      tpu.vector_store %arg20[%swap3A_643], %select_n3A_642 {strides = array<i32>} : memref<128xi32, #tpu.memory_space<vmem>>, vector<16xi32>,
      %get3A_645 = arith.constant 96 : index
      %get3A_646 = tpu.vector_load %arg14[%get3A_645] {strides = array<i32>} : memref<128xi32, #tpu.memory_space<vmem>>, vector<16xi32>,
      %sub3A_647 = vector.broadcast %mul3A_71 : i32 to vector<16xi32>
      %sub3A_648 = arith.subi %get3A_646, %sub3A_647 : vector<16xi32>
      %ge3A_649 = arith.constant 0 : i32
      %ge3A_650 = vector.broadcast %ge3A_649 : i32 to vector<16xi32>
      %ge3A_651 = arith.cmpi sge, %sub3A_648, %ge3A_650 : vector<16xi32>
      %lt3A_652 = arith.constant 25088 : i32
      %lt3A_653 = vector.broadcast %lt3A_652 : i32 to vector<16xi32>
      %lt3A_654 = arith.cmpi slt, %sub3A_648, %lt3A_653 : vector<16xi32>
      %and3A_655 = arith.andi %ge3A_651, %lt3A_654 : vector<16xi1>
      %jit3A_656 = arith.constant 25088 : i32
      %broadcast_in_dim3A_657 = vector.broadcast %jit3A_656 : i32 to vector<16xi32>
      %select_n3A_658 = arith.select %and3A_655, %sub3A_648, %broadcast_in_dim3A_657 : vector<16xi1>, vector<16xi32>
      %swap3A_659 = arith.constant 96 : index
      %swap3A_660 = tpu.vector_load %arg20[%swap3A_659] {strides = array<i32>} : memref<128xi32, #tpu.memory_space<vmem>>, vector<16xi32>,
      tpu.vector_store %arg20[%swap3A_659], %select_n3A_658 {strides = array<i32>} : memref<128xi32, #tpu.memory_space<vmem>>, vector<16xi32>,
      %get3A_661 = arith.constant 112 : index
      %get3A_662 = tpu.vector_load %arg14[%get3A_661] {strides = array<i32>} : memref<128xi32, #tpu.memory_space<vmem>>, vector<16xi32>,
      %sub3A_663 = vector.broadcast %mul3A_71 : i32 to vector<16xi32>
      %sub3A_664 = arith.subi %get3A_662, %sub3A_663 : vector<16xi32>
      %ge3A_665 = arith.constant 0 : i32
      %ge3A_666 = vector.broadcast %ge3A_665 : i32 to vector<16xi32>
      %ge3A_667 = arith.cmpi sge, %sub3A_664, %ge3A_666 : vector<16xi32>
      %lt3A_668 = arith.constant 25088 : i32
      %lt3A_669 = vector.broadcast %lt3A_668 : i32 to vector<16xi32>
      %lt3A_670 = arith.cmpi slt, %sub3A_664, %lt3A_669 : vector<16xi32>
      %and3A_671 = arith.andi %ge3A_667, %lt3A_670 : vector<16xi1>
      %jit3A_672 = arith.constant 25088 : i32
      %broadcast_in_dim3A_673 = vector.broadcast %jit3A_672 : i32 to vector<16xi32>
      %select_n3A_674 = arith.select %and3A_671, %sub3A_664, %broadcast_in_dim3A_673 : vector<16xi1>, vector<16xi32>
      %swap3A_675 = arith.constant 112 : index
      %swap3A_676 = tpu.vector_load %arg20[%swap3A_675] {strides = array<i32>} : memref<128xi32, #tpu.memory_space<vmem>>, vector<16xi32>,
      tpu.vector_store %arg20[%swap3A_675], %select_n3A_674 {strides = array<i32>} : memref<128xi32, #tpu.memory_space<vmem>>, vector<16xi32>,
      %dma_wait3A_677 = arith.constant 0 : i32
      %dma_wait3A_678 = arith.constant 0 : i32
      %dma_wait3A_679 = tpu.memref_slice %arg6[%dma_wait3A_677, %dma_wait3A_678] : memref<100x64xf32, #tpu.memory_space<hbm>> -> memref<100x64xf32, #tpu.memory_space<hbm>>
      tpu.wait_indirect_dma semaphore(%arg35 : memref<!tpu.dma_semaphore, #tpu.memory_space<semaphore_mem>>) src(%dma_wait3A_679 : memref<100x64xf32, #tpu.memory_space<hbm>>) dst(%arg26 : memref<128x64xf32, #tpu.memory_space<vmem>>)
      %add3A_680 = arith.constant 3 : i32
      %add3A_681 = arith.addi %add3A_536, %add3A_680 : i32
      %lt3A_682 = arith.constant 390 : i32
      %lt3A_683 = arith.cmpi slt, %add3A_681, %lt3A_682 : i32
      %convert_element_type3A_684 = arith.extui %lt3A_683 : i1 to i32
      %cond3A_685 = arith.constant 0 : i32
      %cond3A_686 = arith.cmpi ne, %convert_element_type3A_684, %cond3A_685 : i32
      scf.if %cond3A_686 {
        %add3A_693 = arith.constant 3 : i32
        %add3A_694 = arith.addi %add3A_536, %add3A_693 : i32
        %mul3A_695 = arith.constant 128 : i32
        %mul3A_696 = arith.muli %add3A_694, %mul3A_695 : i32
        %add3A_697 = arith.addi %mul3A_69, %mul3A_696 : i32
        %dma_start3A_698 = tpu.memref_slice %arg4[%add3A_697] : memref<800000xi32, #tpu.memory_space<hbm>> -> memref<128xi32, #tpu.memory_space<hbm>>
        %dma_start3A_699 = tpu.memref_slice %arg4[%add3A_697] : memref<800000xi32, #tpu.memory_space<hbm>> -> memref<128xi32, #tpu.memory_space<hbm>>
        tpu.enqueue_dma source(%dma_start3A_699 : memref<128xi32, #tpu.memory_space<hbm>>) target(%arg14 : memref<128xi32, #tpu.memory_space<vmem>>) target_semaphore(%arg32 : memref<!tpu.dma_semaphore, #tpu.memory_space<semaphore_mem>>)
        %dma_start3A_700 = tpu.memref_slice %arg5[%add3A_697] : memref<800000xi32, #tpu.memory_space<hbm>> -> memref<128xi32, #tpu.memory_space<hbm>>
        %dma_start3A_701 = tpu.memref_slice %arg5[%add3A_697] : memref<800000xi32, #tpu.memory_space<hbm>> -> memref<128xi32, #tpu.memory_space<hbm>>
        tpu.enqueue_dma source(%dma_start3A_701 : memref<128xi32, #tpu.memory_space<hbm>>) target(%arg17 : memref<128xi32, #tpu.memory_space<vmem>>) target_semaphore(%arg32 : memref<!tpu.dma_semaphore, #tpu.memory_space<semaphore_mem>>)
      } else {
      }
      %dma_start3A_687 = arith.constant 0 : i32
      %dma_start3A_688 = arith.constant 0 : i32
      %dma_start3A_689 = tpu.memref_slice %arg42[%dma_start3A_687, %dma_start3A_688] : memref<25104x64xf32, #tpu.memory_space<vmem_shared>> -> memref<25104x64xf32, #tpu.memory_space<vmem_shared>>
      tpu.enqueue_indirect_dma source(%arg26 : memref<128x64xf32, #tpu.memory_space<vmem>>) target(%dma_start3A_689 : memref<25104x64xf32, #tpu.memory_space<vmem_shared>>) offsets(%arg20 : memref<128xi32, #tpu.memory_space<vmem>>) semaphore(%arg38 : memref<!tpu.dma_semaphore, #tpu.memory_space<semaphore_mem>>) {add = true}
      %dma_start3A_690 = arith.constant 0 : i32
      %dma_start3A_691 = tpu.memref_slice %arg43[%dma_start3A_690] : memref<25104xf32, #tpu.memory_space<vmem_shared>> -> memref<25104xf32, #tpu.memory_space<vmem_shared>>
      tpu.enqueue_indirect_dma source(%arg27 : memref<128xf32, #tpu.memory_space<vmem>>) target(%dma_start3A_691 : memref<25104xf32, #tpu.memory_space<vmem_shared>>) offsets(%arg20 : memref<128xi32, #tpu.memory_space<vmem>>) semaphore(%arg41 : memref<!tpu.dma_semaphore, #tpu.memory_space<semaphore_mem>>) {add = true}
      %scan3A_692 = arith.constant 0 : i32
      scf.yield %scan3A_692 : i32
    }
    %scan3A_105 = arith.constant 130 : i32
    %dma_wait3A_106 = arith.constant 0 : i32
    %dma_wait3A_107 = arith.constant 0 : i32
    %dma_wait3A_108 = tpu.memref_slice %arg42[%dma_wait3A_106, %dma_wait3A_107] : memref<25104x64xf32, #tpu.memory_space<vmem_shared>> -> memref<25104x64xf32, #tpu.memory_space<vmem_shared>>
    tpu.wait_indirect_dma semaphore(%arg37 : memref<!tpu.dma_semaphore, #tpu.memory_space<semaphore_mem>>) src(%arg25 : memref<128x64xf32, #tpu.memory_space<vmem>>) dst(%dma_wait3A_108 : memref<25104x64xf32, #tpu.memory_space<vmem_shared>>)
    %dma_wait3A_109 = arith.constant 0 : i32
    %dma_wait3A_110 = tpu.memref_slice %arg43[%dma_wait3A_109] : memref<25104xf32, #tpu.memory_space<vmem_shared>> -> memref<25104xf32, #tpu.memory_space<vmem_shared>>
    tpu.wait_indirect_dma semaphore(%arg40 : memref<!tpu.dma_semaphore, #tpu.memory_space<semaphore_mem>>) src(%arg27 : memref<128xf32, #tpu.memory_space<vmem>>) dst(%dma_wait3A_110 : memref<25104xf32, #tpu.memory_space<vmem_shared>>)
    %dma_wait3A_111 = arith.constant 0 : i32
    %dma_wait3A_112 = arith.constant 0 : i32
    %dma_wait3A_113 = tpu.memref_slice %arg42[%dma_wait3A_111, %dma_wait3A_112] : memref<25104x64xf32, #tpu.memory_space<vmem_shared>> -> memref<25104x64xf32, #tpu.memory_space<vmem_shared>>
    tpu.wait_indirect_dma semaphore(%arg38 : memref<!tpu.dma_semaphore, #tpu.memory_space<semaphore_mem>>) src(%arg26 : memref<128x64xf32, #tpu.memory_space<vmem>>) dst(%dma_wait3A_113 : memref<25104x64xf32, #tpu.memory_space<vmem_shared>>)
    %dma_wait3A_114 = arith.constant 0 : i32
    %dma_wait3A_115 = tpu.memref_slice %arg43[%dma_wait3A_114] : memref<25104xf32, #tpu.memory_space<vmem_shared>> -> memref<25104xf32, #tpu.memory_space<vmem_shared>>
    tpu.wait_indirect_dma semaphore(%arg41 : memref<!tpu.dma_semaphore, #tpu.memory_space<semaphore_mem>>) src(%arg27 : memref<128xf32, #tpu.memory_space<vmem>>) dst(%dma_wait3A_115 : memref<25104xf32, #tpu.memory_space<vmem_shared>>)
    %add3A_116 = arith.constant 49920 : i32
    %add3A_117 = arith.addi %mul3A_69, %add3A_116 : i32
    "tpu.region"() ({
      %run_scoped3A = tpu.sem_alloc : memref<!tpu.dma_semaphore, #tpu.memory_space<semaphore_mem>>
      %dma_start3A_213 = tpu.memref_slice %arg4[%add3A_117] : memref<800000xi32, #tpu.memory_space<hbm>> -> memref<80xi32, #tpu.memory_space<hbm>>
      %dma_start3A_214 = tpu.memref_slice %arg4[%add3A_117] : memref<800000xi32, #tpu.memory_space<hbm>> -> memref<80xi32, #tpu.memory_space<hbm>>
      tpu.enqueue_dma source(%dma_start3A_214 : memref<80xi32, #tpu.memory_space<hbm>>) target(%arg21 : memref<80xi32, #tpu.memory_space<vmem>>) target_semaphore(%run_scoped3A : memref<!tpu.dma_semaphore, #tpu.memory_space<semaphore_mem>>)
      %dma_wait3A_215 = tpu.memref_slice %arg4[%add3A_117] : memref<800000xi32, #tpu.memory_space<hbm>> -> memref<80xi32, #tpu.memory_space<hbm>>
      %dma_wait3A_216 = tpu.memref_slice %arg4[%add3A_117] : memref<800000xi32, #tpu.memory_space<hbm>> -> memref<80xi32, #tpu.memory_space<hbm>>
      tpu.wait_dma2 semaphore(%run_scoped3A : memref<!tpu.dma_semaphore, #tpu.memory_space<semaphore_mem>>) src(%dma_wait3A_216 : memref<80xi32, #tpu.memory_space<hbm>>) dst(%arg21 : memref<80xi32, #tpu.memory_space<vmem>>)
      tpu.yield
    }) : () -> ()
    "tpu.region"() ({
      %run_scoped3A = tpu.sem_alloc : memref<!tpu.dma_semaphore, #tpu.memory_space<semaphore_mem>>
      %dma_start3A_213 = tpu.memref_slice %arg5[%add3A_117] : memref<800000xi32, #tpu.memory_space<hbm>> -> memref<80xi32, #tpu.memory_space<hbm>>
      %dma_start3A_214 = tpu.memref_slice %arg5[%add3A_117] : memref<800000xi32, #tpu.memory_space<hbm>> -> memref<80xi32, #tpu.memory_space<hbm>>
      tpu.enqueue_dma source(%dma_start3A_214 : memref<80xi32, #tpu.memory_space<hbm>>) target(%arg22 : memref<80xi32, #tpu.memory_space<vmem>>) target_semaphore(%run_scoped3A : memref<!tpu.dma_semaphore, #tpu.memory_space<semaphore_mem>>)
      %dma_wait3A_215 = tpu.memref_slice %arg5[%add3A_117] : memref<800000xi32, #tpu.memory_space<hbm>> -> memref<80xi32, #tpu.memory_space<hbm>>
      %dma_wait3A_216 = tpu.memref_slice %arg5[%add3A_117] : memref<800000xi32, #tpu.memory_space<hbm>> -> memref<80xi32, #tpu.memory_space<hbm>>
      tpu.wait_dma2 semaphore(%run_scoped3A : memref<!tpu.dma_semaphore, #tpu.memory_space<semaphore_mem>>) src(%dma_wait3A_216 : memref<80xi32, #tpu.memory_space<hbm>>) dst(%arg22 : memref<80xi32, #tpu.memory_space<vmem>>)
      tpu.yield
    }) : () -> ()
    %get3A = arith.constant 0 : index
    %get3A_118 = tpu.vector_load %arg21[%get3A] {strides = array<i32>} : memref<80xi32, #tpu.memory_space<vmem>>, vector<16xi32>,
    %sub3A = vector.broadcast %mul3A_71 : i32 to vector<16xi32>
    %sub3A_119 = arith.subi %get3A_118, %sub3A : vector<16xi32>
    %ge3A = arith.constant 0 : i32
    %ge3A_120 = vector.broadcast %ge3A : i32 to vector<16xi32>
    %ge3A_121 = arith.cmpi sge, %sub3A_119, %ge3A_120 : vector<16xi32>
    %lt3A = arith.constant 25088 : i32
    %lt3A_122 = vector.broadcast %lt3A : i32 to vector<16xi32>
    %lt3A_123 = arith.cmpi slt, %sub3A_119, %lt3A_122 : vector<16xi32>
    %and3A = arith.andi %ge3A_121, %lt3A_123 : vector<16xi1>
    %jit3A_124 = arith.constant 25088 : i32
    %broadcast_in_dim3A_125 = vector.broadcast %jit3A_124 : i32 to vector<16xi32>
    %select_n3A_126 = arith.select %and3A, %sub3A_119, %broadcast_in_dim3A_125 : vector<16xi1>, vector<16xi32>
    %swap3A_127 = arith.constant 0 : index
    %swap3A_128 = tpu.vector_load %arg23[%swap3A_127] {strides = array<i32>} : memref<80xi32, #tpu.memory_space<vmem>>, vector<16xi32>,
    tpu.vector_store %arg23[%swap3A_127], %select_n3A_126 {strides = array<i32>} : memref<80xi32, #tpu.memory_space<vmem>>, vector<16xi32>,
    %get3A_129 = arith.constant 16 : index
    %get3A_130 = tpu.vector_load %arg21[%get3A_129] {strides = array<i32>} : memref<80xi32, #tpu.memory_space<vmem>>, vector<16xi32>,
    %sub3A_131 = vector.broadcast %mul3A_71 : i32 to vector<16xi32>
    %sub3A_132 = arith.subi %get3A_130, %sub3A_131 : vector<16xi32>
    %ge3A_133 = arith.constant 0 : i32
    %ge3A_134 = vector.broadcast %ge3A_133 : i32 to vector<16xi32>
    %ge3A_135 = arith.cmpi sge, %sub3A_132, %ge3A_134 : vector<16xi32>
    %lt3A_136 = arith.constant 25088 : i32
    %lt3A_137 = vector.broadcast %lt3A_136 : i32 to vector<16xi32>
    %lt3A_138 = arith.cmpi slt, %sub3A_132, %lt3A_137 : vector<16xi32>
    %and3A_139 = arith.andi %ge3A_135, %lt3A_138 : vector<16xi1>
    %jit3A_140 = arith.constant 25088 : i32
    %broadcast_in_dim3A_141 = vector.broadcast %jit3A_140 : i32 to vector<16xi32>
    %select_n3A_142 = arith.select %and3A_139, %sub3A_132, %broadcast_in_dim3A_141 : vector<16xi1>, vector<16xi32>
    %swap3A_143 = arith.constant 16 : index
    %swap3A_144 = tpu.vector_load %arg23[%swap3A_143] {strides = array<i32>} : memref<80xi32, #tpu.memory_space<vmem>>, vector<16xi32>,
    tpu.vector_store %arg23[%swap3A_143], %select_n3A_142 {strides = array<i32>} : memref<80xi32, #tpu.memory_space<vmem>>, vector<16xi32>,
    %get3A_145 = arith.constant 32 : index
    %get3A_146 = tpu.vector_load %arg21[%get3A_145] {strides = array<i32>} : memref<80xi32, #tpu.memory_space<vmem>>, vector<16xi32>,
    %sub3A_147 = vector.broadcast %mul3A_71 : i32 to vector<16xi32>
    %sub3A_148 = arith.subi %get3A_146, %sub3A_147 : vector<16xi32>
    %ge3A_149 = arith.constant 0 : i32
    %ge3A_150 = vector.broadcast %ge3A_149 : i32 to vector<16xi32>
    %ge3A_151 = arith.cmpi sge, %sub3A_148, %ge3A_150 : vector<16xi32>
    %lt3A_152 = arith.constant 25088 : i32
    %lt3A_153 = vector.broadcast %lt3A_152 : i32 to vector<16xi32>
    %lt3A_154 = arith.cmpi slt, %sub3A_148, %lt3A_153 : vector<16xi32>
    %and3A_155 = arith.andi %ge3A_151, %lt3A_154 : vector<16xi1>
    %jit3A_156 = arith.constant 25088 : i32
    %broadcast_in_dim3A_157 = vector.broadcast %jit3A_156 : i32 to vector<16xi32>
    %select_n3A_158 = arith.select %and3A_155, %sub3A_148, %broadcast_in_dim3A_157 : vector<16xi1>, vector<16xi32>
    %swap3A_159 = arith.constant 32 : index
    %swap3A_160 = tpu.vector_load %arg23[%swap3A_159] {strides = array<i32>} : memref<80xi32, #tpu.memory_space<vmem>>, vector<16xi32>,
    tpu.vector_store %arg23[%swap3A_159], %select_n3A_158 {strides = array<i32>} : memref<80xi32, #tpu.memory_space<vmem>>, vector<16xi32>,
    %get3A_161 = arith.constant 48 : index
    %get3A_162 = tpu.vector_load %arg21[%get3A_161] {strides = array<i32>} : memref<80xi32, #tpu.memory_space<vmem>>, vector<16xi32>,
    %sub3A_163 = vector.broadcast %mul3A_71 : i32 to vector<16xi32>
    %sub3A_164 = arith.subi %get3A_162, %sub3A_163 : vector<16xi32>
    %ge3A_165 = arith.constant 0 : i32
    %ge3A_166 = vector.broadcast %ge3A_165 : i32 to vector<16xi32>
    %ge3A_167 = arith.cmpi sge, %sub3A_164, %ge3A_166 : vector<16xi32>
    %lt3A_168 = arith.constant 25088 : i32
    %lt3A_169 = vector.broadcast %lt3A_168 : i32 to vector<16xi32>
    %lt3A_170 = arith.cmpi slt, %sub3A_164, %lt3A_169 : vector<16xi32>
    %and3A_171 = arith.andi %ge3A_167, %lt3A_170 : vector<16xi1>
    %jit3A_172 = arith.constant 25088 : i32
    %broadcast_in_dim3A_173 = vector.broadcast %jit3A_172 : i32 to vector<16xi32>
    %select_n3A_174 = arith.select %and3A_171, %sub3A_164, %broadcast_in_dim3A_173 : vector<16xi1>, vector<16xi32>
    %swap3A_175 = arith.constant 48 : index
    %swap3A_176 = tpu.vector_load %arg23[%swap3A_175] {strides = array<i32>} : memref<80xi32, #tpu.memory_space<vmem>>, vector<16xi32>,
    tpu.vector_store %arg23[%swap3A_175], %select_n3A_174 {strides = array<i32>} : memref<80xi32, #tpu.memory_space<vmem>>, vector<16xi32>,
    %get3A_177 = arith.constant 64 : index
    %get3A_178 = tpu.vector_load %arg21[%get3A_177] {strides = array<i32>} : memref<80xi32, #tpu.memory_space<vmem>>, vector<16xi32>,
    %sub3A_179 = vector.broadcast %mul3A_71 : i32 to vector<16xi32>
    %sub3A_180 = arith.subi %get3A_178, %sub3A_179 : vector<16xi32>
    %ge3A_181 = arith.constant 0 : i32
    %ge3A_182 = vector.broadcast %ge3A_181 : i32 to vector<16xi32>
    %ge3A_183 = arith.cmpi sge, %sub3A_180, %ge3A_182 : vector<16xi32>
    %lt3A_184 = arith.constant 25088 : i32
    %lt3A_185 = vector.broadcast %lt3A_184 : i32 to vector<16xi32>
    %lt3A_186 = arith.cmpi slt, %sub3A_180, %lt3A_185 : vector<16xi32>
    %and3A_187 = arith.andi %ge3A_183, %lt3A_186 : vector<16xi1>
    %jit3A_188 = arith.constant 25088 : i32
    %broadcast_in_dim3A_189 = vector.broadcast %jit3A_188 : i32 to vector<16xi32>
    %select_n3A_190 = arith.select %and3A_187, %sub3A_180, %broadcast_in_dim3A_189 : vector<16xi1>, vector<16xi32>
    %swap3A_191 = arith.constant 64 : index
    %swap3A_192 = tpu.vector_load %arg23[%swap3A_191] {strides = array<i32>} : memref<80xi32, #tpu.memory_space<vmem>>, vector<16xi32>,
    tpu.vector_store %arg23[%swap3A_191], %select_n3A_190 {strides = array<i32>} : memref<80xi32, #tpu.memory_space<vmem>>, vector<16xi32>,
    %dma_start3A_193 = arith.constant 0 : i32
    %dma_start3A_194 = arith.constant 0 : i32
    %dma_start3A_195 = tpu.memref_slice %arg24[%dma_start3A_193, %dma_start3A_194] : memref<128x64xf32, #tpu.memory_space<vmem>> -> memref<80x64xf32, #tpu.memory_space<vmem>>
    %dma_start3A_196 = arith.constant 0 : i32
    %dma_start3A_197 = arith.constant 0 : i32
    %dma_start3A_198 = tpu.memref_slice %arg6[%dma_start3A_196, %dma_start3A_197] : memref<100x64xf32, #tpu.memory_space<hbm>> -> memref<100x64xf32, #tpu.memory_space<hbm>>
    tpu.enqueue_indirect_dma source(%dma_start3A_198 : memref<100x64xf32, #tpu.memory_space<hbm>>) target(%dma_start3A_195 : memref<80x64xf32, #tpu.memory_space<vmem>>) offsets(%arg22 : memref<80xi32, #tpu.memory_space<vmem>>) semaphore(%arg29 : memref<!tpu.dma_semaphore, #tpu.memory_space<semaphore_mem>>)
    %dma_wait3A_199 = arith.constant 0 : i32
    %dma_wait3A_200 = arith.constant 0 : i32
    %dma_wait3A_201 = tpu.memref_slice %arg24[%dma_wait3A_199, %dma_wait3A_200] : memref<128x64xf32, #tpu.memory_space<vmem>> -> memref<80x64xf32, #tpu.memory_space<vmem>>
    %dma_wait3A_202 = arith.constant 0 : i32
    %dma_wait3A_203 = arith.constant 0 : i32
    %dma_wait3A_204 = tpu.memref_slice %arg6[%dma_wait3A_202, %dma_wait3A_203] : memref<100x64xf32, #tpu.memory_space<hbm>> -> memref<100x64xf32, #tpu.memory_space<hbm>>
    tpu.wait_indirect_dma semaphore(%arg29 : memref<!tpu.dma_semaphore, #tpu.memory_space<semaphore_mem>>) src(%dma_wait3A_204 : memref<100x64xf32, #tpu.memory_space<hbm>>) dst(%dma_wait3A_201 : memref<80x64xf32, #tpu.memory_space<vmem>>)
    "tpu.region"() ({
      %run_scoped3A = tpu.sem_alloc : memref<!tpu.dma_semaphore, #tpu.memory_space<semaphore_mem>>
      %dma_start3A_213 = arith.constant 0 : i32
      %dma_start3A_214 = arith.constant 0 : i32
      %dma_start3A_215 = tpu.memref_slice %arg24[%dma_start3A_213, %dma_start3A_214] : memref<128x64xf32, #tpu.memory_space<vmem>> -> memref<80x64xf32, #tpu.memory_space<vmem>>
      %dma_start3A_216 = arith.constant 0 : i32
      %dma_start3A_217 = arith.constant 0 : i32
      %dma_start3A_218 = tpu.memref_slice %arg42[%dma_start3A_216, %dma_start3A_217] : memref<25104x64xf32, #tpu.memory_space<vmem_shared>> -> memref<25104x64xf32, #tpu.memory_space<vmem_shared>>
      tpu.enqueue_indirect_dma source(%dma_start3A_215 : memref<80x64xf32, #tpu.memory_space<vmem>>) target(%dma_start3A_218 : memref<25104x64xf32, #tpu.memory_space<vmem_shared>>) offsets(%arg23 : memref<80xi32, #tpu.memory_space<vmem>>) semaphore(%run_scoped3A : memref<!tpu.dma_semaphore, #tpu.memory_space<semaphore_mem>>) {add = true}
      %dma_wait3A_219 = arith.constant 0 : i32
      %dma_wait3A_220 = arith.constant 0 : i32
      %dma_wait3A_221 = tpu.memref_slice %arg24[%dma_wait3A_219, %dma_wait3A_220] : memref<128x64xf32, #tpu.memory_space<vmem>> -> memref<80x64xf32, #tpu.memory_space<vmem>>
      %dma_wait3A_222 = arith.constant 0 : i32
      %dma_wait3A_223 = arith.constant 0 : i32
      %dma_wait3A_224 = tpu.memref_slice %arg42[%dma_wait3A_222, %dma_wait3A_223] : memref<25104x64xf32, #tpu.memory_space<vmem_shared>> -> memref<25104x64xf32, #tpu.memory_space<vmem_shared>>
      tpu.wait_indirect_dma semaphore(%run_scoped3A : memref<!tpu.dma_semaphore, #tpu.memory_space<semaphore_mem>>) src(%dma_wait3A_221 : memref<80x64xf32, #tpu.memory_space<vmem>>) dst(%dma_wait3A_224 : memref<25104x64xf32, #tpu.memory_space<vmem_shared>>)
      tpu.yield
    }) : () -> ()
    "tpu.region"() ({
      %run_scoped3A = tpu.sem_alloc : memref<!tpu.dma_semaphore, #tpu.memory_space<semaphore_mem>>
      %dma_start3A_213 = arith.constant 0 : i32
      %dma_start3A_214 = tpu.memref_slice %arg27[%dma_start3A_213] : memref<128xf32, #tpu.memory_space<vmem>> -> memref<80xf32, #tpu.memory_space<vmem>>
      %dma_start3A_215 = arith.constant 0 : i32
      %dma_start3A_216 = tpu.memref_slice %arg43[%dma_start3A_215] : memref<25104xf32, #tpu.memory_space<vmem_shared>> -> memref<25104xf32, #tpu.memory_space<vmem_shared>>
      tpu.enqueue_indirect_dma source(%dma_start3A_214 : memref<80xf32, #tpu.memory_space<vmem>>) target(%dma_start3A_216 : memref<25104xf32, #tpu.memory_space<vmem_shared>>) offsets(%arg23 : memref<80xi32, #tpu.memory_space<vmem>>) semaphore(%run_scoped3A : memref<!tpu.dma_semaphore, #tpu.memory_space<semaphore_mem>>) {add = true}
      %dma_wait3A_217 = arith.constant 0 : i32
      %dma_wait3A_218 = tpu.memref_slice %arg27[%dma_wait3A_217] : memref<128xf32, #tpu.memory_space<vmem>> -> memref<80xf32, #tpu.memory_space<vmem>>
      %dma_wait3A_219 = arith.constant 0 : i32
      %dma_wait3A_220 = tpu.memref_slice %arg43[%dma_wait3A_219] : memref<25104xf32, #tpu.memory_space<vmem_shared>> -> memref<25104xf32, #tpu.memory_space<vmem_shared>>
      tpu.wait_indirect_dma semaphore(%run_scoped3A : memref<!tpu.dma_semaphore, #tpu.memory_space<semaphore_mem>>) src(%dma_wait3A_218 : memref<80xf32, #tpu.memory_space<vmem>>) dst(%dma_wait3A_220 : memref<25104xf32, #tpu.memory_space<vmem_shared>>)
      tpu.yield
    }) : () -> ()
    %barrier3A_205 = arith.constant 0 : index
    tpu.barrier barrier_id(%barrier3A_205)
    %scan3A_206 = arith.constant 0 : i32
    %scan3A_207 = arith.constant 0 : i32
    %scan3A_208 = arith.constant 14 : i32
    %scan3A_209 = arith.addi %scan3A_207, %scan3A_208 : i32
    %scan3A_210 = arith.constant 1 : i32
    %scan3A_211 = scf.for %scan3A_213 = %scan3A_207 to %scan3A_209 step %scan3A_210 iter_args(%scan3A_214 = %scan3A_206) -> (i32)  : i32 {
      %mul3A_215 = arith.constant 112 : i32
      %mul3A_216 = arith.muli %scan3A_213, %mul3A_215 : i32
      %add3A_217 = arith.addi %mul3A_60, %mul3A_216 : i32
      %add3A_218 = arith.addi %mul3A_71, %add3A_217 : i32
      "tpu.region"() ({
        %run_scoped3A = tpu.sem_alloc : memref<!tpu.dma_semaphore, #tpu.memory_space<semaphore_mem>>
        %dma_start3A_268 = arith.constant 0 : i32
        %dma_start3A_269 = arith.constant 0 : i32
        %dma_start3A_270 = tpu.memref_slice %arg24[%dma_start3A_268, %dma_start3A_269] : memref<128x64xf32, #tpu.memory_space<vmem>> -> memref<112x64xf32, #tpu.memory_space<vmem>>
        %dma_start3A_271 = arith.constant 0 : i32
        %dma_start3A_272 = tpu.memref_slice %arg42[%add3A_217, %dma_start3A_271] : memref<25104x64xf32, #tpu.memory_space<vmem_shared>> -> memref<112x64xf32, #tpu.memory_space<vmem_shared>>
        %dma_start3A_273 = arith.constant 0 : i32
        %dma_start3A_274 = arith.constant 0 : i32
        %dma_start3A_275 = tpu.memref_slice %arg24[%dma_start3A_273, %dma_start3A_274] : memref<128x64xf32, #tpu.memory_space<vmem>> -> memref<112x64xf32, #tpu.memory_space<vmem>>
        %dma_start3A_276 = arith.constant 0 : i32
        %dma_start3A_277 = tpu.memref_slice %arg42[%add3A_217, %dma_start3A_276] : memref<25104x64xf32, #tpu.memory_space<vmem_shared>> -> memref<112x64xf32, #tpu.memory_space<vmem_shared>>
        tpu.enqueue_dma source(%dma_start3A_277 : memref<112x64xf32, #tpu.memory_space<vmem_shared>>) target(%dma_start3A_275 : memref<112x64xf32, #tpu.memory_space<vmem>>) target_semaphore(%run_scoped3A : memref<!tpu.dma_semaphore, #tpu.memory_space<semaphore_mem>>)
        %dma_wait3A_278 = arith.constant 0 : i32
        %dma_wait3A_279 = arith.constant 0 : i32
        %dma_wait3A_280 = tpu.memref_slice %arg24[%dma_wait3A_278, %dma_wait3A_279] : memref<128x64xf32, #tpu.memory_space<vmem>> -> memref<112x64xf32, #tpu.memory_space<vmem>>
        %dma_wait3A_281 = arith.constant 0 : i32
        %dma_wait3A_282 = tpu.memref_slice %arg42[%add3A_217, %dma_wait3A_281] : memref<25104x64xf32, #tpu.memory_space<vmem_shared>> -> memref<112x64xf32, #tpu.memory_space<vmem_shared>>
        %dma_wait3A_283 = arith.constant 0 : i32
        %dma_wait3A_284 = arith.constant 0 : i32
        %dma_wait3A_285 = tpu.memref_slice %arg24[%dma_wait3A_283, %dma_wait3A_284] : memref<128x64xf32, #tpu.memory_space<vmem>> -> memref<112x64xf32, #tpu.memory_space<vmem>>
        %dma_wait3A_286 = arith.constant 0 : i32
        %dma_wait3A_287 = tpu.memref_slice %arg42[%add3A_217, %dma_wait3A_286] : memref<25104x64xf32, #tpu.memory_space<vmem_shared>> -> memref<112x64xf32, #tpu.memory_space<vmem_shared>>
        tpu.wait_dma2 semaphore(%run_scoped3A : memref<!tpu.dma_semaphore, #tpu.memory_space<semaphore_mem>>) src(%dma_wait3A_287 : memref<112x64xf32, #tpu.memory_space<vmem_shared>>) dst(%dma_wait3A_285 : memref<112x64xf32, #tpu.memory_space<vmem>>)
        tpu.yield
      }) : () -> ()
      "tpu.region"() ({
        %run_scoped3A = tpu.sem_alloc : memref<!tpu.dma_semaphore, #tpu.memory_space<semaphore_mem>>
        %dma_start3A_268 = arith.constant 0 : i32
        %dma_start3A_269 = arith.constant 0 : i32
        %dma_start3A_270 = tpu.memref_slice %arg24[%dma_start3A_268, %dma_start3A_269] : memref<128x64xf32, #tpu.memory_space<vmem>> -> memref<112x64xf32, #tpu.memory_space<vmem>>
        %dma_start3A_271 = arith.constant 0 : i32
        %dma_start3A_272 = tpu.memref_slice %arg8[%add3A_218, %dma_start3A_271] : memref<50176x64xf32, #tpu.memory_space<hbm>> -> memref<112x64xf32, #tpu.memory_space<hbm>>
        %dma_start3A_273 = arith.constant 0 : i32
        %dma_start3A_274 = tpu.memref_slice %arg8[%add3A_218, %dma_start3A_273] : memref<50176x64xf32, #tpu.memory_space<hbm>> -> memref<112x64xf32, #tpu.memory_space<hbm>>
        %dma_start3A_275 = arith.constant 0 : i32
        %dma_start3A_276 = arith.constant 0 : i32
        %dma_start3A_277 = tpu.memref_slice %arg24[%dma_start3A_275, %dma_start3A_276] : memref<128x64xf32, #tpu.memory_space<vmem>> -> memref<112x64xf32, #tpu.memory_space<vmem>>
        tpu.enqueue_dma source(%dma_start3A_277 : memref<112x64xf32, #tpu.memory_space<vmem>>) target(%dma_start3A_274 : memref<112x64xf32, #tpu.memory_space<hbm>>) target_semaphore(%run_scoped3A : memref<!tpu.dma_semaphore, #tpu.memory_space<semaphore_mem>>)
        %dma_wait3A_278 = arith.constant 0 : i32
        %dma_wait3A_279 = arith.constant 0 : i32
        %dma_wait3A_280 = tpu.memref_slice %arg24[%dma_wait3A_278, %dma_wait3A_279] : memref<128x64xf32, #tpu.memory_space<vmem>> -> memref<112x64xf32, #tpu.memory_space<vmem>>
        %dma_wait3A_281 = arith.constant 0 : i32
        %dma_wait3A_282 = tpu.memref_slice %arg8[%add3A_218, %dma_wait3A_281] : memref<50176x64xf32, #tpu.memory_space<hbm>> -> memref<112x64xf32, #tpu.memory_space<hbm>>
        %dma_wait3A_283 = arith.constant 0 : i32
        %dma_wait3A_284 = tpu.memref_slice %arg8[%add3A_218, %dma_wait3A_283] : memref<50176x64xf32, #tpu.memory_space<hbm>> -> memref<112x64xf32, #tpu.memory_space<hbm>>
        %dma_wait3A_285 = arith.constant 0 : i32
        %dma_wait3A_286 = arith.constant 0 : i32
        %dma_wait3A_287 = tpu.memref_slice %arg24[%dma_wait3A_285, %dma_wait3A_286] : memref<128x64xf32, #tpu.memory_space<vmem>> -> memref<112x64xf32, #tpu.memory_space<vmem>>
        tpu.wait_dma2 semaphore(%run_scoped3A : memref<!tpu.dma_semaphore, #tpu.memory_space<semaphore_mem>>) src(%dma_wait3A_287 : memref<112x64xf32, #tpu.memory_space<vmem>>) dst(%dma_wait3A_284 : memref<112x64xf32, #tpu.memory_space<hbm>>)
        tpu.yield
      }) : () -> ()
      "tpu.region"() ({
        %run_scoped3A = tpu.sem_alloc : memref<!tpu.dma_semaphore, #tpu.memory_space<semaphore_mem>>
        %dma_start3A_268 = tpu.memref_slice %arg43[%add3A_217] : memref<25104xf32, #tpu.memory_space<vmem_shared>> -> memref<112xf32, #tpu.memory_space<vmem_shared>>
        %dma_start3A_269 = tpu.memref_slice %arg43[%add3A_217] : memref<25104xf32, #tpu.memory_space<vmem_shared>> -> memref<112xf32, #tpu.memory_space<vmem_shared>>
        tpu.enqueue_dma source(%dma_start3A_269 : memref<112xf32, #tpu.memory_space<vmem_shared>>) target(%arg28 : memref<112xf32, #tpu.memory_space<vmem>>) target_semaphore(%run_scoped3A : memref<!tpu.dma_semaphore, #tpu.memory_space<semaphore_mem>>)
        %dma_wait3A_270 = tpu.memref_slice %arg43[%add3A_217] : memref<25104xf32, #tpu.memory_space<vmem_shared>> -> memref<112xf32, #tpu.memory_space<vmem_shared>>
        %dma_wait3A_271 = tpu.memref_slice %arg43[%add3A_217] : memref<25104xf32, #tpu.memory_space<vmem_shared>> -> memref<112xf32, #tpu.memory_space<vmem_shared>>
        tpu.wait_dma2 semaphore(%run_scoped3A : memref<!tpu.dma_semaphore, #tpu.memory_space<semaphore_mem>>) src(%dma_wait3A_271 : memref<112xf32, #tpu.memory_space<vmem_shared>>) dst(%arg28 : memref<112xf32, #tpu.memory_space<vmem>>)
        tpu.yield
      }) : () -> ()
      %get3A_219 = arith.constant 0 : index
      %get3A_220 = tpu.vector_load %arg28[%get3A_219] {strides = array<i32>} : memref<112xf32, #tpu.memory_space<vmem>>, vector<16xf32>,
      %max3A = arith.constant 1.000000e+00 : f32
      %max3A_221 = vector.broadcast %max3A : f32 to vector<16xf32>
      %max3A_222 = arith.maximumf %get3A_220, %max3A_221 : vector<16xf32>
      %swap3A_223 = arith.constant 0 : index
      %swap3A_224 = tpu.vector_load %arg28[%swap3A_223] {strides = array<i32>} : memref<112xf32, #tpu.memory_space<vmem>>, vector<16xf32>,
      tpu.vector_store %arg28[%swap3A_223], %max3A_222 {strides = array<i32>} : memref<112xf32, #tpu.memory_space<vmem>>, vector<16xf32>,
      %get3A_225 = arith.constant 16 : index
      %get3A_226 = tpu.vector_load %arg28[%get3A_225] {strides = array<i32>} : memref<112xf32, #tpu.memory_space<vmem>>, vector<16xf32>,
      %max3A_227 = arith.constant 1.000000e+00 : f32
      %max3A_228 = vector.broadcast %max3A_227 : f32 to vector<16xf32>
      %max3A_229 = arith.maximumf %get3A_226, %max3A_228 : vector<16xf32>
      %swap3A_230 = arith.constant 16 : index
      %swap3A_231 = tpu.vector_load %arg28[%swap3A_230] {strides = array<i32>} : memref<112xf32, #tpu.memory_space<vmem>>, vector<16xf32>,
      tpu.vector_store %arg28[%swap3A_230], %max3A_229 {strides = array<i32>} : memref<112xf32, #tpu.memory_space<vmem>>, vector<16xf32>,
      %get3A_232 = arith.constant 32 : index
      %get3A_233 = tpu.vector_load %arg28[%get3A_232] {strides = array<i32>} : memref<112xf32, #tpu.memory_space<vmem>>, vector<16xf32>,
      %max3A_234 = arith.constant 1.000000e+00 : f32
      %max3A_235 = vector.broadcast %max3A_234 : f32 to vector<16xf32>
      %max3A_236 = arith.maximumf %get3A_233, %max3A_235 : vector<16xf32>
      %swap3A_237 = arith.constant 32 : index
      %swap3A_238 = tpu.vector_load %arg28[%swap3A_237] {strides = array<i32>} : memref<112xf32, #tpu.memory_space<vmem>>, vector<16xf32>,
      tpu.vector_store %arg28[%swap3A_237], %max3A_236 {strides = array<i32>} : memref<112xf32, #tpu.memory_space<vmem>>, vector<16xf32>,
      %get3A_239 = arith.constant 48 : index
      %get3A_240 = tpu.vector_load %arg28[%get3A_239] {strides = array<i32>} : memref<112xf32, #tpu.memory_space<vmem>>, vector<16xf32>,
      %max3A_241 = arith.constant 1.000000e+00 : f32
      %max3A_242 = vector.broadcast %max3A_241 : f32 to vector<16xf32>
      %max3A_243 = arith.maximumf %get3A_240, %max3A_242 : vector<16xf32>
      %swap3A_244 = arith.constant 48 : index
      %swap3A_245 = tpu.vector_load %arg28[%swap3A_244] {strides = array<i32>} : memref<112xf32, #tpu.memory_space<vmem>>, vector<16xf32>,
      tpu.vector_store %arg28[%swap3A_244], %max3A_243 {strides = array<i32>} : memref<112xf32, #tpu.memory_space<vmem>>, vector<16xf32>,
      %get3A_246 = arith.constant 64 : index
      %get3A_247 = tpu.vector_load %arg28[%get3A_246] {strides = array<i32>} : memref<112xf32, #tpu.memory_space<vmem>>, vector<16xf32>,
      %max3A_248 = arith.constant 1.000000e+00 : f32
      %max3A_249 = vector.broadcast %max3A_248 : f32 to vector<16xf32>
      %max3A_250 = arith.maximumf %get3A_247, %max3A_249 : vector<16xf32>
      %swap3A_251 = arith.constant 64 : index
      %swap3A_252 = tpu.vector_load %arg28[%swap3A_251] {strides = array<i32>} : memref<112xf32, #tpu.memory_space<vmem>>, vector<16xf32>,
      tpu.vector_store %arg28[%swap3A_251], %max3A_250 {strides = array<i32>} : memref<112xf32, #tpu.memory_space<vmem>>, vector<16xf32>,
      %get3A_253 = arith.constant 80 : index
      %get3A_254 = tpu.vector_load %arg28[%get3A_253] {strides = array<i32>} : memref<112xf32, #tpu.memory_space<vmem>>, vector<16xf32>,
      %max3A_255 = arith.constant 1.000000e+00 : f32
      %max3A_256 = vector.broadcast %max3A_255 : f32 to vector<16xf32>
      %max3A_257 = arith.maximumf %get3A_254, %max3A_256 : vector<16xf32>
      %swap3A_258 = arith.constant 80 : index
      %swap3A_259 = tpu.vector_load %arg28[%swap3A_258] {strides = array<i32>} : memref<112xf32, #tpu.memory_space<vmem>>, vector<16xf32>,
      tpu.vector_store %arg28[%swap3A_258], %max3A_257 {strides = array<i32>} : memref<112xf32, #tpu.memory_space<vmem>>, vector<16xf32>,
      %get3A_260 = arith.constant 96 : index
      %get3A_261 = tpu.vector_load %arg28[%get3A_260] {strides = array<i32>} : memref<112xf32, #tpu.memory_space<vmem>>, vector<16xf32>,
      %max3A_262 = arith.constant 1.000000e+00 : f32
      %max3A_263 = vector.broadcast %max3A_262 : f32 to vector<16xf32>
      %max3A_264 = arith.maximumf %get3A_261, %max3A_263 : vector<16xf32>
      %swap3A_265 = arith.constant 96 : index
      %swap3A_266 = tpu.vector_load %arg28[%swap3A_265] {strides = array<i32>} : memref<112xf32, #tpu.memory_space<vmem>>, vector<16xf32>,
      tpu.vector_store %arg28[%swap3A_265], %max3A_264 {strides = array<i32>} : memref<112xf32, #tpu.memory_space<vmem>>, vector<16xf32>,
      "tpu.region"() ({
        %run_scoped3A = tpu.sem_alloc : memref<!tpu.dma_semaphore, #tpu.memory_space<semaphore_mem>>
        %dma_start3A_268 = tpu.memref_slice %arg9[%add3A_218] : memref<50176xf32, #tpu.memory_space<hbm>> -> memref<112xf32, #tpu.memory_space<hbm>>
        %dma_start3A_269 = tpu.memref_slice %arg9[%add3A_218] : memref<50176xf32, #tpu.memory_space<hbm>> -> memref<112xf32, #tpu.memory_space<hbm>>
        tpu.enqueue_dma source(%arg28 : memref<112xf32, #tpu.memory_space<vmem>>) target(%dma_start3A_269 : memref<112xf32, #tpu.memory_space<hbm>>) target_semaphore(%run_scoped3A : memref<!tpu.dma_semaphore, #tpu.memory_space<semaphore_mem>>)
        %dma_wait3A_270 = tpu.memref_slice %arg9[%add3A_218] : memref<50176xf32, #tpu.memory_space<hbm>> -> memref<112xf32, #tpu.memory_space<hbm>>
        %dma_wait3A_271 = tpu.memref_slice %arg9[%add3A_218] : memref<50176xf32, #tpu.memory_space<hbm>> -> memref<112xf32, #tpu.memory_space<hbm>>
        tpu.wait_dma2 semaphore(%run_scoped3A : memref<!tpu.dma_semaphore, #tpu.memory_space<semaphore_mem>>) src(%arg28 : memref<112xf32, #tpu.memory_space<vmem>>) dst(%dma_wait3A_271 : memref<112xf32, #tpu.memory_space<hbm>>)
        tpu.yield
      }) : () -> ()
      %scan3A_267 = arith.constant 0 : i32
      scf.yield %scan3A_267 : i32
    }
    %scan3A_212 = arith.constant 14 : i32
    return
  }
}

#map = affine_map<(d0, d1) -> (0, 0)>
#map1 = affine_map<(d0, d1) -> (0)>
module attributes {stable_mosaic.version = 14 : i64} {
  func.func @mgdc_layer(%arg0: i32, %arg1: i32, %arg2: memref<50176x64xf32, #tpu.memory_space<hbm>>, %arg3: memref<50176x64xf32, #tpu.memory_space<hbm>>, %arg4: memref<50176xf32, #tpu.memory_space<hbm>>, %arg5: memref<800000xi32, #tpu.memory_space<hbm>>, %arg6: memref<800000xi32, #tpu.memory_space<hbm>>, %arg7: memref<80xf32, #tpu.memory_space<hbm>>, %arg8: memref<50176x64xf32, #tpu.memory_space<hbm>>, %arg9: memref<128xi32, #tpu.memory_space<vmem>>, %arg10: memref<128xi32, #tpu.memory_space<vmem>>, %arg11: memref<128xi32, #tpu.memory_space<vmem>>, %arg12: memref<128xi32, #tpu.memory_space<vmem>>, %arg13: memref<128xi32, #tpu.memory_space<vmem>>, %arg14: memref<128xi32, #tpu.memory_space<vmem>>, %arg15: memref<128xi32, #tpu.memory_space<vmem>>, %arg16: memref<128xi32, #tpu.memory_space<vmem>>, %arg17: memref<128xi32, #tpu.memory_space<vmem>>, %arg18: memref<80xi32, #tpu.memory_space<vmem>>, %arg19: memref<80xi32, #tpu.memory_space<vmem>>, %arg20: memref<80xi32, #tpu.memory_space<vmem>>, %arg21: memref<128x64xf32, #tpu.memory_space<vmem>>, %arg22: memref<128x64xf32, #tpu.memory_space<vmem>>, %arg23: memref<128x64xf32, #tpu.memory_space<vmem>>, %arg24: memref<112xf32, #tpu.memory_space<vmem>>, %arg25: memref<128xf32, #tpu.memory_space<vmem>>, %arg26: memref<80xf32, #tpu.memory_space<vmem>>, %arg27: memref<!tpu.dma_semaphore, #tpu.memory_space<semaphore_mem>>, %arg28: memref<!tpu.dma_semaphore, #tpu.memory_space<semaphore_mem>>, %arg29: memref<!tpu.dma_semaphore, #tpu.memory_space<semaphore_mem>>, %arg30: memref<!tpu.dma_semaphore, #tpu.memory_space<semaphore_mem>>, %arg31: memref<!tpu.dma_semaphore, #tpu.memory_space<semaphore_mem>>, %arg32: memref<!tpu.dma_semaphore, #tpu.memory_space<semaphore_mem>>, %arg33: memref<!tpu.dma_semaphore, #tpu.memory_space<semaphore_mem>>, %arg34: memref<!tpu.dma_semaphore, #tpu.memory_space<semaphore_mem>>, %arg35: memref<!tpu.dma_semaphore, #tpu.memory_space<semaphore_mem>>, %arg36: memref<!tpu.dma_semaphore, #tpu.memory_space<semaphore_mem>>, %arg37: memref<25104x64xf32, #tpu.memory_space<vmem_shared>>) attributes {dimension_semantics = [#tpu.dimension_semantics<core_parallel>, #tpu.dimension_semantics<subcore_parallel>], iteration_bounds = array<i64: 2, 16>, scalar_prefetch = 0 : i64, scratch_operands = 29 : i64, tpu.core_type = #tpu.core_type<sc_vector_subcore>, window_params = [{transform_indices = #map}, {transform_indices = #map}, {transform_indices = #map1}, {transform_indices = #map1}, {transform_indices = #map1}, {transform_indices = #map1}, {transform_indices = #map}]} {
    %mul3A = arith.constant 16 : i32
    %mul3A_0 = arith.muli %arg0, %mul3A : i32
    %add3A = arith.addi %mul3A_0, %arg1 : i32
    %mul3A_1 = arith.constant 25088 : i32
    %mul3A_2 = arith.muli %arg0, %mul3A_1 : i32
    %mul3A_3 = arith.constant 1568 : i32
    %mul3A_4 = arith.muli %arg1, %mul3A_3 : i32
    %scan3A = arith.constant 0 : i32
    %scan3A_5 = arith.constant 0 : i32
    %scan3A_6 = arith.constant 14 : i32
    %scan3A_7 = arith.addi %scan3A_5, %scan3A_6 : i32
    %scan3A_8 = arith.constant 1 : i32
    %scan3A_9 = scf.for %scan3A_146 = %scan3A_5 to %scan3A_7 step %scan3A_8 iter_args(%scan3A_147 = %scan3A) -> (i32)  : i32 {
      %mul3A_148 = arith.constant 112 : i32
      %mul3A_149 = arith.muli %scan3A_146, %mul3A_148 : i32
      %add3A_150 = arith.addi %mul3A_4, %mul3A_149 : i32
      %add3A_151 = arith.addi %mul3A_2, %add3A_150 : i32
      "tpu.region"() ({
        %run_scoped3A = tpu.sem_alloc : memref<!tpu.dma_semaphore, #tpu.memory_space<semaphore_mem>>
        %dma_start3A_153 = arith.constant 0 : i32
        %dma_start3A_154 = arith.constant 0 : i32
        %dma_start3A_155 = tpu.memref_slice %arg21[%dma_start3A_153, %dma_start3A_154] : memref<128x64xf32, #tpu.memory_space<vmem>> -> memref<112x64xf32, #tpu.memory_space<vmem>>
        %dma_start3A_156 = arith.constant 0 : i32
        %dma_start3A_157 = tpu.memref_slice %arg3[%add3A_151, %dma_start3A_156] : memref<50176x64xf32, #tpu.memory_space<hbm>> -> memref<112x64xf32, #tpu.memory_space<hbm>>
        %dma_start3A_158 = arith.constant 0 : i32
        %dma_start3A_159 = arith.constant 0 : i32
        %dma_start3A_160 = tpu.memref_slice %arg21[%dma_start3A_158, %dma_start3A_159] : memref<128x64xf32, #tpu.memory_space<vmem>> -> memref<112x64xf32, #tpu.memory_space<vmem>>
        %dma_start3A_161 = arith.constant 0 : i32
        %dma_start3A_162 = tpu.memref_slice %arg3[%add3A_151, %dma_start3A_161] : memref<50176x64xf32, #tpu.memory_space<hbm>> -> memref<112x64xf32, #tpu.memory_space<hbm>>
        tpu.enqueue_dma source(%dma_start3A_162 : memref<112x64xf32, #tpu.memory_space<hbm>>) target(%dma_start3A_160 : memref<112x64xf32, #tpu.memory_space<vmem>>) target_semaphore(%run_scoped3A : memref<!tpu.dma_semaphore, #tpu.memory_space<semaphore_mem>>)
        %dma_wait3A_163 = arith.constant 0 : i32
        %dma_wait3A_164 = arith.constant 0 : i32
        %dma_wait3A_165 = tpu.memref_slice %arg21[%dma_wait3A_163, %dma_wait3A_164] : memref<128x64xf32, #tpu.memory_space<vmem>> -> memref<112x64xf32, #tpu.memory_space<vmem>>
        %dma_wait3A_166 = arith.constant 0 : i32
        %dma_wait3A_167 = tpu.memref_slice %arg3[%add3A_151, %dma_wait3A_166] : memref<50176x64xf32, #tpu.memory_space<hbm>> -> memref<112x64xf32, #tpu.memory_space<hbm>>
        %dma_wait3A_168 = arith.constant 0 : i32
        %dma_wait3A_169 = arith.constant 0 : i32
        %dma_wait3A_170 = tpu.memref_slice %arg21[%dma_wait3A_168, %dma_wait3A_169] : memref<128x64xf32, #tpu.memory_space<vmem>> -> memref<112x64xf32, #tpu.memory_space<vmem>>
        %dma_wait3A_171 = arith.constant 0 : i32
        %dma_wait3A_172 = tpu.memref_slice %arg3[%add3A_151, %dma_wait3A_171] : memref<50176x64xf32, #tpu.memory_space<hbm>> -> memref<112x64xf32, #tpu.memory_space<hbm>>
        tpu.wait_dma2 semaphore(%run_scoped3A : memref<!tpu.dma_semaphore, #tpu.memory_space<semaphore_mem>>) src(%dma_wait3A_172 : memref<112x64xf32, #tpu.memory_space<hbm>>) dst(%dma_wait3A_170 : memref<112x64xf32, #tpu.memory_space<vmem>>)
        tpu.yield
      }) : () -> ()
      "tpu.region"() ({
        %run_scoped3A = tpu.sem_alloc : memref<!tpu.dma_semaphore, #tpu.memory_space<semaphore_mem>>
        %dma_start3A_153 = arith.constant 0 : i32
        %dma_start3A_154 = arith.constant 0 : i32
        %dma_start3A_155 = tpu.memref_slice %arg21[%dma_start3A_153, %dma_start3A_154] : memref<128x64xf32, #tpu.memory_space<vmem>> -> memref<112x64xf32, #tpu.memory_space<vmem>>
        %dma_start3A_156 = arith.constant 0 : i32
        %dma_start3A_157 = tpu.memref_slice %arg37[%add3A_150, %dma_start3A_156] : memref<25104x64xf32, #tpu.memory_space<vmem_shared>> -> memref<112x64xf32, #tpu.memory_space<vmem_shared>>
        %dma_start3A_158 = arith.constant 0 : i32
        %dma_start3A_159 = tpu.memref_slice %arg37[%add3A_150, %dma_start3A_158] : memref<25104x64xf32, #tpu.memory_space<vmem_shared>> -> memref<112x64xf32, #tpu.memory_space<vmem_shared>>
        %dma_start3A_160 = arith.constant 0 : i32
        %dma_start3A_161 = arith.constant 0 : i32
        %dma_start3A_162 = tpu.memref_slice %arg21[%dma_start3A_160, %dma_start3A_161] : memref<128x64xf32, #tpu.memory_space<vmem>> -> memref<112x64xf32, #tpu.memory_space<vmem>>
        tpu.enqueue_dma source(%dma_start3A_162 : memref<112x64xf32, #tpu.memory_space<vmem>>) target(%dma_start3A_159 : memref<112x64xf32, #tpu.memory_space<vmem_shared>>) target_semaphore(%run_scoped3A : memref<!tpu.dma_semaphore, #tpu.memory_space<semaphore_mem>>)
        %dma_wait3A_163 = arith.constant 0 : i32
        %dma_wait3A_164 = arith.constant 0 : i32
        %dma_wait3A_165 = tpu.memref_slice %arg21[%dma_wait3A_163, %dma_wait3A_164] : memref<128x64xf32, #tpu.memory_space<vmem>> -> memref<112x64xf32, #tpu.memory_space<vmem>>
        %dma_wait3A_166 = arith.constant 0 : i32
        %dma_wait3A_167 = tpu.memref_slice %arg37[%add3A_150, %dma_wait3A_166] : memref<25104x64xf32, #tpu.memory_space<vmem_shared>> -> memref<112x64xf32, #tpu.memory_space<vmem_shared>>
        %dma_wait3A_168 = arith.constant 0 : i32
        %dma_wait3A_169 = tpu.memref_slice %arg37[%add3A_150, %dma_wait3A_168] : memref<25104x64xf32, #tpu.memory_space<vmem_shared>> -> memref<112x64xf32, #tpu.memory_space<vmem_shared>>
        %dma_wait3A_170 = arith.constant 0 : i32
        %dma_wait3A_171 = arith.constant 0 : i32
        %dma_wait3A_172 = tpu.memref_slice %arg21[%dma_wait3A_170, %dma_wait3A_171] : memref<128x64xf32, #tpu.memory_space<vmem>> -> memref<112x64xf32, #tpu.memory_space<vmem>>
        tpu.wait_dma2 semaphore(%run_scoped3A : memref<!tpu.dma_semaphore, #tpu.memory_space<semaphore_mem>>) src(%dma_wait3A_172 : memref<112x64xf32, #tpu.memory_space<vmem>>) dst(%dma_wait3A_169 : memref<112x64xf32, #tpu.memory_space<vmem_shared>>)
        tpu.yield
      }) : () -> ()
      %scan3A_152 = arith.constant 0 : i32
      scf.yield %scan3A_152 : i32
    }
    %scan3A_10 = arith.constant 14 : i32
    %barrier3A = arith.constant 0 : index
    tpu.barrier barrier_id(%barrier3A)
    %mul3A_11 = arith.constant 50000 : i32
    %mul3A_12 = arith.muli %arg1, %mul3A_11 : i32
    %add3A_13 = arith.constant 0 : i32
    %add3A_14 = arith.addi %mul3A_12, %add3A_13 : i32
    %dma_start3A = tpu.memref_slice %arg5[%add3A_14] : memref<800000xi32, #tpu.memory_space<hbm>> -> memref<128xi32, #tpu.memory_space<hbm>>
    %dma_start3A_15 = tpu.memref_slice %arg5[%add3A_14] : memref<800000xi32, #tpu.memory_space<hbm>> -> memref<128xi32, #tpu.memory_space<hbm>>
    tpu.enqueue_dma source(%dma_start3A_15 : memref<128xi32, #tpu.memory_space<hbm>>) target(%arg9 : memref<128xi32, #tpu.memory_space<vmem>>) target_semaphore(%arg28 : memref<!tpu.dma_semaphore, #tpu.memory_space<semaphore_mem>>)
    %dma_start3A_16 = tpu.memref_slice %arg6[%add3A_14] : memref<800000xi32, #tpu.memory_space<hbm>> -> memref<128xi32, #tpu.memory_space<hbm>>
    %dma_start3A_17 = tpu.memref_slice %arg6[%add3A_14] : memref<800000xi32, #tpu.memory_space<hbm>> -> memref<128xi32, #tpu.memory_space<hbm>>
    tpu.enqueue_dma source(%dma_start3A_17 : memref<128xi32, #tpu.memory_space<hbm>>) target(%arg12 : memref<128xi32, #tpu.memory_space<vmem>>) target_semaphore(%arg28 : memref<!tpu.dma_semaphore, #tpu.memory_space<semaphore_mem>>)
    %dma_wait3A = arith.constant 0 : i32
    %dma_wait3A_18 = tpu.memref_slice %arg5[%dma_wait3A] : memref<800000xi32, #tpu.memory_space<hbm>> -> memref<128xi32, #tpu.memory_space<hbm>>
    %dma_wait3A_19 = arith.constant 0 : i32
    %dma_wait3A_20 = tpu.memref_slice %arg5[%dma_wait3A_19] : memref<800000xi32, #tpu.memory_space<hbm>> -> memref<128xi32, #tpu.memory_space<hbm>>
    tpu.wait_dma2 semaphore(%arg28 : memref<!tpu.dma_semaphore, #tpu.memory_space<semaphore_mem>>) src(%dma_wait3A_20 : memref<128xi32, #tpu.memory_space<hbm>>) dst(%arg9 : memref<128xi32, #tpu.memory_space<vmem>>)
    %dma_wait3A_21 = arith.constant 0 : i32
    %dma_wait3A_22 = tpu.memref_slice %arg6[%dma_wait3A_21] : memref<800000xi32, #tpu.memory_space<hbm>> -> memref<128xi32, #tpu.memory_space<hbm>>
    %dma_wait3A_23 = arith.constant 0 : i32
    %dma_wait3A_24 = tpu.memref_slice %arg6[%dma_wait3A_23] : memref<800000xi32, #tpu.memory_space<hbm>> -> memref<128xi32, #tpu.memory_space<hbm>>
    tpu.wait_dma2 semaphore(%arg28 : memref<!tpu.dma_semaphore, #tpu.memory_space<semaphore_mem>>) src(%dma_wait3A_24 : memref<128xi32, #tpu.memory_space<hbm>>) dst(%arg12 : memref<128xi32, #tpu.memory_space<vmem>>)
    %dma_start3A_25 = arith.constant 0 : i32
    %dma_start3A_26 = arith.constant 0 : i32
    %dma_start3A_27 = tpu.memref_slice %arg2[%dma_start3A_25, %dma_start3A_26] : memref<50176x64xf32, #tpu.memory_space<hbm>> -> memref<50176x64xf32, #tpu.memory_space<hbm>>
    tpu.enqueue_indirect_dma source(%dma_start3A_27 : memref<50176x64xf32, #tpu.memory_space<hbm>>) target(%arg21 : memref<128x64xf32, #tpu.memory_space<vmem>>) offsets(%arg9 : memref<128xi32, #tpu.memory_space<vmem>>) semaphore(%arg31 : memref<!tpu.dma_semaphore, #tpu.memory_space<semaphore_mem>>)
    %add3A_28 = arith.constant 128 : i32
    %add3A_29 = arith.addi %mul3A_12, %add3A_28 : i32
    %dma_start3A_30 = tpu.memref_slice %arg5[%add3A_29] : memref<800000xi32, #tpu.memory_space<hbm>> -> memref<128xi32, #tpu.memory_space<hbm>>
    %dma_start3A_31 = tpu.memref_slice %arg5[%add3A_29] : memref<800000xi32, #tpu.memory_space<hbm>> -> memref<128xi32, #tpu.memory_space<hbm>>
    tpu.enqueue_dma source(%dma_start3A_31 : memref<128xi32, #tpu.memory_space<hbm>>) target(%arg10 : memref<128xi32, #tpu.memory_space<vmem>>) target_semaphore(%arg29 : memref<!tpu.dma_semaphore, #tpu.memory_space<semaphore_mem>>)
    %dma_start3A_32 = tpu.memref_slice %arg6[%add3A_29] : memref<800000xi32, #tpu.memory_space<hbm>> -> memref<128xi32, #tpu.memory_space<hbm>>
    %dma_start3A_33 = tpu.memref_slice %arg6[%add3A_29] : memref<800000xi32, #tpu.memory_space<hbm>> -> memref<128xi32, #tpu.memory_space<hbm>>
    tpu.enqueue_dma source(%dma_start3A_33 : memref<128xi32, #tpu.memory_space<hbm>>) target(%arg13 : memref<128xi32, #tpu.memory_space<vmem>>) target_semaphore(%arg29 : memref<!tpu.dma_semaphore, #tpu.memory_space<semaphore_mem>>)
    %add3A_34 = arith.constant 256 : i32
    %add3A_35 = arith.addi %mul3A_12, %add3A_34 : i32
    %dma_start3A_36 = tpu.memref_slice %arg5[%add3A_35] : memref<800000xi32, #tpu.memory_space<hbm>> -> memref<128xi32, #tpu.memory_space<hbm>>
    %dma_start3A_37 = tpu.memref_slice %arg5[%add3A_35] : memref<800000xi32, #tpu.memory_space<hbm>> -> memref<128xi32, #tpu.memory_space<hbm>>
    tpu.enqueue_dma source(%dma_start3A_37 : memref<128xi32, #tpu.memory_space<hbm>>) target(%arg11 : memref<128xi32, #tpu.memory_space<vmem>>) target_semaphore(%arg30 : memref<!tpu.dma_semaphore, #tpu.memory_space<semaphore_mem>>)
    %dma_start3A_38 = tpu.memref_slice %arg6[%add3A_35] : memref<800000xi32, #tpu.memory_space<hbm>> -> memref<128xi32, #tpu.memory_space<hbm>>
    %dma_start3A_39 = tpu.memref_slice %arg6[%add3A_35] : memref<800000xi32, #tpu.memory_space<hbm>> -> memref<128xi32, #tpu.memory_space<hbm>>
    tpu.enqueue_dma source(%dma_start3A_39 : memref<128xi32, #tpu.memory_space<hbm>>) target(%arg14 : memref<128xi32, #tpu.memory_space<vmem>>) target_semaphore(%arg30 : memref<!tpu.dma_semaphore, #tpu.memory_space<semaphore_mem>>)
    %scan3A_40 = arith.constant 0 : i32
    %scan3A_41 = arith.constant 0 : i32
    %scan3A_42 = arith.constant 130 : i32
    %scan3A_43 = arith.addi %scan3A_41, %scan3A_42 : i32
    %scan3A_44 = arith.constant 1 : i32
    %scan3A_45 = scf.for %scan3A_146 = %scan3A_41 to %scan3A_43 step %scan3A_44 iter_args(%scan3A_147 = %scan3A_40) -> (i32)  : i32 {
      %mul3A_148 = arith.constant 3 : i32
      %mul3A_149 = arith.muli %mul3A_148, %scan3A_146 : i32
      %add3A_150 = arith.constant 0 : i32
      %add3A_151 = arith.addi %mul3A_149, %add3A_150 : i32
      %ge3A_152 = arith.constant 2 : i32
      %ge3A_153 = arith.cmpi sge, %add3A_151, %ge3A_152 : i32
      %convert_element_type3A = arith.extui %ge3A_153 : i1 to i32
      %cond3A = arith.constant 0 : i32
      %cond3A_154 = arith.cmpi ne, %convert_element_type3A, %cond3A : i32
      scf.if %cond3A_154 {
        %dma_wait3A_618 = arith.constant 0 : i32
        %dma_wait3A_619 = arith.constant 0 : i32
        %dma_wait3A_620 = tpu.memref_slice %arg37[%dma_wait3A_618, %dma_wait3A_619] : memref<25104x64xf32, #tpu.memory_space<vmem_shared>> -> memref<25104x64xf32, #tpu.memory_space<vmem_shared>>
        tpu.wait_indirect_dma semaphore(%arg35 : memref<!tpu.dma_semaphore, #tpu.memory_space<semaphore_mem>>) src(%arg22 : memref<128x64xf32, #tpu.memory_space<vmem>>) dst(%dma_wait3A_620 : memref<25104x64xf32, #tpu.memory_space<vmem_shared>>)
      } else {
      }
      %add3A_155 = arith.constant 1 : i32
      %add3A_156 = arith.addi %add3A_151, %add3A_155 : i32
      %lt3A_157 = arith.constant 390 : i32
      %lt3A_158 = arith.cmpi slt, %add3A_156, %lt3A_157 : i32
      %convert_element_type3A_159 = arith.extui %lt3A_158 : i1 to i32
      %cond3A_160 = arith.constant 0 : i32
      %cond3A_161 = arith.cmpi ne, %convert_element_type3A_159, %cond3A_160 : i32
      scf.if %cond3A_161 {
        %dma_wait3A_618 = arith.constant 0 : i32
        %dma_wait3A_619 = tpu.memref_slice %arg5[%dma_wait3A_618] : memref<800000xi32, #tpu.memory_space<hbm>> -> memref<128xi32, #tpu.memory_space<hbm>>
        %dma_wait3A_620 = arith.constant 0 : i32
        %dma_wait3A_621 = tpu.memref_slice %arg5[%dma_wait3A_620] : memref<800000xi32, #tpu.memory_space<hbm>> -> memref<128xi32, #tpu.memory_space<hbm>>
        tpu.wait_dma2 semaphore(%arg29 : memref<!tpu.dma_semaphore, #tpu.memory_space<semaphore_mem>>) src(%dma_wait3A_621 : memref<128xi32, #tpu.memory_space<hbm>>) dst(%arg10 : memref<128xi32, #tpu.memory_space<vmem>>)
        %dma_wait3A_622 = arith.constant 0 : i32
        %dma_wait3A_623 = tpu.memref_slice %arg6[%dma_wait3A_622] : memref<800000xi32, #tpu.memory_space<hbm>> -> memref<128xi32, #tpu.memory_space<hbm>>
        %dma_wait3A_624 = arith.constant 0 : i32
        %dma_wait3A_625 = tpu.memref_slice %arg6[%dma_wait3A_624] : memref<800000xi32, #tpu.memory_space<hbm>> -> memref<128xi32, #tpu.memory_space<hbm>>
        tpu.wait_dma2 semaphore(%arg29 : memref<!tpu.dma_semaphore, #tpu.memory_space<semaphore_mem>>) src(%dma_wait3A_625 : memref<128xi32, #tpu.memory_space<hbm>>) dst(%arg13 : memref<128xi32, #tpu.memory_space<vmem>>)
        %dma_start3A_626 = arith.constant 0 : i32
        %dma_start3A_627 = arith.constant 0 : i32
        %dma_start3A_628 = tpu.memref_slice %arg2[%dma_start3A_626, %dma_start3A_627] : memref<50176x64xf32, #tpu.memory_space<hbm>> -> memref<50176x64xf32, #tpu.memory_space<hbm>>
        tpu.enqueue_indirect_dma source(%dma_start3A_628 : memref<50176x64xf32, #tpu.memory_space<hbm>>) target(%arg22 : memref<128x64xf32, #tpu.memory_space<vmem>>) offsets(%arg10 : memref<128xi32, #tpu.memory_space<vmem>>) semaphore(%arg32 : memref<!tpu.dma_semaphore, #tpu.memory_space<semaphore_mem>>)
      } else {
      }
      %get3A_162 = arith.constant 0 : index
      %get3A_163 = tpu.vector_load %arg12[%get3A_162] {strides = array<i32>} : memref<128xi32, #tpu.memory_space<vmem>>, vector<16xi32>,
      %sub3A_164 = vector.broadcast %mul3A_2 : i32 to vector<16xi32>
      %sub3A_165 = arith.subi %get3A_163, %sub3A_164 : vector<16xi32>
      %ge3A_166 = arith.constant 0 : i32
      %ge3A_167 = vector.broadcast %ge3A_166 : i32 to vector<16xi32>
      %ge3A_168 = arith.cmpi sge, %sub3A_165, %ge3A_167 : vector<16xi32>
      %lt3A_169 = arith.constant 25088 : i32
      %lt3A_170 = vector.broadcast %lt3A_169 : i32 to vector<16xi32>
      %lt3A_171 = arith.cmpi slt, %sub3A_165, %lt3A_170 : vector<16xi32>
      %and3A_172 = arith.andi %ge3A_168, %lt3A_171 : vector<16xi1>
      %jit3A_173 = arith.constant 25088 : i32
      %broadcast_in_dim3A_174 = vector.broadcast %jit3A_173 : i32 to vector<16xi32>
      %select_n3A_175 = arith.select %and3A_172, %sub3A_165, %broadcast_in_dim3A_174 : vector<16xi1>, vector<16xi32>
      %swap3A_176 = arith.constant 0 : index
      %swap3A_177 = tpu.vector_load %arg15[%swap3A_176] {strides = array<i32>} : memref<128xi32, #tpu.memory_space<vmem>>, vector<16xi32>,
      tpu.vector_store %arg15[%swap3A_176], %select_n3A_175 {strides = array<i32>} : memref<128xi32, #tpu.memory_space<vmem>>, vector<16xi32>,
      %get3A_178 = arith.constant 16 : index
      %get3A_179 = tpu.vector_load %arg12[%get3A_178] {strides = array<i32>} : memref<128xi32, #tpu.memory_space<vmem>>, vector<16xi32>,
      %sub3A_180 = vector.broadcast %mul3A_2 : i32 to vector<16xi32>
      %sub3A_181 = arith.subi %get3A_179, %sub3A_180 : vector<16xi32>
      %ge3A_182 = arith.constant 0 : i32
      %ge3A_183 = vector.broadcast %ge3A_182 : i32 to vector<16xi32>
      %ge3A_184 = arith.cmpi sge, %sub3A_181, %ge3A_183 : vector<16xi32>
      %lt3A_185 = arith.constant 25088 : i32
      %lt3A_186 = vector.broadcast %lt3A_185 : i32 to vector<16xi32>
      %lt3A_187 = arith.cmpi slt, %sub3A_181, %lt3A_186 : vector<16xi32>
      %and3A_188 = arith.andi %ge3A_184, %lt3A_187 : vector<16xi1>
      %jit3A_189 = arith.constant 25088 : i32
      %broadcast_in_dim3A_190 = vector.broadcast %jit3A_189 : i32 to vector<16xi32>
      %select_n3A_191 = arith.select %and3A_188, %sub3A_181, %broadcast_in_dim3A_190 : vector<16xi1>, vector<16xi32>
      %swap3A_192 = arith.constant 16 : index
      %swap3A_193 = tpu.vector_load %arg15[%swap3A_192] {strides = array<i32>} : memref<128xi32, #tpu.memory_space<vmem>>, vector<16xi32>,
      tpu.vector_store %arg15[%swap3A_192], %select_n3A_191 {strides = array<i32>} : memref<128xi32, #tpu.memory_space<vmem>>, vector<16xi32>,
      %get3A_194 = arith.constant 32 : index
      %get3A_195 = tpu.vector_load %arg12[%get3A_194] {strides = array<i32>} : memref<128xi32, #tpu.memory_space<vmem>>, vector<16xi32>,
      %sub3A_196 = vector.broadcast %mul3A_2 : i32 to vector<16xi32>
      %sub3A_197 = arith.subi %get3A_195, %sub3A_196 : vector<16xi32>
      %ge3A_198 = arith.constant 0 : i32
      %ge3A_199 = vector.broadcast %ge3A_198 : i32 to vector<16xi32>
      %ge3A_200 = arith.cmpi sge, %sub3A_197, %ge3A_199 : vector<16xi32>
      %lt3A_201 = arith.constant 25088 : i32
      %lt3A_202 = vector.broadcast %lt3A_201 : i32 to vector<16xi32>
      %lt3A_203 = arith.cmpi slt, %sub3A_197, %lt3A_202 : vector<16xi32>
      %and3A_204 = arith.andi %ge3A_200, %lt3A_203 : vector<16xi1>
      %jit3A_205 = arith.constant 25088 : i32
      %broadcast_in_dim3A_206 = vector.broadcast %jit3A_205 : i32 to vector<16xi32>
      %select_n3A_207 = arith.select %and3A_204, %sub3A_197, %broadcast_in_dim3A_206 : vector<16xi1>, vector<16xi32>
      %swap3A_208 = arith.constant 32 : index
      %swap3A_209 = tpu.vector_load %arg15[%swap3A_208] {strides = array<i32>} : memref<128xi32, #tpu.memory_space<vmem>>, vector<16xi32>,
      tpu.vector_store %arg15[%swap3A_208], %select_n3A_207 {strides = array<i32>} : memref<128xi32, #tpu.memory_space<vmem>>, vector<16xi32>,
      %get3A_210 = arith.constant 48 : index
      %get3A_211 = tpu.vector_load %arg12[%get3A_210] {strides = array<i32>} : memref<128xi32, #tpu.memory_space<vmem>>, vector<16xi32>,
      %sub3A_212 = vector.broadcast %mul3A_2 : i32 to vector<16xi32>
      %sub3A_213 = arith.subi %get3A_211, %sub3A_212 : vector<16xi32>
      %ge3A_214 = arith.constant 0 : i32
      %ge3A_215 = vector.broadcast %ge3A_214 : i32 to vector<16xi32>
      %ge3A_216 = arith.cmpi sge, %sub3A_213, %ge3A_215 : vector<16xi32>
      %lt3A_217 = arith.constant 25088 : i32
      %lt3A_218 = vector.broadcast %lt3A_217 : i32 to vector<16xi32>
      %lt3A_219 = arith.cmpi slt, %sub3A_213, %lt3A_218 : vector<16xi32>
      %and3A_220 = arith.andi %ge3A_216, %lt3A_219 : vector<16xi1>
      %jit3A_221 = arith.constant 25088 : i32
      %broadcast_in_dim3A_222 = vector.broadcast %jit3A_221 : i32 to vector<16xi32>
      %select_n3A_223 = arith.select %and3A_220, %sub3A_213, %broadcast_in_dim3A_222 : vector<16xi1>, vector<16xi32>
      %swap3A_224 = arith.constant 48 : index
      %swap3A_225 = tpu.vector_load %arg15[%swap3A_224] {strides = array<i32>} : memref<128xi32, #tpu.memory_space<vmem>>, vector<16xi32>,
      tpu.vector_store %arg15[%swap3A_224], %select_n3A_223 {strides = array<i32>} : memref<128xi32, #tpu.memory_space<vmem>>, vector<16xi32>,
      %get3A_226 = arith.constant 64 : index
      %get3A_227 = tpu.vector_load %arg12[%get3A_226] {strides = array<i32>} : memref<128xi32, #tpu.memory_space<vmem>>, vector<16xi32>,
      %sub3A_228 = vector.broadcast %mul3A_2 : i32 to vector<16xi32>
      %sub3A_229 = arith.subi %get3A_227, %sub3A_228 : vector<16xi32>
      %ge3A_230 = arith.constant 0 : i32
      %ge3A_231 = vector.broadcast %ge3A_230 : i32 to vector<16xi32>
      %ge3A_232 = arith.cmpi sge, %sub3A_229, %ge3A_231 : vector<16xi32>
      %lt3A_233 = arith.constant 25088 : i32
      %lt3A_234 = vector.broadcast %lt3A_233 : i32 to vector<16xi32>
      %lt3A_235 = arith.cmpi slt, %sub3A_229, %lt3A_234 : vector<16xi32>
      %and3A_236 = arith.andi %ge3A_232, %lt3A_235 : vector<16xi1>
      %jit3A_237 = arith.constant 25088 : i32
      %broadcast_in_dim3A_238 = vector.broadcast %jit3A_237 : i32 to vector<16xi32>
      %select_n3A_239 = arith.select %and3A_236, %sub3A_229, %broadcast_in_dim3A_238 : vector<16xi1>, vector<16xi32>
      %swap3A_240 = arith.constant 64 : index
      %swap3A_241 = tpu.vector_load %arg15[%swap3A_240] {strides = array<i32>} : memref<128xi32, #tpu.memory_space<vmem>>, vector<16xi32>,
      tpu.vector_store %arg15[%swap3A_240], %select_n3A_239 {strides = array<i32>} : memref<128xi32, #tpu.memory_space<vmem>>, vector<16xi32>,
      %get3A_242 = arith.constant 80 : index
      %get3A_243 = tpu.vector_load %arg12[%get3A_242] {strides = array<i32>} : memref<128xi32, #tpu.memory_space<vmem>>, vector<16xi32>,
      %sub3A_244 = vector.broadcast %mul3A_2 : i32 to vector<16xi32>
      %sub3A_245 = arith.subi %get3A_243, %sub3A_244 : vector<16xi32>
      %ge3A_246 = arith.constant 0 : i32
      %ge3A_247 = vector.broadcast %ge3A_246 : i32 to vector<16xi32>
      %ge3A_248 = arith.cmpi sge, %sub3A_245, %ge3A_247 : vector<16xi32>
      %lt3A_249 = arith.constant 25088 : i32
      %lt3A_250 = vector.broadcast %lt3A_249 : i32 to vector<16xi32>
      %lt3A_251 = arith.cmpi slt, %sub3A_245, %lt3A_250 : vector<16xi32>
      %and3A_252 = arith.andi %ge3A_248, %lt3A_251 : vector<16xi1>
      %jit3A_253 = arith.constant 25088 : i32
      %broadcast_in_dim3A_254 = vector.broadcast %jit3A_253 : i32 to vector<16xi32>
      %select_n3A_255 = arith.select %and3A_252, %sub3A_245, %broadcast_in_dim3A_254 : vector<16xi1>, vector<16xi32>
      %swap3A_256 = arith.constant 80 : index
      %swap3A_257 = tpu.vector_load %arg15[%swap3A_256] {strides = array<i32>} : memref<128xi32, #tpu.memory_space<vmem>>, vector<16xi32>,
      tpu.vector_store %arg15[%swap3A_256], %select_n3A_255 {strides = array<i32>} : memref<128xi32, #tpu.memory_space<vmem>>, vector<16xi32>,
      %get3A_258 = arith.constant 96 : index
      %get3A_259 = tpu.vector_load %arg12[%get3A_258] {strides = array<i32>} : memref<128xi32, #tpu.memory_space<vmem>>, vector<16xi32>,
      %sub3A_260 = vector.broadcast %mul3A_2 : i32 to vector<16xi32>
      %sub3A_261 = arith.subi %get3A_259, %sub3A_260 : vector<16xi32>
      %ge3A_262 = arith.constant 0 : i32
      %ge3A_263 = vector.broadcast %ge3A_262 : i32 to vector<16xi32>
      %ge3A_264 = arith.cmpi sge, %sub3A_261, %ge3A_263 : vector<16xi32>
      %lt3A_265 = arith.constant 25088 : i32
      %lt3A_266 = vector.broadcast %lt3A_265 : i32 to vector<16xi32>
      %lt3A_267 = arith.cmpi slt, %sub3A_261, %lt3A_266 : vector<16xi32>
      %and3A_268 = arith.andi %ge3A_264, %lt3A_267 : vector<16xi1>
      %jit3A_269 = arith.constant 25088 : i32
      %broadcast_in_dim3A_270 = vector.broadcast %jit3A_269 : i32 to vector<16xi32>
      %select_n3A_271 = arith.select %and3A_268, %sub3A_261, %broadcast_in_dim3A_270 : vector<16xi1>, vector<16xi32>
      %swap3A_272 = arith.constant 96 : index
      %swap3A_273 = tpu.vector_load %arg15[%swap3A_272] {strides = array<i32>} : memref<128xi32, #tpu.memory_space<vmem>>, vector<16xi32>,
      tpu.vector_store %arg15[%swap3A_272], %select_n3A_271 {strides = array<i32>} : memref<128xi32, #tpu.memory_space<vmem>>, vector<16xi32>,
      %get3A_274 = arith.constant 112 : index
      %get3A_275 = tpu.vector_load %arg12[%get3A_274] {strides = array<i32>} : memref<128xi32, #tpu.memory_space<vmem>>, vector<16xi32>,
      %sub3A_276 = vector.broadcast %mul3A_2 : i32 to vector<16xi32>
      %sub3A_277 = arith.subi %get3A_275, %sub3A_276 : vector<16xi32>
      %ge3A_278 = arith.constant 0 : i32
      %ge3A_279 = vector.broadcast %ge3A_278 : i32 to vector<16xi32>
      %ge3A_280 = arith.cmpi sge, %sub3A_277, %ge3A_279 : vector<16xi32>
      %lt3A_281 = arith.constant 25088 : i32
      %lt3A_282 = vector.broadcast %lt3A_281 : i32 to vector<16xi32>
      %lt3A_283 = arith.cmpi slt, %sub3A_277, %lt3A_282 : vector<16xi32>
      %and3A_284 = arith.andi %ge3A_280, %lt3A_283 : vector<16xi1>
      %jit3A_285 = arith.constant 25088 : i32
      %broadcast_in_dim3A_286 = vector.broadcast %jit3A_285 : i32 to vector<16xi32>
      %select_n3A_287 = arith.select %and3A_284, %sub3A_277, %broadcast_in_dim3A_286 : vector<16xi1>, vector<16xi32>
      %swap3A_288 = arith.constant 112 : index
      %swap3A_289 = tpu.vector_load %arg15[%swap3A_288] {strides = array<i32>} : memref<128xi32, #tpu.memory_space<vmem>>, vector<16xi32>,
      tpu.vector_store %arg15[%swap3A_288], %select_n3A_287 {strides = array<i32>} : memref<128xi32, #tpu.memory_space<vmem>>, vector<16xi32>,
      %dma_wait3A_290 = arith.constant 0 : i32
      %dma_wait3A_291 = arith.constant 0 : i32
      %dma_wait3A_292 = tpu.memref_slice %arg2[%dma_wait3A_290, %dma_wait3A_291] : memref<50176x64xf32, #tpu.memory_space<hbm>> -> memref<50176x64xf32, #tpu.memory_space<hbm>>
      tpu.wait_indirect_dma semaphore(%arg31 : memref<!tpu.dma_semaphore, #tpu.memory_space<semaphore_mem>>) src(%dma_wait3A_292 : memref<50176x64xf32, #tpu.memory_space<hbm>>) dst(%arg21 : memref<128x64xf32, #tpu.memory_space<vmem>>)
      %add3A_293 = arith.constant 3 : i32
      %add3A_294 = arith.addi %add3A_151, %add3A_293 : i32
      %lt3A_295 = arith.constant 390 : i32
      %lt3A_296 = arith.cmpi slt, %add3A_294, %lt3A_295 : i32
      %convert_element_type3A_297 = arith.extui %lt3A_296 : i1 to i32
      %cond3A_298 = arith.constant 0 : i32
      %cond3A_299 = arith.cmpi ne, %convert_element_type3A_297, %cond3A_298 : i32
      scf.if %cond3A_299 {
        %add3A_618 = arith.constant 3 : i32
        %add3A_619 = arith.addi %add3A_151, %add3A_618 : i32
        %mul3A_620 = arith.constant 128 : i32
        %mul3A_621 = arith.muli %add3A_619, %mul3A_620 : i32
        %add3A_622 = arith.addi %mul3A_12, %mul3A_621 : i32
        %dma_start3A_623 = tpu.memref_slice %arg5[%add3A_622] : memref<800000xi32, #tpu.memory_space<hbm>> -> memref<128xi32, #tpu.memory_space<hbm>>
        %dma_start3A_624 = tpu.memref_slice %arg5[%add3A_622] : memref<800000xi32, #tpu.memory_space<hbm>> -> memref<128xi32, #tpu.memory_space<hbm>>
        tpu.enqueue_dma source(%dma_start3A_624 : memref<128xi32, #tpu.memory_space<hbm>>) target(%arg9 : memref<128xi32, #tpu.memory_space<vmem>>) target_semaphore(%arg28 : memref<!tpu.dma_semaphore, #tpu.memory_space<semaphore_mem>>)
        %dma_start3A_625 = tpu.memref_slice %arg6[%add3A_622] : memref<800000xi32, #tpu.memory_space<hbm>> -> memref<128xi32, #tpu.memory_space<hbm>>
        %dma_start3A_626 = tpu.memref_slice %arg6[%add3A_622] : memref<800000xi32, #tpu.memory_space<hbm>> -> memref<128xi32, #tpu.memory_space<hbm>>
        tpu.enqueue_dma source(%dma_start3A_626 : memref<128xi32, #tpu.memory_space<hbm>>) target(%arg12 : memref<128xi32, #tpu.memory_space<vmem>>) target_semaphore(%arg28 : memref<!tpu.dma_semaphore, #tpu.memory_space<semaphore_mem>>)
      } else {
      }
      %dma_start3A_300 = arith.constant 0 : i32
      %dma_start3A_301 = arith.constant 0 : i32
      %dma_start3A_302 = tpu.memref_slice %arg37[%dma_start3A_300, %dma_start3A_301] : memref<25104x64xf32, #tpu.memory_space<vmem_shared>> -> memref<25104x64xf32, #tpu.memory_space<vmem_shared>>
      tpu.enqueue_indirect_dma source(%arg21 : memref<128x64xf32, #tpu.memory_space<vmem>>) target(%dma_start3A_302 : memref<25104x64xf32, #tpu.memory_space<vmem_shared>>) offsets(%arg15 : memref<128xi32, #tpu.memory_space<vmem>>) semaphore(%arg34 : memref<!tpu.dma_semaphore, #tpu.memory_space<semaphore_mem>>) {add = true}
      %mul3A_303 = arith.constant 3 : i32
      %mul3A_304 = arith.muli %mul3A_303, %scan3A_146 : i32
      %add3A_305 = arith.constant 1 : i32
      %add3A_306 = arith.addi %mul3A_304, %add3A_305 : i32
      %ge3A_307 = arith.constant 2 : i32
      %ge3A_308 = arith.cmpi sge, %add3A_306, %ge3A_307 : i32
      %convert_element_type3A_309 = arith.extui %ge3A_308 : i1 to i32
      %cond3A_310 = arith.constant 0 : i32
      %cond3A_311 = arith.cmpi ne, %convert_element_type3A_309, %cond3A_310 : i32
      scf.if %cond3A_311 {
        %dma_wait3A_618 = arith.constant 0 : i32
        %dma_wait3A_619 = arith.constant 0 : i32
        %dma_wait3A_620 = tpu.memref_slice %arg37[%dma_wait3A_618, %dma_wait3A_619] : memref<25104x64xf32, #tpu.memory_space<vmem_shared>> -> memref<25104x64xf32, #tpu.memory_space<vmem_shared>>
        tpu.wait_indirect_dma semaphore(%arg36 : memref<!tpu.dma_semaphore, #tpu.memory_space<semaphore_mem>>) src(%arg23 : memref<128x64xf32, #tpu.memory_space<vmem>>) dst(%dma_wait3A_620 : memref<25104x64xf32, #tpu.memory_space<vmem_shared>>)
      } else {
      }
      %add3A_312 = arith.constant 1 : i32
      %add3A_313 = arith.addi %add3A_306, %add3A_312 : i32
      %lt3A_314 = arith.constant 390 : i32
      %lt3A_315 = arith.cmpi slt, %add3A_313, %lt3A_314 : i32
      %convert_element_type3A_316 = arith.extui %lt3A_315 : i1 to i32
      %cond3A_317 = arith.constant 0 : i32
      %cond3A_318 = arith.cmpi ne, %convert_element_type3A_316, %cond3A_317 : i32
      scf.if %cond3A_318 {
        %dma_wait3A_618 = arith.constant 0 : i32
        %dma_wait3A_619 = tpu.memref_slice %arg5[%dma_wait3A_618] : memref<800000xi32, #tpu.memory_space<hbm>> -> memref<128xi32, #tpu.memory_space<hbm>>
        %dma_wait3A_620 = arith.constant 0 : i32
        %dma_wait3A_621 = tpu.memref_slice %arg5[%dma_wait3A_620] : memref<800000xi32, #tpu.memory_space<hbm>> -> memref<128xi32, #tpu.memory_space<hbm>>
        tpu.wait_dma2 semaphore(%arg30 : memref<!tpu.dma_semaphore, #tpu.memory_space<semaphore_mem>>) src(%dma_wait3A_621 : memref<128xi32, #tpu.memory_space<hbm>>) dst(%arg11 : memref<128xi32, #tpu.memory_space<vmem>>)
        %dma_wait3A_622 = arith.constant 0 : i32
        %dma_wait3A_623 = tpu.memref_slice %arg6[%dma_wait3A_622] : memref<800000xi32, #tpu.memory_space<hbm>> -> memref<128xi32, #tpu.memory_space<hbm>>
        %dma_wait3A_624 = arith.constant 0 : i32
        %dma_wait3A_625 = tpu.memref_slice %arg6[%dma_wait3A_624] : memref<800000xi32, #tpu.memory_space<hbm>> -> memref<128xi32, #tpu.memory_space<hbm>>
        tpu.wait_dma2 semaphore(%arg30 : memref<!tpu.dma_semaphore, #tpu.memory_space<semaphore_mem>>) src(%dma_wait3A_625 : memref<128xi32, #tpu.memory_space<hbm>>) dst(%arg14 : memref<128xi32, #tpu.memory_space<vmem>>)
        %dma_start3A_626 = arith.constant 0 : i32
        %dma_start3A_627 = arith.constant 0 : i32
        %dma_start3A_628 = tpu.memref_slice %arg2[%dma_start3A_626, %dma_start3A_627] : memref<50176x64xf32, #tpu.memory_space<hbm>> -> memref<50176x64xf32, #tpu.memory_space<hbm>>
        tpu.enqueue_indirect_dma source(%dma_start3A_628 : memref<50176x64xf32, #tpu.memory_space<hbm>>) target(%arg23 : memref<128x64xf32, #tpu.memory_space<vmem>>) offsets(%arg11 : memref<128xi32, #tpu.memory_space<vmem>>) semaphore(%arg33 : memref<!tpu.dma_semaphore, #tpu.memory_space<semaphore_mem>>)
      } else {
      }
      %get3A_319 = arith.constant 0 : index
      %get3A_320 = tpu.vector_load %arg13[%get3A_319] {strides = array<i32>} : memref<128xi32, #tpu.memory_space<vmem>>, vector<16xi32>,
      %sub3A_321 = vector.broadcast %mul3A_2 : i32 to vector<16xi32>
      %sub3A_322 = arith.subi %get3A_320, %sub3A_321 : vector<16xi32>
      %ge3A_323 = arith.constant 0 : i32
      %ge3A_324 = vector.broadcast %ge3A_323 : i32 to vector<16xi32>
      %ge3A_325 = arith.cmpi sge, %sub3A_322, %ge3A_324 : vector<16xi32>
      %lt3A_326 = arith.constant 25088 : i32
      %lt3A_327 = vector.broadcast %lt3A_326 : i32 to vector<16xi32>
      %lt3A_328 = arith.cmpi slt, %sub3A_322, %lt3A_327 : vector<16xi32>
      %and3A_329 = arith.andi %ge3A_325, %lt3A_328 : vector<16xi1>
      %jit3A_330 = arith.constant 25088 : i32
      %broadcast_in_dim3A_331 = vector.broadcast %jit3A_330 : i32 to vector<16xi32>
      %select_n3A_332 = arith.select %and3A_329, %sub3A_322, %broadcast_in_dim3A_331 : vector<16xi1>, vector<16xi32>
      %swap3A_333 = arith.constant 0 : index
      %swap3A_334 = tpu.vector_load %arg16[%swap3A_333] {strides = array<i32>} : memref<128xi32, #tpu.memory_space<vmem>>, vector<16xi32>,
      tpu.vector_store %arg16[%swap3A_333], %select_n3A_332 {strides = array<i32>} : memref<128xi32, #tpu.memory_space<vmem>>, vector<16xi32>,
      %get3A_335 = arith.constant 16 : index
      %get3A_336 = tpu.vector_load %arg13[%get3A_335] {strides = array<i32>} : memref<128xi32, #tpu.memory_space<vmem>>, vector<16xi32>,
      %sub3A_337 = vector.broadcast %mul3A_2 : i32 to vector<16xi32>
      %sub3A_338 = arith.subi %get3A_336, %sub3A_337 : vector<16xi32>
      %ge3A_339 = arith.constant 0 : i32
      %ge3A_340 = vector.broadcast %ge3A_339 : i32 to vector<16xi32>
      %ge3A_341 = arith.cmpi sge, %sub3A_338, %ge3A_340 : vector<16xi32>
      %lt3A_342 = arith.constant 25088 : i32
      %lt3A_343 = vector.broadcast %lt3A_342 : i32 to vector<16xi32>
      %lt3A_344 = arith.cmpi slt, %sub3A_338, %lt3A_343 : vector<16xi32>
      %and3A_345 = arith.andi %ge3A_341, %lt3A_344 : vector<16xi1>
      %jit3A_346 = arith.constant 25088 : i32
      %broadcast_in_dim3A_347 = vector.broadcast %jit3A_346 : i32 to vector<16xi32>
      %select_n3A_348 = arith.select %and3A_345, %sub3A_338, %broadcast_in_dim3A_347 : vector<16xi1>, vector<16xi32>
      %swap3A_349 = arith.constant 16 : index
      %swap3A_350 = tpu.vector_load %arg16[%swap3A_349] {strides = array<i32>} : memref<128xi32, #tpu.memory_space<vmem>>, vector<16xi32>,
      tpu.vector_store %arg16[%swap3A_349], %select_n3A_348 {strides = array<i32>} : memref<128xi32, #tpu.memory_space<vmem>>, vector<16xi32>,
      %get3A_351 = arith.constant 32 : index
      %get3A_352 = tpu.vector_load %arg13[%get3A_351] {strides = array<i32>} : memref<128xi32, #tpu.memory_space<vmem>>, vector<16xi32>,
      %sub3A_353 = vector.broadcast %mul3A_2 : i32 to vector<16xi32>
      %sub3A_354 = arith.subi %get3A_352, %sub3A_353 : vector<16xi32>
      %ge3A_355 = arith.constant 0 : i32
      %ge3A_356 = vector.broadcast %ge3A_355 : i32 to vector<16xi32>
      %ge3A_357 = arith.cmpi sge, %sub3A_354, %ge3A_356 : vector<16xi32>
      %lt3A_358 = arith.constant 25088 : i32
      %lt3A_359 = vector.broadcast %lt3A_358 : i32 to vector<16xi32>
      %lt3A_360 = arith.cmpi slt, %sub3A_354, %lt3A_359 : vector<16xi32>
      %and3A_361 = arith.andi %ge3A_357, %lt3A_360 : vector<16xi1>
      %jit3A_362 = arith.constant 25088 : i32
      %broadcast_in_dim3A_363 = vector.broadcast %jit3A_362 : i32 to vector<16xi32>
      %select_n3A_364 = arith.select %and3A_361, %sub3A_354, %broadcast_in_dim3A_363 : vector<16xi1>, vector<16xi32>
      %swap3A_365 = arith.constant 32 : index
      %swap3A_366 = tpu.vector_load %arg16[%swap3A_365] {strides = array<i32>} : memref<128xi32, #tpu.memory_space<vmem>>, vector<16xi32>,
      tpu.vector_store %arg16[%swap3A_365], %select_n3A_364 {strides = array<i32>} : memref<128xi32, #tpu.memory_space<vmem>>, vector<16xi32>,
      %get3A_367 = arith.constant 48 : index
      %get3A_368 = tpu.vector_load %arg13[%get3A_367] {strides = array<i32>} : memref<128xi32, #tpu.memory_space<vmem>>, vector<16xi32>,
      %sub3A_369 = vector.broadcast %mul3A_2 : i32 to vector<16xi32>
      %sub3A_370 = arith.subi %get3A_368, %sub3A_369 : vector<16xi32>
      %ge3A_371 = arith.constant 0 : i32
      %ge3A_372 = vector.broadcast %ge3A_371 : i32 to vector<16xi32>
      %ge3A_373 = arith.cmpi sge, %sub3A_370, %ge3A_372 : vector<16xi32>
      %lt3A_374 = arith.constant 25088 : i32
      %lt3A_375 = vector.broadcast %lt3A_374 : i32 to vector<16xi32>
      %lt3A_376 = arith.cmpi slt, %sub3A_370, %lt3A_375 : vector<16xi32>
      %and3A_377 = arith.andi %ge3A_373, %lt3A_376 : vector<16xi1>
      %jit3A_378 = arith.constant 25088 : i32
      %broadcast_in_dim3A_379 = vector.broadcast %jit3A_378 : i32 to vector<16xi32>
      %select_n3A_380 = arith.select %and3A_377, %sub3A_370, %broadcast_in_dim3A_379 : vector<16xi1>, vector<16xi32>
      %swap3A_381 = arith.constant 48 : index
      %swap3A_382 = tpu.vector_load %arg16[%swap3A_381] {strides = array<i32>} : memref<128xi32, #tpu.memory_space<vmem>>, vector<16xi32>,
      tpu.vector_store %arg16[%swap3A_381], %select_n3A_380 {strides = array<i32>} : memref<128xi32, #tpu.memory_space<vmem>>, vector<16xi32>,
      %get3A_383 = arith.constant 64 : index
      %get3A_384 = tpu.vector_load %arg13[%get3A_383] {strides = array<i32>} : memref<128xi32, #tpu.memory_space<vmem>>, vector<16xi32>,
      %sub3A_385 = vector.broadcast %mul3A_2 : i32 to vector<16xi32>
      %sub3A_386 = arith.subi %get3A_384, %sub3A_385 : vector<16xi32>
      %ge3A_387 = arith.constant 0 : i32
      %ge3A_388 = vector.broadcast %ge3A_387 : i32 to vector<16xi32>
      %ge3A_389 = arith.cmpi sge, %sub3A_386, %ge3A_388 : vector<16xi32>
      %lt3A_390 = arith.constant 25088 : i32
      %lt3A_391 = vector.broadcast %lt3A_390 : i32 to vector<16xi32>
      %lt3A_392 = arith.cmpi slt, %sub3A_386, %lt3A_391 : vector<16xi32>
      %and3A_393 = arith.andi %ge3A_389, %lt3A_392 : vector<16xi1>
      %jit3A_394 = arith.constant 25088 : i32
      %broadcast_in_dim3A_395 = vector.broadcast %jit3A_394 : i32 to vector<16xi32>
      %select_n3A_396 = arith.select %and3A_393, %sub3A_386, %broadcast_in_dim3A_395 : vector<16xi1>, vector<16xi32>
      %swap3A_397 = arith.constant 64 : index
      %swap3A_398 = tpu.vector_load %arg16[%swap3A_397] {strides = array<i32>} : memref<128xi32, #tpu.memory_space<vmem>>, vector<16xi32>,
      tpu.vector_store %arg16[%swap3A_397], %select_n3A_396 {strides = array<i32>} : memref<128xi32, #tpu.memory_space<vmem>>, vector<16xi32>,
      %get3A_399 = arith.constant 80 : index
      %get3A_400 = tpu.vector_load %arg13[%get3A_399] {strides = array<i32>} : memref<128xi32, #tpu.memory_space<vmem>>, vector<16xi32>,
      %sub3A_401 = vector.broadcast %mul3A_2 : i32 to vector<16xi32>
      %sub3A_402 = arith.subi %get3A_400, %sub3A_401 : vector<16xi32>
      %ge3A_403 = arith.constant 0 : i32
      %ge3A_404 = vector.broadcast %ge3A_403 : i32 to vector<16xi32>
      %ge3A_405 = arith.cmpi sge, %sub3A_402, %ge3A_404 : vector<16xi32>
      %lt3A_406 = arith.constant 25088 : i32
      %lt3A_407 = vector.broadcast %lt3A_406 : i32 to vector<16xi32>
      %lt3A_408 = arith.cmpi slt, %sub3A_402, %lt3A_407 : vector<16xi32>
      %and3A_409 = arith.andi %ge3A_405, %lt3A_408 : vector<16xi1>
      %jit3A_410 = arith.constant 25088 : i32
      %broadcast_in_dim3A_411 = vector.broadcast %jit3A_410 : i32 to vector<16xi32>
      %select_n3A_412 = arith.select %and3A_409, %sub3A_402, %broadcast_in_dim3A_411 : vector<16xi1>, vector<16xi32>
      %swap3A_413 = arith.constant 80 : index
      %swap3A_414 = tpu.vector_load %arg16[%swap3A_413] {strides = array<i32>} : memref<128xi32, #tpu.memory_space<vmem>>, vector<16xi32>,
      tpu.vector_store %arg16[%swap3A_413], %select_n3A_412 {strides = array<i32>} : memref<128xi32, #tpu.memory_space<vmem>>, vector<16xi32>,
      %get3A_415 = arith.constant 96 : index
      %get3A_416 = tpu.vector_load %arg13[%get3A_415] {strides = array<i32>} : memref<128xi32, #tpu.memory_space<vmem>>, vector<16xi32>,
      %sub3A_417 = vector.broadcast %mul3A_2 : i32 to vector<16xi32>
      %sub3A_418 = arith.subi %get3A_416, %sub3A_417 : vector<16xi32>
      %ge3A_419 = arith.constant 0 : i32
      %ge3A_420 = vector.broadcast %ge3A_419 : i32 to vector<16xi32>
      %ge3A_421 = arith.cmpi sge, %sub3A_418, %ge3A_420 : vector<16xi32>
      %lt3A_422 = arith.constant 25088 : i32
      %lt3A_423 = vector.broadcast %lt3A_422 : i32 to vector<16xi32>
      %lt3A_424 = arith.cmpi slt, %sub3A_418, %lt3A_423 : vector<16xi32>
      %and3A_425 = arith.andi %ge3A_421, %lt3A_424 : vector<16xi1>
      %jit3A_426 = arith.constant 25088 : i32
      %broadcast_in_dim3A_427 = vector.broadcast %jit3A_426 : i32 to vector<16xi32>
      %select_n3A_428 = arith.select %and3A_425, %sub3A_418, %broadcast_in_dim3A_427 : vector<16xi1>, vector<16xi32>
      %swap3A_429 = arith.constant 96 : index
      %swap3A_430 = tpu.vector_load %arg16[%swap3A_429] {strides = array<i32>} : memref<128xi32, #tpu.memory_space<vmem>>, vector<16xi32>,
      tpu.vector_store %arg16[%swap3A_429], %select_n3A_428 {strides = array<i32>} : memref<128xi32, #tpu.memory_space<vmem>>, vector<16xi32>,
      %get3A_431 = arith.constant 112 : index
      %get3A_432 = tpu.vector_load %arg13[%get3A_431] {strides = array<i32>} : memref<128xi32, #tpu.memory_space<vmem>>, vector<16xi32>,
      %sub3A_433 = vector.broadcast %mul3A_2 : i32 to vector<16xi32>
      %sub3A_434 = arith.subi %get3A_432, %sub3A_433 : vector<16xi32>
      %ge3A_435 = arith.constant 0 : i32
      %ge3A_436 = vector.broadcast %ge3A_435 : i32 to vector<16xi32>
      %ge3A_437 = arith.cmpi sge, %sub3A_434, %ge3A_436 : vector<16xi32>
      %lt3A_438 = arith.constant 25088 : i32
      %lt3A_439 = vector.broadcast %lt3A_438 : i32 to vector<16xi32>
      %lt3A_440 = arith.cmpi slt, %sub3A_434, %lt3A_439 : vector<16xi32>
      %and3A_441 = arith.andi %ge3A_437, %lt3A_440 : vector<16xi1>
      %jit3A_442 = arith.constant 25088 : i32
      %broadcast_in_dim3A_443 = vector.broadcast %jit3A_442 : i32 to vector<16xi32>
      %select_n3A_444 = arith.select %and3A_441, %sub3A_434, %broadcast_in_dim3A_443 : vector<16xi1>, vector<16xi32>
      %swap3A_445 = arith.constant 112 : index
      %swap3A_446 = tpu.vector_load %arg16[%swap3A_445] {strides = array<i32>} : memref<128xi32, #tpu.memory_space<vmem>>, vector<16xi32>,
      tpu.vector_store %arg16[%swap3A_445], %select_n3A_444 {strides = array<i32>} : memref<128xi32, #tpu.memory_space<vmem>>, vector<16xi32>,
      %dma_wait3A_447 = arith.constant 0 : i32
      %dma_wait3A_448 = arith.constant 0 : i32
      %dma_wait3A_449 = tpu.memref_slice %arg2[%dma_wait3A_447, %dma_wait3A_448] : memref<50176x64xf32, #tpu.memory_space<hbm>> -> memref<50176x64xf32, #tpu.memory_space<hbm>>
      tpu.wait_indirect_dma semaphore(%arg32 : memref<!tpu.dma_semaphore, #tpu.memory_space<semaphore_mem>>) src(%dma_wait3A_449 : memref<50176x64xf32, #tpu.memory_space<hbm>>) dst(%arg22 : memref<128x64xf32, #tpu.memory_space<vmem>>)
      %add3A_450 = arith.constant 3 : i32
      %add3A_451 = arith.addi %add3A_306, %add3A_450 : i32
      %lt3A_452 = arith.constant 390 : i32
      %lt3A_453 = arith.cmpi slt, %add3A_451, %lt3A_452 : i32
      %convert_element_type3A_454 = arith.extui %lt3A_453 : i1 to i32
      %cond3A_455 = arith.constant 0 : i32
      %cond3A_456 = arith.cmpi ne, %convert_element_type3A_454, %cond3A_455 : i32
      scf.if %cond3A_456 {
        %add3A_618 = arith.constant 3 : i32
        %add3A_619 = arith.addi %add3A_306, %add3A_618 : i32
        %mul3A_620 = arith.constant 128 : i32
        %mul3A_621 = arith.muli %add3A_619, %mul3A_620 : i32
        %add3A_622 = arith.addi %mul3A_12, %mul3A_621 : i32
        %dma_start3A_623 = tpu.memref_slice %arg5[%add3A_622] : memref<800000xi32, #tpu.memory_space<hbm>> -> memref<128xi32, #tpu.memory_space<hbm>>
        %dma_start3A_624 = tpu.memref_slice %arg5[%add3A_622] : memref<800000xi32, #tpu.memory_space<hbm>> -> memref<128xi32, #tpu.memory_space<hbm>>
        tpu.enqueue_dma source(%dma_start3A_624 : memref<128xi32, #tpu.memory_space<hbm>>) target(%arg10 : memref<128xi32, #tpu.memory_space<vmem>>) target_semaphore(%arg29 : memref<!tpu.dma_semaphore, #tpu.memory_space<semaphore_mem>>)
        %dma_start3A_625 = tpu.memref_slice %arg6[%add3A_622] : memref<800000xi32, #tpu.memory_space<hbm>> -> memref<128xi32, #tpu.memory_space<hbm>>
        %dma_start3A_626 = tpu.memref_slice %arg6[%add3A_622] : memref<800000xi32, #tpu.memory_space<hbm>> -> memref<128xi32, #tpu.memory_space<hbm>>
        tpu.enqueue_dma source(%dma_start3A_626 : memref<128xi32, #tpu.memory_space<hbm>>) target(%arg13 : memref<128xi32, #tpu.memory_space<vmem>>) target_semaphore(%arg29 : memref<!tpu.dma_semaphore, #tpu.memory_space<semaphore_mem>>)
      } else {
      }
      %dma_start3A_457 = arith.constant 0 : i32
      %dma_start3A_458 = arith.constant 0 : i32
      %dma_start3A_459 = tpu.memref_slice %arg37[%dma_start3A_457, %dma_start3A_458] : memref<25104x64xf32, #tpu.memory_space<vmem_shared>> -> memref<25104x64xf32, #tpu.memory_space<vmem_shared>>
      tpu.enqueue_indirect_dma source(%arg22 : memref<128x64xf32, #tpu.memory_space<vmem>>) target(%dma_start3A_459 : memref<25104x64xf32, #tpu.memory_space<vmem_shared>>) offsets(%arg16 : memref<128xi32, #tpu.memory_space<vmem>>) semaphore(%arg35 : memref<!tpu.dma_semaphore, #tpu.memory_space<semaphore_mem>>) {add = true}
      %mul3A_460 = arith.constant 3 : i32
      %mul3A_461 = arith.muli %mul3A_460, %scan3A_146 : i32
      %add3A_462 = arith.constant 2 : i32
      %add3A_463 = arith.addi %mul3A_461, %add3A_462 : i32
      %ge3A_464 = arith.constant 2 : i32
      %ge3A_465 = arith.cmpi sge, %add3A_463, %ge3A_464 : i32
      %convert_element_type3A_466 = arith.extui %ge3A_465 : i1 to i32
      %cond3A_467 = arith.constant 0 : i32
      %cond3A_468 = arith.cmpi ne, %convert_element_type3A_466, %cond3A_467 : i32
      scf.if %cond3A_468 {
        %dma_wait3A_618 = arith.constant 0 : i32
        %dma_wait3A_619 = arith.constant 0 : i32
        %dma_wait3A_620 = tpu.memref_slice %arg37[%dma_wait3A_618, %dma_wait3A_619] : memref<25104x64xf32, #tpu.memory_space<vmem_shared>> -> memref<25104x64xf32, #tpu.memory_space<vmem_shared>>
        tpu.wait_indirect_dma semaphore(%arg34 : memref<!tpu.dma_semaphore, #tpu.memory_space<semaphore_mem>>) src(%arg21 : memref<128x64xf32, #tpu.memory_space<vmem>>) dst(%dma_wait3A_620 : memref<25104x64xf32, #tpu.memory_space<vmem_shared>>)
      } else {
      }
      %add3A_469 = arith.constant 1 : i32
      %add3A_470 = arith.addi %add3A_463, %add3A_469 : i32
      %lt3A_471 = arith.constant 390 : i32
      %lt3A_472 = arith.cmpi slt, %add3A_470, %lt3A_471 : i32
      %convert_element_type3A_473 = arith.extui %lt3A_472 : i1 to i32
      %cond3A_474 = arith.constant 0 : i32
      %cond3A_475 = arith.cmpi ne, %convert_element_type3A_473, %cond3A_474 : i32
      scf.if %cond3A_475 {
        %dma_wait3A_618 = arith.constant 0 : i32
        %dma_wait3A_619 = tpu.memref_slice %arg5[%dma_wait3A_618] : memref<800000xi32, #tpu.memory_space<hbm>> -> memref<128xi32, #tpu.memory_space<hbm>>
        %dma_wait3A_620 = arith.constant 0 : i32
        %dma_wait3A_621 = tpu.memref_slice %arg5[%dma_wait3A_620] : memref<800000xi32, #tpu.memory_space<hbm>> -> memref<128xi32, #tpu.memory_space<hbm>>
        tpu.wait_dma2 semaphore(%arg28 : memref<!tpu.dma_semaphore, #tpu.memory_space<semaphore_mem>>) src(%dma_wait3A_621 : memref<128xi32, #tpu.memory_space<hbm>>) dst(%arg9 : memref<128xi32, #tpu.memory_space<vmem>>)
        %dma_wait3A_622 = arith.constant 0 : i32
        %dma_wait3A_623 = tpu.memref_slice %arg6[%dma_wait3A_622] : memref<800000xi32, #tpu.memory_space<hbm>> -> memref<128xi32, #tpu.memory_space<hbm>>
        %dma_wait3A_624 = arith.constant 0 : i32
        %dma_wait3A_625 = tpu.memref_slice %arg6[%dma_wait3A_624] : memref<800000xi32, #tpu.memory_space<hbm>> -> memref<128xi32, #tpu.memory_space<hbm>>
        tpu.wait_dma2 semaphore(%arg28 : memref<!tpu.dma_semaphore, #tpu.memory_space<semaphore_mem>>) src(%dma_wait3A_625 : memref<128xi32, #tpu.memory_space<hbm>>) dst(%arg12 : memref<128xi32, #tpu.memory_space<vmem>>)
        %dma_start3A_626 = arith.constant 0 : i32
        %dma_start3A_627 = arith.constant 0 : i32
        %dma_start3A_628 = tpu.memref_slice %arg2[%dma_start3A_626, %dma_start3A_627] : memref<50176x64xf32, #tpu.memory_space<hbm>> -> memref<50176x64xf32, #tpu.memory_space<hbm>>
        tpu.enqueue_indirect_dma source(%dma_start3A_628 : memref<50176x64xf32, #tpu.memory_space<hbm>>) target(%arg21 : memref<128x64xf32, #tpu.memory_space<vmem>>) offsets(%arg9 : memref<128xi32, #tpu.memory_space<vmem>>) semaphore(%arg31 : memref<!tpu.dma_semaphore, #tpu.memory_space<semaphore_mem>>)
      } else {
      }
      %get3A_476 = arith.constant 0 : index
      %get3A_477 = tpu.vector_load %arg14[%get3A_476] {strides = array<i32>} : memref<128xi32, #tpu.memory_space<vmem>>, vector<16xi32>,
      %sub3A_478 = vector.broadcast %mul3A_2 : i32 to vector<16xi32>
      %sub3A_479 = arith.subi %get3A_477, %sub3A_478 : vector<16xi32>
      %ge3A_480 = arith.constant 0 : i32
      %ge3A_481 = vector.broadcast %ge3A_480 : i32 to vector<16xi32>
      %ge3A_482 = arith.cmpi sge, %sub3A_479, %ge3A_481 : vector<16xi32>
      %lt3A_483 = arith.constant 25088 : i32
      %lt3A_484 = vector.broadcast %lt3A_483 : i32 to vector<16xi32>
      %lt3A_485 = arith.cmpi slt, %sub3A_479, %lt3A_484 : vector<16xi32>
      %and3A_486 = arith.andi %ge3A_482, %lt3A_485 : vector<16xi1>
      %jit3A_487 = arith.constant 25088 : i32
      %broadcast_in_dim3A_488 = vector.broadcast %jit3A_487 : i32 to vector<16xi32>
      %select_n3A_489 = arith.select %and3A_486, %sub3A_479, %broadcast_in_dim3A_488 : vector<16xi1>, vector<16xi32>
      %swap3A_490 = arith.constant 0 : index
      %swap3A_491 = tpu.vector_load %arg17[%swap3A_490] {strides = array<i32>} : memref<128xi32, #tpu.memory_space<vmem>>, vector<16xi32>,
      tpu.vector_store %arg17[%swap3A_490], %select_n3A_489 {strides = array<i32>} : memref<128xi32, #tpu.memory_space<vmem>>, vector<16xi32>,
      %get3A_492 = arith.constant 16 : index
      %get3A_493 = tpu.vector_load %arg14[%get3A_492] {strides = array<i32>} : memref<128xi32, #tpu.memory_space<vmem>>, vector<16xi32>,
      %sub3A_494 = vector.broadcast %mul3A_2 : i32 to vector<16xi32>
      %sub3A_495 = arith.subi %get3A_493, %sub3A_494 : vector<16xi32>
      %ge3A_496 = arith.constant 0 : i32
      %ge3A_497 = vector.broadcast %ge3A_496 : i32 to vector<16xi32>
      %ge3A_498 = arith.cmpi sge, %sub3A_495, %ge3A_497 : vector<16xi32>
      %lt3A_499 = arith.constant 25088 : i32
      %lt3A_500 = vector.broadcast %lt3A_499 : i32 to vector<16xi32>
      %lt3A_501 = arith.cmpi slt, %sub3A_495, %lt3A_500 : vector<16xi32>
      %and3A_502 = arith.andi %ge3A_498, %lt3A_501 : vector<16xi1>
      %jit3A_503 = arith.constant 25088 : i32
      %broadcast_in_dim3A_504 = vector.broadcast %jit3A_503 : i32 to vector<16xi32>
      %select_n3A_505 = arith.select %and3A_502, %sub3A_495, %broadcast_in_dim3A_504 : vector<16xi1>, vector<16xi32>
      %swap3A_506 = arith.constant 16 : index
      %swap3A_507 = tpu.vector_load %arg17[%swap3A_506] {strides = array<i32>} : memref<128xi32, #tpu.memory_space<vmem>>, vector<16xi32>,
      tpu.vector_store %arg17[%swap3A_506], %select_n3A_505 {strides = array<i32>} : memref<128xi32, #tpu.memory_space<vmem>>, vector<16xi32>,
      %get3A_508 = arith.constant 32 : index
      %get3A_509 = tpu.vector_load %arg14[%get3A_508] {strides = array<i32>} : memref<128xi32, #tpu.memory_space<vmem>>, vector<16xi32>,
      %sub3A_510 = vector.broadcast %mul3A_2 : i32 to vector<16xi32>
      %sub3A_511 = arith.subi %get3A_509, %sub3A_510 : vector<16xi32>
      %ge3A_512 = arith.constant 0 : i32
      %ge3A_513 = vector.broadcast %ge3A_512 : i32 to vector<16xi32>
      %ge3A_514 = arith.cmpi sge, %sub3A_511, %ge3A_513 : vector<16xi32>
      %lt3A_515 = arith.constant 25088 : i32
      %lt3A_516 = vector.broadcast %lt3A_515 : i32 to vector<16xi32>
      %lt3A_517 = arith.cmpi slt, %sub3A_511, %lt3A_516 : vector<16xi32>
      %and3A_518 = arith.andi %ge3A_514, %lt3A_517 : vector<16xi1>
      %jit3A_519 = arith.constant 25088 : i32
      %broadcast_in_dim3A_520 = vector.broadcast %jit3A_519 : i32 to vector<16xi32>
      %select_n3A_521 = arith.select %and3A_518, %sub3A_511, %broadcast_in_dim3A_520 : vector<16xi1>, vector<16xi32>
      %swap3A_522 = arith.constant 32 : index
      %swap3A_523 = tpu.vector_load %arg17[%swap3A_522] {strides = array<i32>} : memref<128xi32, #tpu.memory_space<vmem>>, vector<16xi32>,
      tpu.vector_store %arg17[%swap3A_522], %select_n3A_521 {strides = array<i32>} : memref<128xi32, #tpu.memory_space<vmem>>, vector<16xi32>,
      %get3A_524 = arith.constant 48 : index
      %get3A_525 = tpu.vector_load %arg14[%get3A_524] {strides = array<i32>} : memref<128xi32, #tpu.memory_space<vmem>>, vector<16xi32>,
      %sub3A_526 = vector.broadcast %mul3A_2 : i32 to vector<16xi32>
      %sub3A_527 = arith.subi %get3A_525, %sub3A_526 : vector<16xi32>
      %ge3A_528 = arith.constant 0 : i32
      %ge3A_529 = vector.broadcast %ge3A_528 : i32 to vector<16xi32>
      %ge3A_530 = arith.cmpi sge, %sub3A_527, %ge3A_529 : vector<16xi32>
      %lt3A_531 = arith.constant 25088 : i32
      %lt3A_532 = vector.broadcast %lt3A_531 : i32 to vector<16xi32>
      %lt3A_533 = arith.cmpi slt, %sub3A_527, %lt3A_532 : vector<16xi32>
      %and3A_534 = arith.andi %ge3A_530, %lt3A_533 : vector<16xi1>
      %jit3A_535 = arith.constant 25088 : i32
      %broadcast_in_dim3A_536 = vector.broadcast %jit3A_535 : i32 to vector<16xi32>
      %select_n3A_537 = arith.select %and3A_534, %sub3A_527, %broadcast_in_dim3A_536 : vector<16xi1>, vector<16xi32>
      %swap3A_538 = arith.constant 48 : index
      %swap3A_539 = tpu.vector_load %arg17[%swap3A_538] {strides = array<i32>} : memref<128xi32, #tpu.memory_space<vmem>>, vector<16xi32>,
      tpu.vector_store %arg17[%swap3A_538], %select_n3A_537 {strides = array<i32>} : memref<128xi32, #tpu.memory_space<vmem>>, vector<16xi32>,
      %get3A_540 = arith.constant 64 : index
      %get3A_541 = tpu.vector_load %arg14[%get3A_540] {strides = array<i32>} : memref<128xi32, #tpu.memory_space<vmem>>, vector<16xi32>,
      %sub3A_542 = vector.broadcast %mul3A_2 : i32 to vector<16xi32>
      %sub3A_543 = arith.subi %get3A_541, %sub3A_542 : vector<16xi32>
      %ge3A_544 = arith.constant 0 : i32
      %ge3A_545 = vector.broadcast %ge3A_544 : i32 to vector<16xi32>
      %ge3A_546 = arith.cmpi sge, %sub3A_543, %ge3A_545 : vector<16xi32>
      %lt3A_547 = arith.constant 25088 : i32
      %lt3A_548 = vector.broadcast %lt3A_547 : i32 to vector<16xi32>
      %lt3A_549 = arith.cmpi slt, %sub3A_543, %lt3A_548 : vector<16xi32>
      %and3A_550 = arith.andi %ge3A_546, %lt3A_549 : vector<16xi1>
      %jit3A_551 = arith.constant 25088 : i32
      %broadcast_in_dim3A_552 = vector.broadcast %jit3A_551 : i32 to vector<16xi32>
      %select_n3A_553 = arith.select %and3A_550, %sub3A_543, %broadcast_in_dim3A_552 : vector<16xi1>, vector<16xi32>
      %swap3A_554 = arith.constant 64 : index
      %swap3A_555 = tpu.vector_load %arg17[%swap3A_554] {strides = array<i32>} : memref<128xi32, #tpu.memory_space<vmem>>, vector<16xi32>,
      tpu.vector_store %arg17[%swap3A_554], %select_n3A_553 {strides = array<i32>} : memref<128xi32, #tpu.memory_space<vmem>>, vector<16xi32>,
      %get3A_556 = arith.constant 80 : index
      %get3A_557 = tpu.vector_load %arg14[%get3A_556] {strides = array<i32>} : memref<128xi32, #tpu.memory_space<vmem>>, vector<16xi32>,
      %sub3A_558 = vector.broadcast %mul3A_2 : i32 to vector<16xi32>
      %sub3A_559 = arith.subi %get3A_557, %sub3A_558 : vector<16xi32>
      %ge3A_560 = arith.constant 0 : i32
      %ge3A_561 = vector.broadcast %ge3A_560 : i32 to vector<16xi32>
      %ge3A_562 = arith.cmpi sge, %sub3A_559, %ge3A_561 : vector<16xi32>
      %lt3A_563 = arith.constant 25088 : i32
      %lt3A_564 = vector.broadcast %lt3A_563 : i32 to vector<16xi32>
      %lt3A_565 = arith.cmpi slt, %sub3A_559, %lt3A_564 : vector<16xi32>
      %and3A_566 = arith.andi %ge3A_562, %lt3A_565 : vector<16xi1>
      %jit3A_567 = arith.constant 25088 : i32
      %broadcast_in_dim3A_568 = vector.broadcast %jit3A_567 : i32 to vector<16xi32>
      %select_n3A_569 = arith.select %and3A_566, %sub3A_559, %broadcast_in_dim3A_568 : vector<16xi1>, vector<16xi32>
      %swap3A_570 = arith.constant 80 : index
      %swap3A_571 = tpu.vector_load %arg17[%swap3A_570] {strides = array<i32>} : memref<128xi32, #tpu.memory_space<vmem>>, vector<16xi32>,
      tpu.vector_store %arg17[%swap3A_570], %select_n3A_569 {strides = array<i32>} : memref<128xi32, #tpu.memory_space<vmem>>, vector<16xi32>,
      %get3A_572 = arith.constant 96 : index
      %get3A_573 = tpu.vector_load %arg14[%get3A_572] {strides = array<i32>} : memref<128xi32, #tpu.memory_space<vmem>>, vector<16xi32>,
      %sub3A_574 = vector.broadcast %mul3A_2 : i32 to vector<16xi32>
      %sub3A_575 = arith.subi %get3A_573, %sub3A_574 : vector<16xi32>
      %ge3A_576 = arith.constant 0 : i32
      %ge3A_577 = vector.broadcast %ge3A_576 : i32 to vector<16xi32>
      %ge3A_578 = arith.cmpi sge, %sub3A_575, %ge3A_577 : vector<16xi32>
      %lt3A_579 = arith.constant 25088 : i32
      %lt3A_580 = vector.broadcast %lt3A_579 : i32 to vector<16xi32>
      %lt3A_581 = arith.cmpi slt, %sub3A_575, %lt3A_580 : vector<16xi32>
      %and3A_582 = arith.andi %ge3A_578, %lt3A_581 : vector<16xi1>
      %jit3A_583 = arith.constant 25088 : i32
      %broadcast_in_dim3A_584 = vector.broadcast %jit3A_583 : i32 to vector<16xi32>
      %select_n3A_585 = arith.select %and3A_582, %sub3A_575, %broadcast_in_dim3A_584 : vector<16xi1>, vector<16xi32>
      %swap3A_586 = arith.constant 96 : index
      %swap3A_587 = tpu.vector_load %arg17[%swap3A_586] {strides = array<i32>} : memref<128xi32, #tpu.memory_space<vmem>>, vector<16xi32>,
      tpu.vector_store %arg17[%swap3A_586], %select_n3A_585 {strides = array<i32>} : memref<128xi32, #tpu.memory_space<vmem>>, vector<16xi32>,
      %get3A_588 = arith.constant 112 : index
      %get3A_589 = tpu.vector_load %arg14[%get3A_588] {strides = array<i32>} : memref<128xi32, #tpu.memory_space<vmem>>, vector<16xi32>,
      %sub3A_590 = vector.broadcast %mul3A_2 : i32 to vector<16xi32>
      %sub3A_591 = arith.subi %get3A_589, %sub3A_590 : vector<16xi32>
      %ge3A_592 = arith.constant 0 : i32
      %ge3A_593 = vector.broadcast %ge3A_592 : i32 to vector<16xi32>
      %ge3A_594 = arith.cmpi sge, %sub3A_591, %ge3A_593 : vector<16xi32>
      %lt3A_595 = arith.constant 25088 : i32
      %lt3A_596 = vector.broadcast %lt3A_595 : i32 to vector<16xi32>
      %lt3A_597 = arith.cmpi slt, %sub3A_591, %lt3A_596 : vector<16xi32>
      %and3A_598 = arith.andi %ge3A_594, %lt3A_597 : vector<16xi1>
      %jit3A_599 = arith.constant 25088 : i32
      %broadcast_in_dim3A_600 = vector.broadcast %jit3A_599 : i32 to vector<16xi32>
      %select_n3A_601 = arith.select %and3A_598, %sub3A_591, %broadcast_in_dim3A_600 : vector<16xi1>, vector<16xi32>
      %swap3A_602 = arith.constant 112 : index
      %swap3A_603 = tpu.vector_load %arg17[%swap3A_602] {strides = array<i32>} : memref<128xi32, #tpu.memory_space<vmem>>, vector<16xi32>,
      tpu.vector_store %arg17[%swap3A_602], %select_n3A_601 {strides = array<i32>} : memref<128xi32, #tpu.memory_space<vmem>>, vector<16xi32>,
      %dma_wait3A_604 = arith.constant 0 : i32
      %dma_wait3A_605 = arith.constant 0 : i32
      %dma_wait3A_606 = tpu.memref_slice %arg2[%dma_wait3A_604, %dma_wait3A_605] : memref<50176x64xf32, #tpu.memory_space<hbm>> -> memref<50176x64xf32, #tpu.memory_space<hbm>>
      tpu.wait_indirect_dma semaphore(%arg33 : memref<!tpu.dma_semaphore, #tpu.memory_space<semaphore_mem>>) src(%dma_wait3A_606 : memref<50176x64xf32, #tpu.memory_space<hbm>>) dst(%arg23 : memref<128x64xf32, #tpu.memory_space<vmem>>)
      %add3A_607 = arith.constant 3 : i32
      %add3A_608 = arith.addi %add3A_463, %add3A_607 : i32
      %lt3A_609 = arith.constant 390 : i32
      %lt3A_610 = arith.cmpi slt, %add3A_608, %lt3A_609 : i32
      %convert_element_type3A_611 = arith.extui %lt3A_610 : i1 to i32
      %cond3A_612 = arith.constant 0 : i32
      %cond3A_613 = arith.cmpi ne, %convert_element_type3A_611, %cond3A_612 : i32
      scf.if %cond3A_613 {
        %add3A_618 = arith.constant 3 : i32
        %add3A_619 = arith.addi %add3A_463, %add3A_618 : i32
        %mul3A_620 = arith.constant 128 : i32
        %mul3A_621 = arith.muli %add3A_619, %mul3A_620 : i32
        %add3A_622 = arith.addi %mul3A_12, %mul3A_621 : i32
        %dma_start3A_623 = tpu.memref_slice %arg5[%add3A_622] : memref<800000xi32, #tpu.memory_space<hbm>> -> memref<128xi32, #tpu.memory_space<hbm>>
        %dma_start3A_624 = tpu.memref_slice %arg5[%add3A_622] : memref<800000xi32, #tpu.memory_space<hbm>> -> memref<128xi32, #tpu.memory_space<hbm>>
        tpu.enqueue_dma source(%dma_start3A_624 : memref<128xi32, #tpu.memory_space<hbm>>) target(%arg11 : memref<128xi32, #tpu.memory_space<vmem>>) target_semaphore(%arg30 : memref<!tpu.dma_semaphore, #tpu.memory_space<semaphore_mem>>)
        %dma_start3A_625 = tpu.memref_slice %arg6[%add3A_622] : memref<800000xi32, #tpu.memory_space<hbm>> -> memref<128xi32, #tpu.memory_space<hbm>>
        %dma_start3A_626 = tpu.memref_slice %arg6[%add3A_622] : memref<800000xi32, #tpu.memory_space<hbm>> -> memref<128xi32, #tpu.memory_space<hbm>>
        tpu.enqueue_dma source(%dma_start3A_626 : memref<128xi32, #tpu.memory_space<hbm>>) target(%arg14 : memref<128xi32, #tpu.memory_space<vmem>>) target_semaphore(%arg30 : memref<!tpu.dma_semaphore, #tpu.memory_space<semaphore_mem>>)
      } else {
      }
      %dma_start3A_614 = arith.constant 0 : i32
      %dma_start3A_615 = arith.constant 0 : i32
      %dma_start3A_616 = tpu.memref_slice %arg37[%dma_start3A_614, %dma_start3A_615] : memref<25104x64xf32, #tpu.memory_space<vmem_shared>> -> memref<25104x64xf32, #tpu.memory_space<vmem_shared>>
      tpu.enqueue_indirect_dma source(%arg23 : memref<128x64xf32, #tpu.memory_space<vmem>>) target(%dma_start3A_616 : memref<25104x64xf32, #tpu.memory_space<vmem_shared>>) offsets(%arg17 : memref<128xi32, #tpu.memory_space<vmem>>) semaphore(%arg36 : memref<!tpu.dma_semaphore, #tpu.memory_space<semaphore_mem>>) {add = true}
      %scan3A_617 = arith.constant 0 : i32
      scf.yield %scan3A_617 : i32
    }
    %scan3A_46 = arith.constant 130 : i32
    %dma_wait3A_47 = arith.constant 0 : i32
    %dma_wait3A_48 = arith.constant 0 : i32
    %dma_wait3A_49 = tpu.memref_slice %arg37[%dma_wait3A_47, %dma_wait3A_48] : memref<25104x64xf32, #tpu.memory_space<vmem_shared>> -> memref<25104x64xf32, #tpu.memory_space<vmem_shared>>
    tpu.wait_indirect_dma semaphore(%arg35 : memref<!tpu.dma_semaphore, #tpu.memory_space<semaphore_mem>>) src(%arg22 : memref<128x64xf32, #tpu.memory_space<vmem>>) dst(%dma_wait3A_49 : memref<25104x64xf32, #tpu.memory_space<vmem_shared>>)
    %dma_wait3A_50 = arith.constant 0 : i32
    %dma_wait3A_51 = arith.constant 0 : i32
    %dma_wait3A_52 = tpu.memref_slice %arg37[%dma_wait3A_50, %dma_wait3A_51] : memref<25104x64xf32, #tpu.memory_space<vmem_shared>> -> memref<25104x64xf32, #tpu.memory_space<vmem_shared>>
    tpu.wait_indirect_dma semaphore(%arg36 : memref<!tpu.dma_semaphore, #tpu.memory_space<semaphore_mem>>) src(%arg23 : memref<128x64xf32, #tpu.memory_space<vmem>>) dst(%dma_wait3A_52 : memref<25104x64xf32, #tpu.memory_space<vmem_shared>>)
    %add3A_53 = arith.constant 49920 : i32
    %add3A_54 = arith.addi %mul3A_12, %add3A_53 : i32
    "tpu.region"() ({
      %run_scoped3A = tpu.sem_alloc : memref<!tpu.dma_semaphore, #tpu.memory_space<semaphore_mem>>
      %dma_start3A_146 = tpu.memref_slice %arg5[%add3A_54] : memref<800000xi32, #tpu.memory_space<hbm>> -> memref<80xi32, #tpu.memory_space<hbm>>
      %dma_start3A_147 = tpu.memref_slice %arg5[%add3A_54] : memref<800000xi32, #tpu.memory_space<hbm>> -> memref<80xi32, #tpu.memory_space<hbm>>
      tpu.enqueue_dma source(%dma_start3A_147 : memref<80xi32, #tpu.memory_space<hbm>>) target(%arg18 : memref<80xi32, #tpu.memory_space<vmem>>) target_semaphore(%run_scoped3A : memref<!tpu.dma_semaphore, #tpu.memory_space<semaphore_mem>>)
      %dma_wait3A_148 = tpu.memref_slice %arg5[%add3A_54] : memref<800000xi32, #tpu.memory_space<hbm>> -> memref<80xi32, #tpu.memory_space<hbm>>
      %dma_wait3A_149 = tpu.memref_slice %arg5[%add3A_54] : memref<800000xi32, #tpu.memory_space<hbm>> -> memref<80xi32, #tpu.memory_space<hbm>>
      tpu.wait_dma2 semaphore(%run_scoped3A : memref<!tpu.dma_semaphore, #tpu.memory_space<semaphore_mem>>) src(%dma_wait3A_149 : memref<80xi32, #tpu.memory_space<hbm>>) dst(%arg18 : memref<80xi32, #tpu.memory_space<vmem>>)
      tpu.yield
    }) : () -> ()
    "tpu.region"() ({
      %run_scoped3A = tpu.sem_alloc : memref<!tpu.dma_semaphore, #tpu.memory_space<semaphore_mem>>
      %dma_start3A_146 = tpu.memref_slice %arg6[%add3A_54] : memref<800000xi32, #tpu.memory_space<hbm>> -> memref<80xi32, #tpu.memory_space<hbm>>
      %dma_start3A_147 = tpu.memref_slice %arg6[%add3A_54] : memref<800000xi32, #tpu.memory_space<hbm>> -> memref<80xi32, #tpu.memory_space<hbm>>
      tpu.enqueue_dma source(%dma_start3A_147 : memref<80xi32, #tpu.memory_space<hbm>>) target(%arg19 : memref<80xi32, #tpu.memory_space<vmem>>) target_semaphore(%run_scoped3A : memref<!tpu.dma_semaphore, #tpu.memory_space<semaphore_mem>>)
      %dma_wait3A_148 = tpu.memref_slice %arg6[%add3A_54] : memref<800000xi32, #tpu.memory_space<hbm>> -> memref<80xi32, #tpu.memory_space<hbm>>
      %dma_wait3A_149 = tpu.memref_slice %arg6[%add3A_54] : memref<800000xi32, #tpu.memory_space<hbm>> -> memref<80xi32, #tpu.memory_space<hbm>>
      tpu.wait_dma2 semaphore(%run_scoped3A : memref<!tpu.dma_semaphore, #tpu.memory_space<semaphore_mem>>) src(%dma_wait3A_149 : memref<80xi32, #tpu.memory_space<hbm>>) dst(%arg19 : memref<80xi32, #tpu.memory_space<vmem>>)
      tpu.yield
    }) : () -> ()
    %get3A = arith.constant 0 : index
    %get3A_55 = tpu.vector_load %arg19[%get3A] {strides = array<i32>} : memref<80xi32, #tpu.memory_space<vmem>>, vector<16xi32>,
    %sub3A = vector.broadcast %mul3A_2 : i32 to vector<16xi32>
    %sub3A_56 = arith.subi %get3A_55, %sub3A : vector<16xi32>
    %ge3A = arith.constant 0 : i32
    %ge3A_57 = vector.broadcast %ge3A : i32 to vector<16xi32>
    %ge3A_58 = arith.cmpi sge, %sub3A_56, %ge3A_57 : vector<16xi32>
    %lt3A = arith.constant 25088 : i32
    %lt3A_59 = vector.broadcast %lt3A : i32 to vector<16xi32>
    %lt3A_60 = arith.cmpi slt, %sub3A_56, %lt3A_59 : vector<16xi32>
    %and3A = arith.andi %ge3A_58, %lt3A_60 : vector<16xi1>
    %jit3A = arith.constant 25088 : i32
    %broadcast_in_dim3A = vector.broadcast %jit3A : i32 to vector<16xi32>
    %select_n3A = arith.select %and3A, %sub3A_56, %broadcast_in_dim3A : vector<16xi1>, vector<16xi32>
    %swap3A = arith.constant 0 : index
    %swap3A_61 = tpu.vector_load %arg20[%swap3A] {strides = array<i32>} : memref<80xi32, #tpu.memory_space<vmem>>, vector<16xi32>,
    tpu.vector_store %arg20[%swap3A], %select_n3A {strides = array<i32>} : memref<80xi32, #tpu.memory_space<vmem>>, vector<16xi32>,
    %get3A_62 = arith.constant 16 : index
    %get3A_63 = tpu.vector_load %arg19[%get3A_62] {strides = array<i32>} : memref<80xi32, #tpu.memory_space<vmem>>, vector<16xi32>,
    %sub3A_64 = vector.broadcast %mul3A_2 : i32 to vector<16xi32>
    %sub3A_65 = arith.subi %get3A_63, %sub3A_64 : vector<16xi32>
    %ge3A_66 = arith.constant 0 : i32
    %ge3A_67 = vector.broadcast %ge3A_66 : i32 to vector<16xi32>
    %ge3A_68 = arith.cmpi sge, %sub3A_65, %ge3A_67 : vector<16xi32>
    %lt3A_69 = arith.constant 25088 : i32
    %lt3A_70 = vector.broadcast %lt3A_69 : i32 to vector<16xi32>
    %lt3A_71 = arith.cmpi slt, %sub3A_65, %lt3A_70 : vector<16xi32>
    %and3A_72 = arith.andi %ge3A_68, %lt3A_71 : vector<16xi1>
    %jit3A_73 = arith.constant 25088 : i32
    %broadcast_in_dim3A_74 = vector.broadcast %jit3A_73 : i32 to vector<16xi32>
    %select_n3A_75 = arith.select %and3A_72, %sub3A_65, %broadcast_in_dim3A_74 : vector<16xi1>, vector<16xi32>
    %swap3A_76 = arith.constant 16 : index
    %swap3A_77 = tpu.vector_load %arg20[%swap3A_76] {strides = array<i32>} : memref<80xi32, #tpu.memory_space<vmem>>, vector<16xi32>,
    tpu.vector_store %arg20[%swap3A_76], %select_n3A_75 {strides = array<i32>} : memref<80xi32, #tpu.memory_space<vmem>>, vector<16xi32>,
    %get3A_78 = arith.constant 32 : index
    %get3A_79 = tpu.vector_load %arg19[%get3A_78] {strides = array<i32>} : memref<80xi32, #tpu.memory_space<vmem>>, vector<16xi32>,
    %sub3A_80 = vector.broadcast %mul3A_2 : i32 to vector<16xi32>
    %sub3A_81 = arith.subi %get3A_79, %sub3A_80 : vector<16xi32>
    %ge3A_82 = arith.constant 0 : i32
    %ge3A_83 = vector.broadcast %ge3A_82 : i32 to vector<16xi32>
    %ge3A_84 = arith.cmpi sge, %sub3A_81, %ge3A_83 : vector<16xi32>
    %lt3A_85 = arith.constant 25088 : i32
    %lt3A_86 = vector.broadcast %lt3A_85 : i32 to vector<16xi32>
    %lt3A_87 = arith.cmpi slt, %sub3A_81, %lt3A_86 : vector<16xi32>
    %and3A_88 = arith.andi %ge3A_84, %lt3A_87 : vector<16xi1>
    %jit3A_89 = arith.constant 25088 : i32
    %broadcast_in_dim3A_90 = vector.broadcast %jit3A_89 : i32 to vector<16xi32>
    %select_n3A_91 = arith.select %and3A_88, %sub3A_81, %broadcast_in_dim3A_90 : vector<16xi1>, vector<16xi32>
    %swap3A_92 = arith.constant 32 : index
    %swap3A_93 = tpu.vector_load %arg20[%swap3A_92] {strides = array<i32>} : memref<80xi32, #tpu.memory_space<vmem>>, vector<16xi32>,
    tpu.vector_store %arg20[%swap3A_92], %select_n3A_91 {strides = array<i32>} : memref<80xi32, #tpu.memory_space<vmem>>, vector<16xi32>,
    %get3A_94 = arith.constant 48 : index
    %get3A_95 = tpu.vector_load %arg19[%get3A_94] {strides = array<i32>} : memref<80xi32, #tpu.memory_space<vmem>>, vector<16xi32>,
    %sub3A_96 = vector.broadcast %mul3A_2 : i32 to vector<16xi32>
    %sub3A_97 = arith.subi %get3A_95, %sub3A_96 : vector<16xi32>
    %ge3A_98 = arith.constant 0 : i32
    %ge3A_99 = vector.broadcast %ge3A_98 : i32 to vector<16xi32>
    %ge3A_100 = arith.cmpi sge, %sub3A_97, %ge3A_99 : vector<16xi32>
    %lt3A_101 = arith.constant 25088 : i32
    %lt3A_102 = vector.broadcast %lt3A_101 : i32 to vector<16xi32>
    %lt3A_103 = arith.cmpi slt, %sub3A_97, %lt3A_102 : vector<16xi32>
    %and3A_104 = arith.andi %ge3A_100, %lt3A_103 : vector<16xi1>
    %jit3A_105 = arith.constant 25088 : i32
    %broadcast_in_dim3A_106 = vector.broadcast %jit3A_105 : i32 to vector<16xi32>
    %select_n3A_107 = arith.select %and3A_104, %sub3A_97, %broadcast_in_dim3A_106 : vector<16xi1>, vector<16xi32>
    %swap3A_108 = arith.constant 48 : index
    %swap3A_109 = tpu.vector_load %arg20[%swap3A_108] {strides = array<i32>} : memref<80xi32, #tpu.memory_space<vmem>>, vector<16xi32>,
    tpu.vector_store %arg20[%swap3A_108], %select_n3A_107 {strides = array<i32>} : memref<80xi32, #tpu.memory_space<vmem>>, vector<16xi32>,
    %get3A_110 = arith.constant 64 : index
    %get3A_111 = tpu.vector_load %arg19[%get3A_110] {strides = array<i32>} : memref<80xi32, #tpu.memory_space<vmem>>, vector<16xi32>,
    %sub3A_112 = vector.broadcast %mul3A_2 : i32 to vector<16xi32>
    %sub3A_113 = arith.subi %get3A_111, %sub3A_112 : vector<16xi32>
    %ge3A_114 = arith.constant 0 : i32
    %ge3A_115 = vector.broadcast %ge3A_114 : i32 to vector<16xi32>
    %ge3A_116 = arith.cmpi sge, %sub3A_113, %ge3A_115 : vector<16xi32>
    %lt3A_117 = arith.constant 25088 : i32
    %lt3A_118 = vector.broadcast %lt3A_117 : i32 to vector<16xi32>
    %lt3A_119 = arith.cmpi slt, %sub3A_113, %lt3A_118 : vector<16xi32>
    %and3A_120 = arith.andi %ge3A_116, %lt3A_119 : vector<16xi1>
    %jit3A_121 = arith.constant 25088 : i32
    %broadcast_in_dim3A_122 = vector.broadcast %jit3A_121 : i32 to vector<16xi32>
    %select_n3A_123 = arith.select %and3A_120, %sub3A_113, %broadcast_in_dim3A_122 : vector<16xi1>, vector<16xi32>
    %swap3A_124 = arith.constant 64 : index
    %swap3A_125 = tpu.vector_load %arg20[%swap3A_124] {strides = array<i32>} : memref<80xi32, #tpu.memory_space<vmem>>, vector<16xi32>,
    tpu.vector_store %arg20[%swap3A_124], %select_n3A_123 {strides = array<i32>} : memref<80xi32, #tpu.memory_space<vmem>>, vector<16xi32>,
    %dma_start3A_126 = arith.constant 0 : i32
    %dma_start3A_127 = arith.constant 0 : i32
    %dma_start3A_128 = tpu.memref_slice %arg21[%dma_start3A_126, %dma_start3A_127] : memref<128x64xf32, #tpu.memory_space<vmem>> -> memref<80x64xf32, #tpu.memory_space<vmem>>
    %dma_start3A_129 = arith.constant 0 : i32
    %dma_start3A_130 = arith.constant 0 : i32
    %dma_start3A_131 = tpu.memref_slice %arg2[%dma_start3A_129, %dma_start3A_130] : memref<50176x64xf32, #tpu.memory_space<hbm>> -> memref<50176x64xf32, #tpu.memory_space<hbm>>
    tpu.enqueue_indirect_dma source(%dma_start3A_131 : memref<50176x64xf32, #tpu.memory_space<hbm>>) target(%dma_start3A_128 : memref<80x64xf32, #tpu.memory_space<vmem>>) offsets(%arg18 : memref<80xi32, #tpu.memory_space<vmem>>) semaphore(%arg27 : memref<!tpu.dma_semaphore, #tpu.memory_space<semaphore_mem>>)
    %dma_wait3A_132 = arith.constant 0 : i32
    %dma_wait3A_133 = arith.constant 0 : i32
    %dma_wait3A_134 = tpu.memref_slice %arg21[%dma_wait3A_132, %dma_wait3A_133] : memref<128x64xf32, #tpu.memory_space<vmem>> -> memref<80x64xf32, #tpu.memory_space<vmem>>
    %dma_wait3A_135 = arith.constant 0 : i32
    %dma_wait3A_136 = arith.constant 0 : i32
    %dma_wait3A_137 = tpu.memref_slice %arg2[%dma_wait3A_135, %dma_wait3A_136] : memref<50176x64xf32, #tpu.memory_space<hbm>> -> memref<50176x64xf32, #tpu.memory_space<hbm>>
    tpu.wait_indirect_dma semaphore(%arg27 : memref<!tpu.dma_semaphore, #tpu.memory_space<semaphore_mem>>) src(%dma_wait3A_137 : memref<50176x64xf32, #tpu.memory_space<hbm>>) dst(%dma_wait3A_134 : memref<80x64xf32, #tpu.memory_space<vmem>>)
    "tpu.region"() ({
      %run_scoped3A = tpu.sem_alloc : memref<!tpu.dma_semaphore, #tpu.memory_space<semaphore_mem>>
      %dma_start3A_146 = arith.constant 0 : i32
      %dma_start3A_147 = arith.constant 0 : i32
      %dma_start3A_148 = tpu.memref_slice %arg21[%dma_start3A_146, %dma_start3A_147] : memref<128x64xf32, #tpu.memory_space<vmem>> -> memref<80x64xf32, #tpu.memory_space<vmem>>
      %dma_start3A_149 = arith.constant 0 : i32
      %dma_start3A_150 = arith.constant 0 : i32
      %dma_start3A_151 = tpu.memref_slice %arg37[%dma_start3A_149, %dma_start3A_150] : memref<25104x64xf32, #tpu.memory_space<vmem_shared>> -> memref<25104x64xf32, #tpu.memory_space<vmem_shared>>
      tpu.enqueue_indirect_dma source(%dma_start3A_148 : memref<80x64xf32, #tpu.memory_space<vmem>>) target(%dma_start3A_151 : memref<25104x64xf32, #tpu.memory_space<vmem_shared>>) offsets(%arg20 : memref<80xi32, #tpu.memory_space<vmem>>) semaphore(%run_scoped3A : memref<!tpu.dma_semaphore, #tpu.memory_space<semaphore_mem>>) {add = true}
      %dma_wait3A_152 = arith.constant 0 : i32
      %dma_wait3A_153 = arith.constant 0 : i32
      %dma_wait3A_154 = tpu.memref_slice %arg21[%dma_wait3A_152, %dma_wait3A_153] : memref<128x64xf32, #tpu.memory_space<vmem>> -> memref<80x64xf32, #tpu.memory_space<vmem>>
      %dma_wait3A_155 = arith.constant 0 : i32
      %dma_wait3A_156 = arith.constant 0 : i32
      %dma_wait3A_157 = tpu.memref_slice %arg37[%dma_wait3A_155, %dma_wait3A_156] : memref<25104x64xf32, #tpu.memory_space<vmem_shared>> -> memref<25104x64xf32, #tpu.memory_space<vmem_shared>>
      tpu.wait_indirect_dma semaphore(%run_scoped3A : memref<!tpu.dma_semaphore, #tpu.memory_space<semaphore_mem>>) src(%dma_wait3A_154 : memref<80x64xf32, #tpu.memory_space<vmem>>) dst(%dma_wait3A_157 : memref<25104x64xf32, #tpu.memory_space<vmem_shared>>)
      tpu.yield
    }) : () -> ()
    %barrier3A_138 = arith.constant 0 : index
    tpu.barrier barrier_id(%barrier3A_138)
    %scan3A_139 = arith.constant 0 : i32
    %scan3A_140 = arith.constant 0 : i32
    %scan3A_141 = arith.constant 14 : i32
    %scan3A_142 = arith.addi %scan3A_140, %scan3A_141 : i32
    %scan3A_143 = arith.constant 1 : i32
    %scan3A_144 = scf.for %scan3A_146 = %scan3A_140 to %scan3A_142 step %scan3A_143 iter_args(%scan3A_147 = %scan3A_139) -> (i32)  : i32 {
      %mul3A_148 = arith.constant 112 : i32
      %mul3A_149 = arith.muli %scan3A_146, %mul3A_148 : i32
      %add3A_150 = arith.addi %mul3A_4, %mul3A_149 : i32
      %add3A_151 = arith.addi %mul3A_2, %add3A_150 : i32
      "tpu.region"() ({
        %run_scoped3A = tpu.sem_alloc : memref<!tpu.dma_semaphore, #tpu.memory_space<semaphore_mem>>
        %dma_start3A_208 = arith.constant 0 : i32
        %dma_start3A_209 = arith.constant 0 : i32
        %dma_start3A_210 = tpu.memref_slice %arg21[%dma_start3A_208, %dma_start3A_209] : memref<128x64xf32, #tpu.memory_space<vmem>> -> memref<112x64xf32, #tpu.memory_space<vmem>>
        %dma_start3A_211 = arith.constant 0 : i32
        %dma_start3A_212 = tpu.memref_slice %arg37[%add3A_150, %dma_start3A_211] : memref<25104x64xf32, #tpu.memory_space<vmem_shared>> -> memref<112x64xf32, #tpu.memory_space<vmem_shared>>
        %dma_start3A_213 = arith.constant 0 : i32
        %dma_start3A_214 = arith.constant 0 : i32
        %dma_start3A_215 = tpu.memref_slice %arg21[%dma_start3A_213, %dma_start3A_214] : memref<128x64xf32, #tpu.memory_space<vmem>> -> memref<112x64xf32, #tpu.memory_space<vmem>>
        %dma_start3A_216 = arith.constant 0 : i32
        %dma_start3A_217 = tpu.memref_slice %arg37[%add3A_150, %dma_start3A_216] : memref<25104x64xf32, #tpu.memory_space<vmem_shared>> -> memref<112x64xf32, #tpu.memory_space<vmem_shared>>
        tpu.enqueue_dma source(%dma_start3A_217 : memref<112x64xf32, #tpu.memory_space<vmem_shared>>) target(%dma_start3A_215 : memref<112x64xf32, #tpu.memory_space<vmem>>) target_semaphore(%run_scoped3A : memref<!tpu.dma_semaphore, #tpu.memory_space<semaphore_mem>>)
        %dma_wait3A_218 = arith.constant 0 : i32
        %dma_wait3A_219 = arith.constant 0 : i32
        %dma_wait3A_220 = tpu.memref_slice %arg21[%dma_wait3A_218, %dma_wait3A_219] : memref<128x64xf32, #tpu.memory_space<vmem>> -> memref<112x64xf32, #tpu.memory_space<vmem>>
        %dma_wait3A_221 = arith.constant 0 : i32
        %dma_wait3A_222 = tpu.memref_slice %arg37[%add3A_150, %dma_wait3A_221] : memref<25104x64xf32, #tpu.memory_space<vmem_shared>> -> memref<112x64xf32, #tpu.memory_space<vmem_shared>>
        %dma_wait3A_223 = arith.constant 0 : i32
        %dma_wait3A_224 = arith.constant 0 : i32
        %dma_wait3A_225 = tpu.memref_slice %arg21[%dma_wait3A_223, %dma_wait3A_224] : memref<128x64xf32, #tpu.memory_space<vmem>> -> memref<112x64xf32, #tpu.memory_space<vmem>>
        %dma_wait3A_226 = arith.constant 0 : i32
        %dma_wait3A_227 = tpu.memref_slice %arg37[%add3A_150, %dma_wait3A_226] : memref<25104x64xf32, #tpu.memory_space<vmem_shared>> -> memref<112x64xf32, #tpu.memory_space<vmem_shared>>
        tpu.wait_dma2 semaphore(%run_scoped3A : memref<!tpu.dma_semaphore, #tpu.memory_space<semaphore_mem>>) src(%dma_wait3A_227 : memref<112x64xf32, #tpu.memory_space<vmem_shared>>) dst(%dma_wait3A_225 : memref<112x64xf32, #tpu.memory_space<vmem>>)
        tpu.yield
      }) : () -> ()
      "tpu.region"() ({
        %run_scoped3A = tpu.sem_alloc : memref<!tpu.dma_semaphore, #tpu.memory_space<semaphore_mem>>
        %dma_start3A_208 = arith.constant 0 : i32
        %dma_start3A_209 = arith.constant 0 : i32
        %dma_start3A_210 = tpu.memref_slice %arg22[%dma_start3A_208, %dma_start3A_209] : memref<128x64xf32, #tpu.memory_space<vmem>> -> memref<112x64xf32, #tpu.memory_space<vmem>>
        %dma_start3A_211 = arith.constant 0 : i32
        %dma_start3A_212 = tpu.memref_slice %arg2[%add3A_151, %dma_start3A_211] : memref<50176x64xf32, #tpu.memory_space<hbm>> -> memref<112x64xf32, #tpu.memory_space<hbm>>
        %dma_start3A_213 = arith.constant 0 : i32
        %dma_start3A_214 = arith.constant 0 : i32
        %dma_start3A_215 = tpu.memref_slice %arg22[%dma_start3A_213, %dma_start3A_214] : memref<128x64xf32, #tpu.memory_space<vmem>> -> memref<112x64xf32, #tpu.memory_space<vmem>>
        %dma_start3A_216 = arith.constant 0 : i32
        %dma_start3A_217 = tpu.memref_slice %arg2[%add3A_151, %dma_start3A_216] : memref<50176x64xf32, #tpu.memory_space<hbm>> -> memref<112x64xf32, #tpu.memory_space<hbm>>
        tpu.enqueue_dma source(%dma_start3A_217 : memref<112x64xf32, #tpu.memory_space<hbm>>) target(%dma_start3A_215 : memref<112x64xf32, #tpu.memory_space<vmem>>) target_semaphore(%run_scoped3A : memref<!tpu.dma_semaphore, #tpu.memory_space<semaphore_mem>>)
        %dma_wait3A_218 = arith.constant 0 : i32
        %dma_wait3A_219 = arith.constant 0 : i32
        %dma_wait3A_220 = tpu.memref_slice %arg22[%dma_wait3A_218, %dma_wait3A_219] : memref<128x64xf32, #tpu.memory_space<vmem>> -> memref<112x64xf32, #tpu.memory_space<vmem>>
        %dma_wait3A_221 = arith.constant 0 : i32
        %dma_wait3A_222 = tpu.memref_slice %arg2[%add3A_151, %dma_wait3A_221] : memref<50176x64xf32, #tpu.memory_space<hbm>> -> memref<112x64xf32, #tpu.memory_space<hbm>>
        %dma_wait3A_223 = arith.constant 0 : i32
        %dma_wait3A_224 = arith.constant 0 : i32
        %dma_wait3A_225 = tpu.memref_slice %arg22[%dma_wait3A_223, %dma_wait3A_224] : memref<128x64xf32, #tpu.memory_space<vmem>> -> memref<112x64xf32, #tpu.memory_space<vmem>>
        %dma_wait3A_226 = arith.constant 0 : i32
        %dma_wait3A_227 = tpu.memref_slice %arg2[%add3A_151, %dma_wait3A_226] : memref<50176x64xf32, #tpu.memory_space<hbm>> -> memref<112x64xf32, #tpu.memory_space<hbm>>
        tpu.wait_dma2 semaphore(%run_scoped3A : memref<!tpu.dma_semaphore, #tpu.memory_space<semaphore_mem>>) src(%dma_wait3A_227 : memref<112x64xf32, #tpu.memory_space<hbm>>) dst(%dma_wait3A_225 : memref<112x64xf32, #tpu.memory_space<vmem>>)
        tpu.yield
      }) : () -> ()
      "tpu.region"() ({
        %run_scoped3A = tpu.sem_alloc : memref<!tpu.dma_semaphore, #tpu.memory_space<semaphore_mem>>
        %dma_start3A_208 = tpu.memref_slice %arg4[%add3A_151] : memref<50176xf32, #tpu.memory_space<hbm>> -> memref<112xf32, #tpu.memory_space<hbm>>
        %dma_start3A_209 = tpu.memref_slice %arg4[%add3A_151] : memref<50176xf32, #tpu.memory_space<hbm>> -> memref<112xf32, #tpu.memory_space<hbm>>
        tpu.enqueue_dma source(%dma_start3A_209 : memref<112xf32, #tpu.memory_space<hbm>>) target(%arg24 : memref<112xf32, #tpu.memory_space<vmem>>) target_semaphore(%run_scoped3A : memref<!tpu.dma_semaphore, #tpu.memory_space<semaphore_mem>>)
        %dma_wait3A_210 = tpu.memref_slice %arg4[%add3A_151] : memref<50176xf32, #tpu.memory_space<hbm>> -> memref<112xf32, #tpu.memory_space<hbm>>
        %dma_wait3A_211 = tpu.memref_slice %arg4[%add3A_151] : memref<50176xf32, #tpu.memory_space<hbm>> -> memref<112xf32, #tpu.memory_space<hbm>>
        tpu.wait_dma2 semaphore(%run_scoped3A : memref<!tpu.dma_semaphore, #tpu.memory_space<semaphore_mem>>) src(%dma_wait3A_211 : memref<112xf32, #tpu.memory_space<hbm>>) dst(%arg24 : memref<112xf32, #tpu.memory_space<vmem>>)
        tpu.yield
      }) : () -> ()
      %get3A_152 = arith.constant 0 : index
      %get3A_153 = tpu.vector_load %arg24[%get3A_152] {strides = array<i32>} : memref<112xf32, #tpu.memory_space<vmem>>, vector<16xf32>,
      %div3A = arith.constant 1.000000e+00 : f32
      %div3A_154 = vector.broadcast %div3A : f32 to vector<16xf32>
      %div3A_155 = arith.divf %div3A_154, %get3A_153 : vector<16xf32>
      %swap3A_156 = arith.constant 0 : index
      %swap3A_157 = tpu.vector_load %arg25[%swap3A_156] {strides = array<i32>} : memref<128xf32, #tpu.memory_space<vmem>>, vector<16xf32>,
      tpu.vector_store %arg25[%swap3A_156], %div3A_155 {strides = array<i32>} : memref<128xf32, #tpu.memory_space<vmem>>, vector<16xf32>,
      %get3A_158 = arith.constant 16 : index
      %get3A_159 = tpu.vector_load %arg24[%get3A_158] {strides = array<i32>} : memref<112xf32, #tpu.memory_space<vmem>>, vector<16xf32>,
      %div3A_160 = arith.constant 1.000000e+00 : f32
      %div3A_161 = vector.broadcast %div3A_160 : f32 to vector<16xf32>
      %div3A_162 = arith.divf %div3A_161, %get3A_159 : vector<16xf32>
      %swap3A_163 = arith.constant 16 : index
      %swap3A_164 = tpu.vector_load %arg25[%swap3A_163] {strides = array<i32>} : memref<128xf32, #tpu.memory_space<vmem>>, vector<16xf32>,
      tpu.vector_store %arg25[%swap3A_163], %div3A_162 {strides = array<i32>} : memref<128xf32, #tpu.memory_space<vmem>>, vector<16xf32>,
      %get3A_165 = arith.constant 32 : index
      %get3A_166 = tpu.vector_load %arg24[%get3A_165] {strides = array<i32>} : memref<112xf32, #tpu.memory_space<vmem>>, vector<16xf32>,
      %div3A_167 = arith.constant 1.000000e+00 : f32
      %div3A_168 = vector.broadcast %div3A_167 : f32 to vector<16xf32>
      %div3A_169 = arith.divf %div3A_168, %get3A_166 : vector<16xf32>
      %swap3A_170 = arith.constant 32 : index
      %swap3A_171 = tpu.vector_load %arg25[%swap3A_170] {strides = array<i32>} : memref<128xf32, #tpu.memory_space<vmem>>, vector<16xf32>,
      tpu.vector_store %arg25[%swap3A_170], %div3A_169 {strides = array<i32>} : memref<128xf32, #tpu.memory_space<vmem>>, vector<16xf32>,
      %get3A_172 = arith.constant 48 : index
      %get3A_173 = tpu.vector_load %arg24[%get3A_172] {strides = array<i32>} : memref<112xf32, #tpu.memory_space<vmem>>, vector<16xf32>,
      %div3A_174 = arith.constant 1.000000e+00 : f32
      %div3A_175 = vector.broadcast %div3A_174 : f32 to vector<16xf32>
      %div3A_176 = arith.divf %div3A_175, %get3A_173 : vector<16xf32>
      %swap3A_177 = arith.constant 48 : index
      %swap3A_178 = tpu.vector_load %arg25[%swap3A_177] {strides = array<i32>} : memref<128xf32, #tpu.memory_space<vmem>>, vector<16xf32>,
      tpu.vector_store %arg25[%swap3A_177], %div3A_176 {strides = array<i32>} : memref<128xf32, #tpu.memory_space<vmem>>, vector<16xf32>,
      %get3A_179 = arith.constant 64 : index
      %get3A_180 = tpu.vector_load %arg24[%get3A_179] {strides = array<i32>} : memref<112xf32, #tpu.memory_space<vmem>>, vector<16xf32>,
      %div3A_181 = arith.constant 1.000000e+00 : f32
      %div3A_182 = vector.broadcast %div3A_181 : f32 to vector<16xf32>
      %div3A_183 = arith.divf %div3A_182, %get3A_180 : vector<16xf32>
      %swap3A_184 = arith.constant 64 : index
      %swap3A_185 = tpu.vector_load %arg25[%swap3A_184] {strides = array<i32>} : memref<128xf32, #tpu.memory_space<vmem>>, vector<16xf32>,
      tpu.vector_store %arg25[%swap3A_184], %div3A_183 {strides = array<i32>} : memref<128xf32, #tpu.memory_space<vmem>>, vector<16xf32>,
      %get3A_186 = arith.constant 80 : index
      %get3A_187 = tpu.vector_load %arg24[%get3A_186] {strides = array<i32>} : memref<112xf32, #tpu.memory_space<vmem>>, vector<16xf32>,
      %div3A_188 = arith.constant 1.000000e+00 : f32
      %div3A_189 = vector.broadcast %div3A_188 : f32 to vector<16xf32>
      %div3A_190 = arith.divf %div3A_189, %get3A_187 : vector<16xf32>
      %swap3A_191 = arith.constant 80 : index
      %swap3A_192 = tpu.vector_load %arg25[%swap3A_191] {strides = array<i32>} : memref<128xf32, #tpu.memory_space<vmem>>, vector<16xf32>,
      tpu.vector_store %arg25[%swap3A_191], %div3A_190 {strides = array<i32>} : memref<128xf32, #tpu.memory_space<vmem>>, vector<16xf32>,
      %get3A_193 = arith.constant 96 : index
      %get3A_194 = tpu.vector_load %arg24[%get3A_193] {strides = array<i32>} : memref<112xf32, #tpu.memory_space<vmem>>, vector<16xf32>,
      %div3A_195 = arith.constant 1.000000e+00 : f32
      %div3A_196 = vector.broadcast %div3A_195 : f32 to vector<16xf32>
      %div3A_197 = arith.divf %div3A_196, %get3A_194 : vector<16xf32>
      %swap3A_198 = arith.constant 96 : index
      %swap3A_199 = tpu.vector_load %arg25[%swap3A_198] {strides = array<i32>} : memref<128xf32, #tpu.memory_space<vmem>>, vector<16xf32>,
      tpu.vector_store %arg25[%swap3A_198], %div3A_197 {strides = array<i32>} : memref<128xf32, #tpu.memory_space<vmem>>, vector<16xf32>,
      %scan3A_200 = arith.constant 0 : i32
      %scan3A_201 = arith.constant 0 : i32
      %scan3A_202 = arith.constant 112 : i32
      %scan3A_203 = arith.addi %scan3A_201, %scan3A_202 : i32
      %scan3A_204 = arith.constant 1 : i32
      %scan3A_205 = scf.for %scan3A_208 = %scan3A_201 to %scan3A_203 step %scan3A_204 iter_args(%scan3A_209 = %scan3A_200) -> (i32)  : i32 {
        %get3A_210 = arith.index_cast %scan3A_208 : i32 to index
        %get3A_211 = tpu.vector_load %arg25[%get3A_210] {strides = array<i32>} : memref<128xf32, #tpu.memory_space<vmem>>, vector<16xf32>,
        %slice3A = vector.extract_strided_slice %get3A_211 {offsets = [0], sizes = [1], strides = [1]} : vector<16xf32> to vector<1xf32>
        %squeeze3A = vector.extract %slice3A[0] : f32 from vector<1xf32>
        %get3A_212 = arith.index_cast %scan3A_208 : i32 to index
        %get3A_213 = arith.constant 0 : index
        %get3A_214 = tpu.vector_load %arg22[%get3A_212, %get3A_213] {strides = array<i32>} : memref<128x64xf32, #tpu.memory_space<vmem>>, vector<16xf32>,
        %get3A_215 = arith.index_cast %scan3A_208 : i32 to index
        %get3A_216 = arith.constant 0 : index
        %get3A_217 = tpu.vector_load %arg21[%get3A_215, %get3A_216] {strides = array<i32>} : memref<128x64xf32, #tpu.memory_space<vmem>>, vector<16xf32>,
        %mul3A_218 = vector.broadcast %squeeze3A : f32 to vector<16xf32>
        %mul3A_219 = arith.mulf %get3A_217, %mul3A_218 : vector<16xf32>
        %add3A_220 = arith.addf %get3A_214, %mul3A_219 : vector<16xf32>
        %swap3A_221 = arith.index_cast %scan3A_208 : i32 to index
        %swap3A_222 = arith.constant 0 : index
        %swap3A_223 = tpu.vector_load %arg21[%swap3A_221, %swap3A_222] {strides = array<i32>} : memref<128x64xf32, #tpu.memory_space<vmem>>, vector<16xf32>,
        tpu.vector_store %arg21[%swap3A_221, %swap3A_222], %add3A_220 {strides = array<i32>} : memref<128x64xf32, #tpu.memory_space<vmem>>, vector<16xf32>,
        %get3A_224 = arith.index_cast %scan3A_208 : i32 to index
        %get3A_225 = arith.constant 16 : index
        %get3A_226 = tpu.vector_load %arg22[%get3A_224, %get3A_225] {strides = array<i32>} : memref<128x64xf32, #tpu.memory_space<vmem>>, vector<16xf32>,
        %get3A_227 = arith.index_cast %scan3A_208 : i32 to index
        %get3A_228 = arith.constant 16 : index
        %get3A_229 = tpu.vector_load %arg21[%get3A_227, %get3A_228] {strides = array<i32>} : memref<128x64xf32, #tpu.memory_space<vmem>>, vector<16xf32>,
        %mul3A_230 = vector.broadcast %squeeze3A : f32 to vector<16xf32>
        %mul3A_231 = arith.mulf %get3A_229, %mul3A_230 : vector<16xf32>
        %add3A_232 = arith.addf %get3A_226, %mul3A_231 : vector<16xf32>
        %swap3A_233 = arith.index_cast %scan3A_208 : i32 to index
        %swap3A_234 = arith.constant 16 : index
        %swap3A_235 = tpu.vector_load %arg21[%swap3A_233, %swap3A_234] {strides = array<i32>} : memref<128x64xf32, #tpu.memory_space<vmem>>, vector<16xf32>,
        tpu.vector_store %arg21[%swap3A_233, %swap3A_234], %add3A_232 {strides = array<i32>} : memref<128x64xf32, #tpu.memory_space<vmem>>, vector<16xf32>,
        %get3A_236 = arith.index_cast %scan3A_208 : i32 to index
        %get3A_237 = arith.constant 32 : index
        %get3A_238 = tpu.vector_load %arg22[%get3A_236, %get3A_237] {strides = array<i32>} : memref<128x64xf32, #tpu.memory_space<vmem>>, vector<16xf32>,
        %get3A_239 = arith.index_cast %scan3A_208 : i32 to index
        %get3A_240 = arith.constant 32 : index
        %get3A_241 = tpu.vector_load %arg21[%get3A_239, %get3A_240] {strides = array<i32>} : memref<128x64xf32, #tpu.memory_space<vmem>>, vector<16xf32>,
        %mul3A_242 = vector.broadcast %squeeze3A : f32 to vector<16xf32>
        %mul3A_243 = arith.mulf %get3A_241, %mul3A_242 : vector<16xf32>
        %add3A_244 = arith.addf %get3A_238, %mul3A_243 : vector<16xf32>
        %swap3A_245 = arith.index_cast %scan3A_208 : i32 to index
        %swap3A_246 = arith.constant 32 : index
        %swap3A_247 = tpu.vector_load %arg21[%swap3A_245, %swap3A_246] {strides = array<i32>} : memref<128x64xf32, #tpu.memory_space<vmem>>, vector<16xf32>,
        tpu.vector_store %arg21[%swap3A_245, %swap3A_246], %add3A_244 {strides = array<i32>} : memref<128x64xf32, #tpu.memory_space<vmem>>, vector<16xf32>,
        %get3A_248 = arith.index_cast %scan3A_208 : i32 to index
        %get3A_249 = arith.constant 48 : index
        %get3A_250 = tpu.vector_load %arg22[%get3A_248, %get3A_249] {strides = array<i32>} : memref<128x64xf32, #tpu.memory_space<vmem>>, vector<16xf32>,
        %get3A_251 = arith.index_cast %scan3A_208 : i32 to index
        %get3A_252 = arith.constant 48 : index
        %get3A_253 = tpu.vector_load %arg21[%get3A_251, %get3A_252] {strides = array<i32>} : memref<128x64xf32, #tpu.memory_space<vmem>>, vector<16xf32>,
        %mul3A_254 = vector.broadcast %squeeze3A : f32 to vector<16xf32>
        %mul3A_255 = arith.mulf %get3A_253, %mul3A_254 : vector<16xf32>
        %add3A_256 = arith.addf %get3A_250, %mul3A_255 : vector<16xf32>
        %swap3A_257 = arith.index_cast %scan3A_208 : i32 to index
        %swap3A_258 = arith.constant 48 : index
        %swap3A_259 = tpu.vector_load %arg21[%swap3A_257, %swap3A_258] {strides = array<i32>} : memref<128x64xf32, #tpu.memory_space<vmem>>, vector<16xf32>,
        tpu.vector_store %arg21[%swap3A_257, %swap3A_258], %add3A_256 {strides = array<i32>} : memref<128x64xf32, #tpu.memory_space<vmem>>, vector<16xf32>,
        %scan3A_260 = arith.constant 0 : i32
        scf.yield %scan3A_260 : i32
      }
      %scan3A_206 = arith.constant 112 : i32
      "tpu.region"() ({
        %run_scoped3A = tpu.sem_alloc : memref<!tpu.dma_semaphore, #tpu.memory_space<semaphore_mem>>
        %dma_start3A_208 = arith.constant 0 : i32
        %dma_start3A_209 = arith.constant 0 : i32
        %dma_start3A_210 = tpu.memref_slice %arg21[%dma_start3A_208, %dma_start3A_209] : memref<128x64xf32, #tpu.memory_space<vmem>> -> memref<112x64xf32, #tpu.memory_space<vmem>>
        %dma_start3A_211 = arith.constant 0 : i32
        %dma_start3A_212 = tpu.memref_slice %arg8[%add3A_151, %dma_start3A_211] : memref<50176x64xf32, #tpu.memory_space<hbm>> -> memref<112x64xf32, #tpu.memory_space<hbm>>
        %dma_start3A_213 = arith.constant 0 : i32
        %dma_start3A_214 = tpu.memref_slice %arg8[%add3A_151, %dma_start3A_213] : memref<50176x64xf32, #tpu.memory_space<hbm>> -> memref<112x64xf32, #tpu.memory_space<hbm>>
        %dma_start3A_215 = arith.constant 0 : i32
        %dma_start3A_216 = arith.constant 0 : i32
        %dma_start3A_217 = tpu.memref_slice %arg21[%dma_start3A_215, %dma_start3A_216] : memref<128x64xf32, #tpu.memory_space<vmem>> -> memref<112x64xf32, #tpu.memory_space<vmem>>
        tpu.enqueue_dma source(%dma_start3A_217 : memref<112x64xf32, #tpu.memory_space<vmem>>) target(%dma_start3A_214 : memref<112x64xf32, #tpu.memory_space<hbm>>) target_semaphore(%run_scoped3A : memref<!tpu.dma_semaphore, #tpu.memory_space<semaphore_mem>>)
        %dma_wait3A_218 = arith.constant 0 : i32
        %dma_wait3A_219 = arith.constant 0 : i32
        %dma_wait3A_220 = tpu.memref_slice %arg21[%dma_wait3A_218, %dma_wait3A_219] : memref<128x64xf32, #tpu.memory_space<vmem>> -> memref<112x64xf32, #tpu.memory_space<vmem>>
        %dma_wait3A_221 = arith.constant 0 : i32
        %dma_wait3A_222 = tpu.memref_slice %arg8[%add3A_151, %dma_wait3A_221] : memref<50176x64xf32, #tpu.memory_space<hbm>> -> memref<112x64xf32, #tpu.memory_space<hbm>>
        %dma_wait3A_223 = arith.constant 0 : i32
        %dma_wait3A_224 = tpu.memref_slice %arg8[%add3A_151, %dma_wait3A_223] : memref<50176x64xf32, #tpu.memory_space<hbm>> -> memref<112x64xf32, #tpu.memory_space<hbm>>
        %dma_wait3A_225 = arith.constant 0 : i32
        %dma_wait3A_226 = arith.constant 0 : i32
        %dma_wait3A_227 = tpu.memref_slice %arg21[%dma_wait3A_225, %dma_wait3A_226] : memref<128x64xf32, #tpu.memory_space<vmem>> -> memref<112x64xf32, #tpu.memory_space<vmem>>
        tpu.wait_dma2 semaphore(%run_scoped3A : memref<!tpu.dma_semaphore, #tpu.memory_space<semaphore_mem>>) src(%dma_wait3A_227 : memref<112x64xf32, #tpu.memory_space<vmem>>) dst(%dma_wait3A_224 : memref<112x64xf32, #tpu.memory_space<hbm>>)
        tpu.yield
      }) : () -> ()
      %scan3A_207 = arith.constant 0 : i32
      scf.yield %scan3A_207 : i32
    }
    %scan3A_145 = arith.constant 14 : i32
    return
  }
}

#map = affine_map<(d0, d1) -> (0, 0)>
#map1 = affine_map<(d0, d1) -> (0)>
module attributes {stable_mosaic.version = 14 : i64} {
  func.func @mgdc_layer(%arg0: i32, %arg1: i32, %arg2: memref<50176x64xf32, #tpu.memory_space<hbm>>, %arg3: memref<50176x64xf32, #tpu.memory_space<hbm>>, %arg4: memref<50176xf32, #tpu.memory_space<hbm>>, %arg5: memref<800000xi32, #tpu.memory_space<hbm>>, %arg6: memref<800000xi32, #tpu.memory_space<hbm>>, %arg7: memref<80xf32, #tpu.memory_space<hbm>>, %arg8: memref<50000x64xf32, #tpu.memory_space<hbm>>, %arg9: memref<128xi32, #tpu.memory_space<vmem>>, %arg10: memref<128xi32, #tpu.memory_space<vmem>>, %arg11: memref<128xi32, #tpu.memory_space<vmem>>, %arg12: memref<128xi32, #tpu.memory_space<vmem>>, %arg13: memref<128xi32, #tpu.memory_space<vmem>>, %arg14: memref<128xi32, #tpu.memory_space<vmem>>, %arg15: memref<128xi32, #tpu.memory_space<vmem>>, %arg16: memref<128xi32, #tpu.memory_space<vmem>>, %arg17: memref<128xi32, #tpu.memory_space<vmem>>, %arg18: memref<80xi32, #tpu.memory_space<vmem>>, %arg19: memref<80xi32, #tpu.memory_space<vmem>>, %arg20: memref<80xi32, #tpu.memory_space<vmem>>, %arg21: memref<128x64xf32, #tpu.memory_space<vmem>>, %arg22: memref<128x64xf32, #tpu.memory_space<vmem>>, %arg23: memref<128x64xf32, #tpu.memory_space<vmem>>, %arg24: memref<112xf32, #tpu.memory_space<vmem>>, %arg25: memref<128xf32, #tpu.memory_space<vmem>>, %arg26: memref<80xf32, #tpu.memory_space<vmem>>, %arg27: memref<!tpu.dma_semaphore, #tpu.memory_space<semaphore_mem>>, %arg28: memref<!tpu.dma_semaphore, #tpu.memory_space<semaphore_mem>>, %arg29: memref<!tpu.dma_semaphore, #tpu.memory_space<semaphore_mem>>, %arg30: memref<!tpu.dma_semaphore, #tpu.memory_space<semaphore_mem>>, %arg31: memref<!tpu.dma_semaphore, #tpu.memory_space<semaphore_mem>>, %arg32: memref<!tpu.dma_semaphore, #tpu.memory_space<semaphore_mem>>, %arg33: memref<!tpu.dma_semaphore, #tpu.memory_space<semaphore_mem>>, %arg34: memref<!tpu.dma_semaphore, #tpu.memory_space<semaphore_mem>>, %arg35: memref<!tpu.dma_semaphore, #tpu.memory_space<semaphore_mem>>, %arg36: memref<!tpu.dma_semaphore, #tpu.memory_space<semaphore_mem>>, %arg37: memref<25104x64xf32, #tpu.memory_space<vmem_shared>>) attributes {dimension_semantics = [#tpu.dimension_semantics<core_parallel>, #tpu.dimension_semantics<subcore_parallel>], iteration_bounds = array<i64: 2, 16>, scalar_prefetch = 0 : i64, scratch_operands = 29 : i64, tpu.core_type = #tpu.core_type<sc_vector_subcore>, window_params = [{transform_indices = #map}, {transform_indices = #map}, {transform_indices = #map1}, {transform_indices = #map1}, {transform_indices = #map1}, {transform_indices = #map1}, {transform_indices = #map}]} {
    %mul3A = arith.constant 16 : i32
    %mul3A_0 = arith.muli %arg0, %mul3A : i32
    %add3A = arith.addi %mul3A_0, %arg1 : i32
    %mul3A_1 = arith.constant 25088 : i32
    %mul3A_2 = arith.muli %arg0, %mul3A_1 : i32
    %mul3A_3 = arith.constant 1568 : i32
    %mul3A_4 = arith.muli %arg1, %mul3A_3 : i32
    "tpu.region"() ({
      %run_scoped3A = tpu.sem_alloc : memref<!tpu.dma_semaphore, #tpu.memory_space<semaphore_mem>>
      tpu.enqueue_dma source(%arg7 : memref<80xf32, #tpu.memory_space<hbm>>) target(%arg26 : memref<80xf32, #tpu.memory_space<vmem>>) target_semaphore(%run_scoped3A : memref<!tpu.dma_semaphore, #tpu.memory_space<semaphore_mem>>)
      tpu.wait_dma2 semaphore(%run_scoped3A : memref<!tpu.dma_semaphore, #tpu.memory_space<semaphore_mem>>) src(%arg7 : memref<80xf32, #tpu.memory_space<hbm>>) dst(%arg26 : memref<80xf32, #tpu.memory_space<vmem>>)
      tpu.yield
    }) : () -> ()
    %scan3A = arith.constant 0 : i32
    %scan3A_5 = arith.constant 0 : i32
    %scan3A_6 = arith.constant 14 : i32
    %scan3A_7 = arith.addi %scan3A_5, %scan3A_6 : i32
    %scan3A_8 = arith.constant 1 : i32
    %scan3A_9 = scf.for %scan3A_157 = %scan3A_5 to %scan3A_7 step %scan3A_8 iter_args(%scan3A_158 = %scan3A) -> (i32)  : i32 {
      %mul3A_159 = arith.constant 112 : i32
      %mul3A_160 = arith.muli %scan3A_157, %mul3A_159 : i32
      %add3A_161 = arith.addi %mul3A_4, %mul3A_160 : i32
      %add3A_162 = arith.addi %mul3A_2, %add3A_161 : i32
      "tpu.region"() ({
        %run_scoped3A = tpu.sem_alloc : memref<!tpu.dma_semaphore, #tpu.memory_space<semaphore_mem>>
        %dma_start3A_164 = arith.constant 0 : i32
        %dma_start3A_165 = arith.constant 0 : i32
        %dma_start3A_166 = tpu.memref_slice %arg21[%dma_start3A_164, %dma_start3A_165] : memref<128x64xf32, #tpu.memory_space<vmem>> -> memref<112x64xf32, #tpu.memory_space<vmem>>
        %dma_start3A_167 = arith.constant 0 : i32
        %dma_start3A_168 = tpu.memref_slice %arg3[%add3A_162, %dma_start3A_167] : memref<50176x64xf32, #tpu.memory_space<hbm>> -> memref<112x64xf32, #tpu.memory_space<hbm>>
        %dma_start3A_169 = arith.constant 0 : i32
        %dma_start3A_170 = arith.constant 0 : i32
        %dma_start3A_171 = tpu.memref_slice %arg21[%dma_start3A_169, %dma_start3A_170] : memref<128x64xf32, #tpu.memory_space<vmem>> -> memref<112x64xf32, #tpu.memory_space<vmem>>
        %dma_start3A_172 = arith.constant 0 : i32
        %dma_start3A_173 = tpu.memref_slice %arg3[%add3A_162, %dma_start3A_172] : memref<50176x64xf32, #tpu.memory_space<hbm>> -> memref<112x64xf32, #tpu.memory_space<hbm>>
        tpu.enqueue_dma source(%dma_start3A_173 : memref<112x64xf32, #tpu.memory_space<hbm>>) target(%dma_start3A_171 : memref<112x64xf32, #tpu.memory_space<vmem>>) target_semaphore(%run_scoped3A : memref<!tpu.dma_semaphore, #tpu.memory_space<semaphore_mem>>)
        %dma_wait3A_174 = arith.constant 0 : i32
        %dma_wait3A_175 = arith.constant 0 : i32
        %dma_wait3A_176 = tpu.memref_slice %arg21[%dma_wait3A_174, %dma_wait3A_175] : memref<128x64xf32, #tpu.memory_space<vmem>> -> memref<112x64xf32, #tpu.memory_space<vmem>>
        %dma_wait3A_177 = arith.constant 0 : i32
        %dma_wait3A_178 = tpu.memref_slice %arg3[%add3A_162, %dma_wait3A_177] : memref<50176x64xf32, #tpu.memory_space<hbm>> -> memref<112x64xf32, #tpu.memory_space<hbm>>
        %dma_wait3A_179 = arith.constant 0 : i32
        %dma_wait3A_180 = arith.constant 0 : i32
        %dma_wait3A_181 = tpu.memref_slice %arg21[%dma_wait3A_179, %dma_wait3A_180] : memref<128x64xf32, #tpu.memory_space<vmem>> -> memref<112x64xf32, #tpu.memory_space<vmem>>
        %dma_wait3A_182 = arith.constant 0 : i32
        %dma_wait3A_183 = tpu.memref_slice %arg3[%add3A_162, %dma_wait3A_182] : memref<50176x64xf32, #tpu.memory_space<hbm>> -> memref<112x64xf32, #tpu.memory_space<hbm>>
        tpu.wait_dma2 semaphore(%run_scoped3A : memref<!tpu.dma_semaphore, #tpu.memory_space<semaphore_mem>>) src(%dma_wait3A_183 : memref<112x64xf32, #tpu.memory_space<hbm>>) dst(%dma_wait3A_181 : memref<112x64xf32, #tpu.memory_space<vmem>>)
        tpu.yield
      }) : () -> ()
      "tpu.region"() ({
        %run_scoped3A = tpu.sem_alloc : memref<!tpu.dma_semaphore, #tpu.memory_space<semaphore_mem>>
        %dma_start3A_164 = arith.constant 0 : i32
        %dma_start3A_165 = arith.constant 0 : i32
        %dma_start3A_166 = tpu.memref_slice %arg21[%dma_start3A_164, %dma_start3A_165] : memref<128x64xf32, #tpu.memory_space<vmem>> -> memref<112x64xf32, #tpu.memory_space<vmem>>
        %dma_start3A_167 = arith.constant 0 : i32
        %dma_start3A_168 = tpu.memref_slice %arg37[%add3A_161, %dma_start3A_167] : memref<25104x64xf32, #tpu.memory_space<vmem_shared>> -> memref<112x64xf32, #tpu.memory_space<vmem_shared>>
        %dma_start3A_169 = arith.constant 0 : i32
        %dma_start3A_170 = tpu.memref_slice %arg37[%add3A_161, %dma_start3A_169] : memref<25104x64xf32, #tpu.memory_space<vmem_shared>> -> memref<112x64xf32, #tpu.memory_space<vmem_shared>>
        %dma_start3A_171 = arith.constant 0 : i32
        %dma_start3A_172 = arith.constant 0 : i32
        %dma_start3A_173 = tpu.memref_slice %arg21[%dma_start3A_171, %dma_start3A_172] : memref<128x64xf32, #tpu.memory_space<vmem>> -> memref<112x64xf32, #tpu.memory_space<vmem>>
        tpu.enqueue_dma source(%dma_start3A_173 : memref<112x64xf32, #tpu.memory_space<vmem>>) target(%dma_start3A_170 : memref<112x64xf32, #tpu.memory_space<vmem_shared>>) target_semaphore(%run_scoped3A : memref<!tpu.dma_semaphore, #tpu.memory_space<semaphore_mem>>)
        %dma_wait3A_174 = arith.constant 0 : i32
        %dma_wait3A_175 = arith.constant 0 : i32
        %dma_wait3A_176 = tpu.memref_slice %arg21[%dma_wait3A_174, %dma_wait3A_175] : memref<128x64xf32, #tpu.memory_space<vmem>> -> memref<112x64xf32, #tpu.memory_space<vmem>>
        %dma_wait3A_177 = arith.constant 0 : i32
        %dma_wait3A_178 = tpu.memref_slice %arg37[%add3A_161, %dma_wait3A_177] : memref<25104x64xf32, #tpu.memory_space<vmem_shared>> -> memref<112x64xf32, #tpu.memory_space<vmem_shared>>
        %dma_wait3A_179 = arith.constant 0 : i32
        %dma_wait3A_180 = tpu.memref_slice %arg37[%add3A_161, %dma_wait3A_179] : memref<25104x64xf32, #tpu.memory_space<vmem_shared>> -> memref<112x64xf32, #tpu.memory_space<vmem_shared>>
        %dma_wait3A_181 = arith.constant 0 : i32
        %dma_wait3A_182 = arith.constant 0 : i32
        %dma_wait3A_183 = tpu.memref_slice %arg21[%dma_wait3A_181, %dma_wait3A_182] : memref<128x64xf32, #tpu.memory_space<vmem>> -> memref<112x64xf32, #tpu.memory_space<vmem>>
        tpu.wait_dma2 semaphore(%run_scoped3A : memref<!tpu.dma_semaphore, #tpu.memory_space<semaphore_mem>>) src(%dma_wait3A_183 : memref<112x64xf32, #tpu.memory_space<vmem>>) dst(%dma_wait3A_180 : memref<112x64xf32, #tpu.memory_space<vmem_shared>>)
        tpu.yield
      }) : () -> ()
      %scan3A_163 = arith.constant 0 : i32
      scf.yield %scan3A_163 : i32
    }
    %scan3A_10 = arith.constant 14 : i32
    %barrier3A = arith.constant 0 : index
    tpu.barrier barrier_id(%barrier3A)
    %mul3A_11 = arith.constant 50000 : i32
    %mul3A_12 = arith.muli %arg1, %mul3A_11 : i32
    %add3A_13 = arith.constant 0 : i32
    %add3A_14 = arith.addi %mul3A_12, %add3A_13 : i32
    %dma_start3A = tpu.memref_slice %arg5[%add3A_14] : memref<800000xi32, #tpu.memory_space<hbm>> -> memref<128xi32, #tpu.memory_space<hbm>>
    %dma_start3A_15 = tpu.memref_slice %arg5[%add3A_14] : memref<800000xi32, #tpu.memory_space<hbm>> -> memref<128xi32, #tpu.memory_space<hbm>>
    tpu.enqueue_dma source(%dma_start3A_15 : memref<128xi32, #tpu.memory_space<hbm>>) target(%arg9 : memref<128xi32, #tpu.memory_space<vmem>>) target_semaphore(%arg28 : memref<!tpu.dma_semaphore, #tpu.memory_space<semaphore_mem>>)
    %dma_start3A_16 = tpu.memref_slice %arg6[%add3A_14] : memref<800000xi32, #tpu.memory_space<hbm>> -> memref<128xi32, #tpu.memory_space<hbm>>
    %dma_start3A_17 = tpu.memref_slice %arg6[%add3A_14] : memref<800000xi32, #tpu.memory_space<hbm>> -> memref<128xi32, #tpu.memory_space<hbm>>
    tpu.enqueue_dma source(%dma_start3A_17 : memref<128xi32, #tpu.memory_space<hbm>>) target(%arg12 : memref<128xi32, #tpu.memory_space<vmem>>) target_semaphore(%arg28 : memref<!tpu.dma_semaphore, #tpu.memory_space<semaphore_mem>>)
    %dma_wait3A = arith.constant 0 : i32
    %dma_wait3A_18 = tpu.memref_slice %arg5[%dma_wait3A] : memref<800000xi32, #tpu.memory_space<hbm>> -> memref<128xi32, #tpu.memory_space<hbm>>
    %dma_wait3A_19 = arith.constant 0 : i32
    %dma_wait3A_20 = tpu.memref_slice %arg5[%dma_wait3A_19] : memref<800000xi32, #tpu.memory_space<hbm>> -> memref<128xi32, #tpu.memory_space<hbm>>
    tpu.wait_dma2 semaphore(%arg28 : memref<!tpu.dma_semaphore, #tpu.memory_space<semaphore_mem>>) src(%dma_wait3A_20 : memref<128xi32, #tpu.memory_space<hbm>>) dst(%arg9 : memref<128xi32, #tpu.memory_space<vmem>>)
    %dma_wait3A_21 = arith.constant 0 : i32
    %dma_wait3A_22 = tpu.memref_slice %arg6[%dma_wait3A_21] : memref<800000xi32, #tpu.memory_space<hbm>> -> memref<128xi32, #tpu.memory_space<hbm>>
    %dma_wait3A_23 = arith.constant 0 : i32
    %dma_wait3A_24 = tpu.memref_slice %arg6[%dma_wait3A_23] : memref<800000xi32, #tpu.memory_space<hbm>> -> memref<128xi32, #tpu.memory_space<hbm>>
    tpu.wait_dma2 semaphore(%arg28 : memref<!tpu.dma_semaphore, #tpu.memory_space<semaphore_mem>>) src(%dma_wait3A_24 : memref<128xi32, #tpu.memory_space<hbm>>) dst(%arg12 : memref<128xi32, #tpu.memory_space<vmem>>)
    %dma_start3A_25 = arith.constant 0 : i32
    %dma_start3A_26 = arith.constant 0 : i32
    %dma_start3A_27 = tpu.memref_slice %arg2[%dma_start3A_25, %dma_start3A_26] : memref<50176x64xf32, #tpu.memory_space<hbm>> -> memref<50176x64xf32, #tpu.memory_space<hbm>>
    tpu.enqueue_indirect_dma source(%dma_start3A_27 : memref<50176x64xf32, #tpu.memory_space<hbm>>) target(%arg21 : memref<128x64xf32, #tpu.memory_space<vmem>>) offsets(%arg9 : memref<128xi32, #tpu.memory_space<vmem>>) semaphore(%arg31 : memref<!tpu.dma_semaphore, #tpu.memory_space<semaphore_mem>>)
    %add3A_28 = arith.constant 128 : i32
    %add3A_29 = arith.addi %mul3A_12, %add3A_28 : i32
    %dma_start3A_30 = tpu.memref_slice %arg5[%add3A_29] : memref<800000xi32, #tpu.memory_space<hbm>> -> memref<128xi32, #tpu.memory_space<hbm>>
    %dma_start3A_31 = tpu.memref_slice %arg5[%add3A_29] : memref<800000xi32, #tpu.memory_space<hbm>> -> memref<128xi32, #tpu.memory_space<hbm>>
    tpu.enqueue_dma source(%dma_start3A_31 : memref<128xi32, #tpu.memory_space<hbm>>) target(%arg10 : memref<128xi32, #tpu.memory_space<vmem>>) target_semaphore(%arg29 : memref<!tpu.dma_semaphore, #tpu.memory_space<semaphore_mem>>)
    %dma_start3A_32 = tpu.memref_slice %arg6[%add3A_29] : memref<800000xi32, #tpu.memory_space<hbm>> -> memref<128xi32, #tpu.memory_space<hbm>>
    %dma_start3A_33 = tpu.memref_slice %arg6[%add3A_29] : memref<800000xi32, #tpu.memory_space<hbm>> -> memref<128xi32, #tpu.memory_space<hbm>>
    tpu.enqueue_dma source(%dma_start3A_33 : memref<128xi32, #tpu.memory_space<hbm>>) target(%arg13 : memref<128xi32, #tpu.memory_space<vmem>>) target_semaphore(%arg29 : memref<!tpu.dma_semaphore, #tpu.memory_space<semaphore_mem>>)
    %add3A_34 = arith.constant 256 : i32
    %add3A_35 = arith.addi %mul3A_12, %add3A_34 : i32
    %dma_start3A_36 = tpu.memref_slice %arg5[%add3A_35] : memref<800000xi32, #tpu.memory_space<hbm>> -> memref<128xi32, #tpu.memory_space<hbm>>
    %dma_start3A_37 = tpu.memref_slice %arg5[%add3A_35] : memref<800000xi32, #tpu.memory_space<hbm>> -> memref<128xi32, #tpu.memory_space<hbm>>
    tpu.enqueue_dma source(%dma_start3A_37 : memref<128xi32, #tpu.memory_space<hbm>>) target(%arg11 : memref<128xi32, #tpu.memory_space<vmem>>) target_semaphore(%arg30 : memref<!tpu.dma_semaphore, #tpu.memory_space<semaphore_mem>>)
    %dma_start3A_38 = tpu.memref_slice %arg6[%add3A_35] : memref<800000xi32, #tpu.memory_space<hbm>> -> memref<128xi32, #tpu.memory_space<hbm>>
    %dma_start3A_39 = tpu.memref_slice %arg6[%add3A_35] : memref<800000xi32, #tpu.memory_space<hbm>> -> memref<128xi32, #tpu.memory_space<hbm>>
    tpu.enqueue_dma source(%dma_start3A_39 : memref<128xi32, #tpu.memory_space<hbm>>) target(%arg14 : memref<128xi32, #tpu.memory_space<vmem>>) target_semaphore(%arg30 : memref<!tpu.dma_semaphore, #tpu.memory_space<semaphore_mem>>)
    %scan3A_40 = arith.constant 0 : i32
    %scan3A_41 = arith.constant 0 : i32
    %scan3A_42 = arith.constant 130 : i32
    %scan3A_43 = arith.addi %scan3A_41, %scan3A_42 : i32
    %scan3A_44 = arith.constant 1 : i32
    %scan3A_45 = scf.for %scan3A_157 = %scan3A_41 to %scan3A_43 step %scan3A_44 iter_args(%scan3A_158 = %scan3A_40) -> (i32)  : i32 {
      %mul3A_159 = arith.constant 3 : i32
      %mul3A_160 = arith.muli %mul3A_159, %scan3A_157 : i32
      %add3A_161 = arith.constant 0 : i32
      %add3A_162 = arith.addi %mul3A_160, %add3A_161 : i32
      %ge3A_163 = arith.constant 2 : i32
      %ge3A_164 = arith.cmpi sge, %add3A_162, %ge3A_163 : i32
      %convert_element_type3A_165 = arith.extui %ge3A_164 : i1 to i32
      %cond3A_166 = arith.constant 0 : i32
      %cond3A_167 = arith.cmpi ne, %convert_element_type3A_165, %cond3A_166 : i32
      scf.if %cond3A_167 {
        %dma_wait3A_631 = arith.constant 0 : i32
        %dma_wait3A_632 = arith.constant 0 : i32
        %dma_wait3A_633 = tpu.memref_slice %arg37[%dma_wait3A_631, %dma_wait3A_632] : memref<25104x64xf32, #tpu.memory_space<vmem_shared>> -> memref<25104x64xf32, #tpu.memory_space<vmem_shared>>
        tpu.wait_indirect_dma semaphore(%arg35 : memref<!tpu.dma_semaphore, #tpu.memory_space<semaphore_mem>>) src(%arg22 : memref<128x64xf32, #tpu.memory_space<vmem>>) dst(%dma_wait3A_633 : memref<25104x64xf32, #tpu.memory_space<vmem_shared>>)
      } else {
      }
      %add3A_168 = arith.constant 1 : i32
      %add3A_169 = arith.addi %add3A_162, %add3A_168 : i32
      %lt3A_170 = arith.constant 390 : i32
      %lt3A_171 = arith.cmpi slt, %add3A_169, %lt3A_170 : i32
      %convert_element_type3A_172 = arith.extui %lt3A_171 : i1 to i32
      %cond3A_173 = arith.constant 0 : i32
      %cond3A_174 = arith.cmpi ne, %convert_element_type3A_172, %cond3A_173 : i32
      scf.if %cond3A_174 {
        %dma_wait3A_631 = arith.constant 0 : i32
        %dma_wait3A_632 = tpu.memref_slice %arg5[%dma_wait3A_631] : memref<800000xi32, #tpu.memory_space<hbm>> -> memref<128xi32, #tpu.memory_space<hbm>>
        %dma_wait3A_633 = arith.constant 0 : i32
        %dma_wait3A_634 = tpu.memref_slice %arg5[%dma_wait3A_633] : memref<800000xi32, #tpu.memory_space<hbm>> -> memref<128xi32, #tpu.memory_space<hbm>>
        tpu.wait_dma2 semaphore(%arg29 : memref<!tpu.dma_semaphore, #tpu.memory_space<semaphore_mem>>) src(%dma_wait3A_634 : memref<128xi32, #tpu.memory_space<hbm>>) dst(%arg10 : memref<128xi32, #tpu.memory_space<vmem>>)
        %dma_wait3A_635 = arith.constant 0 : i32
        %dma_wait3A_636 = tpu.memref_slice %arg6[%dma_wait3A_635] : memref<800000xi32, #tpu.memory_space<hbm>> -> memref<128xi32, #tpu.memory_space<hbm>>
        %dma_wait3A_637 = arith.constant 0 : i32
        %dma_wait3A_638 = tpu.memref_slice %arg6[%dma_wait3A_637] : memref<800000xi32, #tpu.memory_space<hbm>> -> memref<128xi32, #tpu.memory_space<hbm>>
        tpu.wait_dma2 semaphore(%arg29 : memref<!tpu.dma_semaphore, #tpu.memory_space<semaphore_mem>>) src(%dma_wait3A_638 : memref<128xi32, #tpu.memory_space<hbm>>) dst(%arg13 : memref<128xi32, #tpu.memory_space<vmem>>)
        %dma_start3A_639 = arith.constant 0 : i32
        %dma_start3A_640 = arith.constant 0 : i32
        %dma_start3A_641 = tpu.memref_slice %arg2[%dma_start3A_639, %dma_start3A_640] : memref<50176x64xf32, #tpu.memory_space<hbm>> -> memref<50176x64xf32, #tpu.memory_space<hbm>>
        tpu.enqueue_indirect_dma source(%dma_start3A_641 : memref<50176x64xf32, #tpu.memory_space<hbm>>) target(%arg22 : memref<128x64xf32, #tpu.memory_space<vmem>>) offsets(%arg10 : memref<128xi32, #tpu.memory_space<vmem>>) semaphore(%arg32 : memref<!tpu.dma_semaphore, #tpu.memory_space<semaphore_mem>>)
      } else {
      }
      %get3A_175 = arith.constant 0 : index
      %get3A_176 = tpu.vector_load %arg12[%get3A_175] {strides = array<i32>} : memref<128xi32, #tpu.memory_space<vmem>>, vector<16xi32>,
      %sub3A_177 = vector.broadcast %mul3A_2 : i32 to vector<16xi32>
      %sub3A_178 = arith.subi %get3A_176, %sub3A_177 : vector<16xi32>
      %ge3A_179 = arith.constant 0 : i32
      %ge3A_180 = vector.broadcast %ge3A_179 : i32 to vector<16xi32>
      %ge3A_181 = arith.cmpi sge, %sub3A_178, %ge3A_180 : vector<16xi32>
      %lt3A_182 = arith.constant 25088 : i32
      %lt3A_183 = vector.broadcast %lt3A_182 : i32 to vector<16xi32>
      %lt3A_184 = arith.cmpi slt, %sub3A_178, %lt3A_183 : vector<16xi32>
      %and3A_185 = arith.andi %ge3A_181, %lt3A_184 : vector<16xi1>
      %jit3A_186 = arith.constant 25088 : i32
      %broadcast_in_dim3A_187 = vector.broadcast %jit3A_186 : i32 to vector<16xi32>
      %select_n3A_188 = arith.select %and3A_185, %sub3A_178, %broadcast_in_dim3A_187 : vector<16xi1>, vector<16xi32>
      %swap3A_189 = arith.constant 0 : index
      %swap3A_190 = tpu.vector_load %arg15[%swap3A_189] {strides = array<i32>} : memref<128xi32, #tpu.memory_space<vmem>>, vector<16xi32>,
      tpu.vector_store %arg15[%swap3A_189], %select_n3A_188 {strides = array<i32>} : memref<128xi32, #tpu.memory_space<vmem>>, vector<16xi32>,
      %get3A_191 = arith.constant 16 : index
      %get3A_192 = tpu.vector_load %arg12[%get3A_191] {strides = array<i32>} : memref<128xi32, #tpu.memory_space<vmem>>, vector<16xi32>,
      %sub3A_193 = vector.broadcast %mul3A_2 : i32 to vector<16xi32>
      %sub3A_194 = arith.subi %get3A_192, %sub3A_193 : vector<16xi32>
      %ge3A_195 = arith.constant 0 : i32
      %ge3A_196 = vector.broadcast %ge3A_195 : i32 to vector<16xi32>
      %ge3A_197 = arith.cmpi sge, %sub3A_194, %ge3A_196 : vector<16xi32>
      %lt3A_198 = arith.constant 25088 : i32
      %lt3A_199 = vector.broadcast %lt3A_198 : i32 to vector<16xi32>
      %lt3A_200 = arith.cmpi slt, %sub3A_194, %lt3A_199 : vector<16xi32>
      %and3A_201 = arith.andi %ge3A_197, %lt3A_200 : vector<16xi1>
      %jit3A_202 = arith.constant 25088 : i32
      %broadcast_in_dim3A_203 = vector.broadcast %jit3A_202 : i32 to vector<16xi32>
      %select_n3A_204 = arith.select %and3A_201, %sub3A_194, %broadcast_in_dim3A_203 : vector<16xi1>, vector<16xi32>
      %swap3A_205 = arith.constant 16 : index
      %swap3A_206 = tpu.vector_load %arg15[%swap3A_205] {strides = array<i32>} : memref<128xi32, #tpu.memory_space<vmem>>, vector<16xi32>,
      tpu.vector_store %arg15[%swap3A_205], %select_n3A_204 {strides = array<i32>} : memref<128xi32, #tpu.memory_space<vmem>>, vector<16xi32>,
      %get3A_207 = arith.constant 32 : index
      %get3A_208 = tpu.vector_load %arg12[%get3A_207] {strides = array<i32>} : memref<128xi32, #tpu.memory_space<vmem>>, vector<16xi32>,
      %sub3A_209 = vector.broadcast %mul3A_2 : i32 to vector<16xi32>
      %sub3A_210 = arith.subi %get3A_208, %sub3A_209 : vector<16xi32>
      %ge3A_211 = arith.constant 0 : i32
      %ge3A_212 = vector.broadcast %ge3A_211 : i32 to vector<16xi32>
      %ge3A_213 = arith.cmpi sge, %sub3A_210, %ge3A_212 : vector<16xi32>
      %lt3A_214 = arith.constant 25088 : i32
      %lt3A_215 = vector.broadcast %lt3A_214 : i32 to vector<16xi32>
      %lt3A_216 = arith.cmpi slt, %sub3A_210, %lt3A_215 : vector<16xi32>
      %and3A_217 = arith.andi %ge3A_213, %lt3A_216 : vector<16xi1>
      %jit3A_218 = arith.constant 25088 : i32
      %broadcast_in_dim3A_219 = vector.broadcast %jit3A_218 : i32 to vector<16xi32>
      %select_n3A_220 = arith.select %and3A_217, %sub3A_210, %broadcast_in_dim3A_219 : vector<16xi1>, vector<16xi32>
      %swap3A_221 = arith.constant 32 : index
      %swap3A_222 = tpu.vector_load %arg15[%swap3A_221] {strides = array<i32>} : memref<128xi32, #tpu.memory_space<vmem>>, vector<16xi32>,
      tpu.vector_store %arg15[%swap3A_221], %select_n3A_220 {strides = array<i32>} : memref<128xi32, #tpu.memory_space<vmem>>, vector<16xi32>,
      %get3A_223 = arith.constant 48 : index
      %get3A_224 = tpu.vector_load %arg12[%get3A_223] {strides = array<i32>} : memref<128xi32, #tpu.memory_space<vmem>>, vector<16xi32>,
      %sub3A_225 = vector.broadcast %mul3A_2 : i32 to vector<16xi32>
      %sub3A_226 = arith.subi %get3A_224, %sub3A_225 : vector<16xi32>
      %ge3A_227 = arith.constant 0 : i32
      %ge3A_228 = vector.broadcast %ge3A_227 : i32 to vector<16xi32>
      %ge3A_229 = arith.cmpi sge, %sub3A_226, %ge3A_228 : vector<16xi32>
      %lt3A_230 = arith.constant 25088 : i32
      %lt3A_231 = vector.broadcast %lt3A_230 : i32 to vector<16xi32>
      %lt3A_232 = arith.cmpi slt, %sub3A_226, %lt3A_231 : vector<16xi32>
      %and3A_233 = arith.andi %ge3A_229, %lt3A_232 : vector<16xi1>
      %jit3A_234 = arith.constant 25088 : i32
      %broadcast_in_dim3A_235 = vector.broadcast %jit3A_234 : i32 to vector<16xi32>
      %select_n3A_236 = arith.select %and3A_233, %sub3A_226, %broadcast_in_dim3A_235 : vector<16xi1>, vector<16xi32>
      %swap3A_237 = arith.constant 48 : index
      %swap3A_238 = tpu.vector_load %arg15[%swap3A_237] {strides = array<i32>} : memref<128xi32, #tpu.memory_space<vmem>>, vector<16xi32>,
      tpu.vector_store %arg15[%swap3A_237], %select_n3A_236 {strides = array<i32>} : memref<128xi32, #tpu.memory_space<vmem>>, vector<16xi32>,
      %get3A_239 = arith.constant 64 : index
      %get3A_240 = tpu.vector_load %arg12[%get3A_239] {strides = array<i32>} : memref<128xi32, #tpu.memory_space<vmem>>, vector<16xi32>,
      %sub3A_241 = vector.broadcast %mul3A_2 : i32 to vector<16xi32>
      %sub3A_242 = arith.subi %get3A_240, %sub3A_241 : vector<16xi32>
      %ge3A_243 = arith.constant 0 : i32
      %ge3A_244 = vector.broadcast %ge3A_243 : i32 to vector<16xi32>
      %ge3A_245 = arith.cmpi sge, %sub3A_242, %ge3A_244 : vector<16xi32>
      %lt3A_246 = arith.constant 25088 : i32
      %lt3A_247 = vector.broadcast %lt3A_246 : i32 to vector<16xi32>
      %lt3A_248 = arith.cmpi slt, %sub3A_242, %lt3A_247 : vector<16xi32>
      %and3A_249 = arith.andi %ge3A_245, %lt3A_248 : vector<16xi1>
      %jit3A_250 = arith.constant 25088 : i32
      %broadcast_in_dim3A_251 = vector.broadcast %jit3A_250 : i32 to vector<16xi32>
      %select_n3A_252 = arith.select %and3A_249, %sub3A_242, %broadcast_in_dim3A_251 : vector<16xi1>, vector<16xi32>
      %swap3A_253 = arith.constant 64 : index
      %swap3A_254 = tpu.vector_load %arg15[%swap3A_253] {strides = array<i32>} : memref<128xi32, #tpu.memory_space<vmem>>, vector<16xi32>,
      tpu.vector_store %arg15[%swap3A_253], %select_n3A_252 {strides = array<i32>} : memref<128xi32, #tpu.memory_space<vmem>>, vector<16xi32>,
      %get3A_255 = arith.constant 80 : index
      %get3A_256 = tpu.vector_load %arg12[%get3A_255] {strides = array<i32>} : memref<128xi32, #tpu.memory_space<vmem>>, vector<16xi32>,
      %sub3A_257 = vector.broadcast %mul3A_2 : i32 to vector<16xi32>
      %sub3A_258 = arith.subi %get3A_256, %sub3A_257 : vector<16xi32>
      %ge3A_259 = arith.constant 0 : i32
      %ge3A_260 = vector.broadcast %ge3A_259 : i32 to vector<16xi32>
      %ge3A_261 = arith.cmpi sge, %sub3A_258, %ge3A_260 : vector<16xi32>
      %lt3A_262 = arith.constant 25088 : i32
      %lt3A_263 = vector.broadcast %lt3A_262 : i32 to vector<16xi32>
      %lt3A_264 = arith.cmpi slt, %sub3A_258, %lt3A_263 : vector<16xi32>
      %and3A_265 = arith.andi %ge3A_261, %lt3A_264 : vector<16xi1>
      %jit3A_266 = arith.constant 25088 : i32
      %broadcast_in_dim3A_267 = vector.broadcast %jit3A_266 : i32 to vector<16xi32>
      %select_n3A_268 = arith.select %and3A_265, %sub3A_258, %broadcast_in_dim3A_267 : vector<16xi1>, vector<16xi32>
      %swap3A_269 = arith.constant 80 : index
      %swap3A_270 = tpu.vector_load %arg15[%swap3A_269] {strides = array<i32>} : memref<128xi32, #tpu.memory_space<vmem>>, vector<16xi32>,
      tpu.vector_store %arg15[%swap3A_269], %select_n3A_268 {strides = array<i32>} : memref<128xi32, #tpu.memory_space<vmem>>, vector<16xi32>,
      %get3A_271 = arith.constant 96 : index
      %get3A_272 = tpu.vector_load %arg12[%get3A_271] {strides = array<i32>} : memref<128xi32, #tpu.memory_space<vmem>>, vector<16xi32>,
      %sub3A_273 = vector.broadcast %mul3A_2 : i32 to vector<16xi32>
      %sub3A_274 = arith.subi %get3A_272, %sub3A_273 : vector<16xi32>
      %ge3A_275 = arith.constant 0 : i32
      %ge3A_276 = vector.broadcast %ge3A_275 : i32 to vector<16xi32>
      %ge3A_277 = arith.cmpi sge, %sub3A_274, %ge3A_276 : vector<16xi32>
      %lt3A_278 = arith.constant 25088 : i32
      %lt3A_279 = vector.broadcast %lt3A_278 : i32 to vector<16xi32>
      %lt3A_280 = arith.cmpi slt, %sub3A_274, %lt3A_279 : vector<16xi32>
      %and3A_281 = arith.andi %ge3A_277, %lt3A_280 : vector<16xi1>
      %jit3A_282 = arith.constant 25088 : i32
      %broadcast_in_dim3A_283 = vector.broadcast %jit3A_282 : i32 to vector<16xi32>
      %select_n3A_284 = arith.select %and3A_281, %sub3A_274, %broadcast_in_dim3A_283 : vector<16xi1>, vector<16xi32>
      %swap3A_285 = arith.constant 96 : index
      %swap3A_286 = tpu.vector_load %arg15[%swap3A_285] {strides = array<i32>} : memref<128xi32, #tpu.memory_space<vmem>>, vector<16xi32>,
      tpu.vector_store %arg15[%swap3A_285], %select_n3A_284 {strides = array<i32>} : memref<128xi32, #tpu.memory_space<vmem>>, vector<16xi32>,
      %get3A_287 = arith.constant 112 : index
      %get3A_288 = tpu.vector_load %arg12[%get3A_287] {strides = array<i32>} : memref<128xi32, #tpu.memory_space<vmem>>, vector<16xi32>,
      %sub3A_289 = vector.broadcast %mul3A_2 : i32 to vector<16xi32>
      %sub3A_290 = arith.subi %get3A_288, %sub3A_289 : vector<16xi32>
      %ge3A_291 = arith.constant 0 : i32
      %ge3A_292 = vector.broadcast %ge3A_291 : i32 to vector<16xi32>
      %ge3A_293 = arith.cmpi sge, %sub3A_290, %ge3A_292 : vector<16xi32>
      %lt3A_294 = arith.constant 25088 : i32
      %lt3A_295 = vector.broadcast %lt3A_294 : i32 to vector<16xi32>
      %lt3A_296 = arith.cmpi slt, %sub3A_290, %lt3A_295 : vector<16xi32>
      %and3A_297 = arith.andi %ge3A_293, %lt3A_296 : vector<16xi1>
      %jit3A_298 = arith.constant 25088 : i32
      %broadcast_in_dim3A_299 = vector.broadcast %jit3A_298 : i32 to vector<16xi32>
      %select_n3A_300 = arith.select %and3A_297, %sub3A_290, %broadcast_in_dim3A_299 : vector<16xi1>, vector<16xi32>
      %swap3A_301 = arith.constant 112 : index
      %swap3A_302 = tpu.vector_load %arg15[%swap3A_301] {strides = array<i32>} : memref<128xi32, #tpu.memory_space<vmem>>, vector<16xi32>,
      tpu.vector_store %arg15[%swap3A_301], %select_n3A_300 {strides = array<i32>} : memref<128xi32, #tpu.memory_space<vmem>>, vector<16xi32>,
      %dma_wait3A_303 = arith.constant 0 : i32
      %dma_wait3A_304 = arith.constant 0 : i32
      %dma_wait3A_305 = tpu.memref_slice %arg2[%dma_wait3A_303, %dma_wait3A_304] : memref<50176x64xf32, #tpu.memory_space<hbm>> -> memref<50176x64xf32, #tpu.memory_space<hbm>>
      tpu.wait_indirect_dma semaphore(%arg31 : memref<!tpu.dma_semaphore, #tpu.memory_space<semaphore_mem>>) src(%dma_wait3A_305 : memref<50176x64xf32, #tpu.memory_space<hbm>>) dst(%arg21 : memref<128x64xf32, #tpu.memory_space<vmem>>)
      %add3A_306 = arith.constant 3 : i32
      %add3A_307 = arith.addi %add3A_162, %add3A_306 : i32
      %lt3A_308 = arith.constant 390 : i32
      %lt3A_309 = arith.cmpi slt, %add3A_307, %lt3A_308 : i32
      %convert_element_type3A_310 = arith.extui %lt3A_309 : i1 to i32
      %cond3A_311 = arith.constant 0 : i32
      %cond3A_312 = arith.cmpi ne, %convert_element_type3A_310, %cond3A_311 : i32
      scf.if %cond3A_312 {
        %add3A_631 = arith.constant 3 : i32
        %add3A_632 = arith.addi %add3A_162, %add3A_631 : i32
        %mul3A_633 = arith.constant 128 : i32
        %mul3A_634 = arith.muli %add3A_632, %mul3A_633 : i32
        %add3A_635 = arith.addi %mul3A_12, %mul3A_634 : i32
        %dma_start3A_636 = tpu.memref_slice %arg5[%add3A_635] : memref<800000xi32, #tpu.memory_space<hbm>> -> memref<128xi32, #tpu.memory_space<hbm>>
        %dma_start3A_637 = tpu.memref_slice %arg5[%add3A_635] : memref<800000xi32, #tpu.memory_space<hbm>> -> memref<128xi32, #tpu.memory_space<hbm>>
        tpu.enqueue_dma source(%dma_start3A_637 : memref<128xi32, #tpu.memory_space<hbm>>) target(%arg9 : memref<128xi32, #tpu.memory_space<vmem>>) target_semaphore(%arg28 : memref<!tpu.dma_semaphore, #tpu.memory_space<semaphore_mem>>)
        %dma_start3A_638 = tpu.memref_slice %arg6[%add3A_635] : memref<800000xi32, #tpu.memory_space<hbm>> -> memref<128xi32, #tpu.memory_space<hbm>>
        %dma_start3A_639 = tpu.memref_slice %arg6[%add3A_635] : memref<800000xi32, #tpu.memory_space<hbm>> -> memref<128xi32, #tpu.memory_space<hbm>>
        tpu.enqueue_dma source(%dma_start3A_639 : memref<128xi32, #tpu.memory_space<hbm>>) target(%arg12 : memref<128xi32, #tpu.memory_space<vmem>>) target_semaphore(%arg28 : memref<!tpu.dma_semaphore, #tpu.memory_space<semaphore_mem>>)
      } else {
      }
      %dma_start3A_313 = arith.constant 0 : i32
      %dma_start3A_314 = arith.constant 0 : i32
      %dma_start3A_315 = tpu.memref_slice %arg37[%dma_start3A_313, %dma_start3A_314] : memref<25104x64xf32, #tpu.memory_space<vmem_shared>> -> memref<25104x64xf32, #tpu.memory_space<vmem_shared>>
      tpu.enqueue_indirect_dma source(%arg21 : memref<128x64xf32, #tpu.memory_space<vmem>>) target(%dma_start3A_315 : memref<25104x64xf32, #tpu.memory_space<vmem_shared>>) offsets(%arg15 : memref<128xi32, #tpu.memory_space<vmem>>) semaphore(%arg34 : memref<!tpu.dma_semaphore, #tpu.memory_space<semaphore_mem>>) {add = true}
      %mul3A_316 = arith.constant 3 : i32
      %mul3A_317 = arith.muli %mul3A_316, %scan3A_157 : i32
      %add3A_318 = arith.constant 1 : i32
      %add3A_319 = arith.addi %mul3A_317, %add3A_318 : i32
      %ge3A_320 = arith.constant 2 : i32
      %ge3A_321 = arith.cmpi sge, %add3A_319, %ge3A_320 : i32
      %convert_element_type3A_322 = arith.extui %ge3A_321 : i1 to i32
      %cond3A_323 = arith.constant 0 : i32
      %cond3A_324 = arith.cmpi ne, %convert_element_type3A_322, %cond3A_323 : i32
      scf.if %cond3A_324 {
        %dma_wait3A_631 = arith.constant 0 : i32
        %dma_wait3A_632 = arith.constant 0 : i32
        %dma_wait3A_633 = tpu.memref_slice %arg37[%dma_wait3A_631, %dma_wait3A_632] : memref<25104x64xf32, #tpu.memory_space<vmem_shared>> -> memref<25104x64xf32, #tpu.memory_space<vmem_shared>>
        tpu.wait_indirect_dma semaphore(%arg36 : memref<!tpu.dma_semaphore, #tpu.memory_space<semaphore_mem>>) src(%arg23 : memref<128x64xf32, #tpu.memory_space<vmem>>) dst(%dma_wait3A_633 : memref<25104x64xf32, #tpu.memory_space<vmem_shared>>)
      } else {
      }
      %add3A_325 = arith.constant 1 : i32
      %add3A_326 = arith.addi %add3A_319, %add3A_325 : i32
      %lt3A_327 = arith.constant 390 : i32
      %lt3A_328 = arith.cmpi slt, %add3A_326, %lt3A_327 : i32
      %convert_element_type3A_329 = arith.extui %lt3A_328 : i1 to i32
      %cond3A_330 = arith.constant 0 : i32
      %cond3A_331 = arith.cmpi ne, %convert_element_type3A_329, %cond3A_330 : i32
      scf.if %cond3A_331 {
        %dma_wait3A_631 = arith.constant 0 : i32
        %dma_wait3A_632 = tpu.memref_slice %arg5[%dma_wait3A_631] : memref<800000xi32, #tpu.memory_space<hbm>> -> memref<128xi32, #tpu.memory_space<hbm>>
        %dma_wait3A_633 = arith.constant 0 : i32
        %dma_wait3A_634 = tpu.memref_slice %arg5[%dma_wait3A_633] : memref<800000xi32, #tpu.memory_space<hbm>> -> memref<128xi32, #tpu.memory_space<hbm>>
        tpu.wait_dma2 semaphore(%arg30 : memref<!tpu.dma_semaphore, #tpu.memory_space<semaphore_mem>>) src(%dma_wait3A_634 : memref<128xi32, #tpu.memory_space<hbm>>) dst(%arg11 : memref<128xi32, #tpu.memory_space<vmem>>)
        %dma_wait3A_635 = arith.constant 0 : i32
        %dma_wait3A_636 = tpu.memref_slice %arg6[%dma_wait3A_635] : memref<800000xi32, #tpu.memory_space<hbm>> -> memref<128xi32, #tpu.memory_space<hbm>>
        %dma_wait3A_637 = arith.constant 0 : i32
        %dma_wait3A_638 = tpu.memref_slice %arg6[%dma_wait3A_637] : memref<800000xi32, #tpu.memory_space<hbm>> -> memref<128xi32, #tpu.memory_space<hbm>>
        tpu.wait_dma2 semaphore(%arg30 : memref<!tpu.dma_semaphore, #tpu.memory_space<semaphore_mem>>) src(%dma_wait3A_638 : memref<128xi32, #tpu.memory_space<hbm>>) dst(%arg14 : memref<128xi32, #tpu.memory_space<vmem>>)
        %dma_start3A_639 = arith.constant 0 : i32
        %dma_start3A_640 = arith.constant 0 : i32
        %dma_start3A_641 = tpu.memref_slice %arg2[%dma_start3A_639, %dma_start3A_640] : memref<50176x64xf32, #tpu.memory_space<hbm>> -> memref<50176x64xf32, #tpu.memory_space<hbm>>
        tpu.enqueue_indirect_dma source(%dma_start3A_641 : memref<50176x64xf32, #tpu.memory_space<hbm>>) target(%arg23 : memref<128x64xf32, #tpu.memory_space<vmem>>) offsets(%arg11 : memref<128xi32, #tpu.memory_space<vmem>>) semaphore(%arg33 : memref<!tpu.dma_semaphore, #tpu.memory_space<semaphore_mem>>)
      } else {
      }
      %get3A_332 = arith.constant 0 : index
      %get3A_333 = tpu.vector_load %arg13[%get3A_332] {strides = array<i32>} : memref<128xi32, #tpu.memory_space<vmem>>, vector<16xi32>,
      %sub3A_334 = vector.broadcast %mul3A_2 : i32 to vector<16xi32>
      %sub3A_335 = arith.subi %get3A_333, %sub3A_334 : vector<16xi32>
      %ge3A_336 = arith.constant 0 : i32
      %ge3A_337 = vector.broadcast %ge3A_336 : i32 to vector<16xi32>
      %ge3A_338 = arith.cmpi sge, %sub3A_335, %ge3A_337 : vector<16xi32>
      %lt3A_339 = arith.constant 25088 : i32
      %lt3A_340 = vector.broadcast %lt3A_339 : i32 to vector<16xi32>
      %lt3A_341 = arith.cmpi slt, %sub3A_335, %lt3A_340 : vector<16xi32>
      %and3A_342 = arith.andi %ge3A_338, %lt3A_341 : vector<16xi1>
      %jit3A_343 = arith.constant 25088 : i32
      %broadcast_in_dim3A_344 = vector.broadcast %jit3A_343 : i32 to vector<16xi32>
      %select_n3A_345 = arith.select %and3A_342, %sub3A_335, %broadcast_in_dim3A_344 : vector<16xi1>, vector<16xi32>
      %swap3A_346 = arith.constant 0 : index
      %swap3A_347 = tpu.vector_load %arg16[%swap3A_346] {strides = array<i32>} : memref<128xi32, #tpu.memory_space<vmem>>, vector<16xi32>,
      tpu.vector_store %arg16[%swap3A_346], %select_n3A_345 {strides = array<i32>} : memref<128xi32, #tpu.memory_space<vmem>>, vector<16xi32>,
      %get3A_348 = arith.constant 16 : index
      %get3A_349 = tpu.vector_load %arg13[%get3A_348] {strides = array<i32>} : memref<128xi32, #tpu.memory_space<vmem>>, vector<16xi32>,
      %sub3A_350 = vector.broadcast %mul3A_2 : i32 to vector<16xi32>
      %sub3A_351 = arith.subi %get3A_349, %sub3A_350 : vector<16xi32>
      %ge3A_352 = arith.constant 0 : i32
      %ge3A_353 = vector.broadcast %ge3A_352 : i32 to vector<16xi32>
      %ge3A_354 = arith.cmpi sge, %sub3A_351, %ge3A_353 : vector<16xi32>
      %lt3A_355 = arith.constant 25088 : i32
      %lt3A_356 = vector.broadcast %lt3A_355 : i32 to vector<16xi32>
      %lt3A_357 = arith.cmpi slt, %sub3A_351, %lt3A_356 : vector<16xi32>
      %and3A_358 = arith.andi %ge3A_354, %lt3A_357 : vector<16xi1>
      %jit3A_359 = arith.constant 25088 : i32
      %broadcast_in_dim3A_360 = vector.broadcast %jit3A_359 : i32 to vector<16xi32>
      %select_n3A_361 = arith.select %and3A_358, %sub3A_351, %broadcast_in_dim3A_360 : vector<16xi1>, vector<16xi32>
      %swap3A_362 = arith.constant 16 : index
      %swap3A_363 = tpu.vector_load %arg16[%swap3A_362] {strides = array<i32>} : memref<128xi32, #tpu.memory_space<vmem>>, vector<16xi32>,
      tpu.vector_store %arg16[%swap3A_362], %select_n3A_361 {strides = array<i32>} : memref<128xi32, #tpu.memory_space<vmem>>, vector<16xi32>,
      %get3A_364 = arith.constant 32 : index
      %get3A_365 = tpu.vector_load %arg13[%get3A_364] {strides = array<i32>} : memref<128xi32, #tpu.memory_space<vmem>>, vector<16xi32>,
      %sub3A_366 = vector.broadcast %mul3A_2 : i32 to vector<16xi32>
      %sub3A_367 = arith.subi %get3A_365, %sub3A_366 : vector<16xi32>
      %ge3A_368 = arith.constant 0 : i32
      %ge3A_369 = vector.broadcast %ge3A_368 : i32 to vector<16xi32>
      %ge3A_370 = arith.cmpi sge, %sub3A_367, %ge3A_369 : vector<16xi32>
      %lt3A_371 = arith.constant 25088 : i32
      %lt3A_372 = vector.broadcast %lt3A_371 : i32 to vector<16xi32>
      %lt3A_373 = arith.cmpi slt, %sub3A_367, %lt3A_372 : vector<16xi32>
      %and3A_374 = arith.andi %ge3A_370, %lt3A_373 : vector<16xi1>
      %jit3A_375 = arith.constant 25088 : i32
      %broadcast_in_dim3A_376 = vector.broadcast %jit3A_375 : i32 to vector<16xi32>
      %select_n3A_377 = arith.select %and3A_374, %sub3A_367, %broadcast_in_dim3A_376 : vector<16xi1>, vector<16xi32>
      %swap3A_378 = arith.constant 32 : index
      %swap3A_379 = tpu.vector_load %arg16[%swap3A_378] {strides = array<i32>} : memref<128xi32, #tpu.memory_space<vmem>>, vector<16xi32>,
      tpu.vector_store %arg16[%swap3A_378], %select_n3A_377 {strides = array<i32>} : memref<128xi32, #tpu.memory_space<vmem>>, vector<16xi32>,
      %get3A_380 = arith.constant 48 : index
      %get3A_381 = tpu.vector_load %arg13[%get3A_380] {strides = array<i32>} : memref<128xi32, #tpu.memory_space<vmem>>, vector<16xi32>,
      %sub3A_382 = vector.broadcast %mul3A_2 : i32 to vector<16xi32>
      %sub3A_383 = arith.subi %get3A_381, %sub3A_382 : vector<16xi32>
      %ge3A_384 = arith.constant 0 : i32
      %ge3A_385 = vector.broadcast %ge3A_384 : i32 to vector<16xi32>
      %ge3A_386 = arith.cmpi sge, %sub3A_383, %ge3A_385 : vector<16xi32>
      %lt3A_387 = arith.constant 25088 : i32
      %lt3A_388 = vector.broadcast %lt3A_387 : i32 to vector<16xi32>
      %lt3A_389 = arith.cmpi slt, %sub3A_383, %lt3A_388 : vector<16xi32>
      %and3A_390 = arith.andi %ge3A_386, %lt3A_389 : vector<16xi1>
      %jit3A_391 = arith.constant 25088 : i32
      %broadcast_in_dim3A_392 = vector.broadcast %jit3A_391 : i32 to vector<16xi32>
      %select_n3A_393 = arith.select %and3A_390, %sub3A_383, %broadcast_in_dim3A_392 : vector<16xi1>, vector<16xi32>
      %swap3A_394 = arith.constant 48 : index
      %swap3A_395 = tpu.vector_load %arg16[%swap3A_394] {strides = array<i32>} : memref<128xi32, #tpu.memory_space<vmem>>, vector<16xi32>,
      tpu.vector_store %arg16[%swap3A_394], %select_n3A_393 {strides = array<i32>} : memref<128xi32, #tpu.memory_space<vmem>>, vector<16xi32>,
      %get3A_396 = arith.constant 64 : index
      %get3A_397 = tpu.vector_load %arg13[%get3A_396] {strides = array<i32>} : memref<128xi32, #tpu.memory_space<vmem>>, vector<16xi32>,
      %sub3A_398 = vector.broadcast %mul3A_2 : i32 to vector<16xi32>
      %sub3A_399 = arith.subi %get3A_397, %sub3A_398 : vector<16xi32>
      %ge3A_400 = arith.constant 0 : i32
      %ge3A_401 = vector.broadcast %ge3A_400 : i32 to vector<16xi32>
      %ge3A_402 = arith.cmpi sge, %sub3A_399, %ge3A_401 : vector<16xi32>
      %lt3A_403 = arith.constant 25088 : i32
      %lt3A_404 = vector.broadcast %lt3A_403 : i32 to vector<16xi32>
      %lt3A_405 = arith.cmpi slt, %sub3A_399, %lt3A_404 : vector<16xi32>
      %and3A_406 = arith.andi %ge3A_402, %lt3A_405 : vector<16xi1>
      %jit3A_407 = arith.constant 25088 : i32
      %broadcast_in_dim3A_408 = vector.broadcast %jit3A_407 : i32 to vector<16xi32>
      %select_n3A_409 = arith.select %and3A_406, %sub3A_399, %broadcast_in_dim3A_408 : vector<16xi1>, vector<16xi32>
      %swap3A_410 = arith.constant 64 : index
      %swap3A_411 = tpu.vector_load %arg16[%swap3A_410] {strides = array<i32>} : memref<128xi32, #tpu.memory_space<vmem>>, vector<16xi32>,
      tpu.vector_store %arg16[%swap3A_410], %select_n3A_409 {strides = array<i32>} : memref<128xi32, #tpu.memory_space<vmem>>, vector<16xi32>,
      %get3A_412 = arith.constant 80 : index
      %get3A_413 = tpu.vector_load %arg13[%get3A_412] {strides = array<i32>} : memref<128xi32, #tpu.memory_space<vmem>>, vector<16xi32>,
      %sub3A_414 = vector.broadcast %mul3A_2 : i32 to vector<16xi32>
      %sub3A_415 = arith.subi %get3A_413, %sub3A_414 : vector<16xi32>
      %ge3A_416 = arith.constant 0 : i32
      %ge3A_417 = vector.broadcast %ge3A_416 : i32 to vector<16xi32>
      %ge3A_418 = arith.cmpi sge, %sub3A_415, %ge3A_417 : vector<16xi32>
      %lt3A_419 = arith.constant 25088 : i32
      %lt3A_420 = vector.broadcast %lt3A_419 : i32 to vector<16xi32>
      %lt3A_421 = arith.cmpi slt, %sub3A_415, %lt3A_420 : vector<16xi32>
      %and3A_422 = arith.andi %ge3A_418, %lt3A_421 : vector<16xi1>
      %jit3A_423 = arith.constant 25088 : i32
      %broadcast_in_dim3A_424 = vector.broadcast %jit3A_423 : i32 to vector<16xi32>
      %select_n3A_425 = arith.select %and3A_422, %sub3A_415, %broadcast_in_dim3A_424 : vector<16xi1>, vector<16xi32>
      %swap3A_426 = arith.constant 80 : index
      %swap3A_427 = tpu.vector_load %arg16[%swap3A_426] {strides = array<i32>} : memref<128xi32, #tpu.memory_space<vmem>>, vector<16xi32>,
      tpu.vector_store %arg16[%swap3A_426], %select_n3A_425 {strides = array<i32>} : memref<128xi32, #tpu.memory_space<vmem>>, vector<16xi32>,
      %get3A_428 = arith.constant 96 : index
      %get3A_429 = tpu.vector_load %arg13[%get3A_428] {strides = array<i32>} : memref<128xi32, #tpu.memory_space<vmem>>, vector<16xi32>,
      %sub3A_430 = vector.broadcast %mul3A_2 : i32 to vector<16xi32>
      %sub3A_431 = arith.subi %get3A_429, %sub3A_430 : vector<16xi32>
      %ge3A_432 = arith.constant 0 : i32
      %ge3A_433 = vector.broadcast %ge3A_432 : i32 to vector<16xi32>
      %ge3A_434 = arith.cmpi sge, %sub3A_431, %ge3A_433 : vector<16xi32>
      %lt3A_435 = arith.constant 25088 : i32
      %lt3A_436 = vector.broadcast %lt3A_435 : i32 to vector<16xi32>
      %lt3A_437 = arith.cmpi slt, %sub3A_431, %lt3A_436 : vector<16xi32>
      %and3A_438 = arith.andi %ge3A_434, %lt3A_437 : vector<16xi1>
      %jit3A_439 = arith.constant 25088 : i32
      %broadcast_in_dim3A_440 = vector.broadcast %jit3A_439 : i32 to vector<16xi32>
      %select_n3A_441 = arith.select %and3A_438, %sub3A_431, %broadcast_in_dim3A_440 : vector<16xi1>, vector<16xi32>
      %swap3A_442 = arith.constant 96 : index
      %swap3A_443 = tpu.vector_load %arg16[%swap3A_442] {strides = array<i32>} : memref<128xi32, #tpu.memory_space<vmem>>, vector<16xi32>,
      tpu.vector_store %arg16[%swap3A_442], %select_n3A_441 {strides = array<i32>} : memref<128xi32, #tpu.memory_space<vmem>>, vector<16xi32>,
      %get3A_444 = arith.constant 112 : index
      %get3A_445 = tpu.vector_load %arg13[%get3A_444] {strides = array<i32>} : memref<128xi32, #tpu.memory_space<vmem>>, vector<16xi32>,
      %sub3A_446 = vector.broadcast %mul3A_2 : i32 to vector<16xi32>
      %sub3A_447 = arith.subi %get3A_445, %sub3A_446 : vector<16xi32>
      %ge3A_448 = arith.constant 0 : i32
      %ge3A_449 = vector.broadcast %ge3A_448 : i32 to vector<16xi32>
      %ge3A_450 = arith.cmpi sge, %sub3A_447, %ge3A_449 : vector<16xi32>
      %lt3A_451 = arith.constant 25088 : i32
      %lt3A_452 = vector.broadcast %lt3A_451 : i32 to vector<16xi32>
      %lt3A_453 = arith.cmpi slt, %sub3A_447, %lt3A_452 : vector<16xi32>
      %and3A_454 = arith.andi %ge3A_450, %lt3A_453 : vector<16xi1>
      %jit3A_455 = arith.constant 25088 : i32
      %broadcast_in_dim3A_456 = vector.broadcast %jit3A_455 : i32 to vector<16xi32>
      %select_n3A_457 = arith.select %and3A_454, %sub3A_447, %broadcast_in_dim3A_456 : vector<16xi1>, vector<16xi32>
      %swap3A_458 = arith.constant 112 : index
      %swap3A_459 = tpu.vector_load %arg16[%swap3A_458] {strides = array<i32>} : memref<128xi32, #tpu.memory_space<vmem>>, vector<16xi32>,
      tpu.vector_store %arg16[%swap3A_458], %select_n3A_457 {strides = array<i32>} : memref<128xi32, #tpu.memory_space<vmem>>, vector<16xi32>,
      %dma_wait3A_460 = arith.constant 0 : i32
      %dma_wait3A_461 = arith.constant 0 : i32
      %dma_wait3A_462 = tpu.memref_slice %arg2[%dma_wait3A_460, %dma_wait3A_461] : memref<50176x64xf32, #tpu.memory_space<hbm>> -> memref<50176x64xf32, #tpu.memory_space<hbm>>
      tpu.wait_indirect_dma semaphore(%arg32 : memref<!tpu.dma_semaphore, #tpu.memory_space<semaphore_mem>>) src(%dma_wait3A_462 : memref<50176x64xf32, #tpu.memory_space<hbm>>) dst(%arg22 : memref<128x64xf32, #tpu.memory_space<vmem>>)
      %add3A_463 = arith.constant 3 : i32
      %add3A_464 = arith.addi %add3A_319, %add3A_463 : i32
      %lt3A_465 = arith.constant 390 : i32
      %lt3A_466 = arith.cmpi slt, %add3A_464, %lt3A_465 : i32
      %convert_element_type3A_467 = arith.extui %lt3A_466 : i1 to i32
      %cond3A_468 = arith.constant 0 : i32
      %cond3A_469 = arith.cmpi ne, %convert_element_type3A_467, %cond3A_468 : i32
      scf.if %cond3A_469 {
        %add3A_631 = arith.constant 3 : i32
        %add3A_632 = arith.addi %add3A_319, %add3A_631 : i32
        %mul3A_633 = arith.constant 128 : i32
        %mul3A_634 = arith.muli %add3A_632, %mul3A_633 : i32
        %add3A_635 = arith.addi %mul3A_12, %mul3A_634 : i32
        %dma_start3A_636 = tpu.memref_slice %arg5[%add3A_635] : memref<800000xi32, #tpu.memory_space<hbm>> -> memref<128xi32, #tpu.memory_space<hbm>>
        %dma_start3A_637 = tpu.memref_slice %arg5[%add3A_635] : memref<800000xi32, #tpu.memory_space<hbm>> -> memref<128xi32, #tpu.memory_space<hbm>>
        tpu.enqueue_dma source(%dma_start3A_637 : memref<128xi32, #tpu.memory_space<hbm>>) target(%arg10 : memref<128xi32, #tpu.memory_space<vmem>>) target_semaphore(%arg29 : memref<!tpu.dma_semaphore, #tpu.memory_space<semaphore_mem>>)
        %dma_start3A_638 = tpu.memref_slice %arg6[%add3A_635] : memref<800000xi32, #tpu.memory_space<hbm>> -> memref<128xi32, #tpu.memory_space<hbm>>
        %dma_start3A_639 = tpu.memref_slice %arg6[%add3A_635] : memref<800000xi32, #tpu.memory_space<hbm>> -> memref<128xi32, #tpu.memory_space<hbm>>
        tpu.enqueue_dma source(%dma_start3A_639 : memref<128xi32, #tpu.memory_space<hbm>>) target(%arg13 : memref<128xi32, #tpu.memory_space<vmem>>) target_semaphore(%arg29 : memref<!tpu.dma_semaphore, #tpu.memory_space<semaphore_mem>>)
      } else {
      }
      %dma_start3A_470 = arith.constant 0 : i32
      %dma_start3A_471 = arith.constant 0 : i32
      %dma_start3A_472 = tpu.memref_slice %arg37[%dma_start3A_470, %dma_start3A_471] : memref<25104x64xf32, #tpu.memory_space<vmem_shared>> -> memref<25104x64xf32, #tpu.memory_space<vmem_shared>>
      tpu.enqueue_indirect_dma source(%arg22 : memref<128x64xf32, #tpu.memory_space<vmem>>) target(%dma_start3A_472 : memref<25104x64xf32, #tpu.memory_space<vmem_shared>>) offsets(%arg16 : memref<128xi32, #tpu.memory_space<vmem>>) semaphore(%arg35 : memref<!tpu.dma_semaphore, #tpu.memory_space<semaphore_mem>>) {add = true}
      %mul3A_473 = arith.constant 3 : i32
      %mul3A_474 = arith.muli %mul3A_473, %scan3A_157 : i32
      %add3A_475 = arith.constant 2 : i32
      %add3A_476 = arith.addi %mul3A_474, %add3A_475 : i32
      %ge3A_477 = arith.constant 2 : i32
      %ge3A_478 = arith.cmpi sge, %add3A_476, %ge3A_477 : i32
      %convert_element_type3A_479 = arith.extui %ge3A_478 : i1 to i32
      %cond3A_480 = arith.constant 0 : i32
      %cond3A_481 = arith.cmpi ne, %convert_element_type3A_479, %cond3A_480 : i32
      scf.if %cond3A_481 {
        %dma_wait3A_631 = arith.constant 0 : i32
        %dma_wait3A_632 = arith.constant 0 : i32
        %dma_wait3A_633 = tpu.memref_slice %arg37[%dma_wait3A_631, %dma_wait3A_632] : memref<25104x64xf32, #tpu.memory_space<vmem_shared>> -> memref<25104x64xf32, #tpu.memory_space<vmem_shared>>
        tpu.wait_indirect_dma semaphore(%arg34 : memref<!tpu.dma_semaphore, #tpu.memory_space<semaphore_mem>>) src(%arg21 : memref<128x64xf32, #tpu.memory_space<vmem>>) dst(%dma_wait3A_633 : memref<25104x64xf32, #tpu.memory_space<vmem_shared>>)
      } else {
      }
      %add3A_482 = arith.constant 1 : i32
      %add3A_483 = arith.addi %add3A_476, %add3A_482 : i32
      %lt3A_484 = arith.constant 390 : i32
      %lt3A_485 = arith.cmpi slt, %add3A_483, %lt3A_484 : i32
      %convert_element_type3A_486 = arith.extui %lt3A_485 : i1 to i32
      %cond3A_487 = arith.constant 0 : i32
      %cond3A_488 = arith.cmpi ne, %convert_element_type3A_486, %cond3A_487 : i32
      scf.if %cond3A_488 {
        %dma_wait3A_631 = arith.constant 0 : i32
        %dma_wait3A_632 = tpu.memref_slice %arg5[%dma_wait3A_631] : memref<800000xi32, #tpu.memory_space<hbm>> -> memref<128xi32, #tpu.memory_space<hbm>>
        %dma_wait3A_633 = arith.constant 0 : i32
        %dma_wait3A_634 = tpu.memref_slice %arg5[%dma_wait3A_633] : memref<800000xi32, #tpu.memory_space<hbm>> -> memref<128xi32, #tpu.memory_space<hbm>>
        tpu.wait_dma2 semaphore(%arg28 : memref<!tpu.dma_semaphore, #tpu.memory_space<semaphore_mem>>) src(%dma_wait3A_634 : memref<128xi32, #tpu.memory_space<hbm>>) dst(%arg9 : memref<128xi32, #tpu.memory_space<vmem>>)
        %dma_wait3A_635 = arith.constant 0 : i32
        %dma_wait3A_636 = tpu.memref_slice %arg6[%dma_wait3A_635] : memref<800000xi32, #tpu.memory_space<hbm>> -> memref<128xi32, #tpu.memory_space<hbm>>
        %dma_wait3A_637 = arith.constant 0 : i32
        %dma_wait3A_638 = tpu.memref_slice %arg6[%dma_wait3A_637] : memref<800000xi32, #tpu.memory_space<hbm>> -> memref<128xi32, #tpu.memory_space<hbm>>
        tpu.wait_dma2 semaphore(%arg28 : memref<!tpu.dma_semaphore, #tpu.memory_space<semaphore_mem>>) src(%dma_wait3A_638 : memref<128xi32, #tpu.memory_space<hbm>>) dst(%arg12 : memref<128xi32, #tpu.memory_space<vmem>>)
        %dma_start3A_639 = arith.constant 0 : i32
        %dma_start3A_640 = arith.constant 0 : i32
        %dma_start3A_641 = tpu.memref_slice %arg2[%dma_start3A_639, %dma_start3A_640] : memref<50176x64xf32, #tpu.memory_space<hbm>> -> memref<50176x64xf32, #tpu.memory_space<hbm>>
        tpu.enqueue_indirect_dma source(%dma_start3A_641 : memref<50176x64xf32, #tpu.memory_space<hbm>>) target(%arg21 : memref<128x64xf32, #tpu.memory_space<vmem>>) offsets(%arg9 : memref<128xi32, #tpu.memory_space<vmem>>) semaphore(%arg31 : memref<!tpu.dma_semaphore, #tpu.memory_space<semaphore_mem>>)
      } else {
      }
      %get3A_489 = arith.constant 0 : index
      %get3A_490 = tpu.vector_load %arg14[%get3A_489] {strides = array<i32>} : memref<128xi32, #tpu.memory_space<vmem>>, vector<16xi32>,
      %sub3A_491 = vector.broadcast %mul3A_2 : i32 to vector<16xi32>
      %sub3A_492 = arith.subi %get3A_490, %sub3A_491 : vector<16xi32>
      %ge3A_493 = arith.constant 0 : i32
      %ge3A_494 = vector.broadcast %ge3A_493 : i32 to vector<16xi32>
      %ge3A_495 = arith.cmpi sge, %sub3A_492, %ge3A_494 : vector<16xi32>
      %lt3A_496 = arith.constant 25088 : i32
      %lt3A_497 = vector.broadcast %lt3A_496 : i32 to vector<16xi32>
      %lt3A_498 = arith.cmpi slt, %sub3A_492, %lt3A_497 : vector<16xi32>
      %and3A_499 = arith.andi %ge3A_495, %lt3A_498 : vector<16xi1>
      %jit3A_500 = arith.constant 25088 : i32
      %broadcast_in_dim3A_501 = vector.broadcast %jit3A_500 : i32 to vector<16xi32>
      %select_n3A_502 = arith.select %and3A_499, %sub3A_492, %broadcast_in_dim3A_501 : vector<16xi1>, vector<16xi32>
      %swap3A_503 = arith.constant 0 : index
      %swap3A_504 = tpu.vector_load %arg17[%swap3A_503] {strides = array<i32>} : memref<128xi32, #tpu.memory_space<vmem>>, vector<16xi32>,
      tpu.vector_store %arg17[%swap3A_503], %select_n3A_502 {strides = array<i32>} : memref<128xi32, #tpu.memory_space<vmem>>, vector<16xi32>,
      %get3A_505 = arith.constant 16 : index
      %get3A_506 = tpu.vector_load %arg14[%get3A_505] {strides = array<i32>} : memref<128xi32, #tpu.memory_space<vmem>>, vector<16xi32>,
      %sub3A_507 = vector.broadcast %mul3A_2 : i32 to vector<16xi32>
      %sub3A_508 = arith.subi %get3A_506, %sub3A_507 : vector<16xi32>
      %ge3A_509 = arith.constant 0 : i32
      %ge3A_510 = vector.broadcast %ge3A_509 : i32 to vector<16xi32>
      %ge3A_511 = arith.cmpi sge, %sub3A_508, %ge3A_510 : vector<16xi32>
      %lt3A_512 = arith.constant 25088 : i32
      %lt3A_513 = vector.broadcast %lt3A_512 : i32 to vector<16xi32>
      %lt3A_514 = arith.cmpi slt, %sub3A_508, %lt3A_513 : vector<16xi32>
      %and3A_515 = arith.andi %ge3A_511, %lt3A_514 : vector<16xi1>
      %jit3A_516 = arith.constant 25088 : i32
      %broadcast_in_dim3A_517 = vector.broadcast %jit3A_516 : i32 to vector<16xi32>
      %select_n3A_518 = arith.select %and3A_515, %sub3A_508, %broadcast_in_dim3A_517 : vector<16xi1>, vector<16xi32>
      %swap3A_519 = arith.constant 16 : index
      %swap3A_520 = tpu.vector_load %arg17[%swap3A_519] {strides = array<i32>} : memref<128xi32, #tpu.memory_space<vmem>>, vector<16xi32>,
      tpu.vector_store %arg17[%swap3A_519], %select_n3A_518 {strides = array<i32>} : memref<128xi32, #tpu.memory_space<vmem>>, vector<16xi32>,
      %get3A_521 = arith.constant 32 : index
      %get3A_522 = tpu.vector_load %arg14[%get3A_521] {strides = array<i32>} : memref<128xi32, #tpu.memory_space<vmem>>, vector<16xi32>,
      %sub3A_523 = vector.broadcast %mul3A_2 : i32 to vector<16xi32>
      %sub3A_524 = arith.subi %get3A_522, %sub3A_523 : vector<16xi32>
      %ge3A_525 = arith.constant 0 : i32
      %ge3A_526 = vector.broadcast %ge3A_525 : i32 to vector<16xi32>
      %ge3A_527 = arith.cmpi sge, %sub3A_524, %ge3A_526 : vector<16xi32>
      %lt3A_528 = arith.constant 25088 : i32
      %lt3A_529 = vector.broadcast %lt3A_528 : i32 to vector<16xi32>
      %lt3A_530 = arith.cmpi slt, %sub3A_524, %lt3A_529 : vector<16xi32>
      %and3A_531 = arith.andi %ge3A_527, %lt3A_530 : vector<16xi1>
      %jit3A_532 = arith.constant 25088 : i32
      %broadcast_in_dim3A_533 = vector.broadcast %jit3A_532 : i32 to vector<16xi32>
      %select_n3A_534 = arith.select %and3A_531, %sub3A_524, %broadcast_in_dim3A_533 : vector<16xi1>, vector<16xi32>
      %swap3A_535 = arith.constant 32 : index
      %swap3A_536 = tpu.vector_load %arg17[%swap3A_535] {strides = array<i32>} : memref<128xi32, #tpu.memory_space<vmem>>, vector<16xi32>,
      tpu.vector_store %arg17[%swap3A_535], %select_n3A_534 {strides = array<i32>} : memref<128xi32, #tpu.memory_space<vmem>>, vector<16xi32>,
      %get3A_537 = arith.constant 48 : index
      %get3A_538 = tpu.vector_load %arg14[%get3A_537] {strides = array<i32>} : memref<128xi32, #tpu.memory_space<vmem>>, vector<16xi32>,
      %sub3A_539 = vector.broadcast %mul3A_2 : i32 to vector<16xi32>
      %sub3A_540 = arith.subi %get3A_538, %sub3A_539 : vector<16xi32>
      %ge3A_541 = arith.constant 0 : i32
      %ge3A_542 = vector.broadcast %ge3A_541 : i32 to vector<16xi32>
      %ge3A_543 = arith.cmpi sge, %sub3A_540, %ge3A_542 : vector<16xi32>
      %lt3A_544 = arith.constant 25088 : i32
      %lt3A_545 = vector.broadcast %lt3A_544 : i32 to vector<16xi32>
      %lt3A_546 = arith.cmpi slt, %sub3A_540, %lt3A_545 : vector<16xi32>
      %and3A_547 = arith.andi %ge3A_543, %lt3A_546 : vector<16xi1>
      %jit3A_548 = arith.constant 25088 : i32
      %broadcast_in_dim3A_549 = vector.broadcast %jit3A_548 : i32 to vector<16xi32>
      %select_n3A_550 = arith.select %and3A_547, %sub3A_540, %broadcast_in_dim3A_549 : vector<16xi1>, vector<16xi32>
      %swap3A_551 = arith.constant 48 : index
      %swap3A_552 = tpu.vector_load %arg17[%swap3A_551] {strides = array<i32>} : memref<128xi32, #tpu.memory_space<vmem>>, vector<16xi32>,
      tpu.vector_store %arg17[%swap3A_551], %select_n3A_550 {strides = array<i32>} : memref<128xi32, #tpu.memory_space<vmem>>, vector<16xi32>,
      %get3A_553 = arith.constant 64 : index
      %get3A_554 = tpu.vector_load %arg14[%get3A_553] {strides = array<i32>} : memref<128xi32, #tpu.memory_space<vmem>>, vector<16xi32>,
      %sub3A_555 = vector.broadcast %mul3A_2 : i32 to vector<16xi32>
      %sub3A_556 = arith.subi %get3A_554, %sub3A_555 : vector<16xi32>
      %ge3A_557 = arith.constant 0 : i32
      %ge3A_558 = vector.broadcast %ge3A_557 : i32 to vector<16xi32>
      %ge3A_559 = arith.cmpi sge, %sub3A_556, %ge3A_558 : vector<16xi32>
      %lt3A_560 = arith.constant 25088 : i32
      %lt3A_561 = vector.broadcast %lt3A_560 : i32 to vector<16xi32>
      %lt3A_562 = arith.cmpi slt, %sub3A_556, %lt3A_561 : vector<16xi32>
      %and3A_563 = arith.andi %ge3A_559, %lt3A_562 : vector<16xi1>
      %jit3A_564 = arith.constant 25088 : i32
      %broadcast_in_dim3A_565 = vector.broadcast %jit3A_564 : i32 to vector<16xi32>
      %select_n3A_566 = arith.select %and3A_563, %sub3A_556, %broadcast_in_dim3A_565 : vector<16xi1>, vector<16xi32>
      %swap3A_567 = arith.constant 64 : index
      %swap3A_568 = tpu.vector_load %arg17[%swap3A_567] {strides = array<i32>} : memref<128xi32, #tpu.memory_space<vmem>>, vector<16xi32>,
      tpu.vector_store %arg17[%swap3A_567], %select_n3A_566 {strides = array<i32>} : memref<128xi32, #tpu.memory_space<vmem>>, vector<16xi32>,
      %get3A_569 = arith.constant 80 : index
      %get3A_570 = tpu.vector_load %arg14[%get3A_569] {strides = array<i32>} : memref<128xi32, #tpu.memory_space<vmem>>, vector<16xi32>,
      %sub3A_571 = vector.broadcast %mul3A_2 : i32 to vector<16xi32>
      %sub3A_572 = arith.subi %get3A_570, %sub3A_571 : vector<16xi32>
      %ge3A_573 = arith.constant 0 : i32
      %ge3A_574 = vector.broadcast %ge3A_573 : i32 to vector<16xi32>
      %ge3A_575 = arith.cmpi sge, %sub3A_572, %ge3A_574 : vector<16xi32>
      %lt3A_576 = arith.constant 25088 : i32
      %lt3A_577 = vector.broadcast %lt3A_576 : i32 to vector<16xi32>
      %lt3A_578 = arith.cmpi slt, %sub3A_572, %lt3A_577 : vector<16xi32>
      %and3A_579 = arith.andi %ge3A_575, %lt3A_578 : vector<16xi1>
      %jit3A_580 = arith.constant 25088 : i32
      %broadcast_in_dim3A_581 = vector.broadcast %jit3A_580 : i32 to vector<16xi32>
      %select_n3A_582 = arith.select %and3A_579, %sub3A_572, %broadcast_in_dim3A_581 : vector<16xi1>, vector<16xi32>
      %swap3A_583 = arith.constant 80 : index
      %swap3A_584 = tpu.vector_load %arg17[%swap3A_583] {strides = array<i32>} : memref<128xi32, #tpu.memory_space<vmem>>, vector<16xi32>,
      tpu.vector_store %arg17[%swap3A_583], %select_n3A_582 {strides = array<i32>} : memref<128xi32, #tpu.memory_space<vmem>>, vector<16xi32>,
      %get3A_585 = arith.constant 96 : index
      %get3A_586 = tpu.vector_load %arg14[%get3A_585] {strides = array<i32>} : memref<128xi32, #tpu.memory_space<vmem>>, vector<16xi32>,
      %sub3A_587 = vector.broadcast %mul3A_2 : i32 to vector<16xi32>
      %sub3A_588 = arith.subi %get3A_586, %sub3A_587 : vector<16xi32>
      %ge3A_589 = arith.constant 0 : i32
      %ge3A_590 = vector.broadcast %ge3A_589 : i32 to vector<16xi32>
      %ge3A_591 = arith.cmpi sge, %sub3A_588, %ge3A_590 : vector<16xi32>
      %lt3A_592 = arith.constant 25088 : i32
      %lt3A_593 = vector.broadcast %lt3A_592 : i32 to vector<16xi32>
      %lt3A_594 = arith.cmpi slt, %sub3A_588, %lt3A_593 : vector<16xi32>
      %and3A_595 = arith.andi %ge3A_591, %lt3A_594 : vector<16xi1>
      %jit3A_596 = arith.constant 25088 : i32
      %broadcast_in_dim3A_597 = vector.broadcast %jit3A_596 : i32 to vector<16xi32>
      %select_n3A_598 = arith.select %and3A_595, %sub3A_588, %broadcast_in_dim3A_597 : vector<16xi1>, vector<16xi32>
      %swap3A_599 = arith.constant 96 : index
      %swap3A_600 = tpu.vector_load %arg17[%swap3A_599] {strides = array<i32>} : memref<128xi32, #tpu.memory_space<vmem>>, vector<16xi32>,
      tpu.vector_store %arg17[%swap3A_599], %select_n3A_598 {strides = array<i32>} : memref<128xi32, #tpu.memory_space<vmem>>, vector<16xi32>,
      %get3A_601 = arith.constant 112 : index
      %get3A_602 = tpu.vector_load %arg14[%get3A_601] {strides = array<i32>} : memref<128xi32, #tpu.memory_space<vmem>>, vector<16xi32>,
      %sub3A_603 = vector.broadcast %mul3A_2 : i32 to vector<16xi32>
      %sub3A_604 = arith.subi %get3A_602, %sub3A_603 : vector<16xi32>
      %ge3A_605 = arith.constant 0 : i32
      %ge3A_606 = vector.broadcast %ge3A_605 : i32 to vector<16xi32>
      %ge3A_607 = arith.cmpi sge, %sub3A_604, %ge3A_606 : vector<16xi32>
      %lt3A_608 = arith.constant 25088 : i32
      %lt3A_609 = vector.broadcast %lt3A_608 : i32 to vector<16xi32>
      %lt3A_610 = arith.cmpi slt, %sub3A_604, %lt3A_609 : vector<16xi32>
      %and3A_611 = arith.andi %ge3A_607, %lt3A_610 : vector<16xi1>
      %jit3A_612 = arith.constant 25088 : i32
      %broadcast_in_dim3A_613 = vector.broadcast %jit3A_612 : i32 to vector<16xi32>
      %select_n3A_614 = arith.select %and3A_611, %sub3A_604, %broadcast_in_dim3A_613 : vector<16xi1>, vector<16xi32>
      %swap3A_615 = arith.constant 112 : index
      %swap3A_616 = tpu.vector_load %arg17[%swap3A_615] {strides = array<i32>} : memref<128xi32, #tpu.memory_space<vmem>>, vector<16xi32>,
      tpu.vector_store %arg17[%swap3A_615], %select_n3A_614 {strides = array<i32>} : memref<128xi32, #tpu.memory_space<vmem>>, vector<16xi32>,
      %dma_wait3A_617 = arith.constant 0 : i32
      %dma_wait3A_618 = arith.constant 0 : i32
      %dma_wait3A_619 = tpu.memref_slice %arg2[%dma_wait3A_617, %dma_wait3A_618] : memref<50176x64xf32, #tpu.memory_space<hbm>> -> memref<50176x64xf32, #tpu.memory_space<hbm>>
      tpu.wait_indirect_dma semaphore(%arg33 : memref<!tpu.dma_semaphore, #tpu.memory_space<semaphore_mem>>) src(%dma_wait3A_619 : memref<50176x64xf32, #tpu.memory_space<hbm>>) dst(%arg23 : memref<128x64xf32, #tpu.memory_space<vmem>>)
      %add3A_620 = arith.constant 3 : i32
      %add3A_621 = arith.addi %add3A_476, %add3A_620 : i32
      %lt3A_622 = arith.constant 390 : i32
      %lt3A_623 = arith.cmpi slt, %add3A_621, %lt3A_622 : i32
      %convert_element_type3A_624 = arith.extui %lt3A_623 : i1 to i32
      %cond3A_625 = arith.constant 0 : i32
      %cond3A_626 = arith.cmpi ne, %convert_element_type3A_624, %cond3A_625 : i32
      scf.if %cond3A_626 {
        %add3A_631 = arith.constant 3 : i32
        %add3A_632 = arith.addi %add3A_476, %add3A_631 : i32
        %mul3A_633 = arith.constant 128 : i32
        %mul3A_634 = arith.muli %add3A_632, %mul3A_633 : i32
        %add3A_635 = arith.addi %mul3A_12, %mul3A_634 : i32
        %dma_start3A_636 = tpu.memref_slice %arg5[%add3A_635] : memref<800000xi32, #tpu.memory_space<hbm>> -> memref<128xi32, #tpu.memory_space<hbm>>
        %dma_start3A_637 = tpu.memref_slice %arg5[%add3A_635] : memref<800000xi32, #tpu.memory_space<hbm>> -> memref<128xi32, #tpu.memory_space<hbm>>
        tpu.enqueue_dma source(%dma_start3A_637 : memref<128xi32, #tpu.memory_space<hbm>>) target(%arg11 : memref<128xi32, #tpu.memory_space<vmem>>) target_semaphore(%arg30 : memref<!tpu.dma_semaphore, #tpu.memory_space<semaphore_mem>>)
        %dma_start3A_638 = tpu.memref_slice %arg6[%add3A_635] : memref<800000xi32, #tpu.memory_space<hbm>> -> memref<128xi32, #tpu.memory_space<hbm>>
        %dma_start3A_639 = tpu.memref_slice %arg6[%add3A_635] : memref<800000xi32, #tpu.memory_space<hbm>> -> memref<128xi32, #tpu.memory_space<hbm>>
        tpu.enqueue_dma source(%dma_start3A_639 : memref<128xi32, #tpu.memory_space<hbm>>) target(%arg14 : memref<128xi32, #tpu.memory_space<vmem>>) target_semaphore(%arg30 : memref<!tpu.dma_semaphore, #tpu.memory_space<semaphore_mem>>)
      } else {
      }
      %dma_start3A_627 = arith.constant 0 : i32
      %dma_start3A_628 = arith.constant 0 : i32
      %dma_start3A_629 = tpu.memref_slice %arg37[%dma_start3A_627, %dma_start3A_628] : memref<25104x64xf32, #tpu.memory_space<vmem_shared>> -> memref<25104x64xf32, #tpu.memory_space<vmem_shared>>
      tpu.enqueue_indirect_dma source(%arg23 : memref<128x64xf32, #tpu.memory_space<vmem>>) target(%dma_start3A_629 : memref<25104x64xf32, #tpu.memory_space<vmem_shared>>) offsets(%arg17 : memref<128xi32, #tpu.memory_space<vmem>>) semaphore(%arg36 : memref<!tpu.dma_semaphore, #tpu.memory_space<semaphore_mem>>) {add = true}
      %scan3A_630 = arith.constant 0 : i32
      scf.yield %scan3A_630 : i32
    }
    %scan3A_46 = arith.constant 130 : i32
    %dma_wait3A_47 = arith.constant 0 : i32
    %dma_wait3A_48 = arith.constant 0 : i32
    %dma_wait3A_49 = tpu.memref_slice %arg37[%dma_wait3A_47, %dma_wait3A_48] : memref<25104x64xf32, #tpu.memory_space<vmem_shared>> -> memref<25104x64xf32, #tpu.memory_space<vmem_shared>>
    tpu.wait_indirect_dma semaphore(%arg35 : memref<!tpu.dma_semaphore, #tpu.memory_space<semaphore_mem>>) src(%arg22 : memref<128x64xf32, #tpu.memory_space<vmem>>) dst(%dma_wait3A_49 : memref<25104x64xf32, #tpu.memory_space<vmem_shared>>)
    %dma_wait3A_50 = arith.constant 0 : i32
    %dma_wait3A_51 = arith.constant 0 : i32
    %dma_wait3A_52 = tpu.memref_slice %arg37[%dma_wait3A_50, %dma_wait3A_51] : memref<25104x64xf32, #tpu.memory_space<vmem_shared>> -> memref<25104x64xf32, #tpu.memory_space<vmem_shared>>
    tpu.wait_indirect_dma semaphore(%arg36 : memref<!tpu.dma_semaphore, #tpu.memory_space<semaphore_mem>>) src(%arg23 : memref<128x64xf32, #tpu.memory_space<vmem>>) dst(%dma_wait3A_52 : memref<25104x64xf32, #tpu.memory_space<vmem_shared>>)
    %add3A_53 = arith.constant 49920 : i32
    %add3A_54 = arith.addi %mul3A_12, %add3A_53 : i32
    "tpu.region"() ({
      %run_scoped3A = tpu.sem_alloc : memref<!tpu.dma_semaphore, #tpu.memory_space<semaphore_mem>>
      %dma_start3A_157 = tpu.memref_slice %arg5[%add3A_54] : memref<800000xi32, #tpu.memory_space<hbm>> -> memref<80xi32, #tpu.memory_space<hbm>>
      %dma_start3A_158 = tpu.memref_slice %arg5[%add3A_54] : memref<800000xi32, #tpu.memory_space<hbm>> -> memref<80xi32, #tpu.memory_space<hbm>>
      tpu.enqueue_dma source(%dma_start3A_158 : memref<80xi32, #tpu.memory_space<hbm>>) target(%arg18 : memref<80xi32, #tpu.memory_space<vmem>>) target_semaphore(%run_scoped3A : memref<!tpu.dma_semaphore, #tpu.memory_space<semaphore_mem>>)
      %dma_wait3A_159 = tpu.memref_slice %arg5[%add3A_54] : memref<800000xi32, #tpu.memory_space<hbm>> -> memref<80xi32, #tpu.memory_space<hbm>>
      %dma_wait3A_160 = tpu.memref_slice %arg5[%add3A_54] : memref<800000xi32, #tpu.memory_space<hbm>> -> memref<80xi32, #tpu.memory_space<hbm>>
      tpu.wait_dma2 semaphore(%run_scoped3A : memref<!tpu.dma_semaphore, #tpu.memory_space<semaphore_mem>>) src(%dma_wait3A_160 : memref<80xi32, #tpu.memory_space<hbm>>) dst(%arg18 : memref<80xi32, #tpu.memory_space<vmem>>)
      tpu.yield
    }) : () -> ()
    "tpu.region"() ({
      %run_scoped3A = tpu.sem_alloc : memref<!tpu.dma_semaphore, #tpu.memory_space<semaphore_mem>>
      %dma_start3A_157 = tpu.memref_slice %arg6[%add3A_54] : memref<800000xi32, #tpu.memory_space<hbm>> -> memref<80xi32, #tpu.memory_space<hbm>>
      %dma_start3A_158 = tpu.memref_slice %arg6[%add3A_54] : memref<800000xi32, #tpu.memory_space<hbm>> -> memref<80xi32, #tpu.memory_space<hbm>>
      tpu.enqueue_dma source(%dma_start3A_158 : memref<80xi32, #tpu.memory_space<hbm>>) target(%arg19 : memref<80xi32, #tpu.memory_space<vmem>>) target_semaphore(%run_scoped3A : memref<!tpu.dma_semaphore, #tpu.memory_space<semaphore_mem>>)
      %dma_wait3A_159 = tpu.memref_slice %arg6[%add3A_54] : memref<800000xi32, #tpu.memory_space<hbm>> -> memref<80xi32, #tpu.memory_space<hbm>>
      %dma_wait3A_160 = tpu.memref_slice %arg6[%add3A_54] : memref<800000xi32, #tpu.memory_space<hbm>> -> memref<80xi32, #tpu.memory_space<hbm>>
      tpu.wait_dma2 semaphore(%run_scoped3A : memref<!tpu.dma_semaphore, #tpu.memory_space<semaphore_mem>>) src(%dma_wait3A_160 : memref<80xi32, #tpu.memory_space<hbm>>) dst(%arg19 : memref<80xi32, #tpu.memory_space<vmem>>)
      tpu.yield
    }) : () -> ()
    %get3A = arith.constant 0 : index
    %get3A_55 = tpu.vector_load %arg19[%get3A] {strides = array<i32>} : memref<80xi32, #tpu.memory_space<vmem>>, vector<16xi32>,
    %sub3A = vector.broadcast %mul3A_2 : i32 to vector<16xi32>
    %sub3A_56 = arith.subi %get3A_55, %sub3A : vector<16xi32>
    %ge3A = arith.constant 0 : i32
    %ge3A_57 = vector.broadcast %ge3A : i32 to vector<16xi32>
    %ge3A_58 = arith.cmpi sge, %sub3A_56, %ge3A_57 : vector<16xi32>
    %lt3A = arith.constant 25088 : i32
    %lt3A_59 = vector.broadcast %lt3A : i32 to vector<16xi32>
    %lt3A_60 = arith.cmpi slt, %sub3A_56, %lt3A_59 : vector<16xi32>
    %and3A = arith.andi %ge3A_58, %lt3A_60 : vector<16xi1>
    %jit3A = arith.constant 25088 : i32
    %broadcast_in_dim3A = vector.broadcast %jit3A : i32 to vector<16xi32>
    %select_n3A = arith.select %and3A, %sub3A_56, %broadcast_in_dim3A : vector<16xi1>, vector<16xi32>
    %swap3A = arith.constant 0 : index
    %swap3A_61 = tpu.vector_load %arg20[%swap3A] {strides = array<i32>} : memref<80xi32, #tpu.memory_space<vmem>>, vector<16xi32>,
    tpu.vector_store %arg20[%swap3A], %select_n3A {strides = array<i32>} : memref<80xi32, #tpu.memory_space<vmem>>, vector<16xi32>,
    %get3A_62 = arith.constant 16 : index
    %get3A_63 = tpu.vector_load %arg19[%get3A_62] {strides = array<i32>} : memref<80xi32, #tpu.memory_space<vmem>>, vector<16xi32>,
    %sub3A_64 = vector.broadcast %mul3A_2 : i32 to vector<16xi32>
    %sub3A_65 = arith.subi %get3A_63, %sub3A_64 : vector<16xi32>
    %ge3A_66 = arith.constant 0 : i32
    %ge3A_67 = vector.broadcast %ge3A_66 : i32 to vector<16xi32>
    %ge3A_68 = arith.cmpi sge, %sub3A_65, %ge3A_67 : vector<16xi32>
    %lt3A_69 = arith.constant 25088 : i32
    %lt3A_70 = vector.broadcast %lt3A_69 : i32 to vector<16xi32>
    %lt3A_71 = arith.cmpi slt, %sub3A_65, %lt3A_70 : vector<16xi32>
    %and3A_72 = arith.andi %ge3A_68, %lt3A_71 : vector<16xi1>
    %jit3A_73 = arith.constant 25088 : i32
    %broadcast_in_dim3A_74 = vector.broadcast %jit3A_73 : i32 to vector<16xi32>
    %select_n3A_75 = arith.select %and3A_72, %sub3A_65, %broadcast_in_dim3A_74 : vector<16xi1>, vector<16xi32>
    %swap3A_76 = arith.constant 16 : index
    %swap3A_77 = tpu.vector_load %arg20[%swap3A_76] {strides = array<i32>} : memref<80xi32, #tpu.memory_space<vmem>>, vector<16xi32>,
    tpu.vector_store %arg20[%swap3A_76], %select_n3A_75 {strides = array<i32>} : memref<80xi32, #tpu.memory_space<vmem>>, vector<16xi32>,
    %get3A_78 = arith.constant 32 : index
    %get3A_79 = tpu.vector_load %arg19[%get3A_78] {strides = array<i32>} : memref<80xi32, #tpu.memory_space<vmem>>, vector<16xi32>,
    %sub3A_80 = vector.broadcast %mul3A_2 : i32 to vector<16xi32>
    %sub3A_81 = arith.subi %get3A_79, %sub3A_80 : vector<16xi32>
    %ge3A_82 = arith.constant 0 : i32
    %ge3A_83 = vector.broadcast %ge3A_82 : i32 to vector<16xi32>
    %ge3A_84 = arith.cmpi sge, %sub3A_81, %ge3A_83 : vector<16xi32>
    %lt3A_85 = arith.constant 25088 : i32
    %lt3A_86 = vector.broadcast %lt3A_85 : i32 to vector<16xi32>
    %lt3A_87 = arith.cmpi slt, %sub3A_81, %lt3A_86 : vector<16xi32>
    %and3A_88 = arith.andi %ge3A_84, %lt3A_87 : vector<16xi1>
    %jit3A_89 = arith.constant 25088 : i32
    %broadcast_in_dim3A_90 = vector.broadcast %jit3A_89 : i32 to vector<16xi32>
    %select_n3A_91 = arith.select %and3A_88, %sub3A_81, %broadcast_in_dim3A_90 : vector<16xi1>, vector<16xi32>
    %swap3A_92 = arith.constant 32 : index
    %swap3A_93 = tpu.vector_load %arg20[%swap3A_92] {strides = array<i32>} : memref<80xi32, #tpu.memory_space<vmem>>, vector<16xi32>,
    tpu.vector_store %arg20[%swap3A_92], %select_n3A_91 {strides = array<i32>} : memref<80xi32, #tpu.memory_space<vmem>>, vector<16xi32>,
    %get3A_94 = arith.constant 48 : index
    %get3A_95 = tpu.vector_load %arg19[%get3A_94] {strides = array<i32>} : memref<80xi32, #tpu.memory_space<vmem>>, vector<16xi32>,
    %sub3A_96 = vector.broadcast %mul3A_2 : i32 to vector<16xi32>
    %sub3A_97 = arith.subi %get3A_95, %sub3A_96 : vector<16xi32>
    %ge3A_98 = arith.constant 0 : i32
    %ge3A_99 = vector.broadcast %ge3A_98 : i32 to vector<16xi32>
    %ge3A_100 = arith.cmpi sge, %sub3A_97, %ge3A_99 : vector<16xi32>
    %lt3A_101 = arith.constant 25088 : i32
    %lt3A_102 = vector.broadcast %lt3A_101 : i32 to vector<16xi32>
    %lt3A_103 = arith.cmpi slt, %sub3A_97, %lt3A_102 : vector<16xi32>
    %and3A_104 = arith.andi %ge3A_100, %lt3A_103 : vector<16xi1>
    %jit3A_105 = arith.constant 25088 : i32
    %broadcast_in_dim3A_106 = vector.broadcast %jit3A_105 : i32 to vector<16xi32>
    %select_n3A_107 = arith.select %and3A_104, %sub3A_97, %broadcast_in_dim3A_106 : vector<16xi1>, vector<16xi32>
    %swap3A_108 = arith.constant 48 : index
    %swap3A_109 = tpu.vector_load %arg20[%swap3A_108] {strides = array<i32>} : memref<80xi32, #tpu.memory_space<vmem>>, vector<16xi32>,
    tpu.vector_store %arg20[%swap3A_108], %select_n3A_107 {strides = array<i32>} : memref<80xi32, #tpu.memory_space<vmem>>, vector<16xi32>,
    %get3A_110 = arith.constant 64 : index
    %get3A_111 = tpu.vector_load %arg19[%get3A_110] {strides = array<i32>} : memref<80xi32, #tpu.memory_space<vmem>>, vector<16xi32>,
    %sub3A_112 = vector.broadcast %mul3A_2 : i32 to vector<16xi32>
    %sub3A_113 = arith.subi %get3A_111, %sub3A_112 : vector<16xi32>
    %ge3A_114 = arith.constant 0 : i32
    %ge3A_115 = vector.broadcast %ge3A_114 : i32 to vector<16xi32>
    %ge3A_116 = arith.cmpi sge, %sub3A_113, %ge3A_115 : vector<16xi32>
    %lt3A_117 = arith.constant 25088 : i32
    %lt3A_118 = vector.broadcast %lt3A_117 : i32 to vector<16xi32>
    %lt3A_119 = arith.cmpi slt, %sub3A_113, %lt3A_118 : vector<16xi32>
    %and3A_120 = arith.andi %ge3A_116, %lt3A_119 : vector<16xi1>
    %jit3A_121 = arith.constant 25088 : i32
    %broadcast_in_dim3A_122 = vector.broadcast %jit3A_121 : i32 to vector<16xi32>
    %select_n3A_123 = arith.select %and3A_120, %sub3A_113, %broadcast_in_dim3A_122 : vector<16xi1>, vector<16xi32>
    %swap3A_124 = arith.constant 64 : index
    %swap3A_125 = tpu.vector_load %arg20[%swap3A_124] {strides = array<i32>} : memref<80xi32, #tpu.memory_space<vmem>>, vector<16xi32>,
    tpu.vector_store %arg20[%swap3A_124], %select_n3A_123 {strides = array<i32>} : memref<80xi32, #tpu.memory_space<vmem>>, vector<16xi32>,
    %dma_start3A_126 = arith.constant 0 : i32
    %dma_start3A_127 = arith.constant 0 : i32
    %dma_start3A_128 = tpu.memref_slice %arg21[%dma_start3A_126, %dma_start3A_127] : memref<128x64xf32, #tpu.memory_space<vmem>> -> memref<80x64xf32, #tpu.memory_space<vmem>>
    %dma_start3A_129 = arith.constant 0 : i32
    %dma_start3A_130 = arith.constant 0 : i32
    %dma_start3A_131 = tpu.memref_slice %arg2[%dma_start3A_129, %dma_start3A_130] : memref<50176x64xf32, #tpu.memory_space<hbm>> -> memref<50176x64xf32, #tpu.memory_space<hbm>>
    tpu.enqueue_indirect_dma source(%dma_start3A_131 : memref<50176x64xf32, #tpu.memory_space<hbm>>) target(%dma_start3A_128 : memref<80x64xf32, #tpu.memory_space<vmem>>) offsets(%arg18 : memref<80xi32, #tpu.memory_space<vmem>>) semaphore(%arg27 : memref<!tpu.dma_semaphore, #tpu.memory_space<semaphore_mem>>)
    %dma_wait3A_132 = arith.constant 0 : i32
    %dma_wait3A_133 = arith.constant 0 : i32
    %dma_wait3A_134 = tpu.memref_slice %arg21[%dma_wait3A_132, %dma_wait3A_133] : memref<128x64xf32, #tpu.memory_space<vmem>> -> memref<80x64xf32, #tpu.memory_space<vmem>>
    %dma_wait3A_135 = arith.constant 0 : i32
    %dma_wait3A_136 = arith.constant 0 : i32
    %dma_wait3A_137 = tpu.memref_slice %arg2[%dma_wait3A_135, %dma_wait3A_136] : memref<50176x64xf32, #tpu.memory_space<hbm>> -> memref<50176x64xf32, #tpu.memory_space<hbm>>
    tpu.wait_indirect_dma semaphore(%arg27 : memref<!tpu.dma_semaphore, #tpu.memory_space<semaphore_mem>>) src(%dma_wait3A_137 : memref<50176x64xf32, #tpu.memory_space<hbm>>) dst(%dma_wait3A_134 : memref<80x64xf32, #tpu.memory_space<vmem>>)
    "tpu.region"() ({
      %run_scoped3A = tpu.sem_alloc : memref<!tpu.dma_semaphore, #tpu.memory_space<semaphore_mem>>
      %dma_start3A_157 = arith.constant 0 : i32
      %dma_start3A_158 = arith.constant 0 : i32
      %dma_start3A_159 = tpu.memref_slice %arg21[%dma_start3A_157, %dma_start3A_158] : memref<128x64xf32, #tpu.memory_space<vmem>> -> memref<80x64xf32, #tpu.memory_space<vmem>>
      %dma_start3A_160 = arith.constant 0 : i32
      %dma_start3A_161 = arith.constant 0 : i32
      %dma_start3A_162 = tpu.memref_slice %arg37[%dma_start3A_160, %dma_start3A_161] : memref<25104x64xf32, #tpu.memory_space<vmem_shared>> -> memref<25104x64xf32, #tpu.memory_space<vmem_shared>>
      tpu.enqueue_indirect_dma source(%dma_start3A_159 : memref<80x64xf32, #tpu.memory_space<vmem>>) target(%dma_start3A_162 : memref<25104x64xf32, #tpu.memory_space<vmem_shared>>) offsets(%arg20 : memref<80xi32, #tpu.memory_space<vmem>>) semaphore(%run_scoped3A : memref<!tpu.dma_semaphore, #tpu.memory_space<semaphore_mem>>) {add = true}
      %dma_wait3A_163 = arith.constant 0 : i32
      %dma_wait3A_164 = arith.constant 0 : i32
      %dma_wait3A_165 = tpu.memref_slice %arg21[%dma_wait3A_163, %dma_wait3A_164] : memref<128x64xf32, #tpu.memory_space<vmem>> -> memref<80x64xf32, #tpu.memory_space<vmem>>
      %dma_wait3A_166 = arith.constant 0 : i32
      %dma_wait3A_167 = arith.constant 0 : i32
      %dma_wait3A_168 = tpu.memref_slice %arg37[%dma_wait3A_166, %dma_wait3A_167] : memref<25104x64xf32, #tpu.memory_space<vmem_shared>> -> memref<25104x64xf32, #tpu.memory_space<vmem_shared>>
      tpu.wait_indirect_dma semaphore(%run_scoped3A : memref<!tpu.dma_semaphore, #tpu.memory_space<semaphore_mem>>) src(%dma_wait3A_165 : memref<80x64xf32, #tpu.memory_space<vmem>>) dst(%dma_wait3A_168 : memref<25104x64xf32, #tpu.memory_space<vmem_shared>>)
      tpu.yield
    }) : () -> ()
    %barrier3A_138 = arith.constant 0 : index
    tpu.barrier barrier_id(%barrier3A_138)
    %eq3A = arith.constant 31 : i32
    %eq3A_139 = arith.cmpi eq, %add3A, %eq3A : i32
    %jit3A_140 = arith.constant 12 : i32
    %jit3A_141 = arith.constant 14 : i32
    %select_n3A_142 = arith.select %eq3A_139, %jit3A_140, %jit3A_141 : i32
    %while3A = arith.constant 0 : i32
    %while3A_143 = arith.constant 0 : i32
    %while3A_144 = arith.subi %select_n3A_142, %while3A : i32
    %while3A_145 = arith.addi %while3A, %while3A_144 : i32
    %while3A_146 = arith.constant 1 : i32
    %while3A_147 = arith.divsi %while3A_144, %while3A_146 : i32
    %while3A_148 = arith.muli %while3A_147, %while3A_146 : i32
    %while3A_149 = arith.addi %while3A, %while3A_148 : i32
    %while3A_150 = arith.constant 1 : i32
    %while3A_151 = scf.for %while3A_157 = %while3A to %while3A_149 step %while3A_150 iter_args(%while3A_158 = %while3A_143) -> (i32)  : i32 {
      %mul3A_159 = arith.constant 112 : i32
      %mul3A_160 = arith.muli %while3A_157, %mul3A_159 : i32
      %add3A_161 = arith.addi %mul3A_4, %mul3A_160 : i32
      %add3A_162 = arith.addi %mul3A_2, %add3A_161 : i32
      "tpu.region"() ({
        %run_scoped3A = tpu.sem_alloc : memref<!tpu.dma_semaphore, #tpu.memory_space<semaphore_mem>>
        %dma_start3A_219 = arith.constant 0 : i32
        %dma_start3A_220 = arith.constant 0 : i32
        %dma_start3A_221 = tpu.memref_slice %arg21[%dma_start3A_219, %dma_start3A_220] : memref<128x64xf32, #tpu.memory_space<vmem>> -> memref<112x64xf32, #tpu.memory_space<vmem>>
        %dma_start3A_222 = arith.constant 0 : i32
        %dma_start3A_223 = tpu.memref_slice %arg37[%add3A_161, %dma_start3A_222] : memref<25104x64xf32, #tpu.memory_space<vmem_shared>> -> memref<112x64xf32, #tpu.memory_space<vmem_shared>>
        %dma_start3A_224 = arith.constant 0 : i32
        %dma_start3A_225 = arith.constant 0 : i32
        %dma_start3A_226 = tpu.memref_slice %arg21[%dma_start3A_224, %dma_start3A_225] : memref<128x64xf32, #tpu.memory_space<vmem>> -> memref<112x64xf32, #tpu.memory_space<vmem>>
        %dma_start3A_227 = arith.constant 0 : i32
        %dma_start3A_228 = tpu.memref_slice %arg37[%add3A_161, %dma_start3A_227] : memref<25104x64xf32, #tpu.memory_space<vmem_shared>> -> memref<112x64xf32, #tpu.memory_space<vmem_shared>>
        tpu.enqueue_dma source(%dma_start3A_228 : memref<112x64xf32, #tpu.memory_space<vmem_shared>>) target(%dma_start3A_226 : memref<112x64xf32, #tpu.memory_space<vmem>>) target_semaphore(%run_scoped3A : memref<!tpu.dma_semaphore, #tpu.memory_space<semaphore_mem>>)
        %dma_wait3A_229 = arith.constant 0 : i32
        %dma_wait3A_230 = arith.constant 0 : i32
        %dma_wait3A_231 = tpu.memref_slice %arg21[%dma_wait3A_229, %dma_wait3A_230] : memref<128x64xf32, #tpu.memory_space<vmem>> -> memref<112x64xf32, #tpu.memory_space<vmem>>
        %dma_wait3A_232 = arith.constant 0 : i32
        %dma_wait3A_233 = tpu.memref_slice %arg37[%add3A_161, %dma_wait3A_232] : memref<25104x64xf32, #tpu.memory_space<vmem_shared>> -> memref<112x64xf32, #tpu.memory_space<vmem_shared>>
        %dma_wait3A_234 = arith.constant 0 : i32
        %dma_wait3A_235 = arith.constant 0 : i32
        %dma_wait3A_236 = tpu.memref_slice %arg21[%dma_wait3A_234, %dma_wait3A_235] : memref<128x64xf32, #tpu.memory_space<vmem>> -> memref<112x64xf32, #tpu.memory_space<vmem>>
        %dma_wait3A_237 = arith.constant 0 : i32
        %dma_wait3A_238 = tpu.memref_slice %arg37[%add3A_161, %dma_wait3A_237] : memref<25104x64xf32, #tpu.memory_space<vmem_shared>> -> memref<112x64xf32, #tpu.memory_space<vmem_shared>>
        tpu.wait_dma2 semaphore(%run_scoped3A : memref<!tpu.dma_semaphore, #tpu.memory_space<semaphore_mem>>) src(%dma_wait3A_238 : memref<112x64xf32, #tpu.memory_space<vmem_shared>>) dst(%dma_wait3A_236 : memref<112x64xf32, #tpu.memory_space<vmem>>)
        tpu.yield
      }) : () -> ()
      "tpu.region"() ({
        %run_scoped3A = tpu.sem_alloc : memref<!tpu.dma_semaphore, #tpu.memory_space<semaphore_mem>>
        %dma_start3A_219 = arith.constant 0 : i32
        %dma_start3A_220 = arith.constant 0 : i32
        %dma_start3A_221 = tpu.memref_slice %arg22[%dma_start3A_219, %dma_start3A_220] : memref<128x64xf32, #tpu.memory_space<vmem>> -> memref<112x64xf32, #tpu.memory_space<vmem>>
        %dma_start3A_222 = arith.constant 0 : i32
        %dma_start3A_223 = tpu.memref_slice %arg2[%add3A_162, %dma_start3A_222] : memref<50176x64xf32, #tpu.memory_space<hbm>> -> memref<112x64xf32, #tpu.memory_space<hbm>>
        %dma_start3A_224 = arith.constant 0 : i32
        %dma_start3A_225 = arith.constant 0 : i32
        %dma_start3A_226 = tpu.memref_slice %arg22[%dma_start3A_224, %dma_start3A_225] : memref<128x64xf32, #tpu.memory_space<vmem>> -> memref<112x64xf32, #tpu.memory_space<vmem>>
        %dma_start3A_227 = arith.constant 0 : i32
        %dma_start3A_228 = tpu.memref_slice %arg2[%add3A_162, %dma_start3A_227] : memref<50176x64xf32, #tpu.memory_space<hbm>> -> memref<112x64xf32, #tpu.memory_space<hbm>>
        tpu.enqueue_dma source(%dma_start3A_228 : memref<112x64xf32, #tpu.memory_space<hbm>>) target(%dma_start3A_226 : memref<112x64xf32, #tpu.memory_space<vmem>>) target_semaphore(%run_scoped3A : memref<!tpu.dma_semaphore, #tpu.memory_space<semaphore_mem>>)
        %dma_wait3A_229 = arith.constant 0 : i32
        %dma_wait3A_230 = arith.constant 0 : i32
        %dma_wait3A_231 = tpu.memref_slice %arg22[%dma_wait3A_229, %dma_wait3A_230] : memref<128x64xf32, #tpu.memory_space<vmem>> -> memref<112x64xf32, #tpu.memory_space<vmem>>
        %dma_wait3A_232 = arith.constant 0 : i32
        %dma_wait3A_233 = tpu.memref_slice %arg2[%add3A_162, %dma_wait3A_232] : memref<50176x64xf32, #tpu.memory_space<hbm>> -> memref<112x64xf32, #tpu.memory_space<hbm>>
        %dma_wait3A_234 = arith.constant 0 : i32
        %dma_wait3A_235 = arith.constant 0 : i32
        %dma_wait3A_236 = tpu.memref_slice %arg22[%dma_wait3A_234, %dma_wait3A_235] : memref<128x64xf32, #tpu.memory_space<vmem>> -> memref<112x64xf32, #tpu.memory_space<vmem>>
        %dma_wait3A_237 = arith.constant 0 : i32
        %dma_wait3A_238 = tpu.memref_slice %arg2[%add3A_162, %dma_wait3A_237] : memref<50176x64xf32, #tpu.memory_space<hbm>> -> memref<112x64xf32, #tpu.memory_space<hbm>>
        tpu.wait_dma2 semaphore(%run_scoped3A : memref<!tpu.dma_semaphore, #tpu.memory_space<semaphore_mem>>) src(%dma_wait3A_238 : memref<112x64xf32, #tpu.memory_space<hbm>>) dst(%dma_wait3A_236 : memref<112x64xf32, #tpu.memory_space<vmem>>)
        tpu.yield
      }) : () -> ()
      "tpu.region"() ({
        %run_scoped3A = tpu.sem_alloc : memref<!tpu.dma_semaphore, #tpu.memory_space<semaphore_mem>>
        %dma_start3A_219 = tpu.memref_slice %arg4[%add3A_162] : memref<50176xf32, #tpu.memory_space<hbm>> -> memref<112xf32, #tpu.memory_space<hbm>>
        %dma_start3A_220 = tpu.memref_slice %arg4[%add3A_162] : memref<50176xf32, #tpu.memory_space<hbm>> -> memref<112xf32, #tpu.memory_space<hbm>>
        tpu.enqueue_dma source(%dma_start3A_220 : memref<112xf32, #tpu.memory_space<hbm>>) target(%arg24 : memref<112xf32, #tpu.memory_space<vmem>>) target_semaphore(%run_scoped3A : memref<!tpu.dma_semaphore, #tpu.memory_space<semaphore_mem>>)
        %dma_wait3A_221 = tpu.memref_slice %arg4[%add3A_162] : memref<50176xf32, #tpu.memory_space<hbm>> -> memref<112xf32, #tpu.memory_space<hbm>>
        %dma_wait3A_222 = tpu.memref_slice %arg4[%add3A_162] : memref<50176xf32, #tpu.memory_space<hbm>> -> memref<112xf32, #tpu.memory_space<hbm>>
        tpu.wait_dma2 semaphore(%run_scoped3A : memref<!tpu.dma_semaphore, #tpu.memory_space<semaphore_mem>>) src(%dma_wait3A_222 : memref<112xf32, #tpu.memory_space<hbm>>) dst(%arg24 : memref<112xf32, #tpu.memory_space<vmem>>)
        tpu.yield
      }) : () -> ()
      %get3A_163 = arith.constant 0 : index
      %get3A_164 = tpu.vector_load %arg24[%get3A_163] {strides = array<i32>} : memref<112xf32, #tpu.memory_space<vmem>>, vector<16xf32>,
      %div3A = arith.constant 1.000000e+00 : f32
      %div3A_165 = vector.broadcast %div3A : f32 to vector<16xf32>
      %div3A_166 = arith.divf %div3A_165, %get3A_164 : vector<16xf32>
      %swap3A_167 = arith.constant 0 : index
      %swap3A_168 = tpu.vector_load %arg25[%swap3A_167] {strides = array<i32>} : memref<128xf32, #tpu.memory_space<vmem>>, vector<16xf32>,
      tpu.vector_store %arg25[%swap3A_167], %div3A_166 {strides = array<i32>} : memref<128xf32, #tpu.memory_space<vmem>>, vector<16xf32>,
      %get3A_169 = arith.constant 16 : index
      %get3A_170 = tpu.vector_load %arg24[%get3A_169] {strides = array<i32>} : memref<112xf32, #tpu.memory_space<vmem>>, vector<16xf32>,
      %div3A_171 = arith.constant 1.000000e+00 : f32
      %div3A_172 = vector.broadcast %div3A_171 : f32 to vector<16xf32>
      %div3A_173 = arith.divf %div3A_172, %get3A_170 : vector<16xf32>
      %swap3A_174 = arith.constant 16 : index
      %swap3A_175 = tpu.vector_load %arg25[%swap3A_174] {strides = array<i32>} : memref<128xf32, #tpu.memory_space<vmem>>, vector<16xf32>,
      tpu.vector_store %arg25[%swap3A_174], %div3A_173 {strides = array<i32>} : memref<128xf32, #tpu.memory_space<vmem>>, vector<16xf32>,
      %get3A_176 = arith.constant 32 : index
      %get3A_177 = tpu.vector_load %arg24[%get3A_176] {strides = array<i32>} : memref<112xf32, #tpu.memory_space<vmem>>, vector<16xf32>,
      %div3A_178 = arith.constant 1.000000e+00 : f32
      %div3A_179 = vector.broadcast %div3A_178 : f32 to vector<16xf32>
      %div3A_180 = arith.divf %div3A_179, %get3A_177 : vector<16xf32>
      %swap3A_181 = arith.constant 32 : index
      %swap3A_182 = tpu.vector_load %arg25[%swap3A_181] {strides = array<i32>} : memref<128xf32, #tpu.memory_space<vmem>>, vector<16xf32>,
      tpu.vector_store %arg25[%swap3A_181], %div3A_180 {strides = array<i32>} : memref<128xf32, #tpu.memory_space<vmem>>, vector<16xf32>,
      %get3A_183 = arith.constant 48 : index
      %get3A_184 = tpu.vector_load %arg24[%get3A_183] {strides = array<i32>} : memref<112xf32, #tpu.memory_space<vmem>>, vector<16xf32>,
      %div3A_185 = arith.constant 1.000000e+00 : f32
      %div3A_186 = vector.broadcast %div3A_185 : f32 to vector<16xf32>
      %div3A_187 = arith.divf %div3A_186, %get3A_184 : vector<16xf32>
      %swap3A_188 = arith.constant 48 : index
      %swap3A_189 = tpu.vector_load %arg25[%swap3A_188] {strides = array<i32>} : memref<128xf32, #tpu.memory_space<vmem>>, vector<16xf32>,
      tpu.vector_store %arg25[%swap3A_188], %div3A_187 {strides = array<i32>} : memref<128xf32, #tpu.memory_space<vmem>>, vector<16xf32>,
      %get3A_190 = arith.constant 64 : index
      %get3A_191 = tpu.vector_load %arg24[%get3A_190] {strides = array<i32>} : memref<112xf32, #tpu.memory_space<vmem>>, vector<16xf32>,
      %div3A_192 = arith.constant 1.000000e+00 : f32
      %div3A_193 = vector.broadcast %div3A_192 : f32 to vector<16xf32>
      %div3A_194 = arith.divf %div3A_193, %get3A_191 : vector<16xf32>
      %swap3A_195 = arith.constant 64 : index
      %swap3A_196 = tpu.vector_load %arg25[%swap3A_195] {strides = array<i32>} : memref<128xf32, #tpu.memory_space<vmem>>, vector<16xf32>,
      tpu.vector_store %arg25[%swap3A_195], %div3A_194 {strides = array<i32>} : memref<128xf32, #tpu.memory_space<vmem>>, vector<16xf32>,
      %get3A_197 = arith.constant 80 : index
      %get3A_198 = tpu.vector_load %arg24[%get3A_197] {strides = array<i32>} : memref<112xf32, #tpu.memory_space<vmem>>, vector<16xf32>,
      %div3A_199 = arith.constant 1.000000e+00 : f32
      %div3A_200 = vector.broadcast %div3A_199 : f32 to vector<16xf32>
      %div3A_201 = arith.divf %div3A_200, %get3A_198 : vector<16xf32>
      %swap3A_202 = arith.constant 80 : index
      %swap3A_203 = tpu.vector_load %arg25[%swap3A_202] {strides = array<i32>} : memref<128xf32, #tpu.memory_space<vmem>>, vector<16xf32>,
      tpu.vector_store %arg25[%swap3A_202], %div3A_201 {strides = array<i32>} : memref<128xf32, #tpu.memory_space<vmem>>, vector<16xf32>,
      %get3A_204 = arith.constant 96 : index
      %get3A_205 = tpu.vector_load %arg24[%get3A_204] {strides = array<i32>} : memref<112xf32, #tpu.memory_space<vmem>>, vector<16xf32>,
      %div3A_206 = arith.constant 1.000000e+00 : f32
      %div3A_207 = vector.broadcast %div3A_206 : f32 to vector<16xf32>
      %div3A_208 = arith.divf %div3A_207, %get3A_205 : vector<16xf32>
      %swap3A_209 = arith.constant 96 : index
      %swap3A_210 = tpu.vector_load %arg25[%swap3A_209] {strides = array<i32>} : memref<128xf32, #tpu.memory_space<vmem>>, vector<16xf32>,
      tpu.vector_store %arg25[%swap3A_209], %div3A_208 {strides = array<i32>} : memref<128xf32, #tpu.memory_space<vmem>>, vector<16xf32>,
      %scan3A_211 = arith.constant 0 : i32
      %scan3A_212 = arith.constant 0 : i32
      %scan3A_213 = arith.constant 112 : i32
      %scan3A_214 = arith.addi %scan3A_212, %scan3A_213 : i32
      %scan3A_215 = arith.constant 1 : i32
      %scan3A_216 = scf.for %scan3A_219 = %scan3A_212 to %scan3A_214 step %scan3A_215 iter_args(%scan3A_220 = %scan3A_211) -> (i32)  : i32 {
        %get3A_221 = arith.index_cast %scan3A_219 : i32 to index
        %get3A_222 = tpu.vector_load %arg25[%get3A_221] {strides = array<i32>} : memref<128xf32, #tpu.memory_space<vmem>>, vector<16xf32>,
        %slice3A = vector.extract_strided_slice %get3A_222 {offsets = [0], sizes = [1], strides = [1]} : vector<16xf32> to vector<1xf32>
        %squeeze3A = vector.extract %slice3A[0] : f32 from vector<1xf32>
        %broadcast_in_dim3A_223 = arith.constant 0.000000e+00 : f32
        %broadcast_in_dim3A_224 = vector.broadcast %broadcast_in_dim3A_223 : f32 to vector<16xf32>
        %get3A_225 = arith.index_cast %scan3A_219 : i32 to index
        %get3A_226 = arith.constant 0 : index
        %get3A_227 = tpu.vector_load %arg22[%get3A_225, %get3A_226] {strides = array<i32>} : memref<128x64xf32, #tpu.memory_space<vmem>>, vector<16xf32>,
        %get3A_228 = arith.index_cast %scan3A_219 : i32 to index
        %get3A_229 = arith.constant 0 : index
        %get3A_230 = tpu.vector_load %arg21[%get3A_228, %get3A_229] {strides = array<i32>} : memref<128x64xf32, #tpu.memory_space<vmem>>, vector<16xf32>,
        %mul3A_231 = vector.broadcast %squeeze3A : f32 to vector<16xf32>
        %mul3A_232 = arith.mulf %get3A_230, %mul3A_231 : vector<16xf32>
        %add3A_233 = arith.addf %get3A_227, %mul3A_232 : vector<16xf32>
        %swap3A_234 = arith.index_cast %scan3A_219 : i32 to index
        %swap3A_235 = arith.constant 0 : index
        %swap3A_236 = tpu.vector_load %arg21[%swap3A_234, %swap3A_235] {strides = array<i32>} : memref<128x64xf32, #tpu.memory_space<vmem>>, vector<16xf32>,
        tpu.vector_store %arg21[%swap3A_234, %swap3A_235], %add3A_233 {strides = array<i32>} : memref<128x64xf32, #tpu.memory_space<vmem>>, vector<16xf32>,
        %get3A_237 = arith.constant 0 : index
        %get3A_238 = tpu.vector_load %arg26[%get3A_237] {strides = array<i32>} : memref<80xf32, #tpu.memory_space<vmem>>, vector<16xf32>,
        %mul3A_239 = arith.mulf %add3A_233, %get3A_238 : vector<16xf32>
        %add3A_240 = arith.addf %broadcast_in_dim3A_224, %mul3A_239 : vector<16xf32>
        %get3A_241 = arith.index_cast %scan3A_219 : i32 to index
        %get3A_242 = arith.constant 16 : index
        %get3A_243 = tpu.vector_load %arg22[%get3A_241, %get3A_242] {strides = array<i32>} : memref<128x64xf32, #tpu.memory_space<vmem>>, vector<16xf32>,
        %get3A_244 = arith.index_cast %scan3A_219 : i32 to index
        %get3A_245 = arith.constant 16 : index
        %get3A_246 = tpu.vector_load %arg21[%get3A_244, %get3A_245] {strides = array<i32>} : memref<128x64xf32, #tpu.memory_space<vmem>>, vector<16xf32>,
        %mul3A_247 = vector.broadcast %squeeze3A : f32 to vector<16xf32>
        %mul3A_248 = arith.mulf %get3A_246, %mul3A_247 : vector<16xf32>
        %add3A_249 = arith.addf %get3A_243, %mul3A_248 : vector<16xf32>
        %swap3A_250 = arith.index_cast %scan3A_219 : i32 to index
        %swap3A_251 = arith.constant 16 : index
        %swap3A_252 = tpu.vector_load %arg21[%swap3A_250, %swap3A_251] {strides = array<i32>} : memref<128x64xf32, #tpu.memory_space<vmem>>, vector<16xf32>,
        tpu.vector_store %arg21[%swap3A_250, %swap3A_251], %add3A_249 {strides = array<i32>} : memref<128x64xf32, #tpu.memory_space<vmem>>, vector<16xf32>,
        %get3A_253 = arith.constant 16 : index
        %get3A_254 = tpu.vector_load %arg26[%get3A_253] {strides = array<i32>} : memref<80xf32, #tpu.memory_space<vmem>>, vector<16xf32>,
        %mul3A_255 = arith.mulf %add3A_249, %get3A_254 : vector<16xf32>
        %add3A_256 = arith.addf %add3A_240, %mul3A_255 : vector<16xf32>
        %get3A_257 = arith.index_cast %scan3A_219 : i32 to index
        %get3A_258 = arith.constant 32 : index
        %get3A_259 = tpu.vector_load %arg22[%get3A_257, %get3A_258] {strides = array<i32>} : memref<128x64xf32, #tpu.memory_space<vmem>>, vector<16xf32>,
        %get3A_260 = arith.index_cast %scan3A_219 : i32 to index
        %get3A_261 = arith.constant 32 : index
        %get3A_262 = tpu.vector_load %arg21[%get3A_260, %get3A_261] {strides = array<i32>} : memref<128x64xf32, #tpu.memory_space<vmem>>, vector<16xf32>,
        %mul3A_263 = vector.broadcast %squeeze3A : f32 to vector<16xf32>
        %mul3A_264 = arith.mulf %get3A_262, %mul3A_263 : vector<16xf32>
        %add3A_265 = arith.addf %get3A_259, %mul3A_264 : vector<16xf32>
        %swap3A_266 = arith.index_cast %scan3A_219 : i32 to index
        %swap3A_267 = arith.constant 32 : index
        %swap3A_268 = tpu.vector_load %arg21[%swap3A_266, %swap3A_267] {strides = array<i32>} : memref<128x64xf32, #tpu.memory_space<vmem>>, vector<16xf32>,
        tpu.vector_store %arg21[%swap3A_266, %swap3A_267], %add3A_265 {strides = array<i32>} : memref<128x64xf32, #tpu.memory_space<vmem>>, vector<16xf32>,
        %get3A_269 = arith.constant 32 : index
        %get3A_270 = tpu.vector_load %arg26[%get3A_269] {strides = array<i32>} : memref<80xf32, #tpu.memory_space<vmem>>, vector<16xf32>,
        %mul3A_271 = arith.mulf %add3A_265, %get3A_270 : vector<16xf32>
        %add3A_272 = arith.addf %add3A_256, %mul3A_271 : vector<16xf32>
        %get3A_273 = arith.index_cast %scan3A_219 : i32 to index
        %get3A_274 = arith.constant 48 : index
        %get3A_275 = tpu.vector_load %arg22[%get3A_273, %get3A_274] {strides = array<i32>} : memref<128x64xf32, #tpu.memory_space<vmem>>, vector<16xf32>,
        %get3A_276 = arith.index_cast %scan3A_219 : i32 to index
        %get3A_277 = arith.constant 48 : index
        %get3A_278 = tpu.vector_load %arg21[%get3A_276, %get3A_277] {strides = array<i32>} : memref<128x64xf32, #tpu.memory_space<vmem>>, vector<16xf32>,
        %mul3A_279 = vector.broadcast %squeeze3A : f32 to vector<16xf32>
        %mul3A_280 = arith.mulf %get3A_278, %mul3A_279 : vector<16xf32>
        %add3A_281 = arith.addf %get3A_275, %mul3A_280 : vector<16xf32>
        %swap3A_282 = arith.index_cast %scan3A_219 : i32 to index
        %swap3A_283 = arith.constant 48 : index
        %swap3A_284 = tpu.vector_load %arg21[%swap3A_282, %swap3A_283] {strides = array<i32>} : memref<128x64xf32, #tpu.memory_space<vmem>>, vector<16xf32>,
        tpu.vector_store %arg21[%swap3A_282, %swap3A_283], %add3A_281 {strides = array<i32>} : memref<128x64xf32, #tpu.memory_space<vmem>>, vector<16xf32>,
        %get3A_285 = arith.constant 48 : index
        %get3A_286 = tpu.vector_load %arg26[%get3A_285] {strides = array<i32>} : memref<80xf32, #tpu.memory_space<vmem>>, vector<16xf32>,
        %mul3A_287 = arith.mulf %add3A_281, %get3A_286 : vector<16xf32>
        %add3A_288 = arith.addf %add3A_272, %mul3A_287 : vector<16xf32>
        %reduce_sum3A = arith.constant true
        %reduce_sum3A_289 = vector.broadcast %reduce_sum3A : i1 to vector<16xi1>
        %reduce_sum3A_290 = tpu.scan <sum>, %add3A_288 masked %reduce_sum3A_289 : vector<16xf32>, vector<16xi1> -> vector<16xf32>
        %reduce_sum3A_291 = vector.extract %reduce_sum3A_290[15] : f32 from vector<16xf32>
        %broadcast_in_dim3A_292 = vector.broadcast %reduce_sum3A_291 : f32 to vector<16xf32>
        %get3A_293 = arith.constant 64 : index
        %get3A_294 = tpu.vector_load %arg26[%get3A_293] {strides = array<i32>} : memref<80xf32, #tpu.memory_space<vmem>>, vector<16xf32>,
        %add3A_295 = arith.addf %broadcast_in_dim3A_292, %get3A_294 : vector<16xf32>
        %neg3A = arith.constant 0.000000e+00 : f32
        %neg3A_296 = vector.broadcast %neg3A : f32 to vector<16xf32>
        %neg3A_297 = arith.subf %neg3A_296, %add3A_295 : vector<16xf32>
        %exp3A = math.exp %neg3A_297 : vector<16xf32>
        %add3A_298 = arith.constant 1.000000e+00 : f32
        %add3A_299 = vector.broadcast %add3A_298 : f32 to vector<16xf32>
        %add3A_300 = arith.addf %add3A_299, %exp3A : vector<16xf32>
        %div3A_301 = arith.constant 1.000000e+00 : f32
        %div3A_302 = vector.broadcast %div3A_301 : f32 to vector<16xf32>
        %div3A_303 = arith.divf %div3A_302, %add3A_300 : vector<16xf32>
        %get3A_304 = arith.index_cast %scan3A_219 : i32 to index
        %get3A_305 = arith.constant 0 : index
        %get3A_306 = tpu.vector_load %arg21[%get3A_304, %get3A_305] {strides = array<i32>} : memref<128x64xf32, #tpu.memory_space<vmem>>, vector<16xf32>,
        %mul3A_307 = arith.mulf %get3A_306, %div3A_303 : vector<16xf32>
        %swap3A_308 = arith.index_cast %scan3A_219 : i32 to index
        %swap3A_309 = arith.constant 0 : index
        %swap3A_310 = tpu.vector_load %arg21[%swap3A_308, %swap3A_309] {strides = array<i32>} : memref<128x64xf32, #tpu.memory_space<vmem>>, vector<16xf32>,
        tpu.vector_store %arg21[%swap3A_308, %swap3A_309], %mul3A_307 {strides = array<i32>} : memref<128x64xf32, #tpu.memory_space<vmem>>, vector<16xf32>,
        %get3A_311 = arith.index_cast %scan3A_219 : i32 to index
        %get3A_312 = arith.constant 16 : index
        %get3A_313 = tpu.vector_load %arg21[%get3A_311, %get3A_312] {strides = array<i32>} : memref<128x64xf32, #tpu.memory_space<vmem>>, vector<16xf32>,
        %mul3A_314 = arith.mulf %get3A_313, %div3A_303 : vector<16xf32>
        %swap3A_315 = arith.index_cast %scan3A_219 : i32 to index
        %swap3A_316 = arith.constant 16 : index
        %swap3A_317 = tpu.vector_load %arg21[%swap3A_315, %swap3A_316] {strides = array<i32>} : memref<128x64xf32, #tpu.memory_space<vmem>>, vector<16xf32>,
        tpu.vector_store %arg21[%swap3A_315, %swap3A_316], %mul3A_314 {strides = array<i32>} : memref<128x64xf32, #tpu.memory_space<vmem>>, vector<16xf32>,
        %get3A_318 = arith.index_cast %scan3A_219 : i32 to index
        %get3A_319 = arith.constant 32 : index
        %get3A_320 = tpu.vector_load %arg21[%get3A_318, %get3A_319] {strides = array<i32>} : memref<128x64xf32, #tpu.memory_space<vmem>>, vector<16xf32>,
        %mul3A_321 = arith.mulf %get3A_320, %div3A_303 : vector<16xf32>
        %swap3A_322 = arith.index_cast %scan3A_219 : i32 to index
        %swap3A_323 = arith.constant 32 : index
        %swap3A_324 = tpu.vector_load %arg21[%swap3A_322, %swap3A_323] {strides = array<i32>} : memref<128x64xf32, #tpu.memory_space<vmem>>, vector<16xf32>,
        tpu.vector_store %arg21[%swap3A_322, %swap3A_323], %mul3A_321 {strides = array<i32>} : memref<128x64xf32, #tpu.memory_space<vmem>>, vector<16xf32>,
        %get3A_325 = arith.index_cast %scan3A_219 : i32 to index
        %get3A_326 = arith.constant 48 : index
        %get3A_327 = tpu.vector_load %arg21[%get3A_325, %get3A_326] {strides = array<i32>} : memref<128x64xf32, #tpu.memory_space<vmem>>, vector<16xf32>,
        %mul3A_328 = arith.mulf %get3A_327, %div3A_303 : vector<16xf32>
        %swap3A_329 = arith.index_cast %scan3A_219 : i32 to index
        %swap3A_330 = arith.constant 48 : index
        %swap3A_331 = tpu.vector_load %arg21[%swap3A_329, %swap3A_330] {strides = array<i32>} : memref<128x64xf32, #tpu.memory_space<vmem>>, vector<16xf32>,
        tpu.vector_store %arg21[%swap3A_329, %swap3A_330], %mul3A_328 {strides = array<i32>} : memref<128x64xf32, #tpu.memory_space<vmem>>, vector<16xf32>,
        %scan3A_332 = arith.constant 0 : i32
        scf.yield %scan3A_332 : i32
      }
      %scan3A_217 = arith.constant 112 : i32
      "tpu.region"() ({
        %run_scoped3A = tpu.sem_alloc : memref<!tpu.dma_semaphore, #tpu.memory_space<semaphore_mem>>
        %dma_start3A_219 = arith.constant 0 : i32
        %dma_start3A_220 = arith.constant 0 : i32
        %dma_start3A_221 = tpu.memref_slice %arg21[%dma_start3A_219, %dma_start3A_220] : memref<128x64xf32, #tpu.memory_space<vmem>> -> memref<112x64xf32, #tpu.memory_space<vmem>>
        %dma_start3A_222 = arith.constant 0 : i32
        %dma_start3A_223 = tpu.memref_slice %arg8[%add3A_162, %dma_start3A_222] : memref<50000x64xf32, #tpu.memory_space<hbm>> -> memref<112x64xf32, #tpu.memory_space<hbm>>
        %dma_start3A_224 = arith.constant 0 : i32
        %dma_start3A_225 = tpu.memref_slice %arg8[%add3A_162, %dma_start3A_224] : memref<50000x64xf32, #tpu.memory_space<hbm>> -> memref<112x64xf32, #tpu.memory_space<hbm>>
        %dma_start3A_226 = arith.constant 0 : i32
        %dma_start3A_227 = arith.constant 0 : i32
        %dma_start3A_228 = tpu.memref_slice %arg21[%dma_start3A_226, %dma_start3A_227] : memref<128x64xf32, #tpu.memory_space<vmem>> -> memref<112x64xf32, #tpu.memory_space<vmem>>
        tpu.enqueue_dma source(%dma_start3A_228 : memref<112x64xf32, #tpu.memory_space<vmem>>) target(%dma_start3A_225 : memref<112x64xf32, #tpu.memory_space<hbm>>) target_semaphore(%run_scoped3A : memref<!tpu.dma_semaphore, #tpu.memory_space<semaphore_mem>>)
        %dma_wait3A_229 = arith.constant 0 : i32
        %dma_wait3A_230 = arith.constant 0 : i32
        %dma_wait3A_231 = tpu.memref_slice %arg21[%dma_wait3A_229, %dma_wait3A_230] : memref<128x64xf32, #tpu.memory_space<vmem>> -> memref<112x64xf32, #tpu.memory_space<vmem>>
        %dma_wait3A_232 = arith.constant 0 : i32
        %dma_wait3A_233 = tpu.memref_slice %arg8[%add3A_162, %dma_wait3A_232] : memref<50000x64xf32, #tpu.memory_space<hbm>> -> memref<112x64xf32, #tpu.memory_space<hbm>>
        %dma_wait3A_234 = arith.constant 0 : i32
        %dma_wait3A_235 = tpu.memref_slice %arg8[%add3A_162, %dma_wait3A_234] : memref<50000x64xf32, #tpu.memory_space<hbm>> -> memref<112x64xf32, #tpu.memory_space<hbm>>
        %dma_wait3A_236 = arith.constant 0 : i32
        %dma_wait3A_237 = arith.constant 0 : i32
        %dma_wait3A_238 = tpu.memref_slice %arg21[%dma_wait3A_236, %dma_wait3A_237] : memref<128x64xf32, #tpu.memory_space<vmem>> -> memref<112x64xf32, #tpu.memory_space<vmem>>
        tpu.wait_dma2 semaphore(%run_scoped3A : memref<!tpu.dma_semaphore, #tpu.memory_space<semaphore_mem>>) src(%dma_wait3A_238 : memref<112x64xf32, #tpu.memory_space<vmem>>) dst(%dma_wait3A_235 : memref<112x64xf32, #tpu.memory_space<hbm>>)
        tpu.yield
      }) : () -> ()
      %while3A_218 = arith.constant 0 : i32
      scf.yield %while3A_218 : i32
    }
    %while3A_152 = arith.constant 1 : i32
    %while3A_153 = scf.for %while3A_157 = %while3A_149 to %while3A_145 step %while3A_152 iter_args(%while3A_158 = %while3A_151) -> (i32)  : i32 {
      %mul3A_159 = arith.constant 112 : i32
      %mul3A_160 = arith.muli %while3A_157, %mul3A_159 : i32
      %add3A_161 = arith.addi %mul3A_4, %mul3A_160 : i32
      %add3A_162 = arith.addi %mul3A_2, %add3A_161 : i32
      "tpu.region"() ({
        %run_scoped3A = tpu.sem_alloc : memref<!tpu.dma_semaphore, #tpu.memory_space<semaphore_mem>>
        %dma_start3A_219 = arith.constant 0 : i32
        %dma_start3A_220 = arith.constant 0 : i32
        %dma_start3A_221 = tpu.memref_slice %arg21[%dma_start3A_219, %dma_start3A_220] : memref<128x64xf32, #tpu.memory_space<vmem>> -> memref<112x64xf32, #tpu.memory_space<vmem>>
        %dma_start3A_222 = arith.constant 0 : i32
        %dma_start3A_223 = tpu.memref_slice %arg37[%add3A_161, %dma_start3A_222] : memref<25104x64xf32, #tpu.memory_space<vmem_shared>> -> memref<112x64xf32, #tpu.memory_space<vmem_shared>>
        %dma_start3A_224 = arith.constant 0 : i32
        %dma_start3A_225 = arith.constant 0 : i32
        %dma_start3A_226 = tpu.memref_slice %arg21[%dma_start3A_224, %dma_start3A_225] : memref<128x64xf32, #tpu.memory_space<vmem>> -> memref<112x64xf32, #tpu.memory_space<vmem>>
        %dma_start3A_227 = arith.constant 0 : i32
        %dma_start3A_228 = tpu.memref_slice %arg37[%add3A_161, %dma_start3A_227] : memref<25104x64xf32, #tpu.memory_space<vmem_shared>> -> memref<112x64xf32, #tpu.memory_space<vmem_shared>>
        tpu.enqueue_dma source(%dma_start3A_228 : memref<112x64xf32, #tpu.memory_space<vmem_shared>>) target(%dma_start3A_226 : memref<112x64xf32, #tpu.memory_space<vmem>>) target_semaphore(%run_scoped3A : memref<!tpu.dma_semaphore, #tpu.memory_space<semaphore_mem>>)
        %dma_wait3A_229 = arith.constant 0 : i32
        %dma_wait3A_230 = arith.constant 0 : i32
        %dma_wait3A_231 = tpu.memref_slice %arg21[%dma_wait3A_229, %dma_wait3A_230] : memref<128x64xf32, #tpu.memory_space<vmem>> -> memref<112x64xf32, #tpu.memory_space<vmem>>
        %dma_wait3A_232 = arith.constant 0 : i32
        %dma_wait3A_233 = tpu.memref_slice %arg37[%add3A_161, %dma_wait3A_232] : memref<25104x64xf32, #tpu.memory_space<vmem_shared>> -> memref<112x64xf32, #tpu.memory_space<vmem_shared>>
        %dma_wait3A_234 = arith.constant 0 : i32
        %dma_wait3A_235 = arith.constant 0 : i32
        %dma_wait3A_236 = tpu.memref_slice %arg21[%dma_wait3A_234, %dma_wait3A_235] : memref<128x64xf32, #tpu.memory_space<vmem>> -> memref<112x64xf32, #tpu.memory_space<vmem>>
        %dma_wait3A_237 = arith.constant 0 : i32
        %dma_wait3A_238 = tpu.memref_slice %arg37[%add3A_161, %dma_wait3A_237] : memref<25104x64xf32, #tpu.memory_space<vmem_shared>> -> memref<112x64xf32, #tpu.memory_space<vmem_shared>>
        tpu.wait_dma2 semaphore(%run_scoped3A : memref<!tpu.dma_semaphore, #tpu.memory_space<semaphore_mem>>) src(%dma_wait3A_238 : memref<112x64xf32, #tpu.memory_space<vmem_shared>>) dst(%dma_wait3A_236 : memref<112x64xf32, #tpu.memory_space<vmem>>)
        tpu.yield
      }) : () -> ()
      "tpu.region"() ({
        %run_scoped3A = tpu.sem_alloc : memref<!tpu.dma_semaphore, #tpu.memory_space<semaphore_mem>>
        %dma_start3A_219 = arith.constant 0 : i32
        %dma_start3A_220 = arith.constant 0 : i32
        %dma_start3A_221 = tpu.memref_slice %arg22[%dma_start3A_219, %dma_start3A_220] : memref<128x64xf32, #tpu.memory_space<vmem>> -> memref<112x64xf32, #tpu.memory_space<vmem>>
        %dma_start3A_222 = arith.constant 0 : i32
        %dma_start3A_223 = tpu.memref_slice %arg2[%add3A_162, %dma_start3A_222] : memref<50176x64xf32, #tpu.memory_space<hbm>> -> memref<112x64xf32, #tpu.memory_space<hbm>>
        %dma_start3A_224 = arith.constant 0 : i32
        %dma_start3A_225 = arith.constant 0 : i32
        %dma_start3A_226 = tpu.memref_slice %arg22[%dma_start3A_224, %dma_start3A_225] : memref<128x64xf32, #tpu.memory_space<vmem>> -> memref<112x64xf32, #tpu.memory_space<vmem>>
        %dma_start3A_227 = arith.constant 0 : i32
        %dma_start3A_228 = tpu.memref_slice %arg2[%add3A_162, %dma_start3A_227] : memref<50176x64xf32, #tpu.memory_space<hbm>> -> memref<112x64xf32, #tpu.memory_space<hbm>>
        tpu.enqueue_dma source(%dma_start3A_228 : memref<112x64xf32, #tpu.memory_space<hbm>>) target(%dma_start3A_226 : memref<112x64xf32, #tpu.memory_space<vmem>>) target_semaphore(%run_scoped3A : memref<!tpu.dma_semaphore, #tpu.memory_space<semaphore_mem>>)
        %dma_wait3A_229 = arith.constant 0 : i32
        %dma_wait3A_230 = arith.constant 0 : i32
        %dma_wait3A_231 = tpu.memref_slice %arg22[%dma_wait3A_229, %dma_wait3A_230] : memref<128x64xf32, #tpu.memory_space<vmem>> -> memref<112x64xf32, #tpu.memory_space<vmem>>
        %dma_wait3A_232 = arith.constant 0 : i32
        %dma_wait3A_233 = tpu.memref_slice %arg2[%add3A_162, %dma_wait3A_232] : memref<50176x64xf32, #tpu.memory_space<hbm>> -> memref<112x64xf32, #tpu.memory_space<hbm>>
        %dma_wait3A_234 = arith.constant 0 : i32
        %dma_wait3A_235 = arith.constant 0 : i32
        %dma_wait3A_236 = tpu.memref_slice %arg22[%dma_wait3A_234, %dma_wait3A_235] : memref<128x64xf32, #tpu.memory_space<vmem>> -> memref<112x64xf32, #tpu.memory_space<vmem>>
        %dma_wait3A_237 = arith.constant 0 : i32
        %dma_wait3A_238 = tpu.memref_slice %arg2[%add3A_162, %dma_wait3A_237] : memref<50176x64xf32, #tpu.memory_space<hbm>> -> memref<112x64xf32, #tpu.memory_space<hbm>>
        tpu.wait_dma2 semaphore(%run_scoped3A : memref<!tpu.dma_semaphore, #tpu.memory_space<semaphore_mem>>) src(%dma_wait3A_238 : memref<112x64xf32, #tpu.memory_space<hbm>>) dst(%dma_wait3A_236 : memref<112x64xf32, #tpu.memory_space<vmem>>)
        tpu.yield
      }) : () -> ()
      "tpu.region"() ({
        %run_scoped3A = tpu.sem_alloc : memref<!tpu.dma_semaphore, #tpu.memory_space<semaphore_mem>>
        %dma_start3A_219 = tpu.memref_slice %arg4[%add3A_162] : memref<50176xf32, #tpu.memory_space<hbm>> -> memref<112xf32, #tpu.memory_space<hbm>>
        %dma_start3A_220 = tpu.memref_slice %arg4[%add3A_162] : memref<50176xf32, #tpu.memory_space<hbm>> -> memref<112xf32, #tpu.memory_space<hbm>>
        tpu.enqueue_dma source(%dma_start3A_220 : memref<112xf32, #tpu.memory_space<hbm>>) target(%arg24 : memref<112xf32, #tpu.memory_space<vmem>>) target_semaphore(%run_scoped3A : memref<!tpu.dma_semaphore, #tpu.memory_space<semaphore_mem>>)
        %dma_wait3A_221 = tpu.memref_slice %arg4[%add3A_162] : memref<50176xf32, #tpu.memory_space<hbm>> -> memref<112xf32, #tpu.memory_space<hbm>>
        %dma_wait3A_222 = tpu.memref_slice %arg4[%add3A_162] : memref<50176xf32, #tpu.memory_space<hbm>> -> memref<112xf32, #tpu.memory_space<hbm>>
        tpu.wait_dma2 semaphore(%run_scoped3A : memref<!tpu.dma_semaphore, #tpu.memory_space<semaphore_mem>>) src(%dma_wait3A_222 : memref<112xf32, #tpu.memory_space<hbm>>) dst(%arg24 : memref<112xf32, #tpu.memory_space<vmem>>)
        tpu.yield
      }) : () -> ()
      %get3A_163 = arith.constant 0 : index
      %get3A_164 = tpu.vector_load %arg24[%get3A_163] {strides = array<i32>} : memref<112xf32, #tpu.memory_space<vmem>>, vector<16xf32>,
      %div3A = arith.constant 1.000000e+00 : f32
      %div3A_165 = vector.broadcast %div3A : f32 to vector<16xf32>
      %div3A_166 = arith.divf %div3A_165, %get3A_164 : vector<16xf32>
      %swap3A_167 = arith.constant 0 : index
      %swap3A_168 = tpu.vector_load %arg25[%swap3A_167] {strides = array<i32>} : memref<128xf32, #tpu.memory_space<vmem>>, vector<16xf32>,
      tpu.vector_store %arg25[%swap3A_167], %div3A_166 {strides = array<i32>} : memref<128xf32, #tpu.memory_space<vmem>>, vector<16xf32>,
      %get3A_169 = arith.constant 16 : index
      %get3A_170 = tpu.vector_load %arg24[%get3A_169] {strides = array<i32>} : memref<112xf32, #tpu.memory_space<vmem>>, vector<16xf32>,
      %div3A_171 = arith.constant 1.000000e+00 : f32
      %div3A_172 = vector.broadcast %div3A_171 : f32 to vector<16xf32>
      %div3A_173 = arith.divf %div3A_172, %get3A_170 : vector<16xf32>
      %swap3A_174 = arith.constant 16 : index
      %swap3A_175 = tpu.vector_load %arg25[%swap3A_174] {strides = array<i32>} : memref<128xf32, #tpu.memory_space<vmem>>, vector<16xf32>,
      tpu.vector_store %arg25[%swap3A_174], %div3A_173 {strides = array<i32>} : memref<128xf32, #tpu.memory_space<vmem>>, vector<16xf32>,
      %get3A_176 = arith.constant 32 : index
      %get3A_177 = tpu.vector_load %arg24[%get3A_176] {strides = array<i32>} : memref<112xf32, #tpu.memory_space<vmem>>, vector<16xf32>,
      %div3A_178 = arith.constant 1.000000e+00 : f32
      %div3A_179 = vector.broadcast %div3A_178 : f32 to vector<16xf32>
      %div3A_180 = arith.divf %div3A_179, %get3A_177 : vector<16xf32>
      %swap3A_181 = arith.constant 32 : index
      %swap3A_182 = tpu.vector_load %arg25[%swap3A_181] {strides = array<i32>} : memref<128xf32, #tpu.memory_space<vmem>>, vector<16xf32>,
      tpu.vector_store %arg25[%swap3A_181], %div3A_180 {strides = array<i32>} : memref<128xf32, #tpu.memory_space<vmem>>, vector<16xf32>,
      %get3A_183 = arith.constant 48 : index
      %get3A_184 = tpu.vector_load %arg24[%get3A_183] {strides = array<i32>} : memref<112xf32, #tpu.memory_space<vmem>>, vector<16xf32>,
      %div3A_185 = arith.constant 1.000000e+00 : f32
      %div3A_186 = vector.broadcast %div3A_185 : f32 to vector<16xf32>
      %div3A_187 = arith.divf %div3A_186, %get3A_184 : vector<16xf32>
      %swap3A_188 = arith.constant 48 : index
      %swap3A_189 = tpu.vector_load %arg25[%swap3A_188] {strides = array<i32>} : memref<128xf32, #tpu.memory_space<vmem>>, vector<16xf32>,
      tpu.vector_store %arg25[%swap3A_188], %div3A_187 {strides = array<i32>} : memref<128xf32, #tpu.memory_space<vmem>>, vector<16xf32>,
      %get3A_190 = arith.constant 64 : index
      %get3A_191 = tpu.vector_load %arg24[%get3A_190] {strides = array<i32>} : memref<112xf32, #tpu.memory_space<vmem>>, vector<16xf32>,
      %div3A_192 = arith.constant 1.000000e+00 : f32
      %div3A_193 = vector.broadcast %div3A_192 : f32 to vector<16xf32>
      %div3A_194 = arith.divf %div3A_193, %get3A_191 : vector<16xf32>
      %swap3A_195 = arith.constant 64 : index
      %swap3A_196 = tpu.vector_load %arg25[%swap3A_195] {strides = array<i32>} : memref<128xf32, #tpu.memory_space<vmem>>, vector<16xf32>,
      tpu.vector_store %arg25[%swap3A_195], %div3A_194 {strides = array<i32>} : memref<128xf32, #tpu.memory_space<vmem>>, vector<16xf32>,
      %get3A_197 = arith.constant 80 : index
      %get3A_198 = tpu.vector_load %arg24[%get3A_197] {strides = array<i32>} : memref<112xf32, #tpu.memory_space<vmem>>, vector<16xf32>,
      %div3A_199 = arith.constant 1.000000e+00 : f32
      %div3A_200 = vector.broadcast %div3A_199 : f32 to vector<16xf32>
      %div3A_201 = arith.divf %div3A_200, %get3A_198 : vector<16xf32>
      %swap3A_202 = arith.constant 80 : index
      %swap3A_203 = tpu.vector_load %arg25[%swap3A_202] {strides = array<i32>} : memref<128xf32, #tpu.memory_space<vmem>>, vector<16xf32>,
      tpu.vector_store %arg25[%swap3A_202], %div3A_201 {strides = array<i32>} : memref<128xf32, #tpu.memory_space<vmem>>, vector<16xf32>,
      %get3A_204 = arith.constant 96 : index
      %get3A_205 = tpu.vector_load %arg24[%get3A_204] {strides = array<i32>} : memref<112xf32, #tpu.memory_space<vmem>>, vector<16xf32>,
      %div3A_206 = arith.constant 1.000000e+00 : f32
      %div3A_207 = vector.broadcast %div3A_206 : f32 to vector<16xf32>
      %div3A_208 = arith.divf %div3A_207, %get3A_205 : vector<16xf32>
      %swap3A_209 = arith.constant 96 : index
      %swap3A_210 = tpu.vector_load %arg25[%swap3A_209] {strides = array<i32>} : memref<128xf32, #tpu.memory_space<vmem>>, vector<16xf32>,
      tpu.vector_store %arg25[%swap3A_209], %div3A_208 {strides = array<i32>} : memref<128xf32, #tpu.memory_space<vmem>>, vector<16xf32>,
      %scan3A_211 = arith.constant 0 : i32
      %scan3A_212 = arith.constant 0 : i32
      %scan3A_213 = arith.constant 112 : i32
      %scan3A_214 = arith.addi %scan3A_212, %scan3A_213 : i32
      %scan3A_215 = arith.constant 1 : i32
      %scan3A_216 = scf.for %scan3A_219 = %scan3A_212 to %scan3A_214 step %scan3A_215 iter_args(%scan3A_220 = %scan3A_211) -> (i32)  : i32 {
        %get3A_221 = arith.index_cast %scan3A_219 : i32 to index
        %get3A_222 = tpu.vector_load %arg25[%get3A_221] {strides = array<i32>} : memref<128xf32, #tpu.memory_space<vmem>>, vector<16xf32>,
        %slice3A = vector.extract_strided_slice %get3A_222 {offsets = [0], sizes = [1], strides = [1]} : vector<16xf32> to vector<1xf32>
        %squeeze3A = vector.extract %slice3A[0] : f32 from vector<1xf32>
        %broadcast_in_dim3A_223 = arith.constant 0.000000e+00 : f32
        %broadcast_in_dim3A_224 = vector.broadcast %broadcast_in_dim3A_223 : f32 to vector<16xf32>
        %get3A_225 = arith.index_cast %scan3A_219 : i32 to index
        %get3A_226 = arith.constant 0 : index
        %get3A_227 = tpu.vector_load %arg22[%get3A_225, %get3A_226] {strides = array<i32>} : memref<128x64xf32, #tpu.memory_space<vmem>>, vector<16xf32>,
        %get3A_228 = arith.index_cast %scan3A_219 : i32 to index
        %get3A_229 = arith.constant 0 : index
        %get3A_230 = tpu.vector_load %arg21[%get3A_228, %get3A_229] {strides = array<i32>} : memref<128x64xf32, #tpu.memory_space<vmem>>, vector<16xf32>,
        %mul3A_231 = vector.broadcast %squeeze3A : f32 to vector<16xf32>
        %mul3A_232 = arith.mulf %get3A_230, %mul3A_231 : vector<16xf32>
        %add3A_233 = arith.addf %get3A_227, %mul3A_232 : vector<16xf32>
        %swap3A_234 = arith.index_cast %scan3A_219 : i32 to index
        %swap3A_235 = arith.constant 0 : index
        %swap3A_236 = tpu.vector_load %arg21[%swap3A_234, %swap3A_235] {strides = array<i32>} : memref<128x64xf32, #tpu.memory_space<vmem>>, vector<16xf32>,
        tpu.vector_store %arg21[%swap3A_234, %swap3A_235], %add3A_233 {strides = array<i32>} : memref<128x64xf32, #tpu.memory_space<vmem>>, vector<16xf32>,
        %get3A_237 = arith.constant 0 : index
        %get3A_238 = tpu.vector_load %arg26[%get3A_237] {strides = array<i32>} : memref<80xf32, #tpu.memory_space<vmem>>, vector<16xf32>,
        %mul3A_239 = arith.mulf %add3A_233, %get3A_238 : vector<16xf32>
        %add3A_240 = arith.addf %broadcast_in_dim3A_224, %mul3A_239 : vector<16xf32>
        %get3A_241 = arith.index_cast %scan3A_219 : i32 to index
        %get3A_242 = arith.constant 16 : index
        %get3A_243 = tpu.vector_load %arg22[%get3A_241, %get3A_242] {strides = array<i32>} : memref<128x64xf32, #tpu.memory_space<vmem>>, vector<16xf32>,
        %get3A_244 = arith.index_cast %scan3A_219 : i32 to index
        %get3A_245 = arith.constant 16 : index
        %get3A_246 = tpu.vector_load %arg21[%get3A_244, %get3A_245] {strides = array<i32>} : memref<128x64xf32, #tpu.memory_space<vmem>>, vector<16xf32>,
        %mul3A_247 = vector.broadcast %squeeze3A : f32 to vector<16xf32>
        %mul3A_248 = arith.mulf %get3A_246, %mul3A_247 : vector<16xf32>
        %add3A_249 = arith.addf %get3A_243, %mul3A_248 : vector<16xf32>
        %swap3A_250 = arith.index_cast %scan3A_219 : i32 to index
        %swap3A_251 = arith.constant 16 : index
        %swap3A_252 = tpu.vector_load %arg21[%swap3A_250, %swap3A_251] {strides = array<i32>} : memref<128x64xf32, #tpu.memory_space<vmem>>, vector<16xf32>,
        tpu.vector_store %arg21[%swap3A_250, %swap3A_251], %add3A_249 {strides = array<i32>} : memref<128x64xf32, #tpu.memory_space<vmem>>, vector<16xf32>,
        %get3A_253 = arith.constant 16 : index
        %get3A_254 = tpu.vector_load %arg26[%get3A_253] {strides = array<i32>} : memref<80xf32, #tpu.memory_space<vmem>>, vector<16xf32>,
        %mul3A_255 = arith.mulf %add3A_249, %get3A_254 : vector<16xf32>
        %add3A_256 = arith.addf %add3A_240, %mul3A_255 : vector<16xf32>
        %get3A_257 = arith.index_cast %scan3A_219 : i32 to index
        %get3A_258 = arith.constant 32 : index
        %get3A_259 = tpu.vector_load %arg22[%get3A_257, %get3A_258] {strides = array<i32>} : memref<128x64xf32, #tpu.memory_space<vmem>>, vector<16xf32>,
        %get3A_260 = arith.index_cast %scan3A_219 : i32 to index
        %get3A_261 = arith.constant 32 : index
        %get3A_262 = tpu.vector_load %arg21[%get3A_260, %get3A_261] {strides = array<i32>} : memref<128x64xf32, #tpu.memory_space<vmem>>, vector<16xf32>,
        %mul3A_263 = vector.broadcast %squeeze3A : f32 to vector<16xf32>
        %mul3A_264 = arith.mulf %get3A_262, %mul3A_263 : vector<16xf32>
        %add3A_265 = arith.addf %get3A_259, %mul3A_264 : vector<16xf32>
        %swap3A_266 = arith.index_cast %scan3A_219 : i32 to index
        %swap3A_267 = arith.constant 32 : index
        %swap3A_268 = tpu.vector_load %arg21[%swap3A_266, %swap3A_267] {strides = array<i32>} : memref<128x64xf32, #tpu.memory_space<vmem>>, vector<16xf32>,
        tpu.vector_store %arg21[%swap3A_266, %swap3A_267], %add3A_265 {strides = array<i32>} : memref<128x64xf32, #tpu.memory_space<vmem>>, vector<16xf32>,
        %get3A_269 = arith.constant 32 : index
        %get3A_270 = tpu.vector_load %arg26[%get3A_269] {strides = array<i32>} : memref<80xf32, #tpu.memory_space<vmem>>, vector<16xf32>,
        %mul3A_271 = arith.mulf %add3A_265, %get3A_270 : vector<16xf32>
        %add3A_272 = arith.addf %add3A_256, %mul3A_271 : vector<16xf32>
        %get3A_273 = arith.index_cast %scan3A_219 : i32 to index
        %get3A_274 = arith.constant 48 : index
        %get3A_275 = tpu.vector_load %arg22[%get3A_273, %get3A_274] {strides = array<i32>} : memref<128x64xf32, #tpu.memory_space<vmem>>, vector<16xf32>,
        %get3A_276 = arith.index_cast %scan3A_219 : i32 to index
        %get3A_277 = arith.constant 48 : index
        %get3A_278 = tpu.vector_load %arg21[%get3A_276, %get3A_277] {strides = array<i32>} : memref<128x64xf32, #tpu.memory_space<vmem>>, vector<16xf32>,
        %mul3A_279 = vector.broadcast %squeeze3A : f32 to vector<16xf32>
        %mul3A_280 = arith.mulf %get3A_278, %mul3A_279 : vector<16xf32>
        %add3A_281 = arith.addf %get3A_275, %mul3A_280 : vector<16xf32>
        %swap3A_282 = arith.index_cast %scan3A_219 : i32 to index
        %swap3A_283 = arith.constant 48 : index
        %swap3A_284 = tpu.vector_load %arg21[%swap3A_282, %swap3A_283] {strides = array<i32>} : memref<128x64xf32, #tpu.memory_space<vmem>>, vector<16xf32>,
        tpu.vector_store %arg21[%swap3A_282, %swap3A_283], %add3A_281 {strides = array<i32>} : memref<128x64xf32, #tpu.memory_space<vmem>>, vector<16xf32>,
        %get3A_285 = arith.constant 48 : index
        %get3A_286 = tpu.vector_load %arg26[%get3A_285] {strides = array<i32>} : memref<80xf32, #tpu.memory_space<vmem>>, vector<16xf32>,
        %mul3A_287 = arith.mulf %add3A_281, %get3A_286 : vector<16xf32>
        %add3A_288 = arith.addf %add3A_272, %mul3A_287 : vector<16xf32>
        %reduce_sum3A = arith.constant true
        %reduce_sum3A_289 = vector.broadcast %reduce_sum3A : i1 to vector<16xi1>
        %reduce_sum3A_290 = tpu.scan <sum>, %add3A_288 masked %reduce_sum3A_289 : vector<16xf32>, vector<16xi1> -> vector<16xf32>
        %reduce_sum3A_291 = vector.extract %reduce_sum3A_290[15] : f32 from vector<16xf32>
        %broadcast_in_dim3A_292 = vector.broadcast %reduce_sum3A_291 : f32 to vector<16xf32>
        %get3A_293 = arith.constant 64 : index
        %get3A_294 = tpu.vector_load %arg26[%get3A_293] {strides = array<i32>} : memref<80xf32, #tpu.memory_space<vmem>>, vector<16xf32>,
        %add3A_295 = arith.addf %broadcast_in_dim3A_292, %get3A_294 : vector<16xf32>
        %neg3A = arith.constant 0.000000e+00 : f32
        %neg3A_296 = vector.broadcast %neg3A : f32 to vector<16xf32>
        %neg3A_297 = arith.subf %neg3A_296, %add3A_295 : vector<16xf32>
        %exp3A = math.exp %neg3A_297 : vector<16xf32>
        %add3A_298 = arith.constant 1.000000e+00 : f32
        %add3A_299 = vector.broadcast %add3A_298 : f32 to vector<16xf32>
        %add3A_300 = arith.addf %add3A_299, %exp3A : vector<16xf32>
        %div3A_301 = arith.constant 1.000000e+00 : f32
        %div3A_302 = vector.broadcast %div3A_301 : f32 to vector<16xf32>
        %div3A_303 = arith.divf %div3A_302, %add3A_300 : vector<16xf32>
        %get3A_304 = arith.index_cast %scan3A_219 : i32 to index
        %get3A_305 = arith.constant 0 : index
        %get3A_306 = tpu.vector_load %arg21[%get3A_304, %get3A_305] {strides = array<i32>} : memref<128x64xf32, #tpu.memory_space<vmem>>, vector<16xf32>,
        %mul3A_307 = arith.mulf %get3A_306, %div3A_303 : vector<16xf32>
        %swap3A_308 = arith.index_cast %scan3A_219 : i32 to index
        %swap3A_309 = arith.constant 0 : index
        %swap3A_310 = tpu.vector_load %arg21[%swap3A_308, %swap3A_309] {strides = array<i32>} : memref<128x64xf32, #tpu.memory_space<vmem>>, vector<16xf32>,
        tpu.vector_store %arg21[%swap3A_308, %swap3A_309], %mul3A_307 {strides = array<i32>} : memref<128x64xf32, #tpu.memory_space<vmem>>, vector<16xf32>,
        %get3A_311 = arith.index_cast %scan3A_219 : i32 to index
        %get3A_312 = arith.constant 16 : index
        %get3A_313 = tpu.vector_load %arg21[%get3A_311, %get3A_312] {strides = array<i32>} : memref<128x64xf32, #tpu.memory_space<vmem>>, vector<16xf32>,
        %mul3A_314 = arith.mulf %get3A_313, %div3A_303 : vector<16xf32>
        %swap3A_315 = arith.index_cast %scan3A_219 : i32 to index
        %swap3A_316 = arith.constant 16 : index
        %swap3A_317 = tpu.vector_load %arg21[%swap3A_315, %swap3A_316] {strides = array<i32>} : memref<128x64xf32, #tpu.memory_space<vmem>>, vector<16xf32>,
        tpu.vector_store %arg21[%swap3A_315, %swap3A_316], %mul3A_314 {strides = array<i32>} : memref<128x64xf32, #tpu.memory_space<vmem>>, vector<16xf32>,
        %get3A_318 = arith.index_cast %scan3A_219 : i32 to index
        %get3A_319 = arith.constant 32 : index
        %get3A_320 = tpu.vector_load %arg21[%get3A_318, %get3A_319] {strides = array<i32>} : memref<128x64xf32, #tpu.memory_space<vmem>>, vector<16xf32>,
        %mul3A_321 = arith.mulf %get3A_320, %div3A_303 : vector<16xf32>
        %swap3A_322 = arith.index_cast %scan3A_219 : i32 to index
        %swap3A_323 = arith.constant 32 : index
        %swap3A_324 = tpu.vector_load %arg21[%swap3A_322, %swap3A_323] {strides = array<i32>} : memref<128x64xf32, #tpu.memory_space<vmem>>, vector<16xf32>,
        tpu.vector_store %arg21[%swap3A_322, %swap3A_323], %mul3A_321 {strides = array<i32>} : memref<128x64xf32, #tpu.memory_space<vmem>>, vector<16xf32>,
        %get3A_325 = arith.index_cast %scan3A_219 : i32 to index
        %get3A_326 = arith.constant 48 : index
        %get3A_327 = tpu.vector_load %arg21[%get3A_325, %get3A_326] {strides = array<i32>} : memref<128x64xf32, #tpu.memory_space<vmem>>, vector<16xf32>,
        %mul3A_328 = arith.mulf %get3A_327, %div3A_303 : vector<16xf32>
        %swap3A_329 = arith.index_cast %scan3A_219 : i32 to index
        %swap3A_330 = arith.constant 48 : index
        %swap3A_331 = tpu.vector_load %arg21[%swap3A_329, %swap3A_330] {strides = array<i32>} : memref<128x64xf32, #tpu.memory_space<vmem>>, vector<16xf32>,
        tpu.vector_store %arg21[%swap3A_329, %swap3A_330], %mul3A_328 {strides = array<i32>} : memref<128x64xf32, #tpu.memory_space<vmem>>, vector<16xf32>,
        %scan3A_332 = arith.constant 0 : i32
        scf.yield %scan3A_332 : i32
      }
      %scan3A_217 = arith.constant 112 : i32
      "tpu.region"() ({
        %run_scoped3A = tpu.sem_alloc : memref<!tpu.dma_semaphore, #tpu.memory_space<semaphore_mem>>
        %dma_start3A_219 = arith.constant 0 : i32
        %dma_start3A_220 = arith.constant 0 : i32
        %dma_start3A_221 = tpu.memref_slice %arg21[%dma_start3A_219, %dma_start3A_220] : memref<128x64xf32, #tpu.memory_space<vmem>> -> memref<112x64xf32, #tpu.memory_space<vmem>>
        %dma_start3A_222 = arith.constant 0 : i32
        %dma_start3A_223 = tpu.memref_slice %arg8[%add3A_162, %dma_start3A_222] : memref<50000x64xf32, #tpu.memory_space<hbm>> -> memref<112x64xf32, #tpu.memory_space<hbm>>
        %dma_start3A_224 = arith.constant 0 : i32
        %dma_start3A_225 = tpu.memref_slice %arg8[%add3A_162, %dma_start3A_224] : memref<50000x64xf32, #tpu.memory_space<hbm>> -> memref<112x64xf32, #tpu.memory_space<hbm>>
        %dma_start3A_226 = arith.constant 0 : i32
        %dma_start3A_227 = arith.constant 0 : i32
        %dma_start3A_228 = tpu.memref_slice %arg21[%dma_start3A_226, %dma_start3A_227] : memref<128x64xf32, #tpu.memory_space<vmem>> -> memref<112x64xf32, #tpu.memory_space<vmem>>
        tpu.enqueue_dma source(%dma_start3A_228 : memref<112x64xf32, #tpu.memory_space<vmem>>) target(%dma_start3A_225 : memref<112x64xf32, #tpu.memory_space<hbm>>) target_semaphore(%run_scoped3A : memref<!tpu.dma_semaphore, #tpu.memory_space<semaphore_mem>>)
        %dma_wait3A_229 = arith.constant 0 : i32
        %dma_wait3A_230 = arith.constant 0 : i32
        %dma_wait3A_231 = tpu.memref_slice %arg21[%dma_wait3A_229, %dma_wait3A_230] : memref<128x64xf32, #tpu.memory_space<vmem>> -> memref<112x64xf32, #tpu.memory_space<vmem>>
        %dma_wait3A_232 = arith.constant 0 : i32
        %dma_wait3A_233 = tpu.memref_slice %arg8[%add3A_162, %dma_wait3A_232] : memref<50000x64xf32, #tpu.memory_space<hbm>> -> memref<112x64xf32, #tpu.memory_space<hbm>>
        %dma_wait3A_234 = arith.constant 0 : i32
        %dma_wait3A_235 = tpu.memref_slice %arg8[%add3A_162, %dma_wait3A_234] : memref<50000x64xf32, #tpu.memory_space<hbm>> -> memref<112x64xf32, #tpu.memory_space<hbm>>
        %dma_wait3A_236 = arith.constant 0 : i32
        %dma_wait3A_237 = arith.constant 0 : i32
        %dma_wait3A_238 = tpu.memref_slice %arg21[%dma_wait3A_236, %dma_wait3A_237] : memref<128x64xf32, #tpu.memory_space<vmem>> -> memref<112x64xf32, #tpu.memory_space<vmem>>
        tpu.wait_dma2 semaphore(%run_scoped3A : memref<!tpu.dma_semaphore, #tpu.memory_space<semaphore_mem>>) src(%dma_wait3A_238 : memref<112x64xf32, #tpu.memory_space<vmem>>) dst(%dma_wait3A_235 : memref<112x64xf32, #tpu.memory_space<hbm>>)
        tpu.yield
      }) : () -> ()
      %while3A_218 = arith.constant 0 : i32
      scf.yield %while3A_218 : i32
    }
    %eq3A_154 = arith.constant 31 : i32
    %eq3A_155 = arith.cmpi eq, %add3A, %eq3A_154 : i32
    %convert_element_type3A = arith.extui %eq3A_155 : i1 to i32
    %cond3A = arith.constant 0 : i32
    %cond3A_156 = arith.cmpi ne, %convert_element_type3A, %cond3A : i32
    scf.if %cond3A_156 {
      %add3A_157 = arith.constant 1344 : i32
      %add3A_158 = arith.addi %mul3A_4, %add3A_157 : i32
      %add3A_159 = arith.addi %mul3A_2, %add3A_158 : i32
      "tpu.region"() ({
        %run_scoped3A = tpu.sem_alloc : memref<!tpu.dma_semaphore, #tpu.memory_space<semaphore_mem>>
        %dma_start3A_215 = arith.constant 0 : i32
        %dma_start3A_216 = arith.constant 0 : i32
        %dma_start3A_217 = tpu.memref_slice %arg21[%dma_start3A_215, %dma_start3A_216] : memref<128x64xf32, #tpu.memory_space<vmem>> -> memref<112x64xf32, #tpu.memory_space<vmem>>
        %dma_start3A_218 = arith.constant 0 : i32
        %dma_start3A_219 = tpu.memref_slice %arg37[%add3A_158, %dma_start3A_218] : memref<25104x64xf32, #tpu.memory_space<vmem_shared>> -> memref<112x64xf32, #tpu.memory_space<vmem_shared>>
        %dma_start3A_220 = arith.constant 0 : i32
        %dma_start3A_221 = arith.constant 0 : i32
        %dma_start3A_222 = tpu.memref_slice %arg21[%dma_start3A_220, %dma_start3A_221] : memref<128x64xf32, #tpu.memory_space<vmem>> -> memref<112x64xf32, #tpu.memory_space<vmem>>
        %dma_start3A_223 = arith.constant 0 : i32
        %dma_start3A_224 = tpu.memref_slice %arg37[%add3A_158, %dma_start3A_223] : memref<25104x64xf32, #tpu.memory_space<vmem_shared>> -> memref<112x64xf32, #tpu.memory_space<vmem_shared>>
        tpu.enqueue_dma source(%dma_start3A_224 : memref<112x64xf32, #tpu.memory_space<vmem_shared>>) target(%dma_start3A_222 : memref<112x64xf32, #tpu.memory_space<vmem>>) target_semaphore(%run_scoped3A : memref<!tpu.dma_semaphore, #tpu.memory_space<semaphore_mem>>)
        %dma_wait3A_225 = arith.constant 0 : i32
        %dma_wait3A_226 = arith.constant 0 : i32
        %dma_wait3A_227 = tpu.memref_slice %arg21[%dma_wait3A_225, %dma_wait3A_226] : memref<128x64xf32, #tpu.memory_space<vmem>> -> memref<112x64xf32, #tpu.memory_space<vmem>>
        %dma_wait3A_228 = arith.constant 0 : i32
        %dma_wait3A_229 = tpu.memref_slice %arg37[%add3A_158, %dma_wait3A_228] : memref<25104x64xf32, #tpu.memory_space<vmem_shared>> -> memref<112x64xf32, #tpu.memory_space<vmem_shared>>
        %dma_wait3A_230 = arith.constant 0 : i32
        %dma_wait3A_231 = arith.constant 0 : i32
        %dma_wait3A_232 = tpu.memref_slice %arg21[%dma_wait3A_230, %dma_wait3A_231] : memref<128x64xf32, #tpu.memory_space<vmem>> -> memref<112x64xf32, #tpu.memory_space<vmem>>
        %dma_wait3A_233 = arith.constant 0 : i32
        %dma_wait3A_234 = tpu.memref_slice %arg37[%add3A_158, %dma_wait3A_233] : memref<25104x64xf32, #tpu.memory_space<vmem_shared>> -> memref<112x64xf32, #tpu.memory_space<vmem_shared>>
        tpu.wait_dma2 semaphore(%run_scoped3A : memref<!tpu.dma_semaphore, #tpu.memory_space<semaphore_mem>>) src(%dma_wait3A_234 : memref<112x64xf32, #tpu.memory_space<vmem_shared>>) dst(%dma_wait3A_232 : memref<112x64xf32, #tpu.memory_space<vmem>>)
        tpu.yield
      }) : () -> ()
      "tpu.region"() ({
        %run_scoped3A = tpu.sem_alloc : memref<!tpu.dma_semaphore, #tpu.memory_space<semaphore_mem>>
        %dma_start3A_215 = arith.constant 0 : i32
        %dma_start3A_216 = arith.constant 0 : i32
        %dma_start3A_217 = tpu.memref_slice %arg22[%dma_start3A_215, %dma_start3A_216] : memref<128x64xf32, #tpu.memory_space<vmem>> -> memref<112x64xf32, #tpu.memory_space<vmem>>
        %dma_start3A_218 = arith.constant 0 : i32
        %dma_start3A_219 = tpu.memref_slice %arg2[%add3A_159, %dma_start3A_218] : memref<50176x64xf32, #tpu.memory_space<hbm>> -> memref<112x64xf32, #tpu.memory_space<hbm>>
        %dma_start3A_220 = arith.constant 0 : i32
        %dma_start3A_221 = arith.constant 0 : i32
        %dma_start3A_222 = tpu.memref_slice %arg22[%dma_start3A_220, %dma_start3A_221] : memref<128x64xf32, #tpu.memory_space<vmem>> -> memref<112x64xf32, #tpu.memory_space<vmem>>
        %dma_start3A_223 = arith.constant 0 : i32
        %dma_start3A_224 = tpu.memref_slice %arg2[%add3A_159, %dma_start3A_223] : memref<50176x64xf32, #tpu.memory_space<hbm>> -> memref<112x64xf32, #tpu.memory_space<hbm>>
        tpu.enqueue_dma source(%dma_start3A_224 : memref<112x64xf32, #tpu.memory_space<hbm>>) target(%dma_start3A_222 : memref<112x64xf32, #tpu.memory_space<vmem>>) target_semaphore(%run_scoped3A : memref<!tpu.dma_semaphore, #tpu.memory_space<semaphore_mem>>)
        %dma_wait3A_225 = arith.constant 0 : i32
        %dma_wait3A_226 = arith.constant 0 : i32
        %dma_wait3A_227 = tpu.memref_slice %arg22[%dma_wait3A_225, %dma_wait3A_226] : memref<128x64xf32, #tpu.memory_space<vmem>> -> memref<112x64xf32, #tpu.memory_space<vmem>>
        %dma_wait3A_228 = arith.constant 0 : i32
        %dma_wait3A_229 = tpu.memref_slice %arg2[%add3A_159, %dma_wait3A_228] : memref<50176x64xf32, #tpu.memory_space<hbm>> -> memref<112x64xf32, #tpu.memory_space<hbm>>
        %dma_wait3A_230 = arith.constant 0 : i32
        %dma_wait3A_231 = arith.constant 0 : i32
        %dma_wait3A_232 = tpu.memref_slice %arg22[%dma_wait3A_230, %dma_wait3A_231] : memref<128x64xf32, #tpu.memory_space<vmem>> -> memref<112x64xf32, #tpu.memory_space<vmem>>
        %dma_wait3A_233 = arith.constant 0 : i32
        %dma_wait3A_234 = tpu.memref_slice %arg2[%add3A_159, %dma_wait3A_233] : memref<50176x64xf32, #tpu.memory_space<hbm>> -> memref<112x64xf32, #tpu.memory_space<hbm>>
        tpu.wait_dma2 semaphore(%run_scoped3A : memref<!tpu.dma_semaphore, #tpu.memory_space<semaphore_mem>>) src(%dma_wait3A_234 : memref<112x64xf32, #tpu.memory_space<hbm>>) dst(%dma_wait3A_232 : memref<112x64xf32, #tpu.memory_space<vmem>>)
        tpu.yield
      }) : () -> ()
      "tpu.region"() ({
        %run_scoped3A = tpu.sem_alloc : memref<!tpu.dma_semaphore, #tpu.memory_space<semaphore_mem>>
        %dma_start3A_215 = tpu.memref_slice %arg4[%add3A_159] : memref<50176xf32, #tpu.memory_space<hbm>> -> memref<112xf32, #tpu.memory_space<hbm>>
        %dma_start3A_216 = tpu.memref_slice %arg4[%add3A_159] : memref<50176xf32, #tpu.memory_space<hbm>> -> memref<112xf32, #tpu.memory_space<hbm>>
        tpu.enqueue_dma source(%dma_start3A_216 : memref<112xf32, #tpu.memory_space<hbm>>) target(%arg24 : memref<112xf32, #tpu.memory_space<vmem>>) target_semaphore(%run_scoped3A : memref<!tpu.dma_semaphore, #tpu.memory_space<semaphore_mem>>)
        %dma_wait3A_217 = tpu.memref_slice %arg4[%add3A_159] : memref<50176xf32, #tpu.memory_space<hbm>> -> memref<112xf32, #tpu.memory_space<hbm>>
        %dma_wait3A_218 = tpu.memref_slice %arg4[%add3A_159] : memref<50176xf32, #tpu.memory_space<hbm>> -> memref<112xf32, #tpu.memory_space<hbm>>
        tpu.wait_dma2 semaphore(%run_scoped3A : memref<!tpu.dma_semaphore, #tpu.memory_space<semaphore_mem>>) src(%dma_wait3A_218 : memref<112xf32, #tpu.memory_space<hbm>>) dst(%arg24 : memref<112xf32, #tpu.memory_space<vmem>>)
        tpu.yield
      }) : () -> ()
      %get3A_160 = arith.constant 0 : index
      %get3A_161 = tpu.vector_load %arg24[%get3A_160] {strides = array<i32>} : memref<112xf32, #tpu.memory_space<vmem>>, vector<16xf32>,
      %div3A = arith.constant 1.000000e+00 : f32
      %div3A_162 = vector.broadcast %div3A : f32 to vector<16xf32>
      %div3A_163 = arith.divf %div3A_162, %get3A_161 : vector<16xf32>
      %swap3A_164 = arith.constant 0 : index
      %swap3A_165 = tpu.vector_load %arg25[%swap3A_164] {strides = array<i32>} : memref<128xf32, #tpu.memory_space<vmem>>, vector<16xf32>,
      tpu.vector_store %arg25[%swap3A_164], %div3A_163 {strides = array<i32>} : memref<128xf32, #tpu.memory_space<vmem>>, vector<16xf32>,
      %get3A_166 = arith.constant 16 : index
      %get3A_167 = tpu.vector_load %arg24[%get3A_166] {strides = array<i32>} : memref<112xf32, #tpu.memory_space<vmem>>, vector<16xf32>,
      %div3A_168 = arith.constant 1.000000e+00 : f32
      %div3A_169 = vector.broadcast %div3A_168 : f32 to vector<16xf32>
      %div3A_170 = arith.divf %div3A_169, %get3A_167 : vector<16xf32>
      %swap3A_171 = arith.constant 16 : index
      %swap3A_172 = tpu.vector_load %arg25[%swap3A_171] {strides = array<i32>} : memref<128xf32, #tpu.memory_space<vmem>>, vector<16xf32>,
      tpu.vector_store %arg25[%swap3A_171], %div3A_170 {strides = array<i32>} : memref<128xf32, #tpu.memory_space<vmem>>, vector<16xf32>,
      %get3A_173 = arith.constant 32 : index
      %get3A_174 = tpu.vector_load %arg24[%get3A_173] {strides = array<i32>} : memref<112xf32, #tpu.memory_space<vmem>>, vector<16xf32>,
      %div3A_175 = arith.constant 1.000000e+00 : f32
      %div3A_176 = vector.broadcast %div3A_175 : f32 to vector<16xf32>
      %div3A_177 = arith.divf %div3A_176, %get3A_174 : vector<16xf32>
      %swap3A_178 = arith.constant 32 : index
      %swap3A_179 = tpu.vector_load %arg25[%swap3A_178] {strides = array<i32>} : memref<128xf32, #tpu.memory_space<vmem>>, vector<16xf32>,
      tpu.vector_store %arg25[%swap3A_178], %div3A_177 {strides = array<i32>} : memref<128xf32, #tpu.memory_space<vmem>>, vector<16xf32>,
      %get3A_180 = arith.constant 48 : index
      %get3A_181 = tpu.vector_load %arg24[%get3A_180] {strides = array<i32>} : memref<112xf32, #tpu.memory_space<vmem>>, vector<16xf32>,
      %div3A_182 = arith.constant 1.000000e+00 : f32
      %div3A_183 = vector.broadcast %div3A_182 : f32 to vector<16xf32>
      %div3A_184 = arith.divf %div3A_183, %get3A_181 : vector<16xf32>
      %swap3A_185 = arith.constant 48 : index
      %swap3A_186 = tpu.vector_load %arg25[%swap3A_185] {strides = array<i32>} : memref<128xf32, #tpu.memory_space<vmem>>, vector<16xf32>,
      tpu.vector_store %arg25[%swap3A_185], %div3A_184 {strides = array<i32>} : memref<128xf32, #tpu.memory_space<vmem>>, vector<16xf32>,
      %get3A_187 = arith.constant 64 : index
      %get3A_188 = tpu.vector_load %arg24[%get3A_187] {strides = array<i32>} : memref<112xf32, #tpu.memory_space<vmem>>, vector<16xf32>,
      %div3A_189 = arith.constant 1.000000e+00 : f32
      %div3A_190 = vector.broadcast %div3A_189 : f32 to vector<16xf32>
      %div3A_191 = arith.divf %div3A_190, %get3A_188 : vector<16xf32>
      %swap3A_192 = arith.constant 64 : index
      %swap3A_193 = tpu.vector_load %arg25[%swap3A_192] {strides = array<i32>} : memref<128xf32, #tpu.memory_space<vmem>>, vector<16xf32>,
      tpu.vector_store %arg25[%swap3A_192], %div3A_191 {strides = array<i32>} : memref<128xf32, #tpu.memory_space<vmem>>, vector<16xf32>,
      %get3A_194 = arith.constant 80 : index
      %get3A_195 = tpu.vector_load %arg24[%get3A_194] {strides = array<i32>} : memref<112xf32, #tpu.memory_space<vmem>>, vector<16xf32>,
      %div3A_196 = arith.constant 1.000000e+00 : f32
      %div3A_197 = vector.broadcast %div3A_196 : f32 to vector<16xf32>
      %div3A_198 = arith.divf %div3A_197, %get3A_195 : vector<16xf32>
      %swap3A_199 = arith.constant 80 : index
      %swap3A_200 = tpu.vector_load %arg25[%swap3A_199] {strides = array<i32>} : memref<128xf32, #tpu.memory_space<vmem>>, vector<16xf32>,
      tpu.vector_store %arg25[%swap3A_199], %div3A_198 {strides = array<i32>} : memref<128xf32, #tpu.memory_space<vmem>>, vector<16xf32>,
      %get3A_201 = arith.constant 96 : index
      %get3A_202 = tpu.vector_load %arg24[%get3A_201] {strides = array<i32>} : memref<112xf32, #tpu.memory_space<vmem>>, vector<16xf32>,
      %div3A_203 = arith.constant 1.000000e+00 : f32
      %div3A_204 = vector.broadcast %div3A_203 : f32 to vector<16xf32>
      %div3A_205 = arith.divf %div3A_204, %get3A_202 : vector<16xf32>
      %swap3A_206 = arith.constant 96 : index
      %swap3A_207 = tpu.vector_load %arg25[%swap3A_206] {strides = array<i32>} : memref<128xf32, #tpu.memory_space<vmem>>, vector<16xf32>,
      tpu.vector_store %arg25[%swap3A_206], %div3A_205 {strides = array<i32>} : memref<128xf32, #tpu.memory_space<vmem>>, vector<16xf32>,
      %scan3A_208 = arith.constant 0 : i32
      %scan3A_209 = arith.constant 0 : i32
      %scan3A_210 = arith.constant 48 : i32
      %scan3A_211 = arith.addi %scan3A_209, %scan3A_210 : i32
      %scan3A_212 = arith.constant 1 : i32
      %scan3A_213 = scf.for %scan3A_215 = %scan3A_209 to %scan3A_211 step %scan3A_212 iter_args(%scan3A_216 = %scan3A_208) -> (i32)  : i32 {
        %get3A_217 = arith.index_cast %scan3A_215 : i32 to index
        %get3A_218 = tpu.vector_load %arg25[%get3A_217] {strides = array<i32>} : memref<128xf32, #tpu.memory_space<vmem>>, vector<16xf32>,
        %slice3A = vector.extract_strided_slice %get3A_218 {offsets = [0], sizes = [1], strides = [1]} : vector<16xf32> to vector<1xf32>
        %squeeze3A = vector.extract %slice3A[0] : f32 from vector<1xf32>
        %broadcast_in_dim3A_219 = arith.constant 0.000000e+00 : f32
        %broadcast_in_dim3A_220 = vector.broadcast %broadcast_in_dim3A_219 : f32 to vector<16xf32>
        %get3A_221 = arith.index_cast %scan3A_215 : i32 to index
        %get3A_222 = arith.constant 0 : index
        %get3A_223 = tpu.vector_load %arg22[%get3A_221, %get3A_222] {strides = array<i32>} : memref<128x64xf32, #tpu.memory_space<vmem>>, vector<16xf32>,
        %get3A_224 = arith.index_cast %scan3A_215 : i32 to index
        %get3A_225 = arith.constant 0 : index
        %get3A_226 = tpu.vector_load %arg21[%get3A_224, %get3A_225] {strides = array<i32>} : memref<128x64xf32, #tpu.memory_space<vmem>>, vector<16xf32>,
        %mul3A_227 = vector.broadcast %squeeze3A : f32 to vector<16xf32>
        %mul3A_228 = arith.mulf %get3A_226, %mul3A_227 : vector<16xf32>
        %add3A_229 = arith.addf %get3A_223, %mul3A_228 : vector<16xf32>
        %swap3A_230 = arith.index_cast %scan3A_215 : i32 to index
        %swap3A_231 = arith.constant 0 : index
        %swap3A_232 = tpu.vector_load %arg21[%swap3A_230, %swap3A_231] {strides = array<i32>} : memref<128x64xf32, #tpu.memory_space<vmem>>, vector<16xf32>,
        tpu.vector_store %arg21[%swap3A_230, %swap3A_231], %add3A_229 {strides = array<i32>} : memref<128x64xf32, #tpu.memory_space<vmem>>, vector<16xf32>,
        %get3A_233 = arith.constant 0 : index
        %get3A_234 = tpu.vector_load %arg26[%get3A_233] {strides = array<i32>} : memref<80xf32, #tpu.memory_space<vmem>>, vector<16xf32>,
        %mul3A_235 = arith.mulf %add3A_229, %get3A_234 : vector<16xf32>
        %add3A_236 = arith.addf %broadcast_in_dim3A_220, %mul3A_235 : vector<16xf32>
        %get3A_237 = arith.index_cast %scan3A_215 : i32 to index
        %get3A_238 = arith.constant 16 : index
        %get3A_239 = tpu.vector_load %arg22[%get3A_237, %get3A_238] {strides = array<i32>} : memref<128x64xf32, #tpu.memory_space<vmem>>, vector<16xf32>,
        %get3A_240 = arith.index_cast %scan3A_215 : i32 to index
        %get3A_241 = arith.constant 16 : index
        %get3A_242 = tpu.vector_load %arg21[%get3A_240, %get3A_241] {strides = array<i32>} : memref<128x64xf32, #tpu.memory_space<vmem>>, vector<16xf32>,
        %mul3A_243 = vector.broadcast %squeeze3A : f32 to vector<16xf32>
        %mul3A_244 = arith.mulf %get3A_242, %mul3A_243 : vector<16xf32>
        %add3A_245 = arith.addf %get3A_239, %mul3A_244 : vector<16xf32>
        %swap3A_246 = arith.index_cast %scan3A_215 : i32 to index
        %swap3A_247 = arith.constant 16 : index
        %swap3A_248 = tpu.vector_load %arg21[%swap3A_246, %swap3A_247] {strides = array<i32>} : memref<128x64xf32, #tpu.memory_space<vmem>>, vector<16xf32>,
        tpu.vector_store %arg21[%swap3A_246, %swap3A_247], %add3A_245 {strides = array<i32>} : memref<128x64xf32, #tpu.memory_space<vmem>>, vector<16xf32>,
        %get3A_249 = arith.constant 16 : index
        %get3A_250 = tpu.vector_load %arg26[%get3A_249] {strides = array<i32>} : memref<80xf32, #tpu.memory_space<vmem>>, vector<16xf32>,
        %mul3A_251 = arith.mulf %add3A_245, %get3A_250 : vector<16xf32>
        %add3A_252 = arith.addf %add3A_236, %mul3A_251 : vector<16xf32>
        %get3A_253 = arith.index_cast %scan3A_215 : i32 to index
        %get3A_254 = arith.constant 32 : index
        %get3A_255 = tpu.vector_load %arg22[%get3A_253, %get3A_254] {strides = array<i32>} : memref<128x64xf32, #tpu.memory_space<vmem>>, vector<16xf32>,
        %get3A_256 = arith.index_cast %scan3A_215 : i32 to index
        %get3A_257 = arith.constant 32 : index
        %get3A_258 = tpu.vector_load %arg21[%get3A_256, %get3A_257] {strides = array<i32>} : memref<128x64xf32, #tpu.memory_space<vmem>>, vector<16xf32>,
        %mul3A_259 = vector.broadcast %squeeze3A : f32 to vector<16xf32>
        %mul3A_260 = arith.mulf %get3A_258, %mul3A_259 : vector<16xf32>
        %add3A_261 = arith.addf %get3A_255, %mul3A_260 : vector<16xf32>
        %swap3A_262 = arith.index_cast %scan3A_215 : i32 to index
        %swap3A_263 = arith.constant 32 : index
        %swap3A_264 = tpu.vector_load %arg21[%swap3A_262, %swap3A_263] {strides = array<i32>} : memref<128x64xf32, #tpu.memory_space<vmem>>, vector<16xf32>,
        tpu.vector_store %arg21[%swap3A_262, %swap3A_263], %add3A_261 {strides = array<i32>} : memref<128x64xf32, #tpu.memory_space<vmem>>, vector<16xf32>,
        %get3A_265 = arith.constant 32 : index
        %get3A_266 = tpu.vector_load %arg26[%get3A_265] {strides = array<i32>} : memref<80xf32, #tpu.memory_space<vmem>>, vector<16xf32>,
        %mul3A_267 = arith.mulf %add3A_261, %get3A_266 : vector<16xf32>
        %add3A_268 = arith.addf %add3A_252, %mul3A_267 : vector<16xf32>
        %get3A_269 = arith.index_cast %scan3A_215 : i32 to index
        %get3A_270 = arith.constant 48 : index
        %get3A_271 = tpu.vector_load %arg22[%get3A_269, %get3A_270] {strides = array<i32>} : memref<128x64xf32, #tpu.memory_space<vmem>>, vector<16xf32>,
        %get3A_272 = arith.index_cast %scan3A_215 : i32 to index
        %get3A_273 = arith.constant 48 : index
        %get3A_274 = tpu.vector_load %arg21[%get3A_272, %get3A_273] {strides = array<i32>} : memref<128x64xf32, #tpu.memory_space<vmem>>, vector<16xf32>,
        %mul3A_275 = vector.broadcast %squeeze3A : f32 to vector<16xf32>
        %mul3A_276 = arith.mulf %get3A_274, %mul3A_275 : vector<16xf32>
        %add3A_277 = arith.addf %get3A_271, %mul3A_276 : vector<16xf32>
        %swap3A_278 = arith.index_cast %scan3A_215 : i32 to index
        %swap3A_279 = arith.constant 48 : index
        %swap3A_280 = tpu.vector_load %arg21[%swap3A_278, %swap3A_279] {strides = array<i32>} : memref<128x64xf32, #tpu.memory_space<vmem>>, vector<16xf32>,
        tpu.vector_store %arg21[%swap3A_278, %swap3A_279], %add3A_277 {strides = array<i32>} : memref<128x64xf32, #tpu.memory_space<vmem>>, vector<16xf32>,
        %get3A_281 = arith.constant 48 : index
        %get3A_282 = tpu.vector_load %arg26[%get3A_281] {strides = array<i32>} : memref<80xf32, #tpu.memory_space<vmem>>, vector<16xf32>,
        %mul3A_283 = arith.mulf %add3A_277, %get3A_282 : vector<16xf32>
        %add3A_284 = arith.addf %add3A_268, %mul3A_283 : vector<16xf32>
        %reduce_sum3A = arith.constant true
        %reduce_sum3A_285 = vector.broadcast %reduce_sum3A : i1 to vector<16xi1>
        %reduce_sum3A_286 = tpu.scan <sum>, %add3A_284 masked %reduce_sum3A_285 : vector<16xf32>, vector<16xi1> -> vector<16xf32>
        %reduce_sum3A_287 = vector.extract %reduce_sum3A_286[15] : f32 from vector<16xf32>
        %broadcast_in_dim3A_288 = vector.broadcast %reduce_sum3A_287 : f32 to vector<16xf32>
        %get3A_289 = arith.constant 64 : index
        %get3A_290 = tpu.vector_load %arg26[%get3A_289] {strides = array<i32>} : memref<80xf32, #tpu.memory_space<vmem>>, vector<16xf32>,
        %add3A_291 = arith.addf %broadcast_in_dim3A_288, %get3A_290 : vector<16xf32>
        %neg3A = arith.constant 0.000000e+00 : f32
        %neg3A_292 = vector.broadcast %neg3A : f32 to vector<16xf32>
        %neg3A_293 = arith.subf %neg3A_292, %add3A_291 : vector<16xf32>
        %exp3A = math.exp %neg3A_293 : vector<16xf32>
        %add3A_294 = arith.constant 1.000000e+00 : f32
        %add3A_295 = vector.broadcast %add3A_294 : f32 to vector<16xf32>
        %add3A_296 = arith.addf %add3A_295, %exp3A : vector<16xf32>
        %div3A_297 = arith.constant 1.000000e+00 : f32
        %div3A_298 = vector.broadcast %div3A_297 : f32 to vector<16xf32>
        %div3A_299 = arith.divf %div3A_298, %add3A_296 : vector<16xf32>
        %get3A_300 = arith.index_cast %scan3A_215 : i32 to index
        %get3A_301 = arith.constant 0 : index
        %get3A_302 = tpu.vector_load %arg21[%get3A_300, %get3A_301] {strides = array<i32>} : memref<128x64xf32, #tpu.memory_space<vmem>>, vector<16xf32>,
        %mul3A_303 = arith.mulf %get3A_302, %div3A_299 : vector<16xf32>
        %swap3A_304 = arith.index_cast %scan3A_215 : i32 to index
        %swap3A_305 = arith.constant 0 : index
        %swap3A_306 = tpu.vector_load %arg21[%swap3A_304, %swap3A_305] {strides = array<i32>} : memref<128x64xf32, #tpu.memory_space<vmem>>, vector<16xf32>,
        tpu.vector_store %arg21[%swap3A_304, %swap3A_305], %mul3A_303 {strides = array<i32>} : memref<128x64xf32, #tpu.memory_space<vmem>>, vector<16xf32>,
        %get3A_307 = arith.index_cast %scan3A_215 : i32 to index
        %get3A_308 = arith.constant 16 : index
        %get3A_309 = tpu.vector_load %arg21[%get3A_307, %get3A_308] {strides = array<i32>} : memref<128x64xf32, #tpu.memory_space<vmem>>, vector<16xf32>,
        %mul3A_310 = arith.mulf %get3A_309, %div3A_299 : vector<16xf32>
        %swap3A_311 = arith.index_cast %scan3A_215 : i32 to index
        %swap3A_312 = arith.constant 16 : index
        %swap3A_313 = tpu.vector_load %arg21[%swap3A_311, %swap3A_312] {strides = array<i32>} : memref<128x64xf32, #tpu.memory_space<vmem>>, vector<16xf32>,
        tpu.vector_store %arg21[%swap3A_311, %swap3A_312], %mul3A_310 {strides = array<i32>} : memref<128x64xf32, #tpu.memory_space<vmem>>, vector<16xf32>,
        %get3A_314 = arith.index_cast %scan3A_215 : i32 to index
        %get3A_315 = arith.constant 32 : index
        %get3A_316 = tpu.vector_load %arg21[%get3A_314, %get3A_315] {strides = array<i32>} : memref<128x64xf32, #tpu.memory_space<vmem>>, vector<16xf32>,
        %mul3A_317 = arith.mulf %get3A_316, %div3A_299 : vector<16xf32>
        %swap3A_318 = arith.index_cast %scan3A_215 : i32 to index
        %swap3A_319 = arith.constant 32 : index
        %swap3A_320 = tpu.vector_load %arg21[%swap3A_318, %swap3A_319] {strides = array<i32>} : memref<128x64xf32, #tpu.memory_space<vmem>>, vector<16xf32>,
        tpu.vector_store %arg21[%swap3A_318, %swap3A_319], %mul3A_317 {strides = array<i32>} : memref<128x64xf32, #tpu.memory_space<vmem>>, vector<16xf32>,
        %get3A_321 = arith.index_cast %scan3A_215 : i32 to index
        %get3A_322 = arith.constant 48 : index
        %get3A_323 = tpu.vector_load %arg21[%get3A_321, %get3A_322] {strides = array<i32>} : memref<128x64xf32, #tpu.memory_space<vmem>>, vector<16xf32>,
        %mul3A_324 = arith.mulf %get3A_323, %div3A_299 : vector<16xf32>
        %swap3A_325 = arith.index_cast %scan3A_215 : i32 to index
        %swap3A_326 = arith.constant 48 : index
        %swap3A_327 = tpu.vector_load %arg21[%swap3A_325, %swap3A_326] {strides = array<i32>} : memref<128x64xf32, #tpu.memory_space<vmem>>, vector<16xf32>,
        tpu.vector_store %arg21[%swap3A_325, %swap3A_326], %mul3A_324 {strides = array<i32>} : memref<128x64xf32, #tpu.memory_space<vmem>>, vector<16xf32>,
        %scan3A_328 = arith.constant 0 : i32
        scf.yield %scan3A_328 : i32
      }
      %scan3A_214 = arith.constant 48 : i32
      "tpu.region"() ({
        %run_scoped3A = tpu.sem_alloc : memref<!tpu.dma_semaphore, #tpu.memory_space<semaphore_mem>>
        %dma_start3A_215 = arith.constant 0 : i32
        %dma_start3A_216 = arith.constant 0 : i32
        %dma_start3A_217 = tpu.memref_slice %arg21[%dma_start3A_215, %dma_start3A_216] : memref<128x64xf32, #tpu.memory_space<vmem>> -> memref<48x64xf32, #tpu.memory_space<vmem>>
        %dma_start3A_218 = arith.constant 0 : i32
        %dma_start3A_219 = tpu.memref_slice %arg8[%add3A_159, %dma_start3A_218] : memref<50000x64xf32, #tpu.memory_space<hbm>> -> memref<48x64xf32, #tpu.memory_space<hbm>>
        %dma_start3A_220 = arith.constant 0 : i32
        %dma_start3A_221 = tpu.memref_slice %arg8[%add3A_159, %dma_start3A_220] : memref<50000x64xf32, #tpu.memory_space<hbm>> -> memref<48x64xf32, #tpu.memory_space<hbm>>
        %dma_start3A_222 = arith.constant 0 : i32
        %dma_start3A_223 = arith.constant 0 : i32
        %dma_start3A_224 = tpu.memref_slice %arg21[%dma_start3A_222, %dma_start3A_223] : memref<128x64xf32, #tpu.memory_space<vmem>> -> memref<48x64xf32, #tpu.memory_space<vmem>>
        tpu.enqueue_dma source(%dma_start3A_224 : memref<48x64xf32, #tpu.memory_space<vmem>>) target(%dma_start3A_221 : memref<48x64xf32, #tpu.memory_space<hbm>>) target_semaphore(%run_scoped3A : memref<!tpu.dma_semaphore, #tpu.memory_space<semaphore_mem>>)
        %dma_wait3A_225 = arith.constant 0 : i32
        %dma_wait3A_226 = arith.constant 0 : i32
        %dma_wait3A_227 = tpu.memref_slice %arg21[%dma_wait3A_225, %dma_wait3A_226] : memref<128x64xf32, #tpu.memory_space<vmem>> -> memref<48x64xf32, #tpu.memory_space<vmem>>
        %dma_wait3A_228 = arith.constant 0 : i32
        %dma_wait3A_229 = tpu.memref_slice %arg8[%add3A_159, %dma_wait3A_228] : memref<50000x64xf32, #tpu.memory_space<hbm>> -> memref<48x64xf32, #tpu.memory_space<hbm>>
        %dma_wait3A_230 = arith.constant 0 : i32
        %dma_wait3A_231 = tpu.memref_slice %arg8[%add3A_159, %dma_wait3A_230] : memref<50000x64xf32, #tpu.memory_space<hbm>> -> memref<48x64xf32, #tpu.memory_space<hbm>>
        %dma_wait3A_232 = arith.constant 0 : i32
        %dma_wait3A_233 = arith.constant 0 : i32
        %dma_wait3A_234 = tpu.memref_slice %arg21[%dma_wait3A_232, %dma_wait3A_233] : memref<128x64xf32, #tpu.memory_space<vmem>> -> memref<48x64xf32, #tpu.memory_space<vmem>>
        tpu.wait_dma2 semaphore(%run_scoped3A : memref<!tpu.dma_semaphore, #tpu.memory_space<semaphore_mem>>) src(%dma_wait3A_234 : memref<48x64xf32, #tpu.memory_space<vmem>>) dst(%dma_wait3A_231 : memref<48x64xf32, #tpu.memory_space<hbm>>)
        tpu.yield
      }) : () -> ()
    } else {
    }
    return
  }
}

</mosaic_0001>

<sc_bundles>
// kernel: mgdc_k1.3.cloned.1.call-start
scs
__scs_entry_jumppad:
0x0: {  	(pc) =	sbr.rel $0x88, $3  }
0x1: {  	(tag) =	ssettag $0x0;
	lr =	simm.s32 $0x1  }
0x2: {  	[smem:$0x3F9A] =	sst lr;
	_ =	strace $0xD0000000  }
0x3: {  	_ = 	snop  }
0x4: {  	_ = 	snop  }
0x5: {  	_ = 	snop  }
0x6: {  	_ = 	snop  }
0x7: {  	_ = 	snop  }
__scs_overlays_trampoline_lowered:
0x8: {  	[smem:$0x3FA9] =	sst s0  }
0x9: {  	[smem:$0x3FAA] =	sst s1  }
0xa: {  	[smem:$0x3FAB] =	sst s2  }
0xb: {  	[smem:$0x3FAC] =	sst s3  }
0xc: {  	[smem:$0x3FAD] =	sst s4  }
0xd: {  	[smem:$0x3FAE] =	sst s5  }
0xe: {  	[smem:$0x3FAF] =	sst s6  }
0xf: {  	[smem:$0x3FB0] =	sst s7  }
0x10: {  	[smem:$0x3FB1] =	sst s8  }
0x11: {  	[smem:$0x3FB2] =	sst s9;
	s0 =	simm.s32 @!p0 $0x0  }
0x12: {  	s1 =	sld [smem:$0x3F98];
	s0 =	simm.s32 @p0 $0x1  }
0x13: {  	[smem:$0x3FB3] =	sst s0;
	s0 =	simm.s32 @!p1 $0x0  }
0x14: {  	s2 =	sld [smem:$0x3F97];
	s0 =	simm.s32 @p1 $0x1  }
0x15: {  	[smem:$0x3FB4] =	sst s0;
	s0 =	simm.s32 @!p2 $0x0  }
0x16: {  	s3 =	sld [smem:$0x3FDB];
	s0 =	simm.s32 @p2 $0x1  }
0x17: {  	s4 =	simm.s32 $0x1BF5;
	[smem:$0x3FB6] =	sst s0  }
0x18: {  	s0 =	sld [smem:$0x3F99];
	_ =	swait.ge [sflag:s4], $0x0  }
0x19: {  	s7 =	sld [smem:$0x3F9A]  }
0x1a: {  	s8 =	sadd.s32 $0xFFFFE003, lr  }
0x1b: {  	s9 =	sadd.s32 $0xFFFFFEF7, lr;
	s5 =	simm.s32 $0xFFFFFFFF;
	p2 =	slt.u32 s8, $0xFFFFF086  }
0x1c: {  	p1 =	slt.u32 s9, $0xF7A;
	s5 =	simm.s32 @!p2 $0x0  }
0x1d: {  	s5 =	simm.s32 @p1 $0x1;
	p0 =	seq.s32 s7, s2  }
0x1e: {  	s7 =	smul.u32 @!p0 $0xF7A, s2;
	p2 =	seq.s32 @!p0 s5, $0x0  }
0x1f: {  	s9 =	smul.u32 $0xF7A, s1;
	s8 =	simm.s32 @!p0 $0x1BF5;
	p2 =	por !p2, p0  }
0x20: {  	[sflag:s8] =	ssyncset.s32 @!p0 $0xFFFFF086;
	s6 =	sadd.s32 @!p0 s3, s7;
	s7 =	simm.s32 @!p0 $0x108  }
0x21: {  	s3 =	sadd.s32 s3, s9;
	s6 =	sadd.s32 @!p0 $0x88, s6;
	s7 =	simm.s32 @p2 $0x1082  }
0x22: {  	[simem:s7], [sflag:s8] =	dma.local @!p0 [hbm:s6], $0xF7A  }
0x23: {  	s9 =	sor.u32 $0xD0000000, s2;
	s6 =	simm.s32 $0x108;
	_ =	swait.ge @!p0 [sflag:s8], $0x0  }
0x24: {  	s3 =	sadd.s32 $0x88, s3;
	s6 =	simm.s32 @!p1 $0x1082;
	[sflag:s4] =	ssyncset.s32 $0xFFFFF086  }
0x25: {  	[simem:s6], [sflag:s4] =	dma.local [hbm:s3], $0xF7A  }
0x26: {  	[smem:$0x3F9A] =	sst s1;
	(tag) =	ssettag s2;
	_ =	strace s9  }
0x27: {  	s1 =	sld [smem:$0x3FAA]  }
0x28: {  	s2 =	sld [smem:$0x3FAB]  }
0x29: {  	s4 =	sld [smem:$0x3FAD]  }
0x2a: {  	p0 =	seq.s32 s5, $0x0;
	s5 =	sld [smem:$0x3FAE]  }
0x2b: {  	s6 =	sld [smem:$0x3FAF]  }
0x2c: {  	s7 =	sld [smem:$0x3FB0]  }
0x2d: {  	s3 =	simm.s32 $0x108;
	s8 =	sld [smem:$0x3FB1]  }
0x2e: {  	s3 =	simm.s32 @!p0 $0x1082;
	s9 =	sld [smem:$0x3FB2]  }
0x2f: {  	lr =	sadd.s32 s0, s3;
	s0 =	sld [smem:$0x3FA9]  }
0x30: {  	s3 =	sld [smem:$0x3FAC]  }
0x31: {  	[smem:$0x3FB5] =	sst s10  }
0x32: {  	s10 =	sld [smem:$0x3FB3];
	_ =	sdelay $0x3  }
0x33: {  	p0 =	seq.s32 s10, $0x1;
	s10 =	sld [smem:$0x3FB5];
	_ =	sdelay $0x3  }
0x34: {  	[smem:$0x3FB5] =	sst s10  }
0x35: {  	s10 =	sld [smem:$0x3FB4];
	_ =	sdelay $0x3  }
0x36: {  	p1 =	seq.s32 s10, $0x1;
	s10 =	sld [smem:$0x3FB5];
	_ =	sdelay $0x3  }
0x37: {  	[smem:$0x3FB5] =	sst s10  }
0x38: {  	s10 =	sld [smem:$0x3FB6]  }
0x39: {  	_ = 	snop;
	(pc) =	sbr.ind lr, $3  }
0x3a: {  	_ = 	snop  }
0x3b: {  	_ = 	snop  }
0x3c: {  	p2 =	seq.s32 s10, $0x1;
	s10 =	sld [smem:$0x3FB5]  }
0x3d: {  	_ =	shalt  }
0x3e: {  	_ =	shalt  }
0x3f: {  	_ =	shalt  }
0x40: {  	_ =	shalt  }
0x41: {  	_ =	shalt  }
0x42: {  	_ =	shalt  }
0x43: {  	_ =	shalt  }
0x44: {  	_ =	shalt  }
0x45: {  	_ =	shalt  }
0x46: {  	_ =	shalt  }
0x47: {  	_ =	shalt  }
0x48: {  	_ =	shalt  }
0x49: {  	_ =	shalt  }
0x4a: {  	_ =	shalt  }
0x4b: {  	_ =	shalt  }
0x4c: {  	_ =	shalt  }
0x4d: {  	_ =	shalt  }
0x4e: {  	_ =	shalt  }
0x4f: {  	_ =	shalt  }
0x50: {  	_ =	shalt  }
0x51: {  	_ =	shalt  }
0x52: {  	_ =	shalt  }
0x53: {  	_ =	shalt  }
0x54: {  	_ =	shalt  }
0x55: {  	_ =	shalt  }
0x56: {  	_ =	shalt  }
0x57: {  	_ =	shalt  }
0x58: {  	_ =	shalt  }
0x59: {  	_ =	shalt  }
0x5a: {  	_ =	shalt  }
0x5b: {  	_ =	shalt  }
0x5c: {  	_ =	shalt  }
0x5d: {  	_ =	shalt  }
0x5e: {  	_ =	shalt  }
0x5f: {  	_ =	shalt  }
0x60: {  	_ =	shalt  }
0x61: {  	_ =	shalt  }
0x62: {  	_ =	shalt  }
0x63: {  	_ =	shalt  }
0x64: {  	_ =	shalt  }
0x65: {  	_ =	shalt  }
0x66: {  	_ =	shalt  }
0x67: {  	_ =	shalt  }
0x68: {  	_ =	shalt  }
0x69: {  	_ =	shalt  }
0x6a: {  	_ =	shalt  }
0x6b: {  	_ =	shalt  }
0x6c: {  	_ =	shalt  }
0x6d: {  	_ =	shalt  }
0x6e: {  	_ =	shalt  }
0x6f: {  	_ =	shalt  }
0x70: {  	_ =	shalt  }
0x71: {  	_ =	shalt  }
0x72: {  	_ =	shalt  }
0x73: {  	_ =	shalt  }
0x74: {  	_ =	shalt  }
0x75: {  	_ =	shalt  }
0x76: {  	_ =	shalt  }
0x77: {  	_ =	shalt  }
0x78: {  	_ =	shalt  }
0x79: {  	_ =	shalt  }
0x7a: {  	_ =	shalt  }
0x7b: {  	_ =	shalt  }
0x7c: {  	_ =	shalt  }
0x7d: {  	_ =	shalt  }
0x7e: {  	_ =	shalt  }
0x7f: {  	_ =	shalt  }
0x80: {  	_ =	shalt  }
0x81: {  	_ =	shalt  }
0x82: {  	_ =	shalt  }
0x83: {  	_ =	shalt  }
0x84: {  	_ =	shalt  }
0x85: {  	_ =	shalt  }
0x86: {  	_ =	shalt  }
0x87: {  	_ =	shalt  }
.Lfunc_end0:
.L_simem_size_0:
called_computation_lowered:
.L_overlay_start_0:
0x88: {  	s2 =	sld [smem:$0x3FD9]  }
0x89: {  	s3 =	sld [smem:$0x3FFE];
	_ =	sdelay $0x1  }
0x8a: {  	s1 =	srdreg.scid  }
0x8b: {  	s0 =	sand.u32 $0x1, s1  }
0x8c: {  	s17 =	sshll.u32 s0, $0xA;
	s2 =	sadd.s32 s3, s2  }
0x8d: {  	s2 =	sadd.s32 s2, s17  }
0x8e: {  	[smem:$0x3FC1] =	sst s2  }
0x8f: {  	_ = 	snop  }
0x90: {  	s2 =	sld [smem:$0x3FC9]  }
0x91: {  	s18 =	sld [smem:$0x3FC7]  }
0x92: {  	s4 =	sld [smem:$0x3FD0];
	(tm) =	ssettm $0x1  }
0x93: {  	s5 =	sld [smem:$0x3FFB];
	_ =	sdelay $0x3  }
0x94: {  	_ =	strace s5  }
0x95: {  	s5 =	sld [smem:$0x3FFC];
	_ =	sdelay $0x3  }
0x96: {  	_ =	strace s5  }
0x97: {  	s5 =	sld [smem:$0x3FFD];
	_ =	sdelay $0x3  }
0x98: {  	_ =	strace s5  }
0x99: {  	_ =	strace $0x8FFFFFFF  }
0x9a: {  	s19 =	sld [smem:$0x3FDB];
	_ =	sdelay $0x1  }
0x9b: {  	s6 =	simm.s32 $_scs_section_size  }
0x9c: {  	s7 =	simm.s32 $_size__tile_overlayer_lowered;
	s8 =	simm.s32 $_tile_overlayer_lowered  }
0x9d: {  	s22 =	simm.s32 $0x1BFF;
	s21 =	sshll.u32 s8, $0x1;
	s5 =	sadd.s32 s6, s19  }
0x9e: {  	s9 =	simm.s32 $0x0;
	s20 =	sshll.u32 s7, $0x1;
	s7 =	sadd.s32 s21, s5  }
0x9f: {  	[timem:s9], [sflag:s22] =	dma.local [hbm:s7], s20  }
0xa0: {  	_ =	swait.ge [sflag:s22], s20  }
0xa1: {  	s6 =	ssub.s32 $0x0, s20;
	[sflag:s22] =	ssyncset.done $0x0  }
0xa2: {  	[sflag:s22] =	ssyncadd.s32 s6;
	_ =	sdelay $0x1  }
0xa3: {  	s23 =	simm.s32 $0x1B8B  }
0xa4: {  	_ =	swait.ge [sflag:s23], $0x1  }
0xa5: {  	[sflag:s23] =	ssyncset.done $0x0  }
0xa6: {  	s25 =	simm.s32 $0x1B8E;
	s24 =	sld [smem:$0x3FFE];
	[sflag:s23] =	ssyncadd.s32 $0xFFFFFFFF  }
0xa7: {  	s26 =	simm.s32 $execute0_lowered;
	[smem:$0x3FD2] =	sst s25  }
0xa8: {  	s7 =	sshll.u32 s26, $0x1;
	_ =	strace $0x80000046;
	[dreg:$0x1] =	wrdreg $0xFFFFFFFF  }
0xa9: {  	s28 =	simm.s32 $_size_execute0_lowered;
	s5 =	sadd.s32 s5, s7;
	[dreg:$0x0] =	wrdreg $0x0  }
0xaa: {  	s7 =	sshll.u32 s28, $0x1;
	[dreg:$0x2] =	wrdreg s5  }
0xab: {  	[dreg:$0x3] =	wrdreg s7  }
0xac: {  	[dreg:$0x4] =	wrdreg $0xC0  }
0xad: {  	_ =	task [dreg:s9], $0x5FFFF  }
0xae: {  	[dreg:$0x1] =	wrdreg $0xFFFFFFFF  }
0xaf: {  	[dreg:$0x0] =	wrdreg $0x60  }
0xb0: {  	[dreg:$0x2] =	wrdreg s2  }
0xb1: {  	[dreg:$0x3] =	wrdreg s24  }
0xb2: {  	[dreg:$0x4] =	wrdreg s18  }
0xb3: {  	[dreg:$0x5] =	wrdreg s4  }
0xb4: {  	[dreg:$0x6] =	wrdreg $0x67000  }
0xb5: {  	[dreg:$0x7] =	wrdreg $0x1EF400  }
0xb6: {  	[dreg:$0x8] =	wrdreg $0x9  }
0xb7: {  	_ =	task.clear_ibuf [dreg:s9], $0x9FFFF;
	_ =	strace $0x90000046  }
0xb8: {  	s29 =	simm.s32 $0x9;
	_ =	strace $0x80000048  }
0xb9: {  	_ =	swait.ge [sflag:s29], $0x1  }
0xba: {  	[sflag:s29] =	ssyncadd.s32 $0xFFFFFFFF  }
0xbb: {  	_ =	strace $0x90000048  }
0xbc: {  	_ =	sfence  }
0xbd: {  	s30 =	sld [smem:$0x0];
	_ =	sdelay $0x2  }
0xbe: {  	s31 =	sshll.u32 s1, $0xD;
	s1 =	sshrl.u32 s1, $0x2  }
0xbf: {  	s3 =	sand.u32 $0x4000, s31;
	s1 =	sadd.s32 s1, s30  }
0xc0: {  	s0 =	sor.u32 s3, s0;
	s1 =	sshll.u32 s1, $0x11  }
0xc1: {  	s0 =	sor.u32 s1, s0  }
0xc2: {  	s0 =	sadd.s32 $0x8F2B, s0  }
0xc3: {  	[sflag:s0] =	ssyncadd.remote.s32 $0x1  }
0xc4: {  	_ =	sfence.sel $0xFFFF  }
0xc5: {  	[dreg:$0x0] =	wrdreg $0xFFFFFFFF;
	(pc) =	sbr.abs _section_cstart, $3  }
0xc6: {  	[dreg:$0x1] =	wrdreg $0xFFFFFFFF  }
0xc7: {  	_ =	task.clear_ibuf [dreg:s9], $0x2FFFF;
	_ =	strace $0x9FFFFFFF  }
0xc8: {  	(tm) =	ssettm $0x7FFFFFFF  }
0xc9: {  	_ =	shalt  }
tec
execute0_lowered:
.L_overlay_start_1:
0x0: {  	(tag) =	ssettag $0x1  }
0x1: {  	s0 =	rddreg [dreg:$0x0]  }
0x2: {  	s2 =	rddreg [dreg:$0x1]  }
0x3: {  	s6 =	rddreg [dreg:$0x2]  }
0x4: {  	s1 =	rddreg [dreg:$0x3]  }
0x5: {  	s4 =	srdreg.scid;
	s18 =	stileid.u32  }
0x6: {  	s3 =	rddreg [dreg:$0x4];
	s5 =	simm.s32 $0x0;
	s8 =	smul.u32 $0x620, s18  }
0x7: {  	s16 =	simm.s32 $0xC;
	s29 =	simm.s32 $0xE;
	s14 =	smul.u32 $0xC350, s18  }
0x8: {  	s30 =	simm.s32 $0x70;
	s31 =	simm.s32 $0x4610;
	s17 =	smul.u32 $0x3100, s18  }
0x9: {  	s7 =	sand.u32 $0x1, s4;
	s4 =	rddreg [dreg:$0x5];
	s19 =	smul.u32 $0x186A, s18  }
0xa: {  	[smem:$0x7FF] =	sst s5;
	s11 =	sadd.s32 $0x19600, s2;
	s9 =	smul.u32 $0x6200, s7  }
0xb: {  	s10 =	smul.u32 $0x31000, s7;
	s13 =	sshll.u32 s7, $0x4;
	s7 =	ssub.s32 $0x2, s7  }
0xc: {  	_ =	strace $0x80000047;
	s13 =	sor.u32 s18, s13;
	s15 =	sshrl.u32 s7, $0x1  }
0xd: {  	s14 =	sshrl.u32 s14, $0x3;
	s8 =	sadd.s32 s8, s9;
	s10 =	sadd.s32 s10, s2  }
0xe: {  	p0 =	seq.s32 s13, $0x1F;
	s7 =	ssub.s32 s7, s15;
	s21 =	sadd.s32 s11, s14  }
0xf: {  	s22 =	sadd.s32 s6, s14;
	s23 =	sadd.s32 $0x10, s14;
	s25 =	sadd.s32 $0x20, s14  }
0x10: {  	s14 =	sadd.s32 $0x1860, s14;
	s8 =	sshrl.u32 s8, $0x3;
	[dreg:$0x8] =	wrdreg s21  }
0x11: {  	s16 =	simm.s32 @!p0 $0xE;
	[dreg:$0x9] =	wrdreg s22;
	s24 =	sadd.s32 s11, s23  }
0x12: {  	s15 =	sadd.s32 s6, s23;
	s26 =	sadd.s32 s11, s25;
	s10 =	sadd.s32 s17, s10  }
0x13: {  	s20 =	sadd.s32 s11, s14;
	s14 =	sadd.s32 s6, s14;
	[dreg:$0x7] =	wrdreg s16  }
0x14: {  	s17 =	sadd.s32 s19, s11;
	s21 =	smul.u32 $0x1880, s18;
	[dreg:$0xa] =	wrdreg s24  }
0x15: {  	p0 =	sne.s32 s13, $0x1F;
	s22 =	smul.u32 $0x62000, s18;
	[dreg:$0xb] =	wrdreg s15  }
0x16: {  	s11 =	simm.s32 $0x80;
	s18 =	simm.s32 $0x3;
	[dreg:$0xc] =	wrdreg s26  }
0x17: {  	s12 =	sadd.s32 s8, s2;
	s16 =	sadd.s32 s6, s25;
	[dreg:$0xe] =	wrdreg s20  }
0x18: {  	[dreg:$0xf] =	wrdreg s14;
	s8 =	sadd.s32 s8, s0;
	s0 =	sadd.s32 $0x1864, s0  }
0x19: {  	s24 =	smax.u32 s7, $0x1;
	s25 =	sadd.s32 $0x31E00, s10;
	[dreg:$0xd] =	wrdreg s16  }
0x1a: {  	s26 =	sadd.s32 $0x93E00, s10;
	s7 =	simm.s32 $0x6690;
	[dreg:$0x10] =	wrdreg s8  }
0x1b: {  	s15 =	simm.s32 $0xA0;
	s10 =	simm.s32 $0x6;
	[dreg:$0x11] =	wrdreg s0  }
0x1c: {  	s16 =	sadd.s32 s19, s6;
	s19 =	sadd.s32 $0xF43400, s2;
	[dreg:$0x13] =	wrdreg s24  }
0x1d: {  	s2 =	sadd.s32 $0x93700, s2;
	s23 =	sshrl.u32 s21, $0x2;
	[dreg:$0x15] =	wrdreg s25  }
0x1e: {  	s0 =	sshrl.u32 s22, $0x2;
	[dreg:$0x16] =	wrdreg s26;
	s26 =	sadd.s32 $0xF5E00, s12  }
0x1f: {  	s22 =	simm.s32 $0x220;
	s21 =	simm.s32 $0x5;
	s24 =	simm.s32 $0x6610  }
0x20: {  	s25 =	simm.s32 $0x4;
	s8 =	simm.s32 $0x0;
	[dreg:$0x12] =	wrdreg s2  }
0x21: {  	s14 =	sadd.s32 s23, s4;
	s28 =	sadd.s32 s0, s3;
	s2 =	simm.s32 $0x1  }
0x22: {  	v1 =	vimm.f32 $0.0e+00;
	v2 =	vimm.f32 $1.000000000e+00;
	v0 =	vmov s9;
	s0 =	simm.s32 $0x610;
	s23 =	simm.s32 $0x7;
	[dreg:$0x14] =	wrdreg s28  }
.LBB2_1:
0x23: {  	[dreg:$0x17] =	wrdreg s8  }
0x24: {  	s12 =	rddreg [dreg:$0x10]  }
0x25: {  	[tilespmem:s5], [sflag:$0xE] =	stream.linear.gather [hbm4b:s12+s5], $0x70, $0x38;
	[tilespmem:$0x1F568] =	vst v63  }
0x26: {  	_ =	swait.ge [sflag:s29], $0x70  }
0x27: {  	[sflag:s29] =	ssyncset.done $0x0  }
0x28: {  	[sflag:s29] =	ssyncadd.s32 $0xFFFFFF90  }
0x29: {  	[tilespmem:s31], [sflag:$0x1] =	stream.indirect.gather [hbm4b:s19+s30], $0x40, s5, s30, $0xb8;
	[tilespmem:$0x1F568] =	vst v63  }
0x2a: {  	_ =	swait.ge [sflag:s2], $0x1C00  }
0x2b: {  	s6 =	rddreg [dreg:$0x7]  }
0x2c: {  	p1 =	sne.s32 s6, $0x1  }
.Ltmp0:
0x2d: {  	[sflag:s2] =	ssyncset.done $0x0;
	(pc) =	sbr.rel @!p1 .LBB2_3-.Ltmp0, $4  }
0x2e: {  	s9 =	rddreg [dreg:$0x15];
	[sflag:s2] =	ssyncadd.s32 $0xFFFFE400  }
0x2f: {  	[hbm4b:s9+s5] =	stream.linear.scatter [tilespmem:s31], [sflag:$0xE], $0x1C00, $0x38;
	[tilespmem:$0x1F568] =	vst v63  }
0x30: {  	_ =	swait.ge [sflag:s29], $0x1C00  }
0x31: {  	s8 =	sadd.s32 $0xFFFFFFFF, s6;
	[sflag:s29] =	ssyncset.done $0x0  }
.LBB2_2:
0x32: {  	[sflag:s29] =	ssyncadd.s32 $0xFFFFE400;
	s9 =	sadd.s32 $0x380, s9;
	s12 =	sadd.s32 $0xE, s12  }
0x33: {  	[tilespmem:s5], [sflag:$0xE] =	stream.linear.gather [hbm4b:s12+s5], $0x70, $0x38;
	[tilespmem:$0x1F568] =	vst v63  }
0x34: {  	p1 =	sne.s32 s8, $0x1;
	s8 =	sadd.s32 $0xFFFFFFFF, s8;
	_ =	swait.ge [sflag:s29], $0x70  }
0x35: {  	[sflag:s29] =	ssyncset.done $0x0  }
0x36: {  	[sflag:s29] =	ssyncadd.s32 $0xFFFFFF90  }
0x37: {  	[tilespmem:s31], [sflag:$0x1] =	stream.indirect.gather [hbm4b:s19+s30], $0x40, s5, s30, $0xb8;
	[tilespmem:$0x1F568] =	vst v63  }
0x38: {  	_ =	swait.ge [sflag:s2], $0x1C00  }
.Ltmp1:
0x39: {  	[sflag:s2] =	ssyncset.done $0x0;
	(pc) =	sbr.rel @p1 .LBB2_2-.Ltmp1, $4  }
0x3a: {  	[sflag:s2] =	ssyncadd.s32 $0xFFFFE400  }
0x3b: {  	[hbm4b:s9+s5] =	stream.linear.scatter [tilespmem:s31], [sflag:$0xE], $0x1C00, $0x38;
	[tilespmem:$0x1F568] =	vst v63  }
0x3c: {  	_ =	swait.ge [sflag:s29], $0x1C00  }
0x3d: {  	[sflag:s29] =	ssyncset.done $0x0  }
.LBB2_3:
0x3e: {  	[sflag:s29] =	ssyncadd.s32 $0xFFFFE400;
	s8 =	simm.s32 @!p0 $0x0  }
0x3f: {  	s9 =	simm.s32 @!p0 $0x70;
	s6 =	rddreg [dreg:$0x11];
	s12 =	simm.s32 @!p0 $0xE  }
0x40: {  	[tilespmem:s9], [sflag:$0xE] =	stream.linear.gather @!p0 [hbm4b:s6+s8], $0x30, $0x38;
	[tilespmem:$0x1F568] =	vst v63  }
0x41: {  	_ =	swait.ge @!p0 [sflag:s12], $0x30  }
0x42: {  	[sflag:s12] =	ssyncset.done @!p0 $0x0  }
0x43: {  	s13 =	simm.s32 @!p0 $0x30;
	s20 =	simm.s32 @!p0 $0x4610;
	[sflag:s12] =	ssyncadd.s32 @!p0 $0xFFFFFFD0  }
0x44: {  	[tilespmem:s20], [sflag:$0x1] =	stream.indirect.gather @!p0 [hbm4b:s19+s13], $0x40, s9, s13, $0xb8;
	[tilespmem:$0x1F568] =	vst v63  }
0x45: {  	s9 =	simm.s32 @!p0 $0x1  }
0x46: {  	_ =	swait.ge @!p0 [sflag:s9], $0xC00  }
0x47: {  	[sflag:s9] =	ssyncset.done @!p0 $0x0  }
0x48: {  	s6 =	rddreg [dreg:$0x12];
	[sflag:s9] =	ssyncadd.s32 @!p0 $0xFFFFF400  }
0x49: {  	[hbm4b:s6+s8] =	stream.linear.scatter @!p0 [tilespmem:s20], [sflag:$0xE], $0xC00, $0x38;
	[tilespmem:$0x1F568] =	vst v63  }
0x4a: {  	_ =	swait.ge @!p0 [sflag:s12], $0xC00  }
0x4b: {  	[sflag:s12] =	ssyncset.done @!p0 $0x0  }
0x4c: {  	s9 =	simm.s32 $0x100;
	s8 =	simm.s32 $0x0;
	[sflag:s12] =	ssyncadd.s32 @!p0 $0xFFFFF400  }
.LBB2_4:
0x4d: {  	p1 =	sne.s32 s9, $0x6F00;
	[tilespmem:s8+$0x640] =	vst v1;
	s12 =	smov.u32 s9;
	s9 =	sadd.s32 $0x100, s9  }
.Ltmp2:
0x4e: {  	[tilespmem:s8+$0x630] =	vst v1;
	(pc) =	sbr.rel @p1 .LBB2_4-.Ltmp2, $3  }
0x4f: {  	[tilespmem:s8+$0x610] =	vst v1  }
0x50: {  	[tilespmem:s8+$0x620] =	vst v1;
	_ =	sdelay $0x1  }
0x51: {  	s8 =	sshra.s32 s12, $0x2  }
0x52: {  	[tilespmem:s8+$0x640] =	vst v1  }
0x53: {  	[tilespmem:s8+$0x630] =	vst v1  }
0x54: {  	[tilespmem:s8+$0x610] =	vst v1  }
0x55: {  	[tilespmem:s8+$0x620] =	vst v1  }
0x56: {  	[tilespmem:$0x6690] =	vst v1  }
0x57: {  	[tilespmem:$0x66A0] =	vst v1  }
0x58: {  	[tilespmem:$0x66B0] =	vst v1  }
0x59: {  	[tilespmem:$0x66C0] =	vst v1  }
0x5a: {  	[tilespmem:$0x66D0] =	vst v1  }
0x5b: {  	[tilespmem:$0x66E0] =	vst v1  }
0x5c: {  	[tilespmem:$0x66F0] =	vst v1  }
0x5d: {  	[tilespmem:$0x6610] =	vst v2  }
0x5e: {  	[tilespmem:$0x6620] =	vst v2  }
0x5f: {  	[tilespmem:$0x6630] =	vst v2  }
0x60: {  	[tilespmem:$0x6640] =	vst v2  }
0x61: {  	[tilespmem:$0x6650] =	vst v2  }
0x62: {  	[tilespmem:$0x6660] =	vst v2  }
0x63: {  	[tilespmem:$0x6670] =	vst v2  }
0x64: {  	[tilespmem:$0x6680] =	vst v2  }
0x65: {  	[spmem:s28] =	stream.linear.scatter [tilespmem:s0], [sflag:$0xE], $0x1C00, $0x38;
	[tilespmem:$0x1F568] =	vst v63  }
0x66: {  	_ =	swait.ge [sflag:s29], $0x1C00  }
0x67: {  	[sflag:s29] =	ssyncset.done $0x0  }
0x68: {  	s20 =	sadd.s32 $0x0, s14;
	[sflag:s29] =	ssyncadd.s32 $0xFFFFE400  }
0x69: {  	[spmem:s20] =	stream.linear.scatter [tilespmem:s7], [sflag:$0xE], $0x70, $0x38;
	[tilespmem:$0x1F568] =	vst v63  }
0x6a: {  	s8 =	simm.s32 $0x1C0;
	_ =	swait.ge [sflag:s29], $0x70  }
0x6b: {  	s9 =	smov.u32 s28;
	s20 =	simm.s32 $0x2A0;
	[sflag:s29] =	ssyncset.done $0x0  }
.LBB2_6:
0x6c: {  	p1 =	sne.s32 s8, $0x16C0;
	[sflag:s29] =	ssyncadd.s32 $0xFFFFFF90;
	s9 =	sadd.s32 $0x1C00, s9  }
0x6d: {  	[spmem:s9] =	stream.linear.scatter [tilespmem:s0], [sflag:$0xE], $0x1C00, $0x38;
	[tilespmem:$0x1F568] =	vst v63  }
0x6e: {  	s12 =	smov.u32 s8;
	s8 =	sadd.s32 $0x1C0, s8;
	_ =	swait.ge [sflag:s29], $0x1C00  }
.Ltmp3:
0x6f: {  	s12 =	sshra.s32 s12, $0x2;
	[sflag:s29] =	ssyncset.done $0x0;
	(pc) =	sbr.rel @p1 .LBB2_6-.Ltmp3, $4  }
0x70: {  	s12 =	sadd.s32 s12, s14;
	[sflag:s29] =	ssyncadd.s32 $0xFFFFE400  }
0x71: {  	[spmem:s12] =	stream.linear.scatter [tilespmem:s7], [sflag:$0xE], $0x70, $0x38;
	[tilespmem:$0x1F568] =	vst v63  }
0x72: {  	_ =	swait.ge [sflag:s29], $0x70  }
0x73: {  	[sflag:s29] =	ssyncset.done $0x0  }
0x74: {  	[sflag:s29] =	ssyncadd.s32 $0xFFFFFF90  }
0x75: {  	[bflag:$0x0] =	sbarrier.arrive $0xFFFF  }
0x76: {  	s9 =	simm.s32 $0x0;
	s6 =	rddreg [dreg:$0x8]  }
0x77: {  	[tilespmem:s15], [sflag:$0x2] =	stream.linear.gather [hbm4b:s6+s9], $0x80, $0x38;
	[tilespmem:$0x1F568] =	vst v63  }
0x78: {  	s13 =	simm.s32 $0x2;
	s12 =	rddreg [dreg:$0x9]  }
0x79: {  	[tilespmem:s22], [sflag:$0x2] =	stream.linear.gather [hbm4b:s12+s9], $0x80, $0x38;
	[tilespmem:$0x1F568] =	vst v63  }
0x7a: {  	_ =	swait.ge [sflag:s13], $0x80  }
0x7b: {  	[sflag:s13] =	ssyncset.done $0x0  }
0x7c: {  	[sflag:s13] =	ssyncadd.s32 $0xFFFFFF80  }
0x7d: {  	_ =	swait.ge [sflag:s13], $0x80  }
0x7e: {  	[sflag:s13] =	ssyncset.done $0x0  }
0x7f: {  	[sflag:s13] =	ssyncadd.s32 $0xFFFFFF80  }
0x80: {  	[tilespmem:s0], [sflag:$0x5] =	stream.indirect.gather [hbm4b:s1+s11], $0x40, s22, s11, $0xb8;
	[tilespmem:$0x1F568] =	vst v63  }
0x81: {  	s8 =	simm.s32 $0x120;
	s28 =	rddreg [dreg:$0xa]  }
0x82: {  	[tilespmem:s8], [sflag:$0x3] =	stream.linear.gather [hbm4b:s28+s9], $0x80, $0x38;
	[tilespmem:$0x1F568] =	vst v63  }
0x83: {  	s8 =	rddreg [dreg:$0xb]  }
0x84: {  	[tilespmem:s20], [sflag:$0x3] =	stream.linear.gather [hbm4b:s8+s9], $0x80, $0x38;
	[tilespmem:$0x1F568] =	vst v63  }
0x85: {  	s12 =	rddreg [dreg:$0xc];
	s13 =	simm.s32 $0x1A0  }
0x86: {  	[tilespmem:s13], [sflag:$0x4] =	stream.linear.gather [hbm4b:s12+s9], $0x80, $0x38;
	[tilespmem:$0x1F568] =	vst v63  }
0x87: {  	s6 =	simm.s32 $0x1A0;
	s28 =	rddreg [dreg:$0xd];
	s12 =	simm.s32 $0x320  }
0x88: {  	[tilespmem:s12], [sflag:$0x4] =	stream.linear.gather [hbm4b:s28+s9], $0x80, $0x38;
	[tilespmem:$0x1F568] =	vst v63  }
.LBB2_8:
0x89: {  	p1 =	seq.s32 s9, $0x0  }
0x8a: {  	s8 =	simm.s32 @!p1 $0x9  }
0x8b: {  	_ =	swait.ge @!p1 [sflag:s8], $0x2000  }
0x8c: {  	[sflag:s8] =	ssyncset.done @!p1 $0x0  }
0x8d: {  	[sflag:s8] =	ssyncadd.s32 @!p1 $0xFFFFE000;
	s8 =	simm.s32 @!p1 $0xC  }
0x8e: {  	_ =	swait.ge @!p1 [sflag:s8], $0x80  }
0x8f: {  	[sflag:s8] =	ssyncset.done @!p1 $0x0  }
0x90: {  	[sflag:s8] =	ssyncadd.s32 @!p1 $0xFFFFFF80  }
0x91: {  	_ =	swait.ge [sflag:s18], $0x80  }
0x92: {  	[sflag:s18] =	ssyncset.done $0x0  }
0x93: {  	[sflag:s18] =	ssyncadd.s32 $0xFFFFFF80  }
0x94: {  	_ =	swait.ge [sflag:s18], $0x80  }
0x95: {  	[sflag:s18] =	ssyncset.done $0x0  }
0x96: {  	s28 =	simm.s32 $0x2610;
	[sflag:s18] =	ssyncadd.s32 $0xFFFFFF80  }
0x97: {  	[tilespmem:s28], [sflag:$0x6] =	stream.indirect.gather [hbm4b:s1+s11], $0x40, s20, s11, $0xb8;
	[tilespmem:$0x1F568] =	vst v63  }
0x98: {  	v3 =	vld [tilespmem:$0xA0]  }
0x99: {  	v4 =	vld [tilespmem:$0xB0]  }
0x9a: {  	v5 =	vld [tilespmem:$0xC0]  }
0x9b: {  	v6 =	vld [tilespmem:$0xD0]  }
0x9c: {  	v7 =	vld [tilespmem:$0xE0]  }
0x9d: {  	v8 =	vld [tilespmem:$0xF0];
	v3 =	vsub.s32 v3, v0  }
0x9e: {  	v9 =	vld [tilespmem:$0x100];
	v4 =	vsub.s32 v4, v0;
	v3 =	vmin.u32 v3, $0x6200  }
0x9f: {  	v58 =	vld [tilespmem:$0x110];
	v57 =	vsub.s32 v5, v0;
	[tilespmem:$0x3A0] =	vst v3;
	v3 =	vmin.u32 v4, $0x6200  }
0xa0: {  	v59 =	vsub.s32 v6, v0;
	[tilespmem:$0x3B0] =	vst v3;
	v3 =	vmin.u32 v57, $0x6200  }
0xa1: {  	v60 =	vsub.s32 v7, v0;
	[tilespmem:$0x3C0] =	vst v3;
	v3 =	vmin.u32 v59, $0x6200  }
0xa2: {  	v61 =	vsub.s32 v8, v0;
	[tilespmem:$0x3D0] =	vst v3;
	v3 =	vmin.u32 v60, $0x6200  }
0xa3: {  	v62 =	vsub.s32 v9, v0;
	[tilespmem:$0x3E0] =	vst v3;
	v3 =	vmin.u32 v61, $0x6200  }
0xa4: {  	p2 =	sne.s32 s9, $0x1830;
	v63 =	vsub.s32 v58, v0;
	[tilespmem:$0x3F0] =	vst v3;
	v3 =	vmin.u32 v62, $0x6200  }
.Ltmp4:
0xa5: {  	[tilespmem:$0x400] =	vst v3;
	v3 =	vmin.u32 v63, $0x6200;
	(pc) =	sbr.rel @p2 .LBB2_10-.Ltmp4, $4  }
0xa6: {  	[tilespmem:$0x410] =	vst v3  }
0xa7: {  	_ =	swait.ge [sflag:s21], $0x2000  }
0xa8: {  	[sflag:s21] =	ssyncset.done $0x0  }
0xa9: {  	[sflag:s21] =	ssyncadd.s32 $0xFFFFE000  }
.Ltmp5:
0xaa: {  	(pc) =	sbr.rel .LBB2_11-.Ltmp5, $4  }
0xab: {  	s8 =	simm.s32 $0x3A0  }
0xac: {  	[spmem:s3] =	stream.indirect.scatter.add.f32 [tilespmem:s0], [sflag:$0x8], $0x40, s8, s11, $0xb8;
	[tilespmem:$0x1F568] =	vst v63  }
0xad: {  	_ = 	snop  }
0xae: {  	[spmem:s4] =	stream.indirect.scatter.add.f32 [tilespmem:s24], [sflag:$0xB], $0x1, s8, s11, $0xb8;
	[tilespmem:$0x1F568] =	vst v63  }
.LBB2_10:
0xaf: {  	s8 =	sadd.s32 s9, s17  }
0xb0: {  	s13 =	sadd.s32 s9, s16;
	s8 =	sadd.s32 $0x30, s8  }
0xb1: {  	[tilespmem:s15], [sflag:$0x2] =	stream.linear.gather [hbm4b:s8+s5], $0x80, $0x38;
	[tilespmem:$0x1F568] =	vst v63  }
0xb2: {  	s8 =	sadd.s32 $0x30, s13  }
0xb3: {  	[tilespmem:s22], [sflag:$0x2] =	stream.linear.gather [hbm4b:s8+s5], $0x80, $0x38;
	[tilespmem:$0x1F568] =	vst v63  }
.Ltmp6:
0xb4: {  	_ = 	snop;
	(pc) =	sbr.rel @p1 .LBB2_12-.Ltmp6, $4  }
0xb5: {  	s28 =	simm.s32 $0x3A0  }
0xb6: {  	[spmem:s3] =	stream.indirect.scatter.add.f32 [tilespmem:s0], [sflag:$0x8], $0x40, s28, s11, $0xb8;
	[tilespmem:$0x1F568] =	vst v63  }
0xb7: {  	_ = 	snop  }
0xb8: {  	[spmem:s4] =	stream.indirect.scatter.add.f32 [tilespmem:s24], [sflag:$0xB], $0x1, s28, s11, $0xb8;
	[tilespmem:$0x1F568] =	vst v63  }
.LBB2_11:
0xb9: {  	s8 =	simm.s32 $0xA  }
0xba: {  	_ =	swait.ge [sflag:s8], $0x2000  }
0xbb: {  	[sflag:s8] =	ssyncset.done $0x0  }
0xbc: {  	s28 =	simm.s32 $0xD;
	[sflag:s8] =	ssyncadd.s32 $0xFFFFE000  }
0xbd: {  	_ =	swait.ge [sflag:s28], $0x80  }
0xbe: {  	[sflag:s28] =	ssyncset.done $0x0  }
0xbf: {  	[sflag:s28] =	ssyncadd.s32 $0xFFFFFF80  }
.LBB2_12:
0xc0: {  	_ =	swait.ge [sflag:s25], $0x80  }
0xc1: {  	[sflag:s25] =	ssyncset.done $0x0  }
0xc2: {  	[sflag:s25] =	ssyncadd.s32 $0xFFFFFF80  }
0xc3: {  	_ =	swait.ge [sflag:s25], $0x80  }
0xc4: {  	[sflag:s25] =	ssyncset.done $0x0  }
0xc5: {  	[sflag:s25] =	ssyncadd.s32 $0xFFFFFF80  }
0xc6: {  	[tilespmem:s31], [sflag:$0x7] =	stream.indirect.gather [hbm4b:s1+s11], $0x40, s12, s11, $0xb8;
	[tilespmem:$0x1F568] =	vst v63  }
0xc7: {  	v3 =	vld [tilespmem:$0x120]  }
0xc8: {  	v4 =	vld [tilespmem:$0x130]  }
0xc9: {  	v5 =	vld [tilespmem:$0x140]  }
0xca: {  	v6 =	vld [tilespmem:$0x150]  }
0xcb: {  	v7 =	vld [tilespmem:$0x160]  }
0xcc: {  	v8 =	vld [tilespmem:$0x170];
	v3 =	vsub.s32 v3, v0  }
0xcd: {  	v9 =	vld [tilespmem:$0x180];
	v4 =	vsub.s32 v4, v0;
	v3 =	vmin.u32 v3, $0x6200  }
0xce: {  	v45 =	vld [tilespmem:$0x190];
	v44 =	vsub.s32 v5, v0;
	[tilespmem:$0x420] =	vst v3;
	v3 =	vmin.u32 v4, $0x6200  }
0xcf: {  	v46 =	vsub.s32 v6, v0;
	[tilespmem:$0x430] =	vst v3;
	v3 =	vmin.u32 v44, $0x6200  }
0xd0: {  	v47 =	vsub.s32 v7, v0;
	[tilespmem:$0x440] =	vst v3;
	v3 =	vmin.u32 v46, $0x6200  }
0xd1: {  	v48 =	vsub.s32 v8, v0;
	[tilespmem:$0x450] =	vst v3;
	v3 =	vmin.u32 v47, $0x6200  }
0xd2: {  	v49 =	vsub.s32 v9, v0;
	[tilespmem:$0x460] =	vst v3;
	v3 =	vmin.u32 v48, $0x6200  }
0xd3: {  	v50 =	vsub.s32 v45, v0;
	[tilespmem:$0x470] =	vst v3;
	v3 =	vmin.u32 v49, $0x6200  }
0xd4: {  	[tilespmem:$0x480] =	vst v3;
	v3 =	vmin.u32 v50, $0x6200  }
0xd5: {  	[tilespmem:$0x490] =	vst v3  }
0xd6: {  	p1 =	seq.s32 s9, $0x1830;
	_ =	swait.ge [sflag:s10], $0x2000  }
0xd7: {  	s8 =	simm.s32 @p1 $0x80;
	[sflag:s10] =	ssyncset.done $0x0  }
0xd8: {  	s13 =	simm.s32 @p1 $0x2610;
	s12 =	simm.s32 @p1 $0x420;
	[sflag:s10] =	ssyncadd.s32 $0xFFFFE000  }
0xd9: {  	[spmem:s3] =	stream.indirect.scatter.add.f32 @p1 [tilespmem:s13], [sflag:$0x9], $0x40, s12, s8, $0xb8;
	[tilespmem:$0x1F568] =	vst v63  }
0xda: {  	s13 =	simm.s32 @p1 $0x6610  }
0xdb: {  	[spmem:s4] =	stream.indirect.scatter.add.f32 @p1 [tilespmem:s13], [sflag:$0xC], $0x1, s12, s8, $0xb8;
	[tilespmem:$0x1F568] =	vst v63  }
0xdc: {  	s8 =	simm.s32 @p1 $0x8  }
0xdd: {  	_ =	swait.ge @p1 [sflag:s8], $0x2000  }
0xde: {  	[sflag:s8] =	ssyncset.done @p1 $0x0  }
0xdf: {  	[sflag:s8] =	ssyncadd.s32 @p1 $0xFFFFE000;
	s8 =	simm.s32 @p1 $0xB  }
0xe0: {  	_ =	swait.ge @p1 [sflag:s8], $0x80  }
0xe1: {  	[sflag:s8] =	ssyncset.done @p1 $0x0  }
0xe2: {  	[sflag:s8] =	ssyncadd.s32 @p1 $0xFFFFFF80;
	s8 =	sadd.s32 @!p1 s9, s17  }
0xe3: {  	s12 =	simm.s32 @!p1 $0x0;
	s13 =	simm.s32 @!p1 $0x120;
	s8 =	sadd.s32 @!p1 $0x40, s8  }
0xe4: {  	[tilespmem:s13], [sflag:$0x3] =	stream.linear.gather @!p1 [hbm4b:s8+s12], $0x80, $0x38;
	[tilespmem:$0x1F568] =	vst v63  }
0xe5: {  	s8 =	sadd.s32 @!p1 s9, s16  }
0xe6: {  	s13 =	simm.s32 @!p1 $0x2A0;
	s8 =	sadd.s32 @!p1 $0x40, s8  }
0xe7: {  	[tilespmem:s13], [sflag:$0x3] =	stream.linear.gather @!p1 [hbm4b:s8+s12], $0x80, $0x38;
	[tilespmem:$0x1F568] =	vst v63  }
0xe8: {  	s8 =	simm.s32 @!p1 $0x80;
	s12 =	simm.s32 @!p1 $0x420;
	s13 =	simm.s32 @!p1 $0x2610  }
0xe9: {  	[spmem:s3] =	stream.indirect.scatter.add.f32 @!p1 [tilespmem:s13], [sflag:$0x9], $0x40, s12, s8, $0xb8;
	[tilespmem:$0x1F568] =	vst v63  }
0xea: {  	s13 =	simm.s32 @!p1 $0x6610  }
0xeb: {  	[spmem:s4] =	stream.indirect.scatter.add.f32 @!p1 [tilespmem:s13], [sflag:$0xC], $0x1, s12, s8, $0xb8;
	[tilespmem:$0x1F568] =	vst v63  }
0xec: {  	s12 =	simm.s32 @!p1 $0x8  }
0xed: {  	_ =	swait.ge @!p1 [sflag:s12], $0x2000  }
0xee: {  	[sflag:s12] =	ssyncset.done @!p1 $0x0  }
0xef: {  	[sflag:s12] =	ssyncadd.s32 @!p1 $0xFFFFE000;
	s12 =	simm.s32 @!p1 $0xB  }
0xf0: {  	_ =	swait.ge @!p1 [sflag:s12], $0x80  }
0xf1: {  	[sflag:s12] =	ssyncset.done @!p1 $0x0  }
0xf2: {  	[sflag:s12] =	ssyncadd.s32 @!p1 $0xFFFFFF80;
	s12 =	simm.s32 @!p1 $0x2  }
0xf3: {  	_ =	swait.ge @!p1 [sflag:s12], $0x80  }
0xf4: {  	[sflag:s12] =	ssyncset.done @!p1 $0x0  }
0xf5: {  	[sflag:s12] =	ssyncadd.s32 @!p1 $0xFFFFFF80  }
0xf6: {  	_ =	swait.ge @!p1 [sflag:s12], $0x80  }
0xf7: {  	[sflag:s12] =	ssyncset.done @!p1 $0x0  }
0xf8: {  	s13 =	simm.s32 @!p1 $0x610;
	[sflag:s12] =	ssyncadd.s32 @!p1 $0xFFFFFF80;
	s12 =	simm.s32 @!p1 $0x220  }
0xf9: {  	[tilespmem:s13], [sflag:$0x5] =	stream.indirect.gather @!p1 [hbm4b:s1+s8], $0x40, s12, s8, $0xb8;
	[tilespmem:$0x1F568] =	vst v63  }
0xfa: {  	v3 =	vld [tilespmem:$0x1A0]  }
0xfb: {  	v51 =	vld [tilespmem:$0x1B0]  }
0xfc: {  	v52 =	vld [tilespmem:$0x1C0]  }
0xfd: {  	v53 =	vld [tilespmem:$0x1D0]  }
0xfe: {  	v54 =	vld [tilespmem:$0x1E0]  }
0xff: {  	v55 =	vld [tilespmem:$0x1F0];
	v3 =	vsub.s32 v3, v0  }
0x100: {  	v56 =	vld [tilespmem:$0x200];
	v4 =	vsub.s32 v51, v0;
	v3 =	vmin.u32 v3, $0x6200  }
0x101: {  	v58 =	vld [tilespmem:$0x210];
	v57 =	vsub.s32 v52, v0;
	[tilespmem:$0x4A0] =	vst v3;
	v3 =	vmin.u32 v4, $0x6200  }
0x102: {  	v59 =	vsub.s32 v53, v0;
	[tilespmem:$0x4B0] =	vst v3;
	v3 =	vmin.u32 v57, $0x6200  }
0x103: {  	v60 =	vsub.s32 v54, v0;
	[tilespmem:$0x4C0] =	vst v3;
	v3 =	vmin.u32 v59, $0x6200  }
0x104: {  	v61 =	vsub.s32 v55, v0;
	[tilespmem:$0x4D0] =	vst v3;
	v3 =	vmin.u32 v60, $0x6200  }
0x105: {  	v62 =	vsub.s32 v56, v0;
	[tilespmem:$0x4E0] =	vst v3;
	v3 =	vmin.u32 v61, $0x6200  }
0x106: {  	v63 =	vsub.s32 v58, v0;
	[tilespmem:$0x4F0] =	vst v3;
	v3 =	vmin.u32 v62, $0x6200  }
.Ltmp7:
0x107: {  	[tilespmem:$0x500] =	vst v3;
	v3 =	vmin.u32 v63, $0x6200;
	(pc) =	sbr.rel @p1 .LBB2_14-.Ltmp7, $4  }
0x108: {  	[tilespmem:$0x510] =	vst v3  }
0x109: {  	_ =	swait.ge [sflag:s23], $0x2000  }
0x10a: {  	[sflag:s23] =	ssyncset.done $0x0  }
0x10b: {  	s28 =	simm.s32 $0x320;
	[sflag:s23] =	ssyncadd.s32 $0xFFFFE000  }
0x10c: {  	s8 =	sadd.s32 s9, s17  }
0x10d: {  	s13 =	sadd.s32 s9, s16;
	s8 =	sadd.s32 $0x50, s8  }
0x10e: {  	[tilespmem:s6], [sflag:$0x4] =	stream.linear.gather [hbm4b:s8+s5], $0x80, $0x38;
	[tilespmem:$0x1F568] =	vst v63  }
0x10f: {  	s8 =	sadd.s32 $0x50, s13  }
0x110: {  	[tilespmem:s28], [sflag:$0x4] =	stream.linear.gather [hbm4b:s8+s5], $0x80, $0x38;
	[tilespmem:$0x1F568] =	vst v63  }
.Ltmp8:
0x111: {  	_ = 	snop;
	(pc) =	sbr.rel .LBB2_8-.Ltmp8, $4  }
0x112: {  	s28 =	simm.s32 $0x4A0  }
0x113: {  	[spmem:s3] =	stream.indirect.scatter.add.f32 [tilespmem:s31], [sflag:$0xA], $0x40, s28, s11, $0xb8;
	[tilespmem:$0x1F568] =	vst v63  }
0x114: {  	s9 =	sadd.s32 $0x30, s9;
	s12 =	simm.s32 $0x320  }
0x115: {  	[spmem:s4] =	stream.indirect.scatter.add.f32 [tilespmem:s24], [sflag:$0xD], $0x1, s28, s11, $0xb8;
	[tilespmem:$0x1F568] =	vst v63  }
.LBB2_14:
0x116: {  	s6 =	simm.s32 $0x4A0  }
0x117: {  	[spmem:s3] =	stream.indirect.scatter.add.f32 [tilespmem:s31], [sflag:$0xA], $0x40, s6, s11, $0xb8;
	[tilespmem:$0x1F568] =	vst v63  }
0x118: {  	s8 =	simm.s32 $0x6610;
	s13 =	simm.s32 $0x9  }
0x119: {  	[spmem:s4] =	stream.indirect.scatter.add.f32 [tilespmem:s8], [sflag:$0xD], $0x1, s6, s11, $0xb8;
	[tilespmem:$0x1F568] =	vst v63  }
0x11a: {  	_ =	swait.ge [sflag:s13], $0x2000  }
0x11b: {  	[sflag:s13] =	ssyncset.done $0x0  }
0x11c: {  	s15 =	simm.s32 $0xC;
	[sflag:s13] =	ssyncadd.s32 $0xFFFFE000  }
0x11d: {  	_ =	swait.ge [sflag:s15], $0x80  }
0x11e: {  	[sflag:s15] =	ssyncset.done $0x0  }
0x11f: {  	s20 =	simm.s32 $0xA;
	[sflag:s15] =	ssyncadd.s32 $0xFFFFFF80  }
0x120: {  	_ =	swait.ge [sflag:s20], $0x2000  }
0x121: {  	[sflag:s20] =	ssyncset.done $0x0  }
0x122: {  	s22 =	simm.s32 $0xD;
	[sflag:s20] =	ssyncadd.s32 $0xFFFFE000  }
0x123: {  	_ =	swait.ge [sflag:s22], $0x80  }
0x124: {  	s9 =	simm.s32 $0x0;
	[sflag:s22] =	ssyncset.done $0x0  }
0x125: {  	s12 =	simm.s32 $0x520;
	s24 =	rddreg [dreg:$0xe];
	[sflag:s22] =	ssyncadd.s32 $0xFFFFFF80  }
0x126: {  	[tilespmem:s12], [sflag:$0xE] =	stream.linear.gather [hbm4b:s24+s9], $0x50, $0x38;
	[tilespmem:$0x1F568] =	vst v63  }
0x127: {  	_ =	swait.ge [sflag:s29], $0x50  }
0x128: {  	[sflag:s29] =	ssyncset.done $0x0  }
0x129: {  	s15 =	simm.s32 $0x570;
	s13 =	rddreg [dreg:$0xf];
	[sflag:s29] =	ssyncadd.s32 $0xFFFFFFB0  }
0x12a: {  	[tilespmem:s15], [sflag:$0xE] =	stream.linear.gather [hbm4b:s13+s9], $0x50, $0x38;
	[tilespmem:$0x1F568] =	vst v63  }
0x12b: {  	_ =	swait.ge [sflag:s29], $0x50  }
0x12c: {  	[sflag:s29] =	ssyncset.done $0x0  }
0x12d: {  	[sflag:s29] =	ssyncadd.s32 $0xFFFFFFB0  }
0x12e: {  	v3 =	vld [tilespmem:$0x520]  }
0x12f: {  	v4 =	vld [tilespmem:$0x530]  }
0x130: {  	v5 =	vld [tilespmem:$0x540]  }
0x131: {  	v6 =	vld [tilespmem:$0x550]  }
0x132: {  	v7 =	vld [tilespmem:$0x560]  }
0x133: {  	v3 =	vsub.s32 v3, v0  }
0x134: {  	v4 =	vsub.s32 v4, v0;
	v3 =	vmin.u32 v3, $0x6200  }
0x135: {  	v61 =	vsub.s32 v5, v0;
	[tilespmem:$0x5C0] =	vst v3;
	v3 =	vmin.u32 v4, $0x6200  }
0x136: {  	v62 =	vsub.s32 v6, v0;
	[tilespmem:$0x5D0] =	vst v3;
	v3 =	vmin.u32 v61, $0x6200  }
0x137: {  	v63 =	vsub.s32 v7, v0;
	[tilespmem:$0x5E0] =	vst v3;
	v3 =	vmin.u32 v62, $0x6200  }
0x138: {  	[tilespmem:$0x5F0] =	vst v3;
	v3 =	vmin.u32 v63, $0x6200  }
0x139: {  	s20 =	simm.s32 $0x50;
	[tilespmem:$0x600] =	vst v3  }
0x13a: {  	[tilespmem:s0], [sflag:$0x1] =	stream.indirect.gather [hbm4b:s1+s20], $0x40, s15, s20, $0xb8;
	[tilespmem:$0x1F568] =	vst v63  }
0x13b: {  	_ =	swait.ge [sflag:s2], $0x1400  }
0x13c: {  	[sflag:s2] =	ssyncset.done $0x0  }
0x13d: {  	s22 =	simm.s32 $0x5C0;
	[sflag:s2] =	ssyncadd.s32 $0xFFFFEC00  }
0x13e: {  	[spmem:s3] =	stream.indirect.scatter.add.f32 [tilespmem:s0], [sflag:$0xE], $0x40, s22, s20, $0xb8;
	[tilespmem:$0x1F568] =	vst v63  }
0x13f: {  	_ =	swait.ge [sflag:s29], $0x1400  }
0x140: {  	[sflag:s29] =	ssyncset.done $0x0  }
0x141: {  	[sflag:s29] =	ssyncadd.s32 $0xFFFFEC00  }
0x142: {  	[spmem:s4] =	stream.indirect.scatter.add.f32 [tilespmem:s8], [sflag:$0xE], $0x1, s22, s20, $0xb8;
	[tilespmem:$0x1F568] =	vst v63  }
0x143: {  	_ =	swait.ge [sflag:s29], $0x50  }
0x144: {  	[sflag:s29] =	ssyncset.done $0x0  }
0x145: {  	[sflag:s29] =	ssyncadd.s32 $0xFFFFFFB0  }
0x146: {  	[bflag:$0x0] =	sbarrier.arrive $0xFFFF  }
0x147: {  	s28 =	rddreg [dreg:$0x14]  }
0x148: {  	[tilespmem:s0], [sflag:$0xE] =	stream.linear.gather [spmem:s28], $0x1C00, $0x38;
	[tilespmem:$0x1F568] =	vst v63  }
0x149: {  	s24 =	simm.s32 $0x6610;
	_ =	swait.ge [sflag:s29], $0x1C00  }
0x14a: {  	s12 =	smov.u32 s14;
	s13 =	simm.s32 $0xE;
	s8 =	rddreg [dreg:$0x16]  }
0x14b: {  	s22 =	smov.u32 s14;
	[sflag:s29] =	ssyncset.done $0x0;
	s20 =	sadd.s32 $0x380, s8  }
.LBB2_15:
0x14c: {  	[sflag:s29] =	ssyncadd.s32 $0xFFFFE400  }
0x14d: {  	s12 =	sadd.s32 $0x70, s12;
	s28 =	sadd.s32 $0x1C00, s28;
	s6 =	smov.u32 s13  }
0x14e: {  	[hbm4b:s8+s5] =	stream.linear.scatter [tilespmem:s0], [sflag:$0xE], $0x1C00, $0x38;
	[tilespmem:$0x1F568] =	vst v63  }
0x14f: {  	p1 =	sne.s32 s13, $0xB6;
	s13 =	sadd.s32 $0xE, s13;
	_ =	swait.ge [sflag:s29], $0x1C00  }
0x150: {  	s8 =	smov.u32 s20;
	[sflag:s29] =	ssyncset.done $0x0  }
0x151: {  	[sflag:s29] =	ssyncadd.s32 $0xFFFFE400  }
0x152: {  	[tilespmem:s7], [sflag:$0xE] =	stream.linear.gather [spmem:s22], $0x70, $0x38;
	[tilespmem:$0x1F568] =	vst v63  }
0x153: {  	s22 =	smov.u32 s12;
	_ =	swait.ge [sflag:s29], $0x70  }
0x154: {  	[sflag:s29] =	ssyncset.done $0x0  }
0x155: {  	[sflag:s29] =	ssyncadd.s32 $0xFFFFFF90  }
0x156: {  	v3 =	vld [tilespmem:$0x66C0]  }
0x157: {  	v4 =	vld [tilespmem:$0x66F0]  }
0x158: {  	v5 =	vld [tilespmem:$0x66E0]  }
0x159: {  	v6 =	vld [tilespmem:$0x66B0]  }
0x15a: {  	v7 =	vld [tilespmem:$0x66D0]  }
0x15b: {  	v8 =	vld [tilespmem:$0x6690];
	v3 =	vmax.f32 v3, $1.000000000e+00  }
0x15c: {  	v9 =	vld [tilespmem:$0x66A0];
	[tilespmem:$0x66C0] =	vst v3;
	v3 =	vmax.f32 v4, $1.000000000e+00  }
0x15d: {  	v4 =	vmax.f32 v5, $1.000000000e+00;
	[tilespmem:$0x66F0] =	vst v3  }
0x15e: {  	v3 =	vmax.f32 v6, $1.000000000e+00;
	[tilespmem:$0x66E0] =	vst v4  }
0x15f: {  	[tilespmem:$0x66B0] =	vst v3;
	v3 =	vmax.f32 v7, $1.000000000e+00  }
0x160: {  	v4 =	vmax.f32 v8, $1.000000000e+00;
	[tilespmem:$0x66D0] =	vst v3  }
0x161: {  	[tilespmem:$0x6690] =	vst v4;
	v3 =	vmax.f32 v9, $1.000000000e+00  }
0x162: {  	s15 =	sadd.s32 s9, s26;
	s9 =	smov.u32 s6;
	[tilespmem:$0x66A0] =	vst v3  }
0x163: {  	[hbm4b:s15+s5] =	stream.linear.scatter [tilespmem:s7], [sflag:$0xE], $0x70, $0x38;
	[tilespmem:$0x1F568] =	vst v63  }
0x164: {  	_ =	swait.ge [sflag:s29], $0x70  }
.Ltmp9:
0x165: {  	[sflag:s29] =	ssyncset.done $0x0;
	(pc) =	sbr.rel @p1 .LBB2_15-.Ltmp9, $4  }
0x166: {  	[sflag:s29] =	ssyncadd.s32 $0xFFFFFF90  }
0x167: {  	[tilespmem:s0], [sflag:$0xE] =	stream.linear.gather [spmem:s28], $0x1C00, $0x38;
	[tilespmem:$0x1F568] =	vst v63  }
0x168: {  	_ =	swait.ge [sflag:s29], $0x1C00  }
0x169: {  	s20 =	sadd.s32 $0x380, s20;
	[sflag:s29] =	ssyncset.done $0x0  }
0x16a: {  	[sflag:s29] =	ssyncadd.s32 $0xFFFFE400  }
0x16b: {  	[hbm4b:s8+s5] =	stream.linear.scatter [tilespmem:s0], [sflag:$0xE], $0x1C00, $0x38;
	[tilespmem:$0x1F568] =	vst v63  }
0x16c: {  	_ =	swait.ge [sflag:s29], $0x1C00  }
0x16d: {  	[sflag:s29] =	ssyncset.done $0x0  }
0x16e: {  	[sflag:s29] =	ssyncadd.s32 $0xFFFFE400  }
0x16f: {  	[tilespmem:s7], [sflag:$0xE] =	stream.linear.gather [spmem:s22], $0x70, $0x38;
	[tilespmem:$0x1F568] =	vst v63  }
0x170: {  	_ =	swait.ge [sflag:s29], $0x70  }
0x171: {  	[sflag:s29] =	ssyncset.done $0x0  }
0x172: {  	[sflag:s29] =	ssyncadd.s32 $0xFFFFFF90  }
0x173: {  	v3 =	vld [tilespmem:$0x66C0]  }
0x174: {  	v5 =	vld [tilespmem:$0x66E0]  }
0x175: {  	v8 =	vld [tilespmem:$0x6690]  }
0x176: {  	v4 =	vld [tilespmem:$0x66F0]  }
0x177: {  	v6 =	vld [tilespmem:$0x66B0]  }
0x178: {  	v7 =	vld [tilespmem:$0x66D0];
	v3 =	vmax.f32 v3, $1.000000000e+00  }
0x179: {  	v9 =	vld [tilespmem:$0x66A0];
	v62 =	vmax.f32 v5, $1.000000000e+00;
	[tilespmem:$0x66C0] =	vst v3  }
0x17a: {  	v63 =	vmax.f32 v8, $1.000000000e+00;
	[tilespmem:$0x66E0] =	vst v62  }
0x17b: {  	v3 =	vmax.f32 v4, $1.000000000e+00;
	[tilespmem:$0x6690] =	vst v63  }
0x17c: {  	[tilespmem:$0x66F0] =	vst v3;
	v3 =	vmax.f32 v6, $1.000000000e+00  }
0x17d: {  	[tilespmem:$0x66B0] =	vst v3;
	v3 =	vmax.f32 v7, $1.000000000e+00  }
0x17e: {  	[tilespmem:$0x66D0] =	vst v3;
	v3 =	vmax.f32 v9, $1.000000000e+00  }
0x17f: {  	s6 =	sadd.s32 s9, s26;
	[tilespmem:$0x66A0] =	vst v3  }
0x180: {  	[hbm4b:s6+s5] =	stream.linear.scatter [tilespmem:s7], [sflag:$0xE], $0x70, $0x38;
	[tilespmem:$0x1F568] =	vst v63  }
0x181: {  	_ =	swait.ge [sflag:s29], $0x70  }
0x182: {  	s20 =	rddreg [dreg:$0x17]  }
0x183: {  	s22 =	rddreg [dreg:$0x13];
	s8 =	sadd.s32 $0x1, s20  }
0x184: {  	p1 =	sne.s32 s8, s22  }
.Ltmp10:
0x185: {  	_ = 	snop;
	(pc) =	sbr.rel @p1 .LBB2_1-.Ltmp10, $3  }
0x186: {  	_ =	sdelay $0x1  }
0x187: {  	s15 =	simm.s32 $0xA0;
	[sflag:s29] =	ssyncset.done $0x0  }
0x188: {  	s28 =	rddreg [dreg:$0x14];
	[sflag:s29] =	ssyncadd.s32 $0xFFFFFF90;
	s22 =	simm.s32 $0x220  }
0x189: {  	_ =	sfence.sel $0x180000  }
0x18a: {  	[bflag:$0x0] =	sbarrier.arrive $0xFFFF  }
0x18b: {  	_ =	strace $0x90000047  }
0x18c: {  	s0 =	stileid.u32;
	[bflag:$0x2] =	sbarrier.arrive $0xFFFF  }
0x18d: {  	p0 =	sne.s32 s0, $0x0;
	s0 =	rddreg [dreg:$0x6]  }
0x18e: {  	s0 =	sadd.s32 @!p0 $0x100000, s0  }
0x18f: {  	[sflag:s0] =	ssyncadd.tile.s32 @!p0 $0x1;
	_ =	shalt  }
.Lfunc_end2:
_tile_overlayer_lowered:
.L_overlay_start_2:
0x190: {  	(tag) =	ssettag $0x2  }
0x191: {  	s0 =	rddreg [dreg:$0x0];
	s2 =	stileid.u32  }
0x192: {  	s1 =	rddreg [dreg:$0x1];
	p0 =	sne.s32 s2, $0x0  }
0x193: {  	s3 =	rddreg [dreg:$0x2];
	[bflag:$0x3] =	sbarrier.arrive $0xFFFF;
	s2 =	simm.s32 @!p0 $0x1C0E  }
0x194: {  	[timem:s3], [sflag:s2] =	dma.local @!p0 [hbm:s0], s1  }
0x195: {  	s0 =	simm.s32 @!p0 $0xE  }
0x196: {  	_ =	swait.ge @!p0 [sflag:s0], s1  }
0x197: {  	s1 =	ssub.s32 @!p0 $0x0, s1;
	[sflag:s0] =	ssyncset.done @!p0 $0x0  }
0x198: {  	[sflag:s0] =	ssyncadd.s32 @!p0 s1  }
0x199: {  	[bflag:$0x3] =	sbarrier.arrive $0xFFFF  }
0x19a: {  	_ =	shalt  }

// kernel: mgdc_layer.4.cloned.1.call-start
scs
__scs_entry_jumppad:
0x0: {  	(pc) =	sbr.rel $0x88, $3  }
0x1: {  	(tag) =	ssettag $0x0;
	lr =	simm.s32 $0x1  }
0x2: {  	[smem:$0x3F9A] =	sst lr;
	_ =	strace $0xD0000000  }
0x3: {  	_ = 	snop  }
0x4: {  	_ = 	snop  }
0x5: {  	_ = 	snop  }
0x6: {  	_ = 	snop  }
0x7: {  	_ = 	snop  }
__scs_overlays_trampoline_lowered:
0x8: {  	[smem:$0x3FA9] =	sst s0  }
0x9: {  	[smem:$0x3FAA] =	sst s1  }
0xa: {  	[smem:$0x3FAB] =	sst s2  }
0xb: {  	[smem:$0x3FAC] =	sst s3  }
0xc: {  	[smem:$0x3FAD] =	sst s4  }
0xd: {  	[smem:$0x3FAE] =	sst s5  }
0xe: {  	[smem:$0x3FAF] =	sst s6  }
0xf: {  	[smem:$0x3FB0] =	sst s7  }
0x10: {  	[smem:$0x3FB1] =	sst s8  }
0x11: {  	[smem:$0x3FB2] =	sst s9;
	s0 =	simm.s32 @!p0 $0x0  }
0x12: {  	s1 =	sld [smem:$0x3F98];
	s0 =	simm.s32 @p0 $0x1  }
0x13: {  	[smem:$0x3FB3] =	sst s0;
	s0 =	simm.s32 @!p1 $0x0  }
0x14: {  	s2 =	sld [smem:$0x3F97];
	s0 =	simm.s32 @p1 $0x1  }
0x15: {  	[smem:$0x3FB4] =	sst s0;
	s0 =	simm.s32 @!p2 $0x0  }
0x16: {  	s3 =	sld [smem:$0x3FDB];
	s0 =	simm.s32 @p2 $0x1  }
0x17: {  	s4 =	simm.s32 $0x1BF5;
	[smem:$0x3FB6] =	sst s0  }
0x18: {  	s0 =	sld [smem:$0x3F99];
	_ =	swait.ge [sflag:s4], $0x0  }
0x19: {  	s7 =	sld [smem:$0x3F9A]  }
0x1a: {  	s8 =	sadd.s32 $0xFFFFE003, lr  }
0x1b: {  	s9 =	sadd.s32 $0xFFFFFEF7, lr;
	s5 =	simm.s32 $0xFFFFFFFF;
	p2 =	slt.u32 s8, $0xFFFFF086  }
0x1c: {  	p1 =	slt.u32 s9, $0xF7A;
	s5 =	simm.s32 @!p2 $0x0  }
0x1d: {  	s5 =	simm.s32 @p1 $0x1;
	p0 =	seq.s32 s7, s2  }
0x1e: {  	s7 =	smul.u32 @!p0 $0xF7A, s2;
	p2 =	seq.s32 @!p0 s5, $0x0  }
0x1f: {  	s9 =	smul.u32 $0xF7A, s1;
	s8 =	simm.s32 @!p0 $0x1BF5;
	p2 =	por !p2, p0  }
0x20: {  	[sflag:s8] =	ssyncset.s32 @!p0 $0xFFFFF086;
	s6 =	sadd.s32 @!p0 s3, s7;
	s7 =	simm.s32 @!p0 $0x108  }
0x21: {  	s3 =	sadd.s32 s3, s9;
	s6 =	sadd.s32 @!p0 $0x88, s6;
	s7 =	simm.s32 @p2 $0x1082  }
0x22: {  	[simem:s7], [sflag:s8] =	dma.local @!p0 [hbm:s6], $0xF7A  }
0x23: {  	s9 =	sor.u32 $0xD0000000, s2;
	s6 =	simm.s32 $0x108;
	_ =	swait.ge @!p0 [sflag:s8], $0x0  }
0x24: {  	s3 =	sadd.s32 $0x88, s3;
	s6 =	simm.s32 @!p1 $0x1082;
	[sflag:s4] =	ssyncset.s32 $0xFFFFF086  }
0x25: {  	[simem:s6], [sflag:s4] =	dma.local [hbm:s3], $0xF7A  }
0x26: {  	[smem:$0x3F9A] =	sst s1;
	(tag) =	ssettag s2;
	_ =	strace s9  }
0x27: {  	s1 =	sld [smem:$0x3FAA]  }
0x28: {  	s2 =	sld [smem:$0x3FAB]  }
0x29: {  	s4 =	sld [smem:$0x3FAD]  }
0x2a: {  	p0 =	seq.s32 s5, $0x0;
	s5 =	sld [smem:$0x3FAE]  }
0x2b: {  	s6 =	sld [smem:$0x3FAF]  }
0x2c: {  	s7 =	sld [smem:$0x3FB0]  }
0x2d: {  	s3 =	simm.s32 $0x108;
	s8 =	sld [smem:$0x3FB1]  }
0x2e: {  	s3 =	simm.s32 @!p0 $0x1082;
	s9 =	sld [smem:$0x3FB2]  }
0x2f: {  	lr =	sadd.s32 s0, s3;
	s0 =	sld [smem:$0x3FA9]  }
0x30: {  	s3 =	sld [smem:$0x3FAC]  }
0x31: {  	[smem:$0x3FB5] =	sst s10  }
0x32: {  	s10 =	sld [smem:$0x3FB3];
	_ =	sdelay $0x3  }
0x33: {  	p0 =	seq.s32 s10, $0x1;
	s10 =	sld [smem:$0x3FB5];
	_ =	sdelay $0x3  }
0x34: {  	[smem:$0x3FB5] =	sst s10  }
0x35: {  	s10 =	sld [smem:$0x3FB4];
	_ =	sdelay $0x3  }
0x36: {  	p1 =	seq.s32 s10, $0x1;
	s10 =	sld [smem:$0x3FB5];
	_ =	sdelay $0x3  }
0x37: {  	[smem:$0x3FB5] =	sst s10  }
0x38: {  	s10 =	sld [smem:$0x3FB6]  }
0x39: {  	_ = 	snop;
	(pc) =	sbr.ind lr, $3  }
0x3a: {  	_ = 	snop  }
0x3b: {  	_ = 	snop  }
0x3c: {  	p2 =	seq.s32 s10, $0x1;
	s10 =	sld [smem:$0x3FB5]  }
0x3d: {  	_ =	shalt  }
0x3e: {  	_ =	shalt  }
0x3f: {  	_ =	shalt  }
0x40: {  	_ =	shalt  }
0x41: {  	_ =	shalt  }
0x42: {  	_ =	shalt  }
0x43: {  	_ =	shalt  }
0x44: {  	_ =	shalt  }
0x45: {  	_ =	shalt  }
0x46: {  	_ =	shalt  }
0x47: {  	_ =	shalt  }
0x48: {  	_ =	shalt  }
0x49: {  	_ =	shalt  }
0x4a: {  	_ =	shalt  }
0x4b: {  	_ =	shalt  }
0x4c: {  	_ =	shalt  }
0x4d: {  	_ =	shalt  }
0x4e: {  	_ =	shalt  }
0x4f: {  	_ =	shalt  }
0x50: {  	_ =	shalt  }
0x51: {  	_ =	shalt  }
0x52: {  	_ =	shalt  }
0x53: {  	_ =	shalt  }
0x54: {  	_ =	shalt  }
0x55: {  	_ =	shalt  }
0x56: {  	_ =	shalt  }
0x57: {  	_ =	shalt  }
0x58: {  	_ =	shalt  }
0x59: {  	_ =	shalt  }
0x5a: {  	_ =	shalt  }
0x5b: {  	_ =	shalt  }
0x5c: {  	_ =	shalt  }
0x5d: {  	_ =	shalt  }
0x5e: {  	_ =	shalt  }
0x5f: {  	_ =	shalt  }
0x60: {  	_ =	shalt  }
0x61: {  	_ =	shalt  }
0x62: {  	_ =	shalt  }
0x63: {  	_ =	shalt  }
0x64: {  	_ =	shalt  }
0x65: {  	_ =	shalt  }
0x66: {  	_ =	shalt  }
0x67: {  	_ =	shalt  }
0x68: {  	_ =	shalt  }
0x69: {  	_ =	shalt  }
0x6a: {  	_ =	shalt  }
0x6b: {  	_ =	shalt  }
0x6c: {  	_ =	shalt  }
0x6d: {  	_ =	shalt  }
0x6e: {  	_ =	shalt  }
0x6f: {  	_ =	shalt  }
0x70: {  	_ =	shalt  }
0x71: {  	_ =	shalt  }
0x72: {  	_ =	shalt  }
0x73: {  	_ =	shalt  }
0x74: {  	_ =	shalt  }
0x75: {  	_ =	shalt  }
0x76: {  	_ =	shalt  }
0x77: {  	_ =	shalt  }
0x78: {  	_ =	shalt  }
0x79: {  	_ =	shalt  }
0x7a: {  	_ =	shalt  }
0x7b: {  	_ =	shalt  }
0x7c: {  	_ =	shalt  }
0x7d: {  	_ =	shalt  }
0x7e: {  	_ =	shalt  }
0x7f: {  	_ =	shalt  }
0x80: {  	_ =	shalt  }
0x81: {  	_ =	shalt  }
0x82: {  	_ =	shalt  }
0x83: {  	_ =	shalt  }
0x84: {  	_ =	shalt  }
0x85: {  	_ =	shalt  }
0x86: {  	_ =	shalt  }
0x87: {  	_ =	shalt  }
.Lfunc_end0:
.L_simem_size_0:
called_computation.1_lowered:
.L_overlay_start_0:
0x88: {  	s2 =	sld [smem:$0x3FD9]  }
0x89: {  	s3 =	sld [smem:$0x3FFE];
	_ =	sdelay $0x1  }
0x8a: {  	s1 =	srdreg.scid  }
0x8b: {  	s0 =	sand.u32 $0x1, s1  }
0x8c: {  	s16 =	sshll.u32 s0, $0xA;
	s2 =	sadd.s32 s3, s2  }
0x8d: {  	s2 =	sadd.s32 s2, s16  }
0x8e: {  	[smem:$0x3FC1] =	sst s2  }
0x8f: {  	_ = 	snop  }
0x90: {  	(tm) =	ssettm $0x1  }
0x91: {  	s17 =	sld [smem:$0x3FFB];
	_ =	sdelay $0x3  }
0x92: {  	_ =	strace s17  }
0x93: {  	s2 =	sld [smem:$0x3FFC];
	_ =	sdelay $0x3  }
0x94: {  	_ =	strace s2  }
0x95: {  	s2 =	sld [smem:$0x3FFD];
	_ =	sdelay $0x3  }
0x96: {  	_ =	strace s2  }
0x97: {  	_ =	strace $0x8FFFFFFF  }
0x98: {  	s18 =	sld [smem:$0x3FDB];
	_ =	sdelay $0x1  }
0x99: {  	s19 =	simm.s32 $_scs_section_size  }
0x9a: {  	s4 =	simm.s32 $_size__tile_overlayer_lowered;
	s5 =	simm.s32 $_tile_overlayer_lowered  }
0x9b: {  	s22 =	simm.s32 $0x1BFF;
	s21 =	sshll.u32 s5, $0x1;
	s2 =	sadd.s32 s19, s18  }
0x9c: {  	s6 =	simm.s32 $0x0;
	s20 =	sshll.u32 s4, $0x1;
	s4 =	sadd.s32 s21, s2  }
0x9d: {  	[timem:s6], [sflag:s22] =	dma.local [hbm:s4], s20  }
0x9e: {  	_ =	swait.ge [sflag:s22], s20  }
0x9f: {  	s3 =	ssub.s32 $0x0, s20;
	[sflag:s22] =	ssyncset.done $0x0  }
0xa0: {  	[sflag:s22] =	ssyncadd.s32 s3;
	_ =	sdelay $0x1  }
0xa1: {  	s23 =	simm.s32 $0x1B8B  }
0xa2: {  	_ =	swait.ge [sflag:s23], $0x1  }
0xa3: {  	[sflag:s23] =	ssyncset.done $0x0  }
0xa4: {  	s25 =	simm.s32 $0x1B8E;
	s24 =	sld [smem:$0x3FFE];
	[sflag:s23] =	ssyncadd.s32 $0xFFFFFFFF  }
0xa5: {  	s26 =	simm.s32 $execute0_lowered;
	[smem:$0x3FD2] =	sst s25  }
0xa6: {  	s4 =	sshll.u32 s26, $0x1;
	_ =	strace $0x80000049;
	[dreg:$0x1] =	wrdreg $0xFFFFFFFF  }
0xa7: {  	s28 =	simm.s32 $_size_execute0_lowered;
	s2 =	sadd.s32 s2, s4;
	[dreg:$0x0] =	wrdreg $0x0  }
0xa8: {  	s4 =	sshll.u32 s28, $0x1;
	[dreg:$0x2] =	wrdreg s2  }
0xa9: {  	[dreg:$0x3] =	wrdreg s4  }
0xaa: {  	[dreg:$0x4] =	wrdreg $0xC0  }
0xab: {  	_ =	task [dreg:s6], $0x5FFFF  }
0xac: {  	[dreg:$0x1] =	wrdreg $0xFFFFFFFF  }
0xad: {  	[dreg:$0x0] =	wrdreg $0x60  }
0xae: {  	[dreg:$0x2] =	wrdreg s24  }
0xaf: {  	[dreg:$0x3] =	wrdreg $0x66600  }
0xb0: {  	[dreg:$0x4] =	wrdreg $0x9  }
0xb1: {  	_ =	task.clear_ibuf [dreg:s6], $0x5FFFF;
	_ =	strace $0x90000049  }
0xb2: {  	s29 =	simm.s32 $0x9;
	_ =	strace $0x8000004B  }
0xb3: {  	_ =	swait.ge [sflag:s29], $0x1  }
0xb4: {  	[sflag:s29] =	ssyncadd.s32 $0xFFFFFFFF  }
0xb5: {  	_ =	strace $0x9000004B  }
0xb6: {  	_ =	sfence  }
0xb7: {  	s30 =	sld [smem:$0x0];
	_ =	sdelay $0x2  }
0xb8: {  	s31 =	sshll.u32 s1, $0xD;
	s1 =	sshrl.u32 s1, $0x2  }
0xb9: {  	s3 =	sand.u32 $0x4000, s31;
	s1 =	sadd.s32 s1, s30  }
0xba: {  	s0 =	sor.u32 s3, s0;
	s1 =	sshll.u32 s1, $0x11  }
0xbb: {  	s0 =	sor.u32 s1, s0  }
0xbc: {  	s0 =	sadd.s32 $0x8F2B, s0  }
0xbd: {  	[sflag:s0] =	ssyncadd.remote.s32 $0x1  }
0xbe: {  	_ =	sfence.sel $0xFFFF  }
0xbf: {  	[dreg:$0x0] =	wrdreg $0xFFFFFFFF;
	(pc) =	sbr.abs _section_cstart, $3  }
0xc0: {  	[dreg:$0x1] =	wrdreg $0xFFFFFFFF  }
0xc1: {  	_ =	task.clear_ibuf [dreg:s6], $0x2FFFF;
	_ =	strace $0x9FFFFFFF  }
0xc2: {  	(tm) =	ssettm $0x7FFFFFFF  }
0xc3: {  	_ =	shalt  }
tec
execute0_lowered:
.L_overlay_start_1:
0x0: {  	(tag) =	ssettag $0x1  }
0x1: {  	s0 =	rddreg [dreg:$0x0]  }
0x2: {  	s1 =	rddreg [dreg:$0x1];
	s3 =	srdreg.scid;
	s2 =	simm.s32 $0x0  }
0x3: {  	s14 =	stileid.u32;
	s28 =	simm.s32 $0x180;
	s29 =	simm.s32 $0x100  }
0x4: {  	s30 =	simm.s32 $0x280;
	s31 =	simm.s32 $0x3;
	s8 =	smul.u32 $0xC350, s14  }
0x5: {  	s16 =	simm.s32 $0x0;
	s3 =	sand.u32 $0x1, s3;
	s23 =	smul.u32 $0x62000, s14  }
0x6: {  	[smem:$0x7FF] =	sst s2;
	s4 =	sadd.s32 $0x31E00, s0;
	s24 =	smul.u32 $0x3100, s14  }
0x7: {  	s10 =	sadd.s32 $0xE00, s0;
	s11 =	sadd.s32 $0x19600, s0;
	s25 =	smul.u32 $0x186A, s14  }
0x8: {  	s6 =	sadd.s32 $0xF7C00, s0;
	s5 =	smul.u32 $0x31000, s3;
	s7 =	ssub.s32 $0x2, s3  }
0x9: {  	_ =	strace $0x8000004A;
	s17 =	sshrl.u32 s7, $0x1;
	s18 =	sshrl.u32 s8, $0x3  }
0xa: {  	s8 =	smul.u32 $0x620, s14;
	s26 =	sshrl.u32 s23, $0x2;
	s23 =	simm.s32 $0xB  }
0xb: {  	s9 =	sadd.s32 s5, s0;
	s5 =	sadd.s32 $0xF5E00, s0;
	s12 =	sadd.s32 s10, s18  }
0xc: {  	s19 =	sadd.s32 $0x10, s18;
	s13 =	sadd.s32 s11, s18;
	[dreg:$0x3] =	wrdreg s12  }
0xd: {  	s0 =	ssub.s32 s7, s17;
	[dreg:$0x4] =	wrdreg s13;
	s20 =	sadd.s32 s10, s19  }
0xe: {  	s21 =	sadd.s32 $0x20, s18;
	s12 =	sadd.s32 s11, s19;
	[dreg:$0x5] =	wrdreg s20  }
0xf: {  	s7 =	smul.u32 $0x6200, s3;
	s22 =	sadd.s32 s10, s21;
	[dreg:$0x6] =	wrdreg s12  }
0x10: {  	s3 =	sadd.s32 $0x1860, s18;
	s13 =	sadd.s32 s11, s21;
	[dreg:$0x7] =	wrdreg s22  }
0x11: {  	s14 =	simm.s32 $0x400;
	s15 =	sadd.s32 s10, s3;
	[dreg:$0x8] =	wrdreg s13  }
0x12: {  	s17 =	simm.s32 $0x6570;
	s3 =	sadd.s32 s11, s3;
	[dreg:$0x9] =	wrdreg s15  }
0x13: {  	s0 =	smax.u32 s0, $0x1;
	s9 =	sadd.s32 s24, s9;
	[dreg:$0xa] =	wrdreg s3  }
0x14: {  	s21 =	sadd.s32 s25, s10;
	s10 =	simm.s32 $0x4;
	[dreg:$0xb] =	wrdreg s0  }
0x15: {  	s0 =	sadd.s32 s26, s1;
	s19 =	sadd.s32 $0x93E00, s9;
	s20 =	sadd.s32 s25, s11  }
0x16: {  	s22 =	simm.s32 $0x570;
	s26 =	simm.s32 $0x80;
	s3 =	simm.s32 $0x5  }
0x17: {  	s9 =	simm.s32 $0xA;
	s11 =	simm.s32 $0x4570;
	s12 =	simm.s32 $0x6  }
0x18: {  	s13 =	simm.s32 $0x7;
	v0 =	vmov s7;
	[dreg:$0xc] =	wrdreg s0;
	s0 =	simm.s32 $0x2570  }
.LBB2_1:
0x19: {  	[dreg:$0xd] =	wrdreg s16;
	s15 =	sadd.s32 $0x0, s19  }
0x1a: {  	[tilespmem:s22], [sflag:$0xB] =	stream.linear.gather [hbm4b:s15+s2], $0x1C00, $0x38;
	[tilespmem:$0x1EEA0] =	vst v63  }
0x1b: {  	_ =	swait.ge [sflag:s23], $0x1C00  }
0x1c: {  	[sflag:s23] =	ssyncset.done $0x0  }
0x1d: {  	s25 =	rddreg [dreg:$0xc];
	[sflag:s23] =	ssyncadd.s32 $0xFFFFE400  }
0x1e: {  	[spmem:s25] =	stream.linear.scatter [tilespmem:s22], [sflag:$0xB], $0x1C00, $0x38;
	[tilespmem:$0x1EEA0] =	vst v63  }
0x1f: {  	s16 =	simm.s32 $0x380;
	_ =	swait.ge [sflag:s23], $0x1C00  }
0x20: {  	s18 =	simm.s32 $0x700;
	s15 =	sadd.s32 $0x1C00, s25;
	[sflag:s23] =	ssyncset.done $0x0  }
.LBB2_2:
0x21: {  	s24 =	sadd.s32 s16, s19  }
0x22: {  	[sflag:s23] =	ssyncadd.s32 $0xFFFFE400;
	s16 =	smov.u32 s18;
	s25 =	sadd.s32 $0x380, s18  }
0x23: {  	[tilespmem:s22], [sflag:$0xB] =	stream.linear.gather [hbm4b:s24+s2], $0x1C00, $0x38;
	[tilespmem:$0x1EEA0] =	vst v63  }
0x24: {  	p0 =	sne.s32 s18, $0x2D80;
	_ =	swait.ge [sflag:s23], $0x1C00  }
.Ltmp0:
0x25: {  	[sflag:s23] =	ssyncset.done $0x0;
	(pc) =	sbr.rel @p0 .LBB2_2-.Ltmp0, $4  }
0x26: {  	[sflag:s23] =	ssyncadd.s32 $0xFFFFE400  }
0x27: {  	[spmem:s15] =	stream.linear.scatter [tilespmem:s22], [sflag:$0xB], $0x1C00, $0x38;
	[tilespmem:$0x1EEA0] =	vst v63  }
0x28: {  	_ =	swait.ge [sflag:s23], $0x1C00  }
0x29: {  	s18 =	smov.u32 s25;
	s15 =	sadd.s32 $0x1C00, s15;
	[sflag:s23] =	ssyncset.done $0x0  }
0x2a: {  	s16 =	sadd.s32 s16, s19;
	[sflag:s23] =	ssyncadd.s32 $0xFFFFE400  }
0x2b: {  	[tilespmem:s22], [sflag:$0xB] =	stream.linear.gather [hbm4b:s16+s2], $0x1C00, $0x38;
	[tilespmem:$0x1EEA0] =	vst v63  }
0x2c: {  	_ =	swait.ge [sflag:s23], $0x1C00  }
0x2d: {  	[sflag:s23] =	ssyncset.done $0x0  }
0x2e: {  	[sflag:s23] =	ssyncadd.s32 $0xFFFFE400  }
0x2f: {  	[spmem:s15] =	stream.linear.scatter [tilespmem:s22], [sflag:$0xB], $0x1C00, $0x38;
	[tilespmem:$0x1EEA0] =	vst v63  }
0x30: {  	_ =	swait.ge [sflag:s23], $0x1C00  }
0x31: {  	[sflag:s23] =	ssyncset.done $0x0  }
0x32: {  	[sflag:s23] =	ssyncadd.s32 $0xFFFFE400  }
0x33: {  	[bflag:$0x0] =	sbarrier.arrive $0xFFFF  }
0x34: {  	s16 =	simm.s32 $0x0;
	s24 =	rddreg [dreg:$0x3]  }
0x35: {  	[tilespmem:s16], [sflag:$0x2] =	stream.linear.gather [hbm4b:s24+s16], $0x80, $0x38;
	[tilespmem:$0x1EEA0] =	vst v63  }
0x36: {  	s18 =	simm.s32 $0x2;
	s25 =	rddreg [dreg:$0x4]  }
0x37: {  	[tilespmem:s28], [sflag:$0x2] =	stream.linear.gather [hbm4b:s25+s16], $0x80, $0x38;
	[tilespmem:$0x1EEA0] =	vst v63  }
0x38: {  	_ =	swait.ge [sflag:s18], $0x80  }
0x39: {  	[sflag:s18] =	ssyncset.done $0x0  }
0x3a: {  	[sflag:s18] =	ssyncadd.s32 $0xFFFFFF80  }
0x3b: {  	_ =	swait.ge [sflag:s18], $0x80  }
0x3c: {  	[sflag:s18] =	ssyncset.done $0x0  }
0x3d: {  	[sflag:s18] =	ssyncadd.s32 $0xFFFFFF80  }
0x3e: {  	[tilespmem:s22], [sflag:$0x5] =	stream.indirect.gather [hbm4b:s4+s26], $0x40, s16, s26, $0xb8;
	[tilespmem:$0x1EEA0] =	vst v63  }
0x3f: {  	s24 =	rddreg [dreg:$0x5]  }
0x40: {  	[tilespmem:s26], [sflag:$0x3] =	stream.linear.gather [hbm4b:s24+s16], $0x80, $0x38;
	[tilespmem:$0x1EEA0] =	vst v63  }
0x41: {  	s25 =	rddreg [dreg:$0x6];
	s18 =	simm.s32 $0x200  }
0x42: {  	[tilespmem:s18], [sflag:$0x3] =	stream.linear.gather [hbm4b:s25+s16], $0x80, $0x38;
	[tilespmem:$0x1EEA0] =	vst v63  }
0x43: {  	s24 =	rddreg [dreg:$0x7]  }
0x44: {  	[tilespmem:s29], [sflag:$0x4] =	stream.linear.gather [hbm4b:s24+s16], $0x80, $0x38;
	[tilespmem:$0x1EEA0] =	vst v63  }
0x45: {  	s25 =	rddreg [dreg:$0x8]  }
0x46: {  	[tilespmem:s30], [sflag:$0x4] =	stream.linear.gather [hbm4b:s25+s16], $0x80, $0x38;
	[tilespmem:$0x1EEA0] =	vst v63  }
.LBB2_4:
0x47: {  	p0 =	seq.s32 s16, $0x0  }
0x48: {  	s15 =	simm.s32 @!p0 $0x9  }
0x49: {  	_ =	swait.ge @!p0 [sflag:s15], $0x2000  }
0x4a: {  	[sflag:s15] =	ssyncset.done @!p0 $0x0  }
0x4b: {  	[sflag:s15] =	ssyncadd.s32 @!p0 $0xFFFFE000  }
0x4c: {  	_ =	swait.ge [sflag:s31], $0x80  }
0x4d: {  	[sflag:s31] =	ssyncset.done $0x0  }
0x4e: {  	[sflag:s31] =	ssyncadd.s32 $0xFFFFFF80  }
0x4f: {  	_ =	swait.ge [sflag:s31], $0x80  }
0x50: {  	[sflag:s31] =	ssyncset.done $0x0  }
0x51: {  	[sflag:s31] =	ssyncadd.s32 $0xFFFFFF80  }
0x52: {  	[tilespmem:s0], [sflag:$0x6] =	stream.indirect.gather [hbm4b:s4+s26], $0x40, s26, s26, $0xb8;
	[tilespmem:$0x1EEA0] =	vst v63  }
0x53: {  	v1 =	vld [tilespmem:$0x180]  }
0x54: {  	v2 =	vld [tilespmem:$0x190]  }
0x55: {  	v3 =	vld [tilespmem:$0x1A0]  }
0x56: {  	v4 =	vld [tilespmem:$0x1B0]  }
0x57: {  	v5 =	vld [tilespmem:$0x1C0]  }
0x58: {  	v6 =	vld [tilespmem:$0x1D0];
	v1 =	vsub.s32 v1, v0  }
0x59: {  	v7 =	vld [tilespmem:$0x1E0];
	v2 =	vsub.s32 v2, v0;
	v1 =	vmin.u32 v1, $0x6200  }
0x5a: {  	[tilespmem:$0x300] =	vst v1;
	v1 =	vmin.u32 v2, $0x6200;
	v2 =	vsub.s32 v3, v0;
	v3 =	vld [tilespmem:$0x1F0]  }
0x5b: {  	[tilespmem:$0x310] =	vst v1;
	v1 =	vmin.u32 v2, $0x6200;
	v2 =	vsub.s32 v4, v0  }
0x5c: {  	[tilespmem:$0x320] =	vst v1;
	v1 =	vmin.u32 v2, $0x6200;
	v2 =	vsub.s32 v5, v0  }
0x5d: {  	[tilespmem:$0x330] =	vst v1;
	v1 =	vmin.u32 v2, $0x6200;
	v2 =	vsub.s32 v6, v0  }
0x5e: {  	[tilespmem:$0x340] =	vst v1;
	v1 =	vmin.u32 v2, $0x6200;
	v2 =	vsub.s32 v7, v0  }
0x5f: {  	p1 =	sne.s32 s16, $0x1830;
	[tilespmem:$0x350] =	vst v1;
	v1 =	vmin.u32 v2, $0x6200;
	v2 =	vsub.s32 v3, v0  }
.Ltmp1:
0x60: {  	[tilespmem:$0x360] =	vst v1;
	v1 =	vmin.u32 v2, $0x6200;
	(pc) =	sbr.rel @p1 .LBB2_6-.Ltmp1, $4  }
0x61: {  	[tilespmem:$0x370] =	vst v1  }
0x62: {  	_ =	swait.ge [sflag:s3], $0x2000  }
0x63: {  	[sflag:s3] =	ssyncset.done $0x0  }
0x64: {  	[sflag:s3] =	ssyncadd.s32 $0xFFFFE000  }
.Ltmp2:
0x65: {  	(pc) =	sbr.rel .LBB2_7-.Ltmp2, $3  }
0x66: {  	_ =	sdelay $0x1  }
0x67: {  	s15 =	simm.s32 $0x300  }
0x68: {  	[spmem:s1] =	stream.indirect.scatter.add.f32 [tilespmem:s22], [sflag:$0x8], $0x40, s15, s26, $0xb8;
	[tilespmem:$0x1EEA0] =	vst v63  }
.LBB2_6:
0x69: {  	s15 =	sadd.s32 s16, s21  }
0x6a: {  	s15 =	sadd.s32 $0x30, s15  }
0x6b: {  	[tilespmem:s2], [sflag:$0x2] =	stream.linear.gather [hbm4b:s15+s2], $0x80, $0x38;
	[tilespmem:$0x1EEA0] =	vst v63  }
.Ltmp3:
0x6c: {  	s24 =	sadd.s32 s16, s20;
	(pc) =	sbr.rel @p0 .LBB2_8-.Ltmp3, $4  }
0x6d: {  	s15 =	sadd.s32 $0x30, s24  }
0x6e: {  	[tilespmem:s28], [sflag:$0x2] =	stream.linear.gather [hbm4b:s15+s2], $0x80, $0x38;
	[tilespmem:$0x1EEA0] =	vst v63  }
0x6f: {  	s25 =	simm.s32 $0x300  }
0x70: {  	[spmem:s1] =	stream.indirect.scatter.add.f32 [tilespmem:s22], [sflag:$0x8], $0x40, s25, s26, $0xb8;
	[tilespmem:$0x1EEA0] =	vst v63  }
.LBB2_7:
0x71: {  	_ =	swait.ge [sflag:s9], $0x2000  }
0x72: {  	[sflag:s9] =	ssyncset.done $0x0  }
0x73: {  	[sflag:s9] =	ssyncadd.s32 $0xFFFFE000  }
.LBB2_8:
0x74: {  	_ =	swait.ge [sflag:s10], $0x80  }
0x75: {  	[sflag:s10] =	ssyncset.done $0x0  }
0x76: {  	[sflag:s10] =	ssyncadd.s32 $0xFFFFFF80  }
0x77: {  	_ =	swait.ge [sflag:s10], $0x80  }
0x78: {  	[sflag:s10] =	ssyncset.done $0x0  }
0x79: {  	[sflag:s10] =	ssyncadd.s32 $0xFFFFFF80  }
0x7a: {  	[tilespmem:s11], [sflag:$0x7] =	stream.indirect.gather [hbm4b:s4+s26], $0x40, s29, s26, $0xb8;
	[tilespmem:$0x1EEA0] =	vst v63  }
0x7b: {  	v1 =	vld [tilespmem:$0x200]  }
0x7c: {  	v2 =	vld [tilespmem:$0x210]  }
0x7d: {  	v3 =	vld [tilespmem:$0x220]  }
0x7e: {  	v4 =	vld [tilespmem:$0x230]  }
0x7f: {  	v5 =	vld [tilespmem:$0x240]  }
0x80: {  	v6 =	vld [tilespmem:$0x250];
	v1 =	vsub.s32 v1, v0  }
0x81: {  	v7 =	vld [tilespmem:$0x260];
	v2 =	vsub.s32 v2, v0;
	v1 =	vmin.u32 v1, $0x6200  }
0x82: {  	[tilespmem:$0x380] =	vst v1;
	v1 =	vmin.u32 v2, $0x6200;
	v2 =	vsub.s32 v3, v0;
	v3 =	vld [tilespmem:$0x270]  }
0x83: {  	[tilespmem:$0x390] =	vst v1;
	v1 =	vmin.u32 v2, $0x6200;
	v2 =	vsub.s32 v4, v0  }
0x84: {  	[tilespmem:$0x3A0] =	vst v1;
	v1 =	vmin.u32 v2, $0x6200;
	v2 =	vsub.s32 v5, v0  }
0x85: {  	[tilespmem:$0x3B0] =	vst v1;
	v1 =	vmin.u32 v2, $0x6200;
	v2 =	vsub.s32 v6, v0  }
0x86: {  	[tilespmem:$0x3C0] =	vst v1;
	v1 =	vmin.u32 v2, $0x6200;
	v2 =	vsub.s32 v7, v0  }
0x87: {  	[tilespmem:$0x3D0] =	vst v1;
	v1 =	vmin.u32 v2, $0x6200;
	v2 =	vsub.s32 v3, v0  }
0x88: {  	[tilespmem:$0x3E0] =	vst v1;
	v1 =	vmin.u32 v2, $0x6200  }
0x89: {  	[tilespmem:$0x3F0] =	vst v1  }
0x8a: {  	p0 =	seq.s32 s16, $0x1830;
	_ =	swait.ge [sflag:s12], $0x2000  }
0x8b: {  	s15 =	simm.s32 @p0 $0x80;
	[sflag:s12] =	ssyncset.done $0x0  }
0x8c: {  	s18 =	simm.s32 @p0 $0x380;
	s24 =	simm.s32 @p0 $0x2570;
	[sflag:s12] =	ssyncadd.s32 $0xFFFFE000  }
0x8d: {  	[spmem:s1] =	stream.indirect.scatter.add.f32 @p0 [tilespmem:s24], [sflag:$0x9], $0x40, s18, s15, $0xb8;
	[tilespmem:$0x1EEA0] =	vst v63  }
0x8e: {  	s15 =	simm.s32 @p0 $0x8  }
0x8f: {  	_ =	swait.ge @p0 [sflag:s15], $0x2000  }
0x90: {  	[sflag:s15] =	ssyncset.done @p0 $0x0  }
0x91: {  	[sflag:s15] =	ssyncadd.s32 @p0 $0xFFFFE000;
	s15 =	sadd.s32 @!p0 s16, s21  }
0x92: {  	s18 =	simm.s32 @!p0 $0x0;
	s24 =	simm.s32 @!p0 $0x80;
	s15 =	sadd.s32 @!p0 $0x40, s15  }
0x93: {  	[tilespmem:s24], [sflag:$0x3] =	stream.linear.gather @!p0 [hbm4b:s15+s18], $0x80, $0x38;
	[tilespmem:$0x1EEA0] =	vst v63  }
0x94: {  	s15 =	sadd.s32 @!p0 s16, s20  }
0x95: {  	s25 =	simm.s32 @!p0 $0x200;
	s15 =	sadd.s32 @!p0 $0x40, s15  }
0x96: {  	[tilespmem:s25], [sflag:$0x3] =	stream.linear.gather @!p0 [hbm4b:s15+s18], $0x80, $0x38;
	[tilespmem:$0x1EEA0] =	vst v63  }
0x97: {  	s15 =	simm.s32 @!p0 $0x380;
	s25 =	simm.s32 @!p0 $0x2570  }
0x98: {  	[spmem:s1] =	stream.indirect.scatter.add.f32 @!p0 [tilespmem:s25], [sflag:$0x9], $0x40, s15, s24, $0xb8;
	[tilespmem:$0x1EEA0] =	vst v63  }
0x99: {  	s15 =	simm.s32 @!p0 $0x8  }
0x9a: {  	_ =	swait.ge @!p0 [sflag:s15], $0x2000  }
0x9b: {  	[sflag:s15] =	ssyncset.done @!p0 $0x0  }
0x9c: {  	[sflag:s15] =	ssyncadd.s32 @!p0 $0xFFFFE000;
	s15 =	simm.s32 @!p0 $0x2  }
0x9d: {  	_ =	swait.ge @!p0 [sflag:s15], $0x80  }
0x9e: {  	[sflag:s15] =	ssyncset.done @!p0 $0x0  }
0x9f: {  	[sflag:s15] =	ssyncadd.s32 @!p0 $0xFFFFFF80  }
0xa0: {  	_ =	swait.ge @!p0 [sflag:s15], $0x80  }
0xa1: {  	[sflag:s15] =	ssyncset.done @!p0 $0x0  }
0xa2: {  	[sflag:s15] =	ssyncadd.s32 @!p0 $0xFFFFFF80;
	s15 =	simm.s32 @!p0 $0x570  }
0xa3: {  	[tilespmem:s15], [sflag:$0x5] =	stream.indirect.gather @!p0 [hbm4b:s4+s24], $0x40, s18, s24, $0xb8;
	[tilespmem:$0x1EEA0] =	vst v63  }
0xa4: {  	v1 =	vld [tilespmem:$0x280]  }
0xa5: {  	v2 =	vld [tilespmem:$0x290]  }
0xa6: {  	v3 =	vld [tilespmem:$0x2A0]  }
0xa7: {  	v60 =	vld [tilespmem:$0x2B0]  }
0xa8: {  	v61 =	vld [tilespmem:$0x2C0]  }
0xa9: {  	v62 =	vld [tilespmem:$0x2D0];
	v1 =	vsub.s32 v1, v0  }
0xaa: {  	v63 =	vld [tilespmem:$0x2E0];
	v2 =	vsub.s32 v2, v0;
	v1 =	vmin.u32 v1, $0x6200  }
0xab: {  	[tilespmem:$0x400] =	vst v1;
	v1 =	vmin.u32 v2, $0x6200;
	v2 =	vsub.s32 v3, v0;
	v3 =	vld [tilespmem:$0x2F0]  }
0xac: {  	[tilespmem:$0x410] =	vst v1;
	v1 =	vmin.u32 v2, $0x6200;
	v2 =	vsub.s32 v60, v0  }
0xad: {  	[tilespmem:$0x420] =	vst v1;
	v1 =	vmin.u32 v2, $0x6200;
	v2 =	vsub.s32 v61, v0  }
0xae: {  	[tilespmem:$0x430] =	vst v1;
	v1 =	vmin.u32 v2, $0x6200;
	v2 =	vsub.s32 v62, v0  }
0xaf: {  	[tilespmem:$0x440] =	vst v1;
	v1 =	vmin.u32 v2, $0x6200;
	v2 =	vsub.s32 v63, v0  }
0xb0: {  	[tilespmem:$0x450] =	vst v1;
	v1 =	vmin.u32 v2, $0x6200;
	v2 =	vsub.s32 v3, v0  }
.Ltmp4:
0xb1: {  	[tilespmem:$0x460] =	vst v1;
	v1 =	vmin.u32 v2, $0x6200;
	(pc) =	sbr.rel @p0 .LBB2_10-.Ltmp4, $4  }
0xb2: {  	[tilespmem:$0x470] =	vst v1  }
0xb3: {  	_ =	swait.ge [sflag:s13], $0x2000  }
0xb4: {  	[sflag:s13] =	ssyncset.done $0x0  }
0xb5: {  	[sflag:s13] =	ssyncadd.s32 $0xFFFFE000  }
0xb6: {  	s15 =	sadd.s32 s16, s21  }
0xb7: {  	s15 =	sadd.s32 $0x50, s15  }
0xb8: {  	[tilespmem:s29], [sflag:$0x4] =	stream.linear.gather [hbm4b:s15+s2], $0x80, $0x38;
	[tilespmem:$0x1EEA0] =	vst v63  }
.Ltmp5:
0xb9: {  	s25 =	sadd.s32 s16, s20;
	(pc) =	sbr.rel .LBB2_4-.Ltmp5, $4  }
0xba: {  	s15 =	sadd.s32 $0x50, s25  }
0xbb: {  	[tilespmem:s30], [sflag:$0x4] =	stream.linear.gather [hbm4b:s15+s2], $0x80, $0x38;
	[tilespmem:$0x1EEA0] =	vst v63  }
0xbc: {  	s16 =	sadd.s32 $0x30, s16  }
0xbd: {  	[spmem:s1] =	stream.indirect.scatter.add.f32 [tilespmem:s11], [sflag:$0xA], $0x40, s14, s26, $0xb8;
	[tilespmem:$0x1EEA0] =	vst v63  }
.LBB2_10:
0xbe: {  	[spmem:s1] =	stream.indirect.scatter.add.f32 [tilespmem:s11], [sflag:$0xA], $0x40, s14, s26, $0xb8;
	[tilespmem:$0x1EEA0] =	vst v63  }
0xbf: {  	s15 =	simm.s32 $0x9  }
0xc0: {  	_ =	swait.ge [sflag:s15], $0x2000  }
0xc1: {  	[sflag:s15] =	ssyncset.done $0x0  }
0xc2: {  	[sflag:s15] =	ssyncadd.s32 $0xFFFFE000  }
0xc3: {  	_ =	swait.ge [sflag:s9], $0x2000  }
0xc4: {  	s16 =	simm.s32 $0x0;
	[sflag:s9] =	ssyncset.done $0x0  }
0xc5: {  	s18 =	simm.s32 $0x480;
	s28 =	rddreg [dreg:$0x9];
	[sflag:s9] =	ssyncadd.s32 $0xFFFFE000  }
0xc6: {  	[tilespmem:s18], [sflag:$0xB] =	stream.linear.gather [hbm4b:s28+s16], $0x50, $0x38;
	[tilespmem:$0x1EEA0] =	vst v63  }
0xc7: {  	_ =	swait.ge [sflag:s23], $0x50  }
0xc8: {  	[sflag:s23] =	ssyncset.done $0x0  }
0xc9: {  	s24 =	simm.s32 $0x4D0;
	s30 =	rddreg [dreg:$0xa];
	[sflag:s23] =	ssyncadd.s32 $0xFFFFFFB0  }
0xca: {  	[tilespmem:s24], [sflag:$0xB] =	stream.linear.gather [hbm4b:s30+s16], $0x50, $0x38;
	[tilespmem:$0x1EEA0] =	vst v63  }
0xcb: {  	_ =	swait.ge [sflag:s23], $0x50  }
0xcc: {  	[sflag:s23] =	ssyncset.done $0x0  }
0xcd: {  	[sflag:s23] =	ssyncadd.s32 $0xFFFFFFB0  }
0xce: {  	v1 =	vld [tilespmem:$0x4D0]  }
0xcf: {  	v2 =	vld [tilespmem:$0x4E0]  }
0xd0: {  	v3 =	vld [tilespmem:$0x4F0]  }
0xd1: {  	v4 =	vld [tilespmem:$0x500]  }
0xd2: {  	v5 =	vld [tilespmem:$0x510]  }
0xd3: {  	v1 =	vsub.s32 v1, v0  }
0xd4: {  	v2 =	vsub.s32 v2, v0;
	v1 =	vmin.u32 v1, $0x6200  }
0xd5: {  	[tilespmem:$0x520] =	vst v1;
	v1 =	vmin.u32 v2, $0x6200;
	v2 =	vsub.s32 v3, v0  }
0xd6: {  	[tilespmem:$0x530] =	vst v1;
	v1 =	vmin.u32 v2, $0x6200;
	v2 =	vsub.s32 v4, v0  }
0xd7: {  	[tilespmem:$0x540] =	vst v1;
	v1 =	vmin.u32 v2, $0x6200;
	v2 =	vsub.s32 v5, v0  }
0xd8: {  	[tilespmem:$0x550] =	vst v1;
	v1 =	vmin.u32 v2, $0x6200  }
0xd9: {  	s25 =	simm.s32 $0x50;
	s28 =	simm.s32 $0x1;
	[tilespmem:$0x560] =	vst v1  }
0xda: {  	[tilespmem:s22], [sflag:$0x1] =	stream.indirect.gather [hbm4b:s4+s25], $0x40, s18, s25, $0xb8;
	[tilespmem:$0x1EEA0] =	vst v63  }
0xdb: {  	_ =	swait.ge [sflag:s28], $0x1400  }
0xdc: {  	[sflag:s28] =	ssyncset.done $0x0  }
0xdd: {  	s30 =	simm.s32 $0x520;
	[sflag:s28] =	ssyncadd.s32 $0xFFFFEC00  }
0xde: {  	[spmem:s1] =	stream.indirect.scatter.add.f32 [tilespmem:s22], [sflag:$0xB], $0x40, s30, s25, $0xb8;
	[tilespmem:$0x1EEA0] =	vst v63  }
0xdf: {  	_ =	swait.ge [sflag:s23], $0x1400  }
0xe0: {  	[sflag:s23] =	ssyncset.done $0x0  }
0xe1: {  	[sflag:s23] =	ssyncadd.s32 $0xFFFFEC00  }
0xe2: {  	s18 =	simm.s32 $0x0;
	[bflag:$0x0] =	sbarrier.arrive $0xFFFF  }
.LBB2_11:
0xe3: {  	s15 =	smul.u32 $0x70, s18;
	_ =	sdelay $0x1  }
0xe4: {  	s15 =	sadd.s32 s8, s15  }
0xe5: {  	s24 =	sshll.u32 s15, $0x6  }
0xe6: {  	s24 =	sand.u32 $0x3FFFFFC0, s24  }
0xe7: {  	s24 =	sadd.s32 s24, s1  }
0xe8: {  	[tilespmem:s22], [sflag:$0xB] =	stream.linear.gather [spmem:s24], $0x1C00, $0x38;
	[tilespmem:$0x1EEA0] =	vst v63  }
0xe9: {  	s15 =	sadd.s32 s7, s15;
	_ =	swait.ge [sflag:s23], $0x1C00  }
0xea: {  	s25 =	sshll.u32 s15, $0x3;
	[sflag:s23] =	ssyncset.done $0x0  }
0xeb: {  	s28 =	sadd.s32 s4, s25;
	[sflag:s23] =	ssyncadd.s32 $0xFFFFE400  }
0xec: {  	[tilespmem:s0], [sflag:$0xB] =	stream.linear.gather [hbm4b:s28+s16], $0x1C00, $0x38;
	[tilespmem:$0x1EEA0] =	vst v63  }
0xed: {  	_ =	swait.ge [sflag:s23], $0x1C00  }
0xee: {  	s15 =	sshrl.u32 s15, $0x3;
	[sflag:s23] =	ssyncset.done $0x0  }
0xef: {  	s15 =	sadd.s32 s5, s15;
	[sflag:s23] =	ssyncadd.s32 $0xFFFFE400  }
0xf0: {  	[tilespmem:s17], [sflag:$0xB] =	stream.linear.gather [hbm4b:s15+s16], $0x70, $0x38;
	[tilespmem:$0x1EEA0] =	vst v63  }
0xf1: {  	_ =	swait.ge [sflag:s23], $0x70  }
0xf2: {  	[sflag:s23] =	ssyncset.done $0x0  }
0xf3: {  	[sflag:s23] =	ssyncadd.s32 $0xFFFFFF90  }
0xf4: {  	v1 =	vld [tilespmem:$0x6570]  }
0xf5: {  	v2 =	vld [tilespmem:$0x6580]  }
0xf6: {  	v3 =	vld [tilespmem:$0x6590]  }
0xf7: {  	v4 =	vld [tilespmem:$0x65A0]  }
0xf8: {  	v5 =	vld [tilespmem:$0x65B0]  }
0xf9: {  	(erf) = vrcp.f32 v1;
	v1 =	vld [tilespmem:$0x65C0]  }
0xfa: {  	(erf) = vrcp.f32 v2;
	v2 =	vld [tilespmem:$0x65D0]  }
0xfb: {  	(erf) = vrcp.f32 v3  }
0xfc: {  	(erf) = vrcp.f32 v4  }
0xfd: {  	(erf) = vrcp.f32 v5  }
0xfe: {  	(erf) = vrcp.f32 v1  }
0xff: {  	(erf) = vrcp.f32 v2;
	_ =	sdelay $0x2  }
0x100: {  	v1 =	vpop (erf)  }
0x101: {  	v2 =	vpop (erf);
	[tilespmem:$0x65E0] =	vst v1  }
0x102: {  	v1 =	vpop (erf);
	[tilespmem:$0x65F0] =	vst v2  }
0x103: {  	v2 =	vpop (erf);
	[tilespmem:$0x6600] =	vst v1  }
0x104: {  	v1 =	vpop (erf);
	[tilespmem:$0x6610] =	vst v2  }
0x105: {  	v2 =	vpop (erf);
	[tilespmem:$0x6620] =	vst v1  }
0x106: {  	[tilespmem:$0x6630] =	vst v2;
	v1 =	vpop (erf)  }
0x107: {  	s15 =	simm.s32 $0x0;
	[tilespmem:$0x6640] =	vst v1  }
0x108: {  	v2 =	vld [tilespmem:s15+$0x2590]  }
0x109: {  	v1 =	vld [tilespmem:s15+$0x2580]  }
0x10a: {  	v3 =	vld [tilespmem:s15+$0x25A0]  }
0x10b: {  	v4 =	vld [tilespmem:s15+$0x5A0]  }
0x10c: {  	v5 =	vld [tilespmem:s15+$0x570]  }
0x10d: {  	s24 =	simm.s32 $0x65E0;
	v6 =	vld [tilespmem:s15+$0x580]  }
0x10e: {  	v8 =	vld.msk [tilespmem:s24+$0x0 ss:$0x0], $0xffff  }
0x10f: {  	v7 =	vld [tilespmem:s15+$0x2570]  }
0x110: {  	s30 =	simm.s32 $0x100;
	v9 =	vld [tilespmem:s15+$0x590]  }
.LBB2_12:
0x111: {  	p0 =	sne.s32 s30, $0x6F00  }
0x112: {  	s24 =	sadd.s32 $0x1, s24;
	s28 =	smov.u32 s30;
	s30 =	sadd.s32 $0x100, s30  }
0x113: {  	_ =	sdelay $0x1  }
0x114: {  	v5 =	vmul.f32 v5, v8;
	v4 =	vmul.f32 v4, v8  }
0x115: {  	s28 =	sshra.s32 s28, $0x2;
	v6 =	vmul.f32 v6, v8;
	v8 =	vmul.f32 v9, v8  }
0x116: {  	v5 =	vadd.f32 v5, v7;
	v4 =	vadd.f32 v4, v3;
	v9 =	vld [tilespmem:s28+$0x2590]  }
0x117: {  	v6 =	vadd.f32 v6, v1;
	v1 =	vld [tilespmem:s28+$0x2580];
	v2 =	vadd.f32 v8, v2  }
0x118: {  	v3 =	vld [tilespmem:s28+$0x25A0];
	[tilespmem:s15+$0x5A0] =	vst v4  }
0x119: {  	v4 =	vld [tilespmem:s28+$0x5A0];
	[tilespmem:s15+$0x570] =	vst v5  }
.Ltmp6:
0x11a: {  	v5 =	vld [tilespmem:s28+$0x570];
	[tilespmem:s15+$0x580] =	vst v6;
	(pc) =	sbr.rel @p0 .LBB2_12-.Ltmp6, $4  }
0x11b: {  	v6 =	vld [tilespmem:s28+$0x580];
	[tilespmem:s15+$0x590] =	vst v2;
	v2 =	vmov v9;
	s15 =	smov.u32 s28  }
0x11c: {  	v8 =	vld.msk [tilespmem:s24+$0x0 ss:$0x0], $0xffff  }
0x11d: {  	v7 =	vld [tilespmem:s15+$0x2570]  }
0x11e: {  	v9 =	vld [tilespmem:s15+$0x590]  }
0x11f: {  	_ =	sdelay $0x1  }
0x120: {  	v4 =	vmul.f32 v4, v8  }
0x121: {  	v5 =	vmul.f32 v5, v8  }
0x122: {  	v6 =	vmul.f32 v6, v8;
	v3 =	vadd.f32 v4, v3  }
0x123: {  	v63 =	vmul.f32 v9, v8;
	v5 =	vadd.f32 v5, v7  }
0x124: {  	v1 =	vadd.f32 v6, v1;
	[tilespmem:s15+$0x5A0] =	vst v3  }
0x125: {  	s18 =	sadd.s32 $0x1, s18;
	v2 =	vadd.f32 v63, v2;
	[tilespmem:s15+$0x570] =	vst v5  }
0x126: {  	p0 =	sne.s32 s18, $0xE;
	[tilespmem:s15+$0x580] =	vst v1  }
.Ltmp7:
0x127: {  	s30 =	sadd.s32 s6, s25;
	[tilespmem:s15+$0x590] =	vst v2;
	(pc) =	sbr.rel @p0 .LBB2_11-.Ltmp7, $4  }
0x128: {  	[hbm4b:s30+s2] =	stream.linear.scatter [tilespmem:s22], [sflag:$0xB], $0x1C00, $0x38;
	[tilespmem:$0x1EEA0] =	vst v63  }
0x129: {  	_ =	swait.ge [sflag:s23], $0x1C00  }
0x12a: {  	[sflag:s23] =	ssyncset.done $0x0  }
0x12b: {  	[sflag:s23] =	ssyncadd.s32 $0xFFFFE400  }
0x12c: {  	s16 =	rddreg [dreg:$0xd]  }
0x12d: {  	s15 =	rddreg [dreg:$0xb];
	s16 =	sadd.s32 $0x1, s16  }
0x12e: {  	p0 =	sne.s32 s16, s15  }
.Ltmp8:
0x12f: {  	_ = 	snop;
	(pc) =	sbr.rel @p0 .LBB2_1-.Ltmp8, $2  }
0x130: {  	_ =	sdelay $0x2  }
0x131: {  	s28 =	simm.s32 $0x180;
	s30 =	simm.s32 $0x280  }
0x132: {  	_ =	sfence.sel $0x180000  }
0x133: {  	[bflag:$0x0] =	sbarrier.arrive $0xFFFF  }
0x134: {  	_ =	strace $0x9000004A  }
0x135: {  	s0 =	stileid.u32;
	[bflag:$0x2] =	sbarrier.arrive $0xFFFF  }
0x136: {  	p0 =	sne.s32 s0, $0x0;
	s0 =	rddreg [dreg:$0x2]  }
0x137: {  	s0 =	sadd.s32 @!p0 $0x100000, s0  }
0x138: {  	[sflag:s0] =	ssyncadd.tile.s32 @!p0 $0x1;
	_ =	shalt  }
.Lfunc_end2:
_tile_overlayer_lowered:
.L_overlay_start_2:
0x139: {  	(tag) =	ssettag $0x2  }
0x13a: {  	s0 =	rddreg [dreg:$0x0];
	s2 =	stileid.u32  }
0x13b: {  	s1 =	rddreg [dreg:$0x1];
	p0 =	sne.s32 s2, $0x0  }
0x13c: {  	s3 =	rddreg [dreg:$0x2];
	[bflag:$0x3] =	sbarrier.arrive $0xFFFF;
	s2 =	simm.s32 @!p0 $0x1C0B  }
0x13d: {  	[timem:s3], [sflag:s2] =	dma.local @!p0 [hbm:s0], s1  }
0x13e: {  	s0 =	simm.s32 @!p0 $0xB  }
0x13f: {  	_ =	swait.ge @!p0 [sflag:s0], s1  }
0x140: {  	s1 =	ssub.s32 @!p0 $0x0, s1;
	[sflag:s0] =	ssyncset.done @!p0 $0x0  }
0x141: {  	[sflag:s0] =	ssyncadd.s32 @!p0 s1  }
0x142: {  	[bflag:$0x3] =	sbarrier.arrive $0xFFFF  }
0x143: {  	_ =	shalt  }

// kernel: mgdc_layer.7.cloned.1.call-start
scs
__scs_entry_jumppad:
0x0: {  	(pc) =	sbr.rel $0x88, $3  }
0x1: {  	(tag) =	ssettag $0x0;
	lr =	simm.s32 $0x1  }
0x2: {  	[smem:$0x3F9A] =	sst lr;
	_ =	strace $0xD0000000  }
0x3: {  	_ = 	snop  }
0x4: {  	_ = 	snop  }
0x5: {  	_ = 	snop  }
0x6: {  	_ = 	snop  }
0x7: {  	_ = 	snop  }
__scs_overlays_trampoline_lowered:
0x8: {  	[smem:$0x3FA9] =	sst s0  }
0x9: {  	[smem:$0x3FAA] =	sst s1  }
0xa: {  	[smem:$0x3FAB] =	sst s2  }
0xb: {  	[smem:$0x3FAC] =	sst s3  }
0xc: {  	[smem:$0x3FAD] =	sst s4  }
0xd: {  	[smem:$0x3FAE] =	sst s5  }
0xe: {  	[smem:$0x3FAF] =	sst s6  }
0xf: {  	[smem:$0x3FB0] =	sst s7  }
0x10: {  	[smem:$0x3FB1] =	sst s8  }
0x11: {  	[smem:$0x3FB2] =	sst s9;
	s0 =	simm.s32 @!p0 $0x0  }
0x12: {  	s1 =	sld [smem:$0x3F98];
	s0 =	simm.s32 @p0 $0x1  }
0x13: {  	[smem:$0x3FB3] =	sst s0;
	s0 =	simm.s32 @!p1 $0x0  }
0x14: {  	s2 =	sld [smem:$0x3F97];
	s0 =	simm.s32 @p1 $0x1  }
0x15: {  	[smem:$0x3FB4] =	sst s0;
	s0 =	simm.s32 @!p2 $0x0  }
0x16: {  	s3 =	sld [smem:$0x3FDB];
	s0 =	simm.s32 @p2 $0x1  }
0x17: {  	s4 =	simm.s32 $0x1BF5;
	[smem:$0x3FB6] =	sst s0  }
0x18: {  	s0 =	sld [smem:$0x3F99];
	_ =	swait.ge [sflag:s4], $0x0  }
0x19: {  	s7 =	sld [smem:$0x3F9A]  }
0x1a: {  	s8 =	sadd.s32 $0xFFFFE003, lr  }
0x1b: {  	s9 =	sadd.s32 $0xFFFFFEF7, lr;
	s5 =	simm.s32 $0xFFFFFFFF;
	p2 =	slt.u32 s8, $0xFFFFF086  }
0x1c: {  	p1 =	slt.u32 s9, $0xF7A;
	s5 =	simm.s32 @!p2 $0x0  }
0x1d: {  	s5 =	simm.s32 @p1 $0x1;
	p0 =	seq.s32 s7, s2  }
0x1e: {  	s7 =	smul.u32 @!p0 $0xF7A, s2;
	p2 =	seq.s32 @!p0 s5, $0x0  }
0x1f: {  	s9 =	smul.u32 $0xF7A, s1;
	s8 =	simm.s32 @!p0 $0x1BF5;
	p2 =	por !p2, p0  }
0x20: {  	[sflag:s8] =	ssyncset.s32 @!p0 $0xFFFFF086;
	s6 =	sadd.s32 @!p0 s3, s7;
	s7 =	simm.s32 @!p0 $0x108  }
0x21: {  	s3 =	sadd.s32 s3, s9;
	s6 =	sadd.s32 @!p0 $0x88, s6;
	s7 =	simm.s32 @p2 $0x1082  }
0x22: {  	[simem:s7], [sflag:s8] =	dma.local @!p0 [hbm:s6], $0xF7A  }
0x23: {  	s9 =	sor.u32 $0xD0000000, s2;
	s6 =	simm.s32 $0x108;
	_ =	swait.ge @!p0 [sflag:s8], $0x0  }
0x24: {  	s3 =	sadd.s32 $0x88, s3;
	s6 =	simm.s32 @!p1 $0x1082;
	[sflag:s4] =	ssyncset.s32 $0xFFFFF086  }
0x25: {  	[simem:s6], [sflag:s4] =	dma.local [hbm:s3], $0xF7A  }
0x26: {  	[smem:$0x3F9A] =	sst s1;
	(tag) =	ssettag s2;
	_ =	strace s9  }
0x27: {  	s1 =	sld [smem:$0x3FAA]  }
0x28: {  	s2 =	sld [smem:$0x3FAB]  }
0x29: {  	s4 =	sld [smem:$0x3FAD]  }
0x2a: {  	p0 =	seq.s32 s5, $0x0;
	s5 =	sld [smem:$0x3FAE]  }
0x2b: {  	s6 =	sld [smem:$0x3FAF]  }
0x2c: {  	s7 =	sld [smem:$0x3FB0]  }
0x2d: {  	s3 =	simm.s32 $0x108;
	s8 =	sld [smem:$0x3FB1]  }
0x2e: {  	s3 =	simm.s32 @!p0 $0x1082;
	s9 =	sld [smem:$0x3FB2]  }
0x2f: {  	lr =	sadd.s32 s0, s3;
	s0 =	sld [smem:$0x3FA9]  }
0x30: {  	s3 =	sld [smem:$0x3FAC]  }
0x31: {  	[smem:$0x3FB5] =	sst s10  }
0x32: {  	s10 =	sld [smem:$0x3FB3];
	_ =	sdelay $0x3  }
0x33: {  	p0 =	seq.s32 s10, $0x1;
	s10 =	sld [smem:$0x3FB5];
	_ =	sdelay $0x3  }
0x34: {  	[smem:$0x3FB5] =	sst s10  }
0x35: {  	s10 =	sld [smem:$0x3FB4];
	_ =	sdelay $0x3  }
0x36: {  	p1 =	seq.s32 s10, $0x1;
	s10 =	sld [smem:$0x3FB5];
	_ =	sdelay $0x3  }
0x37: {  	[smem:$0x3FB5] =	sst s10  }
0x38: {  	s10 =	sld [smem:$0x3FB6]  }
0x39: {  	_ = 	snop;
	(pc) =	sbr.ind lr, $3  }
0x3a: {  	_ = 	snop  }
0x3b: {  	_ = 	snop  }
0x3c: {  	p2 =	seq.s32 s10, $0x1;
	s10 =	sld [smem:$0x3FB5]  }
0x3d: {  	_ =	shalt  }
0x3e: {  	_ =	shalt  }
0x3f: {  	_ =	shalt  }
0x40: {  	_ =	shalt  }
0x41: {  	_ =	shalt  }
0x42: {  	_ =	shalt  }
0x43: {  	_ =	shalt  }
0x44: {  	_ =	shalt  }
0x45: {  	_ =	shalt  }
0x46: {  	_ =	shalt  }
0x47: {  	_ =	shalt  }
0x48: {  	_ =	shalt  }
0x49: {  	_ =	shalt  }
0x4a: {  	_ =	shalt  }
0x4b: {  	_ =	shalt  }
0x4c: {  	_ =	shalt  }
0x4d: {  	_ =	shalt  }
0x4e: {  	_ =	shalt  }
0x4f: {  	_ =	shalt  }
0x50: {  	_ =	shalt  }
0x51: {  	_ =	shalt  }
0x52: {  	_ =	shalt  }
0x53: {  	_ =	shalt  }
0x54: {  	_ =	shalt  }
0x55: {  	_ =	shalt  }
0x56: {  	_ =	shalt  }
0x57: {  	_ =	shalt  }
0x58: {  	_ =	shalt  }
0x59: {  	_ =	shalt  }
0x5a: {  	_ =	shalt  }
0x5b: {  	_ =	shalt  }
0x5c: {  	_ =	shalt  }
0x5d: {  	_ =	shalt  }
0x5e: {  	_ =	shalt  }
0x5f: {  	_ =	shalt  }
0x60: {  	_ =	shalt  }
0x61: {  	_ =	shalt  }
0x62: {  	_ =	shalt  }
0x63: {  	_ =	shalt  }
0x64: {  	_ =	shalt  }
0x65: {  	_ =	shalt  }
0x66: {  	_ =	shalt  }
0x67: {  	_ =	shalt  }
0x68: {  	_ =	shalt  }
0x69: {  	_ =	shalt  }
0x6a: {  	_ =	shalt  }
0x6b: {  	_ =	shalt  }
0x6c: {  	_ =	shalt  }
0x6d: {  	_ =	shalt  }
0x6e: {  	_ =	shalt  }
0x6f: {  	_ =	shalt  }
0x70: {  	_ =	shalt  }
0x71: {  	_ =	shalt  }
0x72: {  	_ =	shalt  }
0x73: {  	_ =	shalt  }
0x74: {  	_ =	shalt  }
0x75: {  	_ =	shalt  }
0x76: {  	_ =	shalt  }
0x77: {  	_ =	shalt  }
0x78: {  	_ =	shalt  }
0x79: {  	_ =	shalt  }
0x7a: {  	_ =	shalt  }
0x7b: {  	_ =	shalt  }
0x7c: {  	_ =	shalt  }
0x7d: {  	_ =	shalt  }
0x7e: {  	_ =	shalt  }
0x7f: {  	_ =	shalt  }
0x80: {  	_ =	shalt  }
0x81: {  	_ =	shalt  }
0x82: {  	_ =	shalt  }
0x83: {  	_ =	shalt  }
0x84: {  	_ =	shalt  }
0x85: {  	_ =	shalt  }
0x86: {  	_ =	shalt  }
0x87: {  	_ =	shalt  }
.Lfunc_end0:
.L_simem_size_0:
called_computation.2_lowered:
.L_overlay_start_0:
0x88: {  	s2 =	sld [smem:$0x3FD9]  }
0x89: {  	s3 =	sld [smem:$0x3FFE];
	_ =	sdelay $0x1  }
0x8a: {  	s1 =	srdreg.scid  }
0x8b: {  	s0 =	sand.u32 $0x1, s1  }
0x8c: {  	s17 =	sshll.u32 s0, $0xA;
	s2 =	sadd.s32 s3, s2  }
0x8d: {  	s2 =	sadd.s32 s2, s17  }
0x8e: {  	[smem:$0x3FC1] =	sst s2  }
0x8f: {  	_ = 	snop  }
0x90: {  	s2 =	sld [smem:$0x3FD0];
	(tm) =	ssettm $0x1  }
0x91: {  	s18 =	sld [smem:$0x3FFB];
	_ =	sdelay $0x3  }
0x92: {  	_ =	strace s18  }
0x93: {  	s3 =	sld [smem:$0x3FFC];
	_ =	sdelay $0x3  }
0x94: {  	_ =	strace s3  }
0x95: {  	s3 =	sld [smem:$0x3FFD];
	_ =	sdelay $0x3  }
0x96: {  	_ =	strace s3  }
0x97: {  	_ =	strace $0x8FFFFFFF  }
0x98: {  	s19 =	sld [smem:$0x3FDB];
	_ =	sdelay $0x1  }
0x99: {  	s4 =	simm.s32 $_scs_section_size  }
0x9a: {  	s5 =	simm.s32 $_size__tile_overlayer_lowered;
	s6 =	simm.s32 $_tile_overlayer_lowered  }
0x9b: {  	s22 =	simm.s32 $0x1BFF;
	s21 =	sshll.u32 s6, $0x1;
	s3 =	sadd.s32 s4, s19  }
0x9c: {  	s7 =	simm.s32 $0x0;
	s20 =	sshll.u32 s5, $0x1;
	s5 =	sadd.s32 s21, s3  }
0x9d: {  	[timem:s7], [sflag:s22] =	dma.local [hbm:s5], s20  }
0x9e: {  	_ =	swait.ge [sflag:s22], s20  }
0x9f: {  	s4 =	ssub.s32 $0x0, s20;
	[sflag:s22] =	ssyncset.done $0x0  }
0xa0: {  	[sflag:s22] =	ssyncadd.s32 s4;
	_ =	sdelay $0x1  }
0xa1: {  	s23 =	simm.s32 $0x1B8B  }
0xa2: {  	_ =	swait.ge [sflag:s23], $0x1  }
0xa3: {  	[sflag:s23] =	ssyncset.done $0x0  }
0xa4: {  	s25 =	simm.s32 $0x1B8E;
	s24 =	sld [smem:$0x3FFE];
	[sflag:s23] =	ssyncadd.s32 $0xFFFFFFFF  }
0xa5: {  	s26 =	simm.s32 $execute0_lowered;
	[smem:$0x3FD2] =	sst s25  }
0xa6: {  	s5 =	sshll.u32 s26, $0x1;
	_ =	strace $0x8000004C;
	[dreg:$0x1] =	wrdreg $0xFFFFFFFF  }
0xa7: {  	s28 =	simm.s32 $_size_execute0_lowered;
	s3 =	sadd.s32 s3, s5;
	[dreg:$0x0] =	wrdreg $0x0  }
0xa8: {  	s5 =	sshll.u32 s28, $0x1;
	[dreg:$0x2] =	wrdreg s3  }
0xa9: {  	[dreg:$0x3] =	wrdreg s5  }
0xaa: {  	[dreg:$0x4] =	wrdreg $0xC0  }
0xab: {  	_ =	task [dreg:s7], $0x5FFFF  }
0xac: {  	[dreg:$0x1] =	wrdreg $0xFFFFFFFF  }
0xad: {  	[dreg:$0x0] =	wrdreg $0x60  }
0xae: {  	[dreg:$0x2] =	wrdreg s24  }
0xaf: {  	[dreg:$0x3] =	wrdreg s2  }
0xb0: {  	[dreg:$0x4] =	wrdreg $0x66B00  }
0xb1: {  	[dreg:$0x5] =	wrdreg $0x9  }
0xb2: {  	_ =	task.clear_ibuf [dreg:s7], $0x6FFFF;
	_ =	strace $0x9000004C  }
0xb3: {  	s29 =	simm.s32 $0x9;
	_ =	strace $0x8000004E  }
0xb4: {  	_ =	swait.ge [sflag:s29], $0x1  }
0xb5: {  	[sflag:s29] =	ssyncadd.s32 $0xFFFFFFFF  }
0xb6: {  	_ =	strace $0x9000004E  }
0xb7: {  	_ =	sfence  }
0xb8: {  	s30 =	sld [smem:$0x0];
	_ =	sdelay $0x2  }
0xb9: {  	s31 =	sshll.u32 s1, $0xD;
	s1 =	sshrl.u32 s1, $0x2  }
0xba: {  	s3 =	sand.u32 $0x4000, s31;
	s1 =	sadd.s32 s1, s30  }
0xbb: {  	s0 =	sor.u32 s3, s0;
	s1 =	sshll.u32 s1, $0x11  }
0xbc: {  	s0 =	sor.u32 s1, s0  }
0xbd: {  	s0 =	sadd.s32 $0x8F2B, s0  }
0xbe: {  	[sflag:s0] =	ssyncadd.remote.s32 $0x1  }
0xbf: {  	_ =	sfence.sel $0xFFFF  }
0xc0: {  	[dreg:$0x0] =	wrdreg $0xFFFFFFFF;
	(pc) =	sbr.abs _section_cstart, $3  }
0xc1: {  	[dreg:$0x1] =	wrdreg $0xFFFFFFFF  }
0xc2: {  	_ =	task.clear_ibuf [dreg:s7], $0x2FFFF;
	_ =	strace $0x9FFFFFFF  }
0xc3: {  	(tm) =	ssettm $0x7FFFFFFF  }
tec
execute0_lowered:
.L_overlay_start_1:
0x0: {  	(tag) =	ssettag $0x1  }
0x1: {  	s0 =	rddreg [dreg:$0x0]  }
0x2: {  	s14 =	rddreg [dreg:$0x1]  }
0x3: {  	s1 =	srdreg.scid;
	s2 =	rddreg [dreg:$0x2];
	s3 =	simm.s32 $0x0  }
0x4: {  	s15 =	stileid.u32;
	s16 =	simm.s32 $0xC;
	s30 =	simm.s32 $0xB  }
0x5: {  	s31 =	simm.s32 $0x570;
	s29 =	simm.s32 $0x80;
	s9 =	smul.u32 $0xC350, s15  }
0x6: {  	s1 =	sand.u32 $0x1, s1;
	[smem:$0x7FF] =	sst s3;
	s25 =	smul.u32 $0x3100, s15  }
0x7: {  	s5 =	sadd.s32 $0xF7C00, s0;
	s6 =	sadd.s32 $0xF5E00, s0;
	s26 =	smul.u32 $0x186A, s15  }
0x8: {  	s10 =	sadd.s32 $0xE00, s0;
	s11 =	sadd.s32 $0x19600, s0;
	s4 =	smul.u32 $0x31000, s1  }
0x9: {  	_ =	strace $0x8000004D;
	s7 =	ssub.s32 $0x2, s1;
	s18 =	sshll.u32 s1, $0x4  }
0xa: {  	s8 =	sshrl.u32 s7, $0x1;
	s19 =	sshrl.u32 s9, $0x3;
	s9 =	smul.u32 $0x620, s15  }
0xb: {  	s4 =	sadd.s32 s4, s0;
	s0 =	sadd.s32 $0xF7A00, s0;
	s12 =	sadd.s32 s10, s19  }
0xc: {  	s20 =	sadd.s32 $0x10, s19;
	s13 =	sadd.s32 s11, s19;
	[dreg:$0x4] =	wrdreg s0  }
0xd: {  	s22 =	sadd.s32 $0x20, s19;
	s0 =	ssub.s32 s7, s8;
	[dreg:$0x5] =	wrdreg s12  }
0xe: {  	s8 =	smul.u32 $0x6200, s1;
	[dreg:$0x6] =	wrdreg s13;
	s21 =	sadd.s32 s10, s20  }
0xf: {  	s12 =	sadd.s32 s11, s20;
	s23 =	sadd.s32 s10, s22;
	s24 =	sadd.s32 s11, s22  }
0x10: {  	s1 =	sadd.s32 $0x1860, s19;
	s7 =	sor.u32 s18, s15;
	[dreg:$0x7] =	wrdreg s21  }
0x11: {  	s19 =	sadd.s32 s26, s11;
	s20 =	sadd.s32 s26, s10;
	[dreg:$0x8] =	wrdreg s12  }
0x12: {  	s22 =	smul.u32 $0x62000, s15;
	s13 =	simm.s32 $0x4570;
	[dreg:$0x9] =	wrdreg s23  }
0x13: {  	s15 =	simm.s32 $0x7;
	[dreg:$0xa] =	wrdreg s24;
	p0 =	seq.s32 s7, $0x1F  }
0x14: {  	s17 =	sadd.s32 s10, s1;
	s1 =	sadd.s32 s11, s1;
	s12 =	sadd.s32 s25, s4  }
0x15: {  	s0 =	smax.u32 s0, $0x1;
	s10 =	simm.s32 $0x300;
	[dreg:$0xb] =	wrdreg s17  }
0x16: {  	s11 =	simm.s32 $0xA;
	[dreg:$0xc] =	wrdreg s1;
	s16 =	simm.s32 @!p0 $0xE  }
0x17: {  	s17 =	sadd.s32 $0x540, s9;
	p0 =	sne.s32 s7, $0x1F;
	s25 =	sshrl.u32 s22, $0x2  }
0x18: {  	[dreg:$0x11] =	wrdreg s0;
	s28 =	sadd.s32 $0x93E00, s12;
	s12 =	simm.s32 $0x4  }
0x19: {  	s1 =	simm.s32 $0x0;
	s18 =	sadd.s32 s8, s17;
	s4 =	sshll.u32 s17, $0x6  }
0x1a: {  	s26 =	sadd.s32 s25, s2;
	s17 =	simm.s32 $0x400;
	s21 =	sshrl.u32 s18, $0x3  }
0x1b: {  	s4 =	sadd.s32 s4, s2;
	s23 =	sshll.u32 s18, $0x3;
	[dreg:$0x12] =	wrdreg s26  }
.Ltmp0:
0x1c: {  	s26 =	simm.s32 $0x180;
	s18 =	simm.s32 $0x6570;
	(pc) =	sbr.rel .LBB2_1-.Ltmp0, $4  }
0x1d: {  	[dreg:$0xd] =	wrdreg s4;
	s7 =	sadd.s32 s6, s21;
	s24 =	sadd.s32 s5, s23  }
0x1e: {  	s4 =	sadd.s32 s14, s23;
	s21 =	simm.s32 $0x100;
	[dreg:$0xe] =	wrdreg s7  }
0x1f: {  	s23 =	simm.s32 $0x3;
	s14 =	simm.s32 $0x6;
	[dreg:$0xf] =	wrdreg s24  }
0x20: {  	v0 =	vmov s8;
	[dreg:$0x10] =	wrdreg s4;
	s24 =	simm.s32 $0x2570;
	s7 =	simm.s32 $0x5  }
.LBB2_18:
0x21: {  	s1 =	sadd.s32 $0x1, s1;
	s0 =	rddreg [dreg:$0x11]  }
0x22: {  	p1 =	sne.s32 s1, s0  }
.Ltmp1:
0x23: {  	_ = 	snop;
	(pc) =	sbr.rel @!p1 .LBB2_19-.Ltmp1, $1  }
0x24: {  	_ =	sdelay $0x3  }
.LBB2_1:
0x25: {  	[dreg:$0x13] =	wrdreg s1  }
0x26: {  	s0 =	rddreg [dreg:$0x4];
	s4 =	simm.s32 $0x6660  }
0x27: {  	[tilespmem:s4], [sflag:$0xB] =	stream.linear.gather [hbm4b:s0+s3], $0x50, $0x38;
	[tilespmem:$0x1EEF0] =	vst v63  }
0x28: {  	_ =	swait.ge [sflag:s30], $0x50  }
0x29: {  	[sflag:s30] =	ssyncset.done $0x0  }
0x2a: {  	s22 =	sadd.s32 $0x0, s28;
	[sflag:s30] =	ssyncadd.s32 $0xFFFFFFB0  }
0x2b: {  	[tilespmem:s31], [sflag:$0xB] =	stream.linear.gather [hbm4b:s22+s3], $0x1C00, $0x38;
	[tilespmem:$0x1EEF0] =	vst v63  }
0x2c: {  	_ =	swait.ge [sflag:s30], $0x1C00  }
0x2d: {  	[sflag:s30] =	ssyncset.done $0x0  }
0x2e: {  	s25 =	rddreg [dreg:$0x12];
	[sflag:s30] =	ssyncadd.s32 $0xFFFFE400  }
0x2f: {  	[spmem:s25] =	stream.linear.scatter [tilespmem:s31], [sflag:$0xB], $0x1C00, $0x38;
	[tilespmem:$0x1EEF0] =	vst v63  }
0x30: {  	s1 =	simm.s32 $0x380;
	_ =	swait.ge [sflag:s30], $0x1C00  }
0x31: {  	s4 =	simm.s32 $0x700;
	s0 =	sadd.s32 $0x1C00, s25;
	[sflag:s30] =	ssyncset.done $0x0  }
.LBB2_2:
0x32: {  	s22 =	sadd.s32 s1, s28  }
0x33: {  	[sflag:s30] =	ssyncadd.s32 $0xFFFFE400;
	s1 =	smov.u32 s4;
	s25 =	sadd.s32 $0x380, s4  }
0x34: {  	[tilespmem:s31], [sflag:$0xB] =	stream.linear.gather [hbm4b:s22+s3], $0x1C00, $0x38;
	[tilespmem:$0x1EEF0] =	vst v63  }
0x35: {  	p1 =	sne.s32 s4, $0x2D80;
	_ =	swait.ge [sflag:s30], $0x1C00  }
.Ltmp2:
0x36: {  	[sflag:s30] =	ssyncset.done $0x0;
	(pc) =	sbr.rel @p1 .LBB2_2-.Ltmp2, $4  }
0x37: {  	[sflag:s30] =	ssyncadd.s32 $0xFFFFE400  }
0x38: {  	[spmem:s0] =	stream.linear.scatter [tilespmem:s31], [sflag:$0xB], $0x1C00, $0x38;
	[tilespmem:$0x1EEF0] =	vst v63  }
0x39: {  	_ =	swait.ge [sflag:s30], $0x1C00  }
0x3a: {  	s4 =	smov.u32 s25;
	s0 =	sadd.s32 $0x1C00, s0;
	[sflag:s30] =	ssyncset.done $0x0  }
0x3b: {  	s1 =	sadd.s32 s1, s28;
	[sflag:s30] =	ssyncadd.s32 $0xFFFFE400  }
0x3c: {  	[tilespmem:s31], [sflag:$0xB] =	stream.linear.gather [hbm4b:s1+s3], $0x1C00, $0x38;
	[tilespmem:$0x1EEF0] =	vst v63  }
0x3d: {  	_ =	swait.ge [sflag:s30], $0x1C00  }
0x3e: {  	[sflag:s30] =	ssyncset.done $0x0  }
0x3f: {  	[sflag:s30] =	ssyncadd.s32 $0xFFFFE400  }
0x40: {  	[spmem:s0] =	stream.linear.scatter [tilespmem:s31], [sflag:$0xB], $0x1C00, $0x38;
	[tilespmem:$0x1EEF0] =	vst v63  }
0x41: {  	_ =	swait.ge [sflag:s30], $0x1C00  }
0x42: {  	[sflag:s30] =	ssyncset.done $0x0  }
0x43: {  	[sflag:s30] =	ssyncadd.s32 $0xFFFFE400  }
0x44: {  	[bflag:$0x0] =	sbarrier.arrive $0xFFFF  }
0x45: {  	s4 =	simm.s32 $0x0;
	s1 =	rddreg [dreg:$0x5]  }
0x46: {  	[tilespmem:s4], [sflag:$0x2] =	stream.linear.gather [hbm4b:s1+s4], $0x80, $0x38;
	[tilespmem:$0x1EEF0] =	vst v63  }
0x47: {  	s25 =	simm.s32 $0x2;
	s22 =	rddreg [dreg:$0x6]  }
0x48: {  	[tilespmem:s26], [sflag:$0x2] =	stream.linear.gather [hbm4b:s22+s4], $0x80, $0x38;
	[tilespmem:$0x1EEF0] =	vst v63  }
0x49: {  	_ =	swait.ge [sflag:s25], $0x80  }
0x4a: {  	[sflag:s25] =	ssyncset.done $0x0  }
0x4b: {  	[sflag:s25] =	ssyncadd.s32 $0xFFFFFF80  }
0x4c: {  	_ =	swait.ge [sflag:s25], $0x80  }
0x4d: {  	[sflag:s25] =	ssyncset.done $0x0  }
0x4e: {  	[sflag:s25] =	ssyncadd.s32 $0xFFFFFF80  }
0x4f: {  	[tilespmem:s31], [sflag:$0x5] =	stream.indirect.gather [hbm4b:s5+s29], $0x40, s4, s29, $0xb8;
	[tilespmem:$0x1EEF0] =	vst v63  }
0x50: {  	s1 =	rddreg [dreg:$0x7]  }
0x51: {  	[tilespmem:s29], [sflag:$0x3] =	stream.linear.gather [hbm4b:s1+s4], $0x80, $0x38;
	[tilespmem:$0x1EEF0] =	vst v63  }
0x52: {  	s22 =	rddreg [dreg:$0x8];
	s25 =	simm.s32 $0x200  }
0x53: {  	[tilespmem:s25], [sflag:$0x3] =	stream.linear.gather [hbm4b:s22+s4], $0x80, $0x38;
	[tilespmem:$0x1EEF0] =	vst v63  }
0x54: {  	s1 =	rddreg [dreg:$0x9]  }
0x55: {  	[tilespmem:s21], [sflag:$0x4] =	stream.linear.gather [hbm4b:s1+s4], $0x80, $0x38;
	[tilespmem:$0x1EEF0] =	vst v63  }
0x56: {  	s22 =	rddreg [dreg:$0xa];
	s25 =	simm.s32 $0x280  }
0x57: {  	[tilespmem:s25], [sflag:$0x4] =	stream.linear.gather [hbm4b:s22+s4], $0x80, $0x38;
	[tilespmem:$0x1EEF0] =	vst v63  }
.LBB2_4:
0x58: {  	p1 =	seq.s32 s4, $0x0  }
0x59: {  	s0 =	simm.s32 @!p1 $0x9  }
0x5a: {  	_ =	swait.ge @!p1 [sflag:s0], $0x2000  }
0x5b: {  	[sflag:s0] =	ssyncset.done @!p1 $0x0  }
0x5c: {  	[sflag:s0] =	ssyncadd.s32 @!p1 $0xFFFFE000  }
0x5d: {  	_ =	swait.ge [sflag:s23], $0x80  }
0x5e: {  	[sflag:s23] =	ssyncset.done $0x0  }
0x5f: {  	[sflag:s23] =	ssyncadd.s32 $0xFFFFFF80  }
0x60: {  	_ =	swait.ge [sflag:s23], $0x80  }
0x61: {  	[sflag:s23] =	ssyncset.done $0x0  }
0x62: {  	[sflag:s23] =	ssyncadd.s32 $0xFFFFFF80  }
0x63: {  	[tilespmem:s24], [sflag:$0x6] =	stream.indirect.gather [hbm4b:s5+s29], $0x40, s29, s29, $0xb8;
	[tilespmem:$0x1EEF0] =	vst v63  }
0x64: {  	v1 =	vld [tilespmem:$0x180]  }
0x65: {  	v2 =	vld [tilespmem:$0x190]  }
0x66: {  	v3 =	vld [tilespmem:$0x1A0]  }
0x67: {  	v4 =	vld [tilespmem:$0x1B0]  }
0x68: {  	v5 =	vld [tilespmem:$0x1C0]  }
0x69: {  	v6 =	vld [tilespmem:$0x1D0];
	v1 =	vsub.s32 v1, v0  }
0x6a: {  	v7 =	vld [tilespmem:$0x1E0];
	v2 =	vsub.s32 v2, v0;
	v1 =	vmin.u32 v1, $0x6200  }
0x6b: {  	[tilespmem:$0x300] =	vst v1;
	v1 =	vmin.u32 v2, $0x6200;
	v2 =	vsub.s32 v3, v0;
	v3 =	vld [tilespmem:$0x1F0]  }
0x6c: {  	[tilespmem:$0x310] =	vst v1;
	v1 =	vmin.u32 v2, $0x6200;
	v2 =	vsub.s32 v4, v0  }
0x6d: {  	[tilespmem:$0x320] =	vst v1;
	v1 =	vmin.u32 v2, $0x6200;
	v2 =	vsub.s32 v5, v0  }
0x6e: {  	[tilespmem:$0x330] =	vst v1;
	v1 =	vmin.u32 v2, $0x6200;
	v2 =	vsub.s32 v6, v0  }
0x6f: {  	[tilespmem:$0x340] =	vst v1;
	v1 =	vmin.u32 v2, $0x6200;
	v2 =	vsub.s32 v7, v0  }
0x70: {  	p2 =	sne.s32 s4, $0x1830;
	[tilespmem:$0x350] =	vst v1;
	v1 =	vmin.u32 v2, $0x6200;
	v2 =	vsub.s32 v3, v0  }
.Ltmp3:
0x71: {  	[tilespmem:$0x360] =	vst v1;
	v1 =	vmin.u32 v2, $0x6200;
	(pc) =	sbr.rel @p2 .LBB2_6-.Ltmp3, $4  }
0x72: {  	[tilespmem:$0x370] =	vst v1  }
0x73: {  	_ =	swait.ge [sflag:s7], $0x2000  }
0x74: {  	[sflag:s7] =	ssyncset.done $0x0  }
0x75: {  	[sflag:s7] =	ssyncadd.s32 $0xFFFFE000  }
.Ltmp4:
0x76: {  	(pc) =	sbr.rel .LBB2_7-.Ltmp4, $2  }
0x77: {  	_ =	sdelay $0x2  }
0x78: {  	[spmem:s2] =	stream.indirect.scatter.add.f32 [tilespmem:s31], [sflag:$0x8], $0x40, s10, s29, $0xb8;
	[tilespmem:$0x1EEF0] =	vst v63  }
.LBB2_6:
0x79: {  	s0 =	sadd.s32 s4, s20  }
0x7a: {  	s0 =	sadd.s32 $0x30, s0  }
0x7b: {  	[tilespmem:s3], [sflag:$0x2] =	stream.linear.gather [hbm4b:s0+s3], $0x80, $0x38;
	[tilespmem:$0x1EEF0] =	vst v63  }
.Ltmp5:
0x7c: {  	s25 =	sadd.s32 s4, s19;
	(pc) =	sbr.rel @p1 .LBB2_8-.Ltmp5, $4  }
0x7d: {  	s0 =	sadd.s32 $0x30, s25  }
0x7e: {  	[tilespmem:s26], [sflag:$0x2] =	stream.linear.gather [hbm4b:s0+s3], $0x80, $0x38;
	[tilespmem:$0x1EEF0] =	vst v63  }
0x7f: {  	_ = 	snop  }
0x80: {  	[spmem:s2] =	stream.indirect.scatter.add.f32 [tilespmem:s31], [sflag:$0x8], $0x40, s10, s29, $0xb8;
	[tilespmem:$0x1EEF0] =	vst v63  }
.LBB2_7:
0x81: {  	_ =	swait.ge [sflag:s11], $0x2000  }
0x82: {  	[sflag:s11] =	ssyncset.done $0x0  }
0x83: {  	[sflag:s11] =	ssyncadd.s32 $0xFFFFE000  }
.LBB2_8:
0x84: {  	_ =	swait.ge [sflag:s12], $0x80  }
0x85: {  	[sflag:s12] =	ssyncset.done $0x0  }
0x86: {  	[sflag:s12] =	ssyncadd.s32 $0xFFFFFF80  }
0x87: {  	_ =	swait.ge [sflag:s12], $0x80  }
0x88: {  	[sflag:s12] =	ssyncset.done $0x0  }
0x89: {  	[sflag:s12] =	ssyncadd.s32 $0xFFFFFF80  }
0x8a: {  	[tilespmem:s13], [sflag:$0x7] =	stream.indirect.gather [hbm4b:s5+s29], $0x40, s21, s29, $0xb8;
	[tilespmem:$0x1EEF0] =	vst v63  }
0x8b: {  	v1 =	vld [tilespmem:$0x200]  }
0x8c: {  	v2 =	vld [tilespmem:$0x210]  }
0x8d: {  	v3 =	vld [tilespmem:$0x220]  }
0x8e: {  	v4 =	vld [tilespmem:$0x230]  }
0x8f: {  	v5 =	vld [tilespmem:$0x240]  }
0x90: {  	v6 =	vld [tilespmem:$0x250];
	v1 =	vsub.s32 v1, v0  }
0x91: {  	v7 =	vld [tilespmem:$0x260];
	v2 =	vsub.s32 v2, v0;
	v1 =	vmin.u32 v1, $0x6200  }
0x92: {  	[tilespmem:$0x380] =	vst v1;
	v1 =	vmin.u32 v2, $0x6200;
	v2 =	vsub.s32 v3, v0;
	v3 =	vld [tilespmem:$0x270]  }
0x93: {  	[tilespmem:$0x390] =	vst v1;
	v1 =	vmin.u32 v2, $0x6200;
	v2 =	vsub.s32 v4, v0  }
0x94: {  	[tilespmem:$0x3A0] =	vst v1;
	v1 =	vmin.u32 v2, $0x6200;
	v2 =	vsub.s32 v5, v0  }
0x95: {  	[tilespmem:$0x3B0] =	vst v1;
	v1 =	vmin.u32 v2, $0x6200;
	v2 =	vsub.s32 v6, v0  }
0x96: {  	[tilespmem:$0x3C0] =	vst v1;
	v1 =	vmin.u32 v2, $0x6200;
	v2 =	vsub.s32 v7, v0  }
0x97: {  	[tilespmem:$0x3D0] =	vst v1;
	v1 =	vmin.u32 v2, $0x6200;
	v2 =	vsub.s32 v3, v0  }
0x98: {  	[tilespmem:$0x3E0] =	vst v1;
	v1 =	vmin.u32 v2, $0x6200  }
0x99: {  	[tilespmem:$0x3F0] =	vst v1  }
0x9a: {  	p1 =	seq.s32 s4, $0x1830;
	_ =	swait.ge [sflag:s14], $0x2000  }
0x9b: {  	s0 =	simm.s32 @p1 $0x80;
	[sflag:s14] =	ssyncset.done $0x0  }
0x9c: {  	s1 =	simm.s32 @p1 $0x380;
	s22 =	simm.s32 @p1 $0x2570;
	[sflag:s14] =	ssyncadd.s32 $0xFFFFE000  }
0x9d: {  	[spmem:s2] =	stream.indirect.scatter.add.f32 @p1 [tilespmem:s22], [sflag:$0x9], $0x40, s1, s0, $0xb8;
	[tilespmem:$0x1EEF0] =	vst v63  }
0x9e: {  	s0 =	simm.s32 @p1 $0x8  }
0x9f: {  	_ =	swait.ge @p1 [sflag:s0], $0x2000  }
0xa0: {  	[sflag:s0] =	ssyncset.done @p1 $0x0  }
0xa1: {  	[sflag:s0] =	ssyncadd.s32 @p1 $0xFFFFE000;
	s0 =	sadd.s32 @!p1 s4, s20  }
0xa2: {  	s1 =	simm.s32 @!p1 $0x0;
	s22 =	simm.s32 @!p1 $0x80;
	s0 =	sadd.s32 @!p1 $0x40, s0  }
0xa3: {  	[tilespmem:s22], [sflag:$0x3] =	stream.linear.gather @!p1 [hbm4b:s0+s1], $0x80, $0x38;
	[tilespmem:$0x1EEF0] =	vst v63  }
0xa4: {  	s0 =	sadd.s32 @!p1 s4, s19  }
0xa5: {  	s25 =	simm.s32 @!p1 $0x200;
	s0 =	sadd.s32 @!p1 $0x40, s0  }
0xa6: {  	[tilespmem:s25], [sflag:$0x3] =	stream.linear.gather @!p1 [hbm4b:s0+s1], $0x80, $0x38;
	[tilespmem:$0x1EEF0] =	vst v63  }
0xa7: {  	s0 =	simm.s32 @!p1 $0x380;
	s25 =	simm.s32 @!p1 $0x2570  }
0xa8: {  	[spmem:s2] =	stream.indirect.scatter.add.f32 @!p1 [tilespmem:s25], [sflag:$0x9], $0x40, s0, s22, $0xb8;
	[tilespmem:$0x1EEF0] =	vst v63  }
0xa9: {  	s0 =	simm.s32 @!p1 $0x8  }
0xaa: {  	_ =	swait.ge @!p1 [sflag:s0], $0x2000  }
0xab: {  	[sflag:s0] =	ssyncset.done @!p1 $0x0  }
0xac: {  	[sflag:s0] =	ssyncadd.s32 @!p1 $0xFFFFE000;
	s0 =	simm.s32 @!p1 $0x2  }
0xad: {  	_ =	swait.ge @!p1 [sflag:s0], $0x80  }
0xae: {  	[sflag:s0] =	ssyncset.done @!p1 $0x0  }
0xaf: {  	[sflag:s0] =	ssyncadd.s32 @!p1 $0xFFFFFF80  }
0xb0: {  	_ =	swait.ge @!p1 [sflag:s0], $0x80  }
0xb1: {  	[sflag:s0] =	ssyncset.done @!p1 $0x0  }
0xb2: {  	[sflag:s0] =	ssyncadd.s32 @!p1 $0xFFFFFF80;
	s0 =	simm.s32 @!p1 $0x570  }
0xb3: {  	[tilespmem:s0], [sflag:$0x5] =	stream.indirect.gather @!p1 [hbm4b:s5+s22], $0x40, s1, s22, $0xb8;
	[tilespmem:$0x1EEF0] =	vst v63  }
0xb4: {  	v1 =	vld [tilespmem:$0x280]  }
0xb5: {  	v2 =	vld [tilespmem:$0x290]  }
0xb6: {  	v3 =	vld [tilespmem:$0x2A0]  }
0xb7: {  	v60 =	vld [tilespmem:$0x2B0]  }
0xb8: {  	v61 =	vld [tilespmem:$0x2C0]  }
0xb9: {  	v62 =	vld [tilespmem:$0x2D0];
	v1 =	vsub.s32 v1, v0  }
0xba: {  	v63 =	vld [tilespmem:$0x2E0];
	v2 =	vsub.s32 v2, v0;
	v1 =	vmin.u32 v1, $0x6200  }
0xbb: {  	[tilespmem:$0x400] =	vst v1;
	v1 =	vmin.u32 v2, $0x6200;
	v2 =	vsub.s32 v3, v0;
	v3 =	vld [tilespmem:$0x2F0]  }
0xbc: {  	[tilespmem:$0x410] =	vst v1;
	v1 =	vmin.u32 v2, $0x6200;
	v2 =	vsub.s32 v60, v0  }
0xbd: {  	[tilespmem:$0x420] =	vst v1;
	v1 =	vmin.u32 v2, $0x6200;
	v2 =	vsub.s32 v61, v0  }
0xbe: {  	[tilespmem:$0x430] =	vst v1;
	v1 =	vmin.u32 v2, $0x6200;
	v2 =	vsub.s32 v62, v0  }
0xbf: {  	[tilespmem:$0x440] =	vst v1;
	v1 =	vmin.u32 v2, $0x6200;
	v2 =	vsub.s32 v63, v0  }
0xc0: {  	[tilespmem:$0x450] =	vst v1;
	v1 =	vmin.u32 v2, $0x6200;
	v2 =	vsub.s32 v3, v0  }
.Ltmp6:
0xc1: {  	[tilespmem:$0x460] =	vst v1;
	v1 =	vmin.u32 v2, $0x6200;
	(pc) =	sbr.rel @p1 .LBB2_10-.Ltmp6, $4  }
0xc2: {  	[tilespmem:$0x470] =	vst v1  }
0xc3: {  	_ =	swait.ge [sflag:s15], $0x2000  }
0xc4: {  	[sflag:s15] =	ssyncset.done $0x0  }
0xc5: {  	[sflag:s15] =	ssyncadd.s32 $0xFFFFE000  }
0xc6: {  	s0 =	sadd.s32 s4, s20  }
0xc7: {  	s0 =	sadd.s32 $0x50, s0  }
0xc8: {  	[tilespmem:s21], [sflag:$0x4] =	stream.linear.gather [hbm4b:s0+s3], $0x80, $0x38;
	[tilespmem:$0x1EEF0] =	vst v63  }
.Ltmp7:
0xc9: {  	s25 =	sadd.s32 s4, s19;
	(pc) =	sbr.rel .LBB2_4-.Ltmp7, $4  }
0xca: {  	s1 =	simm.s32 $0x280;
	s0 =	sadd.s32 $0x50, s25  }
0xcb: {  	[tilespmem:s1], [sflag:$0x4] =	stream.linear.gather [hbm4b:s0+s3], $0x80, $0x38;
	[tilespmem:$0x1EEF0] =	vst v63  }
0xcc: {  	s4 =	sadd.s32 $0x30, s4  }
0xcd: {  	[spmem:s2] =	stream.indirect.scatter.add.f32 [tilespmem:s13], [sflag:$0xA], $0x40, s17, s29, $0xb8;
	[tilespmem:$0x1EEF0] =	vst v63  }
.LBB2_10:
0xce: {  	[spmem:s2] =	stream.indirect.scatter.add.f32 [tilespmem:s13], [sflag:$0xA], $0x40, s17, s29, $0xb8;
	[tilespmem:$0x1EEF0] =	vst v63  }
0xcf: {  	s0 =	simm.s32 $0x9  }
0xd0: {  	_ =	swait.ge [sflag:s0], $0x2000  }
0xd1: {  	[sflag:s0] =	ssyncset.done $0x0  }
0xd2: {  	[sflag:s0] =	ssyncadd.s32 $0xFFFFE000  }
0xd3: {  	_ =	swait.ge [sflag:s11], $0x2000  }
0xd4: {  	s26 =	simm.s32 $0x0;
	[sflag:s11] =	ssyncset.done $0x0  }
0xd5: {  	s1 =	simm.s32 $0x480;
	s22 =	rddreg [dreg:$0xb];
	[sflag:s11] =	ssyncadd.s32 $0xFFFFE000  }
0xd6: {  	[tilespmem:s1], [sflag:$0xB] =	stream.linear.gather [hbm4b:s22+s26], $0x50, $0x38;
	[tilespmem:$0x1EEF0] =	vst v63  }
0xd7: {  	_ =	swait.ge [sflag:s30], $0x50  }
0xd8: {  	[sflag:s30] =	ssyncset.done $0x0  }
0xd9: {  	s4 =	simm.s32 $0x4D0;
	s25 =	rddreg [dreg:$0xc];
	[sflag:s30] =	ssyncadd.s32 $0xFFFFFFB0  }
0xda: {  	[tilespmem:s4], [sflag:$0xB] =	stream.linear.gather [hbm4b:s25+s26], $0x50, $0x38;
	[tilespmem:$0x1EEF0] =	vst v63  }
0xdb: {  	_ =	swait.ge [sflag:s30], $0x50  }
0xdc: {  	[sflag:s30] =	ssyncset.done $0x0  }
0xdd: {  	[sflag:s30] =	ssyncadd.s32 $0xFFFFFFB0  }
0xde: {  	v1 =	vld [tilespmem:$0x4D0]  }
0xdf: {  	v2 =	vld [tilespmem:$0x4E0]  }
0xe0: {  	v3 =	vld [tilespmem:$0x4F0]  }
0xe1: {  	v4 =	vld [tilespmem:$0x500]  }
0xe2: {  	v5 =	vld [tilespmem:$0x510]  }
0xe3: {  	v1 =	vsub.s32 v1, v0  }
0xe4: {  	v2 =	vsub.s32 v2, v0;
	v1 =	vmin.u32 v1, $0x6200  }
0xe5: {  	[tilespmem:$0x520] =	vst v1;
	v1 =	vmin.u32 v2, $0x6200;
	v2 =	vsub.s32 v3, v0  }
0xe6: {  	[tilespmem:$0x530] =	vst v1;
	v1 =	vmin.u32 v2, $0x6200;
	v2 =	vsub.s32 v4, v0  }
0xe7: {  	[tilespmem:$0x540] =	vst v1;
	v1 =	vmin.u32 v2, $0x6200;
	v2 =	vsub.s32 v5, v0  }
0xe8: {  	[tilespmem:$0x550] =	vst v1;
	v1 =	vmin.u32 v2, $0x6200  }
0xe9: {  	s22 =	simm.s32 $0x1;
	s4 =	simm.s32 $0x50;
	[tilespmem:$0x560] =	vst v1  }
0xea: {  	[tilespmem:s31], [sflag:$0x1] =	stream.indirect.gather [hbm4b:s5+s4], $0x40, s1, s4, $0xb8;
	[tilespmem:$0x1EEF0] =	vst v63  }
0xeb: {  	_ =	swait.ge [sflag:s22], $0x1400  }
0xec: {  	[sflag:s22] =	ssyncset.done $0x0  }
0xed: {  	s25 =	simm.s32 $0x520;
	[sflag:s22] =	ssyncadd.s32 $0xFFFFEC00  }
0xee: {  	[spmem:s2] =	stream.indirect.scatter.add.f32 [tilespmem:s31], [sflag:$0xB], $0x40, s25, s4, $0xb8;
	[tilespmem:$0x1EEF0] =	vst v63  }
0xef: {  	_ =	swait.ge [sflag:s30], $0x1400  }
0xf0: {  	[sflag:s30] =	ssyncset.done $0x0  }
0xf1: {  	[sflag:s30] =	ssyncadd.s32 $0xFFFFEC00  }
0xf2: {  	s4 =	simm.s32 $0x0;
	[bflag:$0x0] =	sbarrier.arrive $0xFFFF  }
.LBB2_11:
0xf3: {  	s0 =	smul.u32 $0x70, s4;
	_ =	sdelay $0x1  }
0xf4: {  	s0 =	sadd.s32 s9, s0  }
0xf5: {  	s1 =	sshll.u32 s0, $0x8  }
0xf6: {  	s1 =	sshra.s32 s1, $0x2  }
0xf7: {  	s1 =	sadd.s32 s1, s2  }
0xf8: {  	[tilespmem:s31], [sflag:$0xB] =	stream.linear.gather [spmem:s1], $0x1C00, $0x38;
	[tilespmem:$0x1EEF0] =	vst v63  }
0xf9: {  	s0 =	sadd.s32 s8, s0;
	_ =	swait.ge [sflag:s30], $0x1C00  }
0xfa: {  	s25 =	sshll.u32 s0, $0x3;
	[sflag:s30] =	ssyncset.done $0x0  }
0xfb: {  	s22 =	sadd.s32 s5, s25;
	[sflag:s30] =	ssyncadd.s32 $0xFFFFE400  }
0xfc: {  	[tilespmem:s24], [sflag:$0xB] =	stream.linear.gather [hbm4b:s22+s26], $0x1C00, $0x38;
	[tilespmem:$0x1EEF0] =	vst v63  }
0xfd: {  	_ =	swait.ge [sflag:s30], $0x1C00  }
0xfe: {  	s0 =	sshrl.u32 s0, $0x3;
	[sflag:s30] =	ssyncset.done $0x0  }
0xff: {  	s0 =	sadd.s32 s6, s0;
	[sflag:s30] =	ssyncadd.s32 $0xFFFFE400  }
0x100: {  	[tilespmem:s18], [sflag:$0xB] =	stream.linear.gather [hbm4b:s0+s26], $0x70, $0x38;
	[tilespmem:$0x1EEF0] =	vst v63  }
0x101: {  	_ =	swait.ge [sflag:s30], $0x70  }
0x102: {  	[sflag:s30] =	ssyncset.done $0x0  }
0x103: {  	[sflag:s30] =	ssyncadd.s32 $0xFFFFFF90  }
0x104: {  	v1 =	vld [tilespmem:$0x6570]  }
0x105: {  	v2 =	vld [tilespmem:$0x6580]  }
0x106: {  	v3 =	vld [tilespmem:$0x6590]  }
0x107: {  	v4 =	vld [tilespmem:$0x65A0]  }
0x108: {  	v5 =	vld [tilespmem:$0x65B0]  }
0x109: {  	(erf) = vrcp.f32 v1;
	v1 =	vld [tilespmem:$0x65C0]  }
0x10a: {  	(erf) = vrcp.f32 v2;
	v2 =	vld [tilespmem:$0x65D0]  }
0x10b: {  	(erf) = vrcp.f32 v3  }
0x10c: {  	(erf) = vrcp.f32 v4  }
0x10d: {  	(erf) = vrcp.f32 v5  }
0x10e: {  	(erf) = vrcp.f32 v1  }
0x10f: {  	(erf) = vrcp.f32 v2;
	_ =	sdelay $0x2  }
0x110: {  	v1 =	vpop (erf)  }
0x111: {  	v2 =	vpop (erf);
	[tilespmem:$0x65E0] =	vst v1  }
0x112: {  	v1 =	vpop (erf);
	[tilespmem:$0x65F0] =	vst v2  }
0x113: {  	v2 =	vpop (erf);
	[tilespmem:$0x6600] =	vst v1  }
0x114: {  	v1 =	vpop (erf);
	[tilespmem:$0x6610] =	vst v2  }
0x115: {  	v2 =	vpop (erf);
	[tilespmem:$0x6620] =	vst v1  }
0x116: {  	[tilespmem:$0x6630] =	vst v2;
	v1 =	vpop (erf)  }
0x117: {  	s1 =	simm.s32 $0x65E0;
	[tilespmem:$0x6640] =	vst v1  }
0x118: {  	s22 =	simm.s32 $0x100;
	s0 =	simm.s32 $0x0;
	v1 =	vld.msk [tilespmem:s1+$0x0 ss:$0x0], $0xffff  }
.LBB2_12:
0x119: {  	p1 =	sne.s32 s22, $0x6F00;
	v2 =	vld [tilespmem:s0+$0x570]  }
0x11a: {  	v3 =	vld [tilespmem:s0+$0x2570]  }
0x11b: {  	v4 =	vld [tilespmem:s0+$0x580]  }
0x11c: {  	v5 =	vld [tilespmem:s0+$0x2580]  }
0x11d: {  	v6 =	vld [tilespmem:s0+$0x590]  }
0x11e: {  	v2 =	vmul.f32 v2, v1;
	v7 =	vld [tilespmem:s0+$0x2590]  }
0x11f: {  	v8 =	vld [tilespmem:s0+$0x5A0]  }
0x120: {  	v2 =	vadd.f32 v2, v3;
	v3 =	vmul.f32 v4, v1  }
0x121: {  	v4 =	vld [tilespmem:s0+$0x25A0]  }
0x122: {  	[tilespmem:s0+$0x570] =	vst v2;
	v3 =	vadd.f32 v3, v5;
	v5 =	vmul.f32 v6, v1  }
0x123: {  	v6 =	vld [tilespmem:$0x6660]  }
0x124: {  	[tilespmem:s0+$0x580] =	vst v3;
	v5 =	vadd.f32 v5, v7;
	v1 =	vmul.f32 v8, v1  }
0x125: {  	v7 =	vld [tilespmem:$0x6670]  }
0x126: {  	[tilespmem:s0+$0x590] =	vst v5;
	v1 =	vadd.f32 v1, v4  }
0x127: {  	v4 =	vld [tilespmem:$0x6680]  }
0x128: {  	v6 =	vmul.f32 v6, v2;
	[tilespmem:s0+$0x5A0] =	vst v1  }
0x129: {  	v8 =	vld [tilespmem:$0x6690]  }
0x12a: {  	v6 =	vadd.f32 $0.0e+00, v6;
	v7 =	vmul.f32 v7, v3;
	v9 =	vld [tilespmem:$0x66A0];
	_ =	sdelay $0x1  }
0x12b: {  	v6 =	vadd.f32 v7, v6;
	v4 =	vmul.f32 v4, v5;
	_ =	sdelay $0x1  }
0x12c: {  	v4 =	vadd.f32 v4, v6;
	v6 =	vmul.f32 v8, v1;
	_ =	sdelay $0x1  }
0x12d: {  	v4 =	vadd.f32 v6, v4;
	_ =	sdelay $0x1  }
0x12e: {  	(xrf2) =	vadd.scan.msk.f32 $0xffff, v4;
	_ =	sdelay $0x9  }
0x12f: {  	v4, _, _ =	vpop (xrf2)  }
0x130: {  	v4 =	vbroadcast v4, $0xF;
	_ =	sdelay $0x1  }
0x131: {  	v4 =	vadd.f32 v4, v9;
	_ =	sdelay $0x1  }
0x132: {  	v4 =	vsub.f32 $0.0e+00, v4;
	_ =	sdelay $0x1  }
0x133: {  	v4 =	vmul.f32 $1.442695020e+00, v4;
	_ =	sdelay $0x1  }
0x134: {  	(erf) = vpow2.f32 v4;
	_ =	sdelay $0x8  }
0x135: {  	v4 =	vpop (erf)  }
0x136: {  	v4 =	vadd.f32 $1.000000000e+00, v4;
	_ =	sdelay $0x1  }
0x137: {  	(erf) = vrcp.f32 v4;
	_ =	sdelay $0x8  }
0x138: {  	v4 =	vpop (erf)  }
0x139: {  	v3 =	vmul.f32 v4, v3;
	v5 =	vmul.f32 v4, v5  }
0x13a: {  	v2 =	vmul.f32 v4, v2;
	v1 =	vmul.f32 v4, v1  }
.Ltmp8:
0x13b: {  	[tilespmem:s0+$0x580] =	vst v3;
	(pc) =	sbr.rel @p1 .LBB2_12-.Ltmp8, $4  }
0x13c: {  	[tilespmem:s0+$0x590] =	vst v5  }
0x13d: {  	[tilespmem:s0+$0x5A0] =	vst v1  }
0x13e: {  	s1 =	sadd.s32 $0x1, s1;
	[tilespmem:s0+$0x570] =	vst v2  }
0x13f: {  	s0 =	sshra.s32 s22, $0x2;
	s22 =	sadd.s32 $0x100, s22;
	v1 =	vld.msk [tilespmem:s1+$0x0 ss:$0x0], $0xffff  }
0x140: {  	v2 =	vld [tilespmem:s0+$0x570]  }
0x141: {  	v3 =	vld [tilespmem:s0+$0x2570]  }
0x142: {  	v4 =	vld [tilespmem:s0+$0x580]  }
0x143: {  	v5 =	vld [tilespmem:s0+$0x2580]  }
0x144: {  	v6 =	vld [tilespmem:s0+$0x590]  }
0x145: {  	v7 =	vld [tilespmem:s0+$0x2590];
	v2 =	vmul.f32 v2, v1  }
0x146: {  	v8 =	vld [tilespmem:s0+$0x5A0]  }
0x147: {  	v2 =	vadd.f32 v2, v3;
	v3 =	vmul.f32 v4, v1  }
0x148: {  	v55 =	vld [tilespmem:s0+$0x25A0]  }
0x149: {  	v56 =	vmul.f32 v6, v1;
	[tilespmem:s0+$0x570] =	vst v2;
	v3 =	vadd.f32 v3, v5  }
0x14a: {  	v57 =	vld [tilespmem:$0x6660]  }
0x14b: {  	v1 =	vmul.f32 v8, v1;
	v5 =	vadd.f32 v56, v7;
	[tilespmem:s0+$0x580] =	vst v3  }
0x14c: {  	v58 =	vld [tilespmem:$0x6670]  }
0x14d: {  	v1 =	vadd.f32 v1, v55;
	[tilespmem:s0+$0x590] =	vst v5  }
0x14e: {  	v59 =	vld [tilespmem:$0x6680]  }
0x14f: {  	[tilespmem:s0+$0x5A0] =	vst v1;
	v6 =	vmul.f32 v57, v2  }
0x150: {  	v60 =	vld [tilespmem:$0x6690]  }
0x151: {  	v6 =	vadd.f32 $0.0e+00, v6;
	v7 =	vmul.f32 v58, v3;
	_ =	sdelay $0x1  }
0x152: {  	v4 =	vmul.f32 v59, v5;
	v6 =	vadd.f32 v7, v6;
	_ =	sdelay $0x1  }
0x153: {  	v61 =	vmul.f32 v60, v1;
	v4 =	vadd.f32 v4, v6;
	_ =	sdelay $0x1  }
0x154: {  	v4 =	vadd.f32 v61, v4;
	_ =	sdelay $0x1  }
0x155: {  	(xrf2) =	vadd.scan.msk.f32 $0xffff, v4;
	_ =	sdelay $0x7  }
0x156: {  	v62 =	vld [tilespmem:$0x66A0];
	_ =	sdelay $0x1  }
0x157: {  	v63, _, _ =	vpop (xrf2)  }
0x158: {  	v6 =	vbroadcast v63, $0xF;
	_ =	sdelay $0x1  }
0x159: {  	v4 =	vadd.f32 v6, v62;
	_ =	sdelay $0x1  }
0x15a: {  	v4 =	vsub.f32 $0.0e+00, v4;
	_ =	sdelay $0x1  }
0x15b: {  	v4 =	vmul.f32 $1.442695020e+00, v4;
	_ =	sdelay $0x1  }
0x15c: {  	(erf) = vpow2.f32 v4;
	_ =	sdelay $0x8  }
0x15d: {  	v4 =	vpop (erf)  }
0x15e: {  	v4 =	vadd.f32 $1.000000000e+00, v4;
	_ =	sdelay $0x1  }
0x15f: {  	(erf) = vrcp.f32 v4;
	_ =	sdelay $0x8  }
0x160: {  	v4 =	vpop (erf)  }
0x161: {  	v3 =	vmul.f32 v4, v3  }
0x162: {  	v5 =	vmul.f32 v4, v5  }
0x163: {  	v1 =	vmul.f32 v4, v1;
	[tilespmem:s0+$0x580] =	vst v3  }
0x164: {  	s4 =	sadd.s32 $0x1, s4;
	v2 =	vmul.f32 v4, v2;
	[tilespmem:s0+$0x590] =	vst v5  }
0x165: {  	s22 =	rddreg [dreg:$0x1];
	p1 =	sne.s32 s4, s16;
	[tilespmem:s0+$0x5A0] =	vst v1  }
.Ltmp9:
0x166: {  	[tilespmem:s0+$0x570] =	vst v2;
	s0 =	sadd.s32 s22, s25;
	(pc) =	sbr.rel @p1 .LBB2_11-.Ltmp9, $4  }
0x167: {  	[hbm4b:s0+s3] =	stream.linear.scatter [tilespmem:s31], [sflag:$0xB], $0x1C00, $0x38;
	[tilespmem:$0x1EEF0] =	vst v63  }
0x168: {  	_ =	swait.ge [sflag:s30], $0x1C00  }
0x169: {  	[sflag:s30] =	ssyncset.done $0x0  }
0x16a: {  	[sflag:s30] =	ssyncadd.s32 $0xFFFFE400  }
.Ltmp10:
0x16b: {  	(pc) =	sbr.rel @p0 .LBB2_18-.Ltmp10, $2  }
0x16c: {  	_ =	sdelay $0x2  }
0x16d: {  	s26 =	simm.s32 $0x180;
	s1 =	rddreg [dreg:$0x13]  }
0x16e: {  	s0 =	rddreg [dreg:$0xd]  }
0x16f: {  	[tilespmem:s31], [sflag:$0xB] =	stream.linear.gather [spmem:s0], $0x1C00, $0x38;
	[tilespmem:$0x1EEF0] =	vst v63  }
0x170: {  	_ =	swait.ge [sflag:s30], $0x1C00  }
0x171: {  	[sflag:s30] =	ssyncset.done $0x0  }
0x172: {  	s22 =	simm.s32 $0x0;
	s1 =	rddreg [dreg:$0xf];
	[sflag:s30] =	ssyncadd.s32 $0xFFFFE400  }
0x173: {  	[tilespmem:s24], [sflag:$0xB] =	stream.linear.gather [hbm4b:s1+s22], $0x1C00, $0x38;
	[tilespmem:$0x1EEF0] =	vst v63  }
0x174: {  	_ =	swait.ge [sflag:s30], $0x1C00  }
0x175: {  	[sflag:s30] =	ssyncset.done $0x0  }
0x176: {  	s25 =	rddreg [dreg:$0xe];
	[sflag:s30] =	ssyncadd.s32 $0xFFFFE400  }
0x177: {  	[tilespmem:s18], [sflag:$0xB] =	stream.linear.gather [hbm4b:s25+s22], $0x70, $0x38;
	[tilespmem:$0x1EEF0] =	vst v63  }
0x178: {  	_ =	swait.ge [sflag:s30], $0x70  }
0x179: {  	[sflag:s30] =	ssyncset.done $0x0  }
0x17a: {  	[sflag:s30] =	ssyncadd.s32 $0xFFFFFF90  }
0x17b: {  	v1 =	vld [tilespmem:$0x6570]  }
0x17c: {  	v2 =	vld [tilespmem:$0x6580]  }
0x17d: {  	v3 =	vld [tilespmem:$0x6590]  }
0x17e: {  	v4 =	vld [tilespmem:$0x65A0]  }
0x17f: {  	v5 =	vld [tilespmem:$0x65B0]  }
0x180: {  	(erf) = vrcp.f32 v1;
	v1 =	vld [tilespmem:$0x65C0]  }
0x181: {  	(erf) = vrcp.f32 v2;
	v2 =	vld [tilespmem:$0x65D0]  }
0x182: {  	(erf) = vrcp.f32 v3  }
0x183: {  	(erf) = vrcp.f32 v4  }
0x184: {  	(erf) = vrcp.f32 v5  }
0x185: {  	(erf) = vrcp.f32 v1  }
0x186: {  	(erf) = vrcp.f32 v2;
	_ =	sdelay $0x2  }
0x187: {  	v1 =	vpop (erf)  }
0x188: {  	v2 =	vpop (erf);
	[tilespmem:$0x65E0] =	vst v1  }
0x189: {  	v1 =	vpop (erf);
	[tilespmem:$0x65F0] =	vst v2  }
0x18a: {  	v2 =	vpop (erf);
	[tilespmem:$0x6600] =	vst v1  }
0x18b: {  	v1 =	vpop (erf);
	[tilespmem:$0x6610] =	vst v2  }
0x18c: {  	v2 =	vpop (erf);
	[tilespmem:$0x6620] =	vst v1  }
0x18d: {  	[tilespmem:$0x6630] =	vst v2;
	v1 =	vpop (erf)  }
0x18e: {  	s1 =	simm.s32 $0x65E0;
	[tilespmem:$0x6640] =	vst v1  }
0x18f: {  	s4 =	simm.s32 $0x100;
	s0 =	simm.s32 $0x0;
	v1 =	vld.msk [tilespmem:s1+$0x0 ss:$0x0], $0xffff  }
.LBB2_16:
0x190: {  	p1 =	sne.s32 s4, $0x2F00;
	v2 =	vld [tilespmem:s0+$0x570]  }
0x191: {  	v3 =	vld [tilespmem:s0+$0x2570]  }
0x192: {  	v4 =	vld [tilespmem:s0+$0x580]  }
0x193: {  	v5 =	vld [tilespmem:s0+$0x2580]  }
0x194: {  	v6 =	vld [tilespmem:s0+$0x590]  }
0x195: {  	v2 =	vmul.f32 v2, v1;
	v7 =	vld [tilespmem:s0+$0x2590]  }
0x196: {  	v8 =	vld [tilespmem:s0+$0x5A0]  }
0x197: {  	v2 =	vadd.f32 v2, v3;
	v3 =	vmul.f32 v4, v1  }
0x198: {  	v4 =	vld [tilespmem:s0+$0x25A0]  }
0x199: {  	[tilespmem:s0+$0x570] =	vst v2;
	v3 =	vadd.f32 v3, v5;
	v5 =	vmul.f32 v6, v1  }
0x19a: {  	v6 =	vld [tilespmem:$0x6660]  }
0x19b: {  	[tilespmem:s0+$0x580] =	vst v3;
	v5 =	vadd.f32 v5, v7;
	v1 =	vmul.f32 v8, v1  }
0x19c: {  	v7 =	vld [tilespmem:$0x6670]  }
0x19d: {  	[tilespmem:s0+$0x590] =	vst v5;
	v1 =	vadd.f32 v1, v4  }
0x19e: {  	v4 =	vld [tilespmem:$0x6680]  }
0x19f: {  	v6 =	vmul.f32 v6, v2;
	[tilespmem:s0+$0x5A0] =	vst v1  }
0x1a0: {  	v8 =	vld [tilespmem:$0x6690]  }
0x1a1: {  	v6 =	vadd.f32 $0.0e+00, v6;
	v7 =	vmul.f32 v7, v3;
	v9 =	vld [tilespmem:$0x66A0];
	_ =	sdelay $0x1  }
0x1a2: {  	v6 =	vadd.f32 v7, v6;
	v4 =	vmul.f32 v4, v5;
	_ =	sdelay $0x1  }
0x1a3: {  	v4 =	vadd.f32 v4, v6;
	v6 =	vmul.f32 v8, v1;
	_ =	sdelay $0x1  }
0x1a4: {  	v4 =	vadd.f32 v6, v4;
	_ =	sdelay $0x1  }
0x1a5: {  	(xrf2) =	vadd.scan.msk.f32 $0xffff, v4;
	_ =	sdelay $0x9  }
0x1a6: {  	v4, _, _ =	vpop (xrf2)  }
0x1a7: {  	v4 =	vbroadcast v4, $0xF;
	_ =	sdelay $0x1  }
0x1a8: {  	v4 =	vadd.f32 v4, v9;
	_ =	sdelay $0x1  }
0x1a9: {  	v4 =	vsub.f32 $0.0e+00, v4;
	_ =	sdelay $0x1  }
0x1aa: {  	v4 =	vmul.f32 $1.442695020e+00, v4;
	_ =	sdelay $0x1  }
0x1ab: {  	(erf) = vpow2.f32 v4;
	_ =	sdelay $0x8  }
0x1ac: {  	v4 =	vpop (erf)  }
0x1ad: {  	v4 =	vadd.f32 $1.000000000e+00, v4;
	_ =	sdelay $0x1  }
0x1ae: {  	(erf) = vrcp.f32 v4;
	_ =	sdelay $0x8  }
0x1af: {  	v4 =	vpop (erf)  }
0x1b0: {  	v3 =	vmul.f32 v4, v3;
	v5 =	vmul.f32 v4, v5  }
0x1b1: {  	v2 =	vmul.f32 v4, v2;
	v1 =	vmul.f32 v4, v1  }
.Ltmp11:
0x1b2: {  	[tilespmem:s0+$0x580] =	vst v3;
	(pc) =	sbr.rel @p1 .LBB2_16-.Ltmp11, $4  }
0x1b3: {  	[tilespmem:s0+$0x590] =	vst v5  }
0x1b4: {  	[tilespmem:s0+$0x5A0] =	vst v1  }
0x1b5: {  	s1 =	sadd.s32 $0x1, s1;
	[tilespmem:s0+$0x570] =	vst v2  }
0x1b6: {  	s0 =	sshra.s32 s4, $0x2;
	s4 =	sadd.s32 $0x100, s4;
	v1 =	vld.msk [tilespmem:s1+$0x0 ss:$0x0], $0xffff  }
0x1b7: {  	v2 =	vld [tilespmem:s0+$0x570]  }
0x1b8: {  	v3 =	vld [tilespmem:s0+$0x2570]  }
0x1b9: {  	v4 =	vld [tilespmem:s0+$0x580]  }
0x1ba: {  	v5 =	vld [tilespmem:s0+$0x2580]  }
0x1bb: {  	v6 =	vld [tilespmem:s0+$0x590]  }
0x1bc: {  	v7 =	vld [tilespmem:s0+$0x2590];
	v2 =	vmul.f32 v2, v1  }
0x1bd: {  	v8 =	vld [tilespmem:s0+$0x5A0]  }
0x1be: {  	v2 =	vadd.f32 v2, v3;
	v3 =	vmul.f32 v4, v1  }
0x1bf: {  	v55 =	vld [tilespmem:s0+$0x25A0]  }
0x1c0: {  	v56 =	vmul.f32 v6, v1;
	[tilespmem:s0+$0x570] =	vst v2;
	v3 =	vadd.f32 v3, v5  }
0x1c1: {  	v57 =	vld [tilespmem:$0x6660]  }
0x1c2: {  	v1 =	vmul.f32 v8, v1;
	v5 =	vadd.f32 v56, v7;
	[tilespmem:s0+$0x580] =	vst v3  }
0x1c3: {  	v58 =	vld [tilespmem:$0x6670]  }
0x1c4: {  	v1 =	vadd.f32 v1, v55;
	[tilespmem:s0+$0x590] =	vst v5  }
0x1c5: {  	v59 =	vld [tilespmem:$0x6680]  }
0x1c6: {  	[tilespmem:s0+$0x5A0] =	vst v1;
	v6 =	vmul.f32 v57, v2  }
0x1c7: {  	v60 =	vld [tilespmem:$0x6690]  }
0x1c8: {  	v6 =	vadd.f32 $0.0e+00, v6;
	v7 =	vmul.f32 v58, v3;
	_ =	sdelay $0x1  }
0x1c9: {  	v4 =	vmul.f32 v59, v5;
	v6 =	vadd.f32 v7, v6;
	_ =	sdelay $0x1  }
0x1ca: {  	v61 =	vmul.f32 v60, v1;
	v4 =	vadd.f32 v4, v6;
	_ =	sdelay $0x1  }
0x1cb: {  	v4 =	vadd.f32 v61, v4;
	_ =	sdelay $0x1  }
0x1cc: {  	(xrf2) =	vadd.scan.msk.f32 $0xffff, v4;
	_ =	sdelay $0x7  }
0x1cd: {  	v62 =	vld [tilespmem:$0x66A0];
	_ =	sdelay $0x1  }
0x1ce: {  	v63, _, _ =	vpop (xrf2)  }
0x1cf: {  	v6 =	vbroadcast v63, $0xF;
	_ =	sdelay $0x1  }
0x1d0: {  	v4 =	vadd.f32 v6, v62;
	_ =	sdelay $0x1  }
0x1d1: {  	v4 =	vsub.f32 $0.0e+00, v4;
	_ =	sdelay $0x1  }
0x1d2: {  	v4 =	vmul.f32 $1.442695020e+00, v4;
	_ =	sdelay $0x1  }
0x1d3: {  	(erf) = vpow2.f32 v4;
	_ =	sdelay $0x8  }
0x1d4: {  	v4 =	vpop (erf)  }
0x1d5: {  	v4 =	vadd.f32 $1.000000000e+00, v4;
	_ =	sdelay $0x1  }
0x1d6: {  	(erf) = vrcp.f32 v4;
	_ =	sdelay $0x8  }
0x1d7: {  	v4 =	vpop (erf)  }
0x1d8: {  	v3 =	vmul.f32 v4, v3  }
0x1d9: {  	v5 =	vmul.f32 v4, v5  }
0x1da: {  	v1 =	vmul.f32 v4, v1;
	[tilespmem:s0+$0x580] =	vst v3  }
0x1db: {  	v2 =	vmul.f32 v4, v2;
	[tilespmem:s0+$0x590] =	vst v5  }
0x1dc: {  	[tilespmem:s0+$0x5A0] =	vst v1  }
.Ltmp12:
0x1dd: {  	s25 =	rddreg [dreg:$0x10];
	[tilespmem:s0+$0x570] =	vst v2;
	(pc) =	sbr.rel .LBB2_18-.Ltmp12, $4  }
0x1de: {  	[hbm4b:s25+s3] =	stream.linear.scatter [tilespmem:s31], [sflag:$0xB], $0xC00, $0x38;
	[tilespmem:$0x1EEF0] =	vst v63  }
0x1df: {  	_ =	swait.ge [sflag:s30], $0xC00  }
0x1e0: {  	[sflag:s30] =	ssyncset.done $0x0  }
0x1e1: {  	s1 =	rddreg [dreg:$0x13];
	[sflag:s30] =	ssyncadd.s32 $0xFFFFF400  }
.LBB2_19:
0x1e2: {  	_ =	sfence.sel $0x180000  }
0x1e3: {  	[bflag:$0x0] =	sbarrier.arrive $0xFFFF  }
0x1e4: {  	_ =	strace $0x9000004D  }
0x1e5: {  	s0 =	stileid.u32;
	[bflag:$0x2] =	sbarrier.arrive $0xFFFF  }
0x1e6: {  	p0 =	sne.s32 s0, $0x0;
	s0 =	rddreg [dreg:$0x3]  }
0x1e7: {  	s0 =	sadd.s32 @!p0 $0x100000, s0  }
0x1e8: {  	[sflag:s0] =	ssyncadd.tile.s32 @!p0 $0x1;
	_ =	shalt  }
.Lfunc_end2:
_tile_overlayer_lowered:
.L_overlay_start_2:
0x1e9: {  	(tag) =	ssettag $0x2  }
0x1ea: {  	s0 =	rddreg [dreg:$0x0];
	s2 =	stileid.u32  }
0x1eb: {  	s1 =	rddreg [dreg:$0x1];
	p0 =	sne.s32 s2, $0x0  }
0x1ec: {  	s3 =	rddreg [dreg:$0x2];
	[bflag:$0x3] =	sbarrier.arrive $0xFFFF;
	s2 =	simm.s32 @!p0 $0x1C0B  }
0x1ed: {  	[timem:s3], [sflag:s2] =	dma.local @!p0 [hbm:s0], s1  }
0x1ee: {  	s0 =	simm.s32 @!p0 $0xB  }
0x1ef: {  	_ =	swait.ge @!p0 [sflag:s0], s1  }
0x1f0: {  	s1 =	ssub.s32 @!p0 $0x0, s1;
	[sflag:s0] =	ssyncset.done @!p0 $0x0  }
0x1f1: {  	[sflag:s0] =	ssyncadd.s32 @!p0 s1  }
0x1f2: {  	[bflag:$0x3] =	sbarrier.arrive $0xFFFF  }
0x1f3: {  	_ =	shalt  }

</sc_bundles>
